<compile_context>
chip_gen: v7x
topology: tpu7x:2x2x1
jax: 0.10.2.dev20260603
libtpu: 0.0.44.dev20260713+nightly
codegen_flags: <defaults>
</compile_context>

<pallas_src>
import functools

import jax
import jax.numpy as jnp
from jax import lax
from jax.experimental import pallas as pl
from jax.experimental.pallas import tpu as pltpu
from jax.experimental.pallas import tpu_sc as plsc

_VOCAB = 1000000
_DIM = 64
_BATCH = 16384
_HIST = 50
_N = _BATCH * _HIST
_NW = 32
_PER_W = _N // _NW
_CHUNK = 1024
_NCHUNK = _PER_W // _CHUNK
_SUB = 128
_NSUB = _CHUNK // _SUB
_GROUPS = _CHUNK // 16


def _dequant_group(rows_v, scl_v, out_v, g):
    row_ids = g * 16 + lax.iota(jnp.int32, 16)
    sw = scl_v[pl.ds(g * 16, 16)]
    sdup0 = plsc.bitcast((sw & 0xFFFF) | (sw << 16), jnp.float16)
    sdup1 = plsc.bitcast(lax.shift_right_logical(sw, 16)
                         | (sw & jnp.int32(-65536)), jnp.float16)
    c128 = jnp.full((32,), 128.0, jnp.float16)
    for w in range(16):
        col = jnp.full((16,), w, jnp.int32)
        v = plsc.load_gather(rows_v, [row_ids, col])
        vx = v ^ jnp.int32(-2139062144)
        p01 = (vx & 0xFF) | ((vx & 0xFF00) << 8)
        p23 = ((lax.shift_right_logical(vx, 16) & 0xFF)
               | (lax.shift_right_logical(vx, 8) & 0xFF0000))
        s = sdup0 if w < 8 else sdup1
        f01 = (plsc.bitcast(p01, jnp.int16).astype(jnp.float16) - c128) * s
        f23 = (plsc.bitcast(p23, jnp.int16).astype(jnp.float16) - c128) * s
        plsc.store_scatter(out_v, [row_ids, jnp.full((16,), 2 * w, jnp.int32)],
                           plsc.bitcast(f01, jnp.int32))
        plsc.store_scatter(out_v, [row_ids, jnp.full((16,), 2 * w + 1, jnp.int32)],
                           plsc.bitcast(f23, jnp.int32))


def _sc_body(idx_hbm, w_hbm, s_hbm, out_hbm, bufs):
    wid = lax.axis_index("s") * 2 + lax.axis_index("c")
    base_row = wid * _PER_W

    def fire(c, p):
        idx_v, scl_v, rows_v, _, sem_w, sem_s, _ = bufs[p]
        r0 = pl.multiple_of(base_row + c * _CHUNK, _CHUNK)
        pltpu.sync_copy(idx_hbm.at[pl.ds(pl.multiple_of(r0 // _SUB, _NSUB), _NSUB)],
                        idx_v)
        for j in range(_NSUB):
            pltpu.make_async_copy(
                w_hbm.at[idx_v.at[j]], rows_v.at[pl.ds(j * _SUB, _SUB)],
                sem_w).start()
            pltpu.make_async_copy(
                s_hbm.at[idx_v.at[j]], scl_v.at[pl.ds(j * _SUB, _SUB)],
                sem_s).start()

    def drain_compute_store(c, p):
        idx_v, scl_v, rows_v, out_v, sem_w, sem_s, sem_o = bufs[p]
        r0 = pl.multiple_of(base_row + c * _CHUNK, _CHUNK)
        for j in range(_NSUB):
            pltpu.make_async_copy(
                w_hbm.at[idx_v.at[j]], rows_v.at[pl.ds(j * _SUB, _SUB)],
                sem_w).wait()
            pltpu.make_async_copy(
                s_hbm.at[idx_v.at[j]], scl_v.at[pl.ds(j * _SUB, _SUB)],
                sem_s).wait()

        @pl.when(c >= 2)
        def _():
            pltpu.make_async_copy(
                out_v, out_hbm.at[pl.ds(r0, _CHUNK)], sem_o).wait()

        def group_body(g, _):
            _dequant_group(rows_v, scl_v, out_v, g)
            return 0

        lax.fori_loop(0, _GROUPS, group_body, 0)
        pltpu.make_async_copy(out_v, out_hbm.at[pl.ds(r0, _CHUNK)], sem_o).start()

    fire(0, 0)

    def chunk_body(c, _):
        @pl.when((c + 1 < _NCHUNK) & (c % 2 == 0))
        def _():
            fire(c + 1, 1)

        @pl.when((c + 1 < _NCHUNK) & (c % 2 == 1))
        def _():
            fire(c + 1, 0)

        @pl.when(c % 2 == 0)
        def _():
            drain_compute_store(c, 0)

        @pl.when(c % 2 == 1)
        def _():
            drain_compute_store(c, 1)

        return 0

    lax.fori_loop(0, _NCHUNK, chunk_body, 0)
    for p, c in ((1, _NCHUNK - 2), (0, _NCHUNK - 1)):
        _, _, _, out_v, _, _, sem_o = bufs[p]
        r0 = pl.multiple_of(base_row + c * _CHUNK, _CHUNK)
        pltpu.make_async_copy(out_v, out_hbm.at[pl.ds(r0, _CHUNK)], sem_o).wait()


@functools.partial(
    pl.kernel,
    out_type=jax.ShapeDtypeStruct((_N, 16 * 2), jnp.int32),
    mesh=plsc.VectorSubcoreMesh(core_axis_name="c", subcore_axis_name="s"),
    scratch_types=[
        pltpu.VMEM((_NSUB, _SUB), jnp.int32),
        pltpu.VMEM((_CHUNK,), jnp.int32),
        pltpu.VMEM((_CHUNK, 16), jnp.int32),
        pltpu.VMEM((_CHUNK, 32), jnp.int32),
        pltpu.SemaphoreType.DMA,
        pltpu.SemaphoreType.DMA,
        pltpu.SemaphoreType.DMA,
        pltpu.VMEM((_NSUB, _SUB), jnp.int32),
        pltpu.VMEM((_CHUNK,), jnp.int32),
        pltpu.VMEM((_CHUNK, 16), jnp.int32),
        pltpu.VMEM((_CHUNK, 32), jnp.int32),
        pltpu.SemaphoreType.DMA,
        pltpu.SemaphoreType.DMA,
        pltpu.SemaphoreType.DMA,
    ],
    compiler_params=pltpu.CompilerParams(needs_layout_passes=False,
                                         use_tc_tiling_on_sc=False),
)
def _sc_lookup(idx_hbm, w_hbm, s_hbm, out_hbm,
               idx0, scl0, rows0, out0, semw0, sems0, semo0,
               idx1, scl1, rows1, out1, semw1, sems1, semo1):
    bufs = [
        (idx0, scl0, rows0, out0, semw0, sems0, semo0),
        (idx1, scl1, rows1, out1, semw1, sems1, semo1),
    ]
    _sc_body(idx_hbm, w_hbm, s_hbm, out_hbm, bufs)


def kernel(indices, weight_int8, scales_fp16):
    V, D = weight_int8.shape
    idx2d = indices.reshape(_N // _SUB, _SUB)
    w_i32 = lax.bitcast_convert_type(weight_int8.reshape(V, D // 4, 4), jnp.int32)
    s_i32 = lax.bitcast_convert_type(scales_fp16, jnp.int32)
    out_i32 = _sc_lookup(idx2d, w_i32, s_i32)
    out = lax.bitcast_convert_type(out_i32, jnp.float16)
    return out.reshape(indices.shape + (D,))

# --- scband reference (transcript-rebuilt; emitter-appended) ---
"""Pipeline reference for scband-quantized-group-embedding-58488864636981 (READ-ONLY COPY).

The authoritative reference and input builder live on the scoring server;
editing this copy changes nothing except your own understanding.
"""

import jax, jax.numpy as jnp
import numpy as np

VOCAB = 1000000
DIM = 64
GROUP_SIZE = 32
BATCH = 16384
HIST = 50


def setup_inputs(seed: int = 0) -> dict:
    key = jax.random.key(seed)
    k1, k2, k3 = jax.random.split(key, 3)
    indices = jax.random.randint(k1, (BATCH, HIST), 0, VOCAB, dtype=jnp.int32)
    # int8 quantized embedding table
    weight_int8 = jax.random.randint(k2, (VOCAB, DIM), -128, 128, dtype=jnp.int32).astype(jnp.int8)
    # per-group fp16 scales: DIM // GROUP_SIZE = 2 groups per row
    scales_fp16 = (jax.random.uniform(k3, (VOCAB, DIM // GROUP_SIZE), dtype=jnp.float32) * 0.01 + 1e-3).astype(jnp.float16)
    return {"indices": indices, "weight_int8": weight_int8, "scales_fp16": scales_fp16}


def reference(indices, weight_int8, scales_fp16):
    # Faithful translation of llama_quantized.embedding_byte:
    # gather int8 rows, dequantize with per-group fp16 scales, output fp16.
    V, D = weight_int8.shape
    G = scales_fp16.shape[1]
    gs = D // G
    flat = indices.reshape(-1)
    rows = jnp.take(weight_int8, flat, axis=0).astype(jnp.float32)  # [N, D]
    sc = jnp.take(scales_fp16, flat, axis=0).astype(jnp.float32)    # [N, G]
    deq = rows.reshape(-1, G, gs) * sc[:, :, None]                  # [N, G, gs]
    out = deq.reshape(indices.shape + (D,)).astype(jnp.float16)
    return out

if __name__ == "__main__":
    import jax
    _d = setup_inputs()
    print(jax.jit(kernel)(*tuple(_d.values())))

</pallas_src>

<mosaic_0001>
#map = affine_map<(d0, d1) -> (0, 0)>
#map1 = affine_map<(d0, d1) -> (0)>
module attributes {stable_mosaic.version = 14 : i64} {
  func.func @_sc_lookup(%arg0: i32, %arg1: i32, %arg2: memref<6400x128xi32, #tpu.memory_space<hbm>>, %arg3: memref<1000000x16xi32, #tpu.memory_space<hbm>>, %arg4: memref<1000000xi32, #tpu.memory_space<hbm>>, %arg5: memref<819200x32xi32, #tpu.memory_space<hbm>>, %arg6: memref<8x128xi32, #tpu.memory_space<vmem>>, %arg7: memref<1024xi32, #tpu.memory_space<vmem>>, %arg8: memref<1024x16xi32, #tpu.memory_space<vmem>>, %arg9: memref<1024x32xi32, #tpu.memory_space<vmem>>, %arg10: memref<!tpu.dma_semaphore, #tpu.memory_space<semaphore_mem>>, %arg11: memref<!tpu.dma_semaphore, #tpu.memory_space<semaphore_mem>>, %arg12: memref<!tpu.dma_semaphore, #tpu.memory_space<semaphore_mem>>, %arg13: memref<8x128xi32, #tpu.memory_space<vmem>>, %arg14: memref<1024xi32, #tpu.memory_space<vmem>>, %arg15: memref<1024x16xi32, #tpu.memory_space<vmem>>, %arg16: memref<1024x32xi32, #tpu.memory_space<vmem>>, %arg17: memref<!tpu.dma_semaphore, #tpu.memory_space<semaphore_mem>>, %arg18: memref<!tpu.dma_semaphore, #tpu.memory_space<semaphore_mem>>, %arg19: memref<!tpu.dma_semaphore, #tpu.memory_space<semaphore_mem>>) attributes {dimension_semantics = [#tpu.dimension_semantics<core_parallel>, #tpu.dimension_semantics<subcore_parallel>], iteration_bounds = array<i64: 2, 16>, scalar_prefetch = 0 : i64, scratch_operands = 14 : i64, tpu.core_type = #tpu.core_type<sc_vector_subcore>, window_params = [{transform_indices = #map}, {transform_indices = #map}, {transform_indices = #map1}, {transform_indices = #map}]} {
    %mul3A = arith.constant 2 : i32
    %mul3A_0 = arith.muli %arg1, %mul3A : i32
    %add3A = arith.addi %mul3A_0, %arg0 : i32
    %mul3A_1 = arith.constant 25600 : i32
    %mul3A_2 = arith.muli %add3A, %mul3A_1 : i32
    %add3A_3 = arith.constant 0 : i32
    %add3A_4 = arith.addi %mul3A_2, %add3A_3 : i32
    %multiple_of3A = tpu.assume_multiple %add3A_4, 1024 : i32
    %jit3A = arith.constant 128 : i32
    %div3A = arith.divsi %multiple_of3A, %jit3A : i32
    %sign3A = arith.constant 0 : i32
    %sign3A_5 = arith.cmpi sgt, %multiple_of3A, %sign3A : i32
    %sign3A_6 = arith.extui %sign3A_5 : i1 to i32
    %sign3A_7 = arith.constant 0 : i32
    %sign3A_8 = arith.cmpi slt, %multiple_of3A, %sign3A_7 : i32
    %sign3A_9 = arith.extui %sign3A_8 : i1 to i32
    %sign3A_10 = arith.subi %sign3A_6, %sign3A_9 : i32
    %sign3A_11 = arith.constant 0 : i32
    %sign3A_12 = arith.cmpi sgt, %jit3A, %sign3A_11 : i32
    %sign3A_13 = arith.extui %sign3A_12 : i1 to i32
    %sign3A_14 = arith.constant 0 : i32
    %sign3A_15 = arith.cmpi slt, %jit3A, %sign3A_14 : i32
    %sign3A_16 = arith.extui %sign3A_15 : i1 to i32
    %sign3A_17 = arith.subi %sign3A_13, %sign3A_16 : i32
    %ne3A = arith.cmpi ne, %sign3A_10, %sign3A_17 : i32
    %rem3A = arith.remsi %multiple_of3A, %jit3A : i32
    %ne3A_18 = arith.constant 0 : i32
    %ne3A_19 = arith.cmpi ne, %rem3A, %ne3A_18 : i32
    %and3A = arith.andi %ne3A, %ne3A_19 : i1
    %sub3A = arith.constant 1 : i32
    %sub3A_20 = arith.subi %div3A, %sub3A : i32
    %select_n3A = arith.select %and3A, %sub3A_20, %div3A : i32
    %multiple_of3A_21 = tpu.assume_multiple %select_n3A, 8 : i32
    "tpu.region"() ({
      %run_scoped3A = tpu.sem_alloc : memref<!tpu.dma_semaphore, #tpu.memory_space<semaphore_mem>>
      %dma_start3A_184 = arith.constant 0 : i32
      %dma_start3A_185 = tpu.memref_slice %arg2[%multiple_of3A_21, %dma_start3A_184] : memref<6400x128xi32, #tpu.memory_space<hbm>> -> memref<8x128xi32, #tpu.memory_space<hbm>>
      %dma_start3A_186 = arith.constant 0 : i32
      %dma_start3A_187 = tpu.memref_slice %arg2[%multiple_of3A_21, %dma_start3A_186] : memref<6400x128xi32, #tpu.memory_space<hbm>> -> memref<8x128xi32, #tpu.memory_space<hbm>>
      tpu.enqueue_dma source(%dma_start3A_187 : memref<8x128xi32, #tpu.memory_space<hbm>>) target(%arg6 : memref<8x128xi32, #tpu.memory_space<vmem>>) target_semaphore(%run_scoped3A : memref<!tpu.dma_semaphore, #tpu.memory_space<semaphore_mem>>)
      %dma_wait3A_188 = arith.constant 0 : i32
      %dma_wait3A_189 = tpu.memref_slice %arg2[%multiple_of3A_21, %dma_wait3A_188] : memref<6400x128xi32, #tpu.memory_space<hbm>> -> memref<8x128xi32, #tpu.memory_space<hbm>>
      %dma_wait3A_190 = arith.constant 0 : i32
      %dma_wait3A_191 = tpu.memref_slice %arg2[%multiple_of3A_21, %dma_wait3A_190] : memref<6400x128xi32, #tpu.memory_space<hbm>> -> memref<8x128xi32, #tpu.memory_space<hbm>>
      tpu.wait_dma2 semaphore(%run_scoped3A : memref<!tpu.dma_semaphore, #tpu.memory_space<semaphore_mem>>) src(%dma_wait3A_191 : memref<8x128xi32, #tpu.memory_space<hbm>>) dst(%arg6 : memref<8x128xi32, #tpu.memory_space<vmem>>)
      tpu.yield
    }) : () -> ()
    %dma_start3A = arith.constant 0 : i32
    %dma_start3A_22 = arith.constant 0 : i32
    %dma_start3A_23 = arith.constant 0 : i32
    %dma_start3A_24 = tpu.memref_slice %arg8[%dma_start3A_22, %dma_start3A_23] : memref<1024x16xi32, #tpu.memory_space<vmem>> -> memref<128x16xi32, #tpu.memory_space<vmem>>
    %dma_start3A_25 = arith.constant 0 : i32
    %dma_start3A_26 = tpu.memref_slice %arg6[%dma_start3A, %dma_start3A_25] : memref<8x128xi32, #tpu.memory_space<vmem>> -> memref<1x128xi32, #tpu.memory_space<vmem>>
    %dma_start3A_27 = tpu.memref_squeeze %dma_start3A_26 : memref<1x128xi32, #tpu.memory_space<vmem>> -> memref<128xi32, #tpu.memory_space<vmem>>
    %dma_start3A_28 = arith.constant 0 : i32
    %dma_start3A_29 = arith.constant 0 : i32
    %dma_start3A_30 = tpu.memref_slice %arg3[%dma_start3A_28, %dma_start3A_29] : memref<1000000x16xi32, #tpu.memory_space<hbm>> -> memref<1000000x16xi32, #tpu.memory_space<hbm>>
    tpu.enqueue_indirect_dma source(%dma_start3A_30 : memref<1000000x16xi32, #tpu.memory_space<hbm>>) target(%dma_start3A_24 : memref<128x16xi32, #tpu.memory_space<vmem>>) offsets(%dma_start3A_27 : memref<128xi32, #tpu.memory_space<vmem>>) semaphore(%arg10 : memref<!tpu.dma_semaphore, #tpu.memory_space<semaphore_mem>>)
    %dma_start3A_31 = arith.constant 0 : i32
    %dma_start3A_32 = arith.constant 0 : i32
    %dma_start3A_33 = tpu.memref_slice %arg7[%dma_start3A_32] : memref<1024xi32, #tpu.memory_space<vmem>> -> memref<128xi32, #tpu.memory_space<vmem>>
    %dma_start3A_34 = arith.constant 0 : i32
    %dma_start3A_35 = tpu.memref_slice %arg6[%dma_start3A_31, %dma_start3A_34] : memref<8x128xi32, #tpu.memory_space<vmem>> -> memref<1x128xi32, #tpu.memory_space<vmem>>
    %dma_start3A_36 = tpu.memref_squeeze %dma_start3A_35 : memref<1x128xi32, #tpu.memory_space<vmem>> -> memref<128xi32, #tpu.memory_space<vmem>>
    %dma_start3A_37 = arith.constant 0 : i32
    %dma_start3A_38 = tpu.memref_slice %arg4[%dma_start3A_37] : memref<1000000xi32, #tpu.memory_space<hbm>> -> memref<1000000xi32, #tpu.memory_space<hbm>>
    tpu.enqueue_indirect_dma source(%dma_start3A_38 : memref<1000000xi32, #tpu.memory_space<hbm>>) target(%dma_start3A_33 : memref<128xi32, #tpu.memory_space<vmem>>) offsets(%dma_start3A_36 : memref<128xi32, #tpu.memory_space<vmem>>) semaphore(%arg11 : memref<!tpu.dma_semaphore, #tpu.memory_space<semaphore_mem>>)
    %dma_start3A_39 = arith.constant 1 : i32
    %dma_start3A_40 = arith.constant 128 : i32
    %dma_start3A_41 = arith.constant 0 : i32
    %dma_start3A_42 = tpu.memref_slice %arg8[%dma_start3A_40, %dma_start3A_41] : memref<1024x16xi32, #tpu.memory_space<vmem>> -> memref<128x16xi32, #tpu.memory_space<vmem>>
    %dma_start3A_43 = arith.constant 0 : i32
    %dma_start3A_44 = tpu.memref_slice %arg6[%dma_start3A_39, %dma_start3A_43] : memref<8x128xi32, #tpu.memory_space<vmem>> -> memref<1x128xi32, #tpu.memory_space<vmem>>
    %dma_start3A_45 = tpu.memref_squeeze %dma_start3A_44 : memref<1x128xi32, #tpu.memory_space<vmem>> -> memref<128xi32, #tpu.memory_space<vmem>>
    %dma_start3A_46 = arith.constant 0 : i32
    %dma_start3A_47 = arith.constant 0 : i32
    %dma_start3A_48 = tpu.memref_slice %arg3[%dma_start3A_46, %dma_start3A_47] : memref<1000000x16xi32, #tpu.memory_space<hbm>> -> memref<1000000x16xi32, #tpu.memory_space<hbm>>
    tpu.enqueue_indirect_dma source(%dma_start3A_48 : memref<1000000x16xi32, #tpu.memory_space<hbm>>) target(%dma_start3A_42 : memref<128x16xi32, #tpu.memory_space<vmem>>) offsets(%dma_start3A_45 : memref<128xi32, #tpu.memory_space<vmem>>) semaphore(%arg10 : memref<!tpu.dma_semaphore, #tpu.memory_space<semaphore_mem>>)
    %dma_start3A_49 = arith.constant 1 : i32
    %dma_start3A_50 = arith.constant 128 : i32
    %dma_start3A_51 = tpu.memref_slice %arg7[%dma_start3A_50] : memref<1024xi32, #tpu.memory_space<vmem>> -> memref<128xi32, #tpu.memory_space<vmem>>
    %dma_start3A_52 = arith.constant 0 : i32
    %dma_start3A_53 = tpu.memref_slice %arg6[%dma_start3A_49, %dma_start3A_52] : memref<8x128xi32, #tpu.memory_space<vmem>> -> memref<1x128xi32, #tpu.memory_space<vmem>>
    %dma_start3A_54 = tpu.memref_squeeze %dma_start3A_53 : memref<1x128xi32, #tpu.memory_space<vmem>> -> memref<128xi32, #tpu.memory_space<vmem>>
    %dma_start3A_55 = arith.constant 0 : i32
    %dma_start3A_56 = tpu.memref_slice %arg4[%dma_start3A_55] : memref<1000000xi32, #tpu.memory_space<hbm>> -> memref<1000000xi32, #tpu.memory_space<hbm>>
    tpu.enqueue_indirect_dma source(%dma_start3A_56 : memref<1000000xi32, #tpu.memory_space<hbm>>) target(%dma_start3A_51 : memref<128xi32, #tpu.memory_space<vmem>>) offsets(%dma_start3A_54 : memref<128xi32, #tpu.memory_space<vmem>>) semaphore(%arg11 : memref<!tpu.dma_semaphore, #tpu.memory_space<semaphore_mem>>)
    %dma_start3A_57 = arith.constant 2 : i32
    %dma_start3A_58 = arith.constant 256 : i32
    %dma_start3A_59 = arith.constant 0 : i32
    %dma_start3A_60 = tpu.memref_slice %arg8[%dma_start3A_58, %dma_start3A_59] : memref<1024x16xi32, #tpu.memory_space<vmem>> -> memref<128x16xi32, #tpu.memory_space<vmem>>
    %dma_start3A_61 = arith.constant 0 : i32
    %dma_start3A_62 = tpu.memref_slice %arg6[%dma_start3A_57, %dma_start3A_61] : memref<8x128xi32, #tpu.memory_space<vmem>> -> memref<1x128xi32, #tpu.memory_space<vmem>>
    %dma_start3A_63 = tpu.memref_squeeze %dma_start3A_62 : memref<1x128xi32, #tpu.memory_space<vmem>> -> memref<128xi32, #tpu.memory_space<vmem>>
    %dma_start3A_64 = arith.constant 0 : i32
    %dma_start3A_65 = arith.constant 0 : i32
    %dma_start3A_66 = tpu.memref_slice %arg3[%dma_start3A_64, %dma_start3A_65] : memref<1000000x16xi32, #tpu.memory_space<hbm>> -> memref<1000000x16xi32, #tpu.memory_space<hbm>>
    tpu.enqueue_indirect_dma source(%dma_start3A_66 : memref<1000000x16xi32, #tpu.memory_space<hbm>>) target(%dma_start3A_60 : memref<128x16xi32, #tpu.memory_space<vmem>>) offsets(%dma_start3A_63 : memref<128xi32, #tpu.memory_space<vmem>>) semaphore(%arg10 : memref<!tpu.dma_semaphore, #tpu.memory_space<semaphore_mem>>)
    %dma_start3A_67 = arith.constant 2 : i32
    %dma_start3A_68 = arith.constant 256 : i32
    %dma_start3A_69 = tpu.memref_slice %arg7[%dma_start3A_68] : memref<1024xi32, #tpu.memory_space<vmem>> -> memref<128xi32, #tpu.memory_space<vmem>>
    %dma_start3A_70 = arith.constant 0 : i32
    %dma_start3A_71 = tpu.memref_slice %arg6[%dma_start3A_67, %dma_start3A_70] : memref<8x128xi32, #tpu.memory_space<vmem>> -> memref<1x128xi32, #tpu.memory_space<vmem>>
    %dma_start3A_72 = tpu.memref_squeeze %dma_start3A_71 : memref<1x128xi32, #tpu.memory_space<vmem>> -> memref<128xi32, #tpu.memory_space<vmem>>
    %dma_start3A_73 = arith.constant 0 : i32
    %dma_start3A_74 = tpu.memref_slice %arg4[%dma_start3A_73] : memref<1000000xi32, #tpu.memory_space<hbm>> -> memref<1000000xi32, #tpu.memory_space<hbm>>
    tpu.enqueue_indirect_dma source(%dma_start3A_74 : memref<1000000xi32, #tpu.memory_space<hbm>>) target(%dma_start3A_69 : memref<128xi32, #tpu.memory_space<vmem>>) offsets(%dma_start3A_72 : memref<128xi32, #tpu.memory_space<vmem>>) semaphore(%arg11 : memref<!tpu.dma_semaphore, #tpu.memory_space<semaphore_mem>>)
    %dma_start3A_75 = arith.constant 3 : i32
    %dma_start3A_76 = arith.constant 384 : i32
    %dma_start3A_77 = arith.constant 0 : i32
    %dma_start3A_78 = tpu.memref_slice %arg8[%dma_start3A_76, %dma_start3A_77] : memref<1024x16xi32, #tpu.memory_space<vmem>> -> memref<128x16xi32, #tpu.memory_space<vmem>>
    %dma_start3A_79 = arith.constant 0 : i32
    %dma_start3A_80 = tpu.memref_slice %arg6[%dma_start3A_75, %dma_start3A_79] : memref<8x128xi32, #tpu.memory_space<vmem>> -> memref<1x128xi32, #tpu.memory_space<vmem>>
    %dma_start3A_81 = tpu.memref_squeeze %dma_start3A_80 : memref<1x128xi32, #tpu.memory_space<vmem>> -> memref<128xi32, #tpu.memory_space<vmem>>
    %dma_start3A_82 = arith.constant 0 : i32
    %dma_start3A_83 = arith.constant 0 : i32
    %dma_start3A_84 = tpu.memref_slice %arg3[%dma_start3A_82, %dma_start3A_83] : memref<1000000x16xi32, #tpu.memory_space<hbm>> -> memref<1000000x16xi32, #tpu.memory_space<hbm>>
    tpu.enqueue_indirect_dma source(%dma_start3A_84 : memref<1000000x16xi32, #tpu.memory_space<hbm>>) target(%dma_start3A_78 : memref<128x16xi32, #tpu.memory_space<vmem>>) offsets(%dma_start3A_81 : memref<128xi32, #tpu.memory_space<vmem>>) semaphore(%arg10 : memref<!tpu.dma_semaphore, #tpu.memory_space<semaphore_mem>>)
    %dma_start3A_85 = arith.constant 3 : i32
    %dma_start3A_86 = arith.constant 384 : i32
    %dma_start3A_87 = tpu.memref_slice %arg7[%dma_start3A_86] : memref<1024xi32, #tpu.memory_space<vmem>> -> memref<128xi32, #tpu.memory_space<vmem>>
    %dma_start3A_88 = arith.constant 0 : i32
    %dma_start3A_89 = tpu.memref_slice %arg6[%dma_start3A_85, %dma_start3A_88] : memref<8x128xi32, #tpu.memory_space<vmem>> -> memref<1x128xi32, #tpu.memory_space<vmem>>
    %dma_start3A_90 = tpu.memref_squeeze %dma_start3A_89 : memref<1x128xi32, #tpu.memory_space<vmem>> -> memref<128xi32, #tpu.memory_space<vmem>>
    %dma_start3A_91 = arith.constant 0 : i32
    %dma_start3A_92 = tpu.memref_slice %arg4[%dma_start3A_91] : memref<1000000xi32, #tpu.memory_space<hbm>> -> memref<1000000xi32, #tpu.memory_space<hbm>>
    tpu.enqueue_indirect_dma source(%dma_start3A_92 : memref<1000000xi32, #tpu.memory_space<hbm>>) target(%dma_start3A_87 : memref<128xi32, #tpu.memory_space<vmem>>) offsets(%dma_start3A_90 : memref<128xi32, #tpu.memory_space<vmem>>) semaphore(%arg11 : memref<!tpu.dma_semaphore, #tpu.memory_space<semaphore_mem>>)
    %dma_start3A_93 = arith.constant 4 : i32
    %dma_start3A_94 = arith.constant 512 : i32
    %dma_start3A_95 = arith.constant 0 : i32
    %dma_start3A_96 = tpu.memref_slice %arg8[%dma_start3A_94, %dma_start3A_95] : memref<1024x16xi32, #tpu.memory_space<vmem>> -> memref<128x16xi32, #tpu.memory_space<vmem>>
    %dma_start3A_97 = arith.constant 0 : i32
    %dma_start3A_98 = tpu.memref_slice %arg6[%dma_start3A_93, %dma_start3A_97] : memref<8x128xi32, #tpu.memory_space<vmem>> -> memref<1x128xi32, #tpu.memory_space<vmem>>
    %dma_start3A_99 = tpu.memref_squeeze %dma_start3A_98 : memref<1x128xi32, #tpu.memory_space<vmem>> -> memref<128xi32, #tpu.memory_space<vmem>>
    %dma_start3A_100 = arith.constant 0 : i32
    %dma_start3A_101 = arith.constant 0 : i32
    %dma_start3A_102 = tpu.memref_slice %arg3[%dma_start3A_100, %dma_start3A_101] : memref<1000000x16xi32, #tpu.memory_space<hbm>> -> memref<1000000x16xi32, #tpu.memory_space<hbm>>
    tpu.enqueue_indirect_dma source(%dma_start3A_102 : memref<1000000x16xi32, #tpu.memory_space<hbm>>) target(%dma_start3A_96 : memref<128x16xi32, #tpu.memory_space<vmem>>) offsets(%dma_start3A_99 : memref<128xi32, #tpu.memory_space<vmem>>) semaphore(%arg10 : memref<!tpu.dma_semaphore, #tpu.memory_space<semaphore_mem>>)
    %dma_start3A_103 = arith.constant 4 : i32
    %dma_start3A_104 = arith.constant 512 : i32
    %dma_start3A_105 = tpu.memref_slice %arg7[%dma_start3A_104] : memref<1024xi32, #tpu.memory_space<vmem>> -> memref<128xi32, #tpu.memory_space<vmem>>
    %dma_start3A_106 = arith.constant 0 : i32
    %dma_start3A_107 = tpu.memref_slice %arg6[%dma_start3A_103, %dma_start3A_106] : memref<8x128xi32, #tpu.memory_space<vmem>> -> memref<1x128xi32, #tpu.memory_space<vmem>>
    %dma_start3A_108 = tpu.memref_squeeze %dma_start3A_107 : memref<1x128xi32, #tpu.memory_space<vmem>> -> memref<128xi32, #tpu.memory_space<vmem>>
    %dma_start3A_109 = arith.constant 0 : i32
    %dma_start3A_110 = tpu.memref_slice %arg4[%dma_start3A_109] : memref<1000000xi32, #tpu.memory_space<hbm>> -> memref<1000000xi32, #tpu.memory_space<hbm>>
    tpu.enqueue_indirect_dma source(%dma_start3A_110 : memref<1000000xi32, #tpu.memory_space<hbm>>) target(%dma_start3A_105 : memref<128xi32, #tpu.memory_space<vmem>>) offsets(%dma_start3A_108 : memref<128xi32, #tpu.memory_space<vmem>>) semaphore(%arg11 : memref<!tpu.dma_semaphore, #tpu.memory_space<semaphore_mem>>)
    %dma_start3A_111 = arith.constant 5 : i32
    %dma_start3A_112 = arith.constant 640 : i32
    %dma_start3A_113 = arith.constant 0 : i32
    %dma_start3A_114 = tpu.memref_slice %arg8[%dma_start3A_112, %dma_start3A_113] : memref<1024x16xi32, #tpu.memory_space<vmem>> -> memref<128x16xi32, #tpu.memory_space<vmem>>
    %dma_start3A_115 = arith.constant 0 : i32
    %dma_start3A_116 = tpu.memref_slice %arg6[%dma_start3A_111, %dma_start3A_115] : memref<8x128xi32, #tpu.memory_space<vmem>> -> memref<1x128xi32, #tpu.memory_space<vmem>>
    %dma_start3A_117 = tpu.memref_squeeze %dma_start3A_116 : memref<1x128xi32, #tpu.memory_space<vmem>> -> memref<128xi32, #tpu.memory_space<vmem>>
    %dma_start3A_118 = arith.constant 0 : i32
    %dma_start3A_119 = arith.constant 0 : i32
    %dma_start3A_120 = tpu.memref_slice %arg3[%dma_start3A_118, %dma_start3A_119] : memref<1000000x16xi32, #tpu.memory_space<hbm>> -> memref<1000000x16xi32, #tpu.memory_space<hbm>>
    tpu.enqueue_indirect_dma source(%dma_start3A_120 : memref<1000000x16xi32, #tpu.memory_space<hbm>>) target(%dma_start3A_114 : memref<128x16xi32, #tpu.memory_space<vmem>>) offsets(%dma_start3A_117 : memref<128xi32, #tpu.memory_space<vmem>>) semaphore(%arg10 : memref<!tpu.dma_semaphore, #tpu.memory_space<semaphore_mem>>)
    %dma_start3A_121 = arith.constant 5 : i32
    %dma_start3A_122 = arith.constant 640 : i32
    %dma_start3A_123 = tpu.memref_slice %arg7[%dma_start3A_122] : memref<1024xi32, #tpu.memory_space<vmem>> -> memref<128xi32, #tpu.memory_space<vmem>>
    %dma_start3A_124 = arith.constant 0 : i32
    %dma_start3A_125 = tpu.memref_slice %arg6[%dma_start3A_121, %dma_start3A_124] : memref<8x128xi32, #tpu.memory_space<vmem>> -> memref<1x128xi32, #tpu.memory_space<vmem>>
    %dma_start3A_126 = tpu.memref_squeeze %dma_start3A_125 : memref<1x128xi32, #tpu.memory_space<vmem>> -> memref<128xi32, #tpu.memory_space<vmem>>
    %dma_start3A_127 = arith.constant 0 : i32
    %dma_start3A_128 = tpu.memref_slice %arg4[%dma_start3A_127] : memref<1000000xi32, #tpu.memory_space<hbm>> -> memref<1000000xi32, #tpu.memory_space<hbm>>
    tpu.enqueue_indirect_dma source(%dma_start3A_128 : memref<1000000xi32, #tpu.memory_space<hbm>>) target(%dma_start3A_123 : memref<128xi32, #tpu.memory_space<vmem>>) offsets(%dma_start3A_126 : memref<128xi32, #tpu.memory_space<vmem>>) semaphore(%arg11 : memref<!tpu.dma_semaphore, #tpu.memory_space<semaphore_mem>>)
    %dma_start3A_129 = arith.constant 6 : i32
    %dma_start3A_130 = arith.constant 768 : i32
    %dma_start3A_131 = arith.constant 0 : i32
    %dma_start3A_132 = tpu.memref_slice %arg8[%dma_start3A_130, %dma_start3A_131] : memref<1024x16xi32, #tpu.memory_space<vmem>> -> memref<128x16xi32, #tpu.memory_space<vmem>>
    %dma_start3A_133 = arith.constant 0 : i32
    %dma_start3A_134 = tpu.memref_slice %arg6[%dma_start3A_129, %dma_start3A_133] : memref<8x128xi32, #tpu.memory_space<vmem>> -> memref<1x128xi32, #tpu.memory_space<vmem>>
    %dma_start3A_135 = tpu.memref_squeeze %dma_start3A_134 : memref<1x128xi32, #tpu.memory_space<vmem>> -> memref<128xi32, #tpu.memory_space<vmem>>
    %dma_start3A_136 = arith.constant 0 : i32
    %dma_start3A_137 = arith.constant 0 : i32
    %dma_start3A_138 = tpu.memref_slice %arg3[%dma_start3A_136, %dma_start3A_137] : memref<1000000x16xi32, #tpu.memory_space<hbm>> -> memref<1000000x16xi32, #tpu.memory_space<hbm>>
    tpu.enqueue_indirect_dma source(%dma_start3A_138 : memref<1000000x16xi32, #tpu.memory_space<hbm>>) target(%dma_start3A_132 : memref<128x16xi32, #tpu.memory_space<vmem>>) offsets(%dma_start3A_135 : memref<128xi32, #tpu.memory_space<vmem>>) semaphore(%arg10 : memref<!tpu.dma_semaphore, #tpu.memory_space<semaphore_mem>>)
    %dma_start3A_139 = arith.constant 6 : i32
    %dma_start3A_140 = arith.constant 768 : i32
    %dma_start3A_141 = tpu.memref_slice %arg7[%dma_start3A_140] : memref<1024xi32, #tpu.memory_space<vmem>> -> memref<128xi32, #tpu.memory_space<vmem>>
    %dma_start3A_142 = arith.constant 0 : i32
    %dma_start3A_143 = tpu.memref_slice %arg6[%dma_start3A_139, %dma_start3A_142] : memref<8x128xi32, #tpu.memory_space<vmem>> -> memref<1x128xi32, #tpu.memory_space<vmem>>
    %dma_start3A_144 = tpu.memref_squeeze %dma_start3A_143 : memref<1x128xi32, #tpu.memory_space<vmem>> -> memref<128xi32, #tpu.memory_space<vmem>>
    %dma_start3A_145 = arith.constant 0 : i32
    %dma_start3A_146 = tpu.memref_slice %arg4[%dma_start3A_145] : memref<1000000xi32, #tpu.memory_space<hbm>> -> memref<1000000xi32, #tpu.memory_space<hbm>>
    tpu.enqueue_indirect_dma source(%dma_start3A_146 : memref<1000000xi32, #tpu.memory_space<hbm>>) target(%dma_start3A_141 : memref<128xi32, #tpu.memory_space<vmem>>) offsets(%dma_start3A_144 : memref<128xi32, #tpu.memory_space<vmem>>) semaphore(%arg11 : memref<!tpu.dma_semaphore, #tpu.memory_space<semaphore_mem>>)
    %dma_start3A_147 = arith.constant 7 : i32
    %dma_start3A_148 = arith.constant 896 : i32
    %dma_start3A_149 = arith.constant 0 : i32
    %dma_start3A_150 = tpu.memref_slice %arg8[%dma_start3A_148, %dma_start3A_149] : memref<1024x16xi32, #tpu.memory_space<vmem>> -> memref<128x16xi32, #tpu.memory_space<vmem>>
    %dma_start3A_151 = arith.constant 0 : i32
    %dma_start3A_152 = tpu.memref_slice %arg6[%dma_start3A_147, %dma_start3A_151] : memref<8x128xi32, #tpu.memory_space<vmem>> -> memref<1x128xi32, #tpu.memory_space<vmem>>
    %dma_start3A_153 = tpu.memref_squeeze %dma_start3A_152 : memref<1x128xi32, #tpu.memory_space<vmem>> -> memref<128xi32, #tpu.memory_space<vmem>>
    %dma_start3A_154 = arith.constant 0 : i32
    %dma_start3A_155 = arith.constant 0 : i32
    %dma_start3A_156 = tpu.memref_slice %arg3[%dma_start3A_154, %dma_start3A_155] : memref<1000000x16xi32, #tpu.memory_space<hbm>> -> memref<1000000x16xi32, #tpu.memory_space<hbm>>
    tpu.enqueue_indirect_dma source(%dma_start3A_156 : memref<1000000x16xi32, #tpu.memory_space<hbm>>) target(%dma_start3A_150 : memref<128x16xi32, #tpu.memory_space<vmem>>) offsets(%dma_start3A_153 : memref<128xi32, #tpu.memory_space<vmem>>) semaphore(%arg10 : memref<!tpu.dma_semaphore, #tpu.memory_space<semaphore_mem>>)
    %dma_start3A_157 = arith.constant 7 : i32
    %dma_start3A_158 = arith.constant 896 : i32
    %dma_start3A_159 = tpu.memref_slice %arg7[%dma_start3A_158] : memref<1024xi32, #tpu.memory_space<vmem>> -> memref<128xi32, #tpu.memory_space<vmem>>
    %dma_start3A_160 = arith.constant 0 : i32
    %dma_start3A_161 = tpu.memref_slice %arg6[%dma_start3A_157, %dma_start3A_160] : memref<8x128xi32, #tpu.memory_space<vmem>> -> memref<1x128xi32, #tpu.memory_space<vmem>>
    %dma_start3A_162 = tpu.memref_squeeze %dma_start3A_161 : memref<1x128xi32, #tpu.memory_space<vmem>> -> memref<128xi32, #tpu.memory_space<vmem>>
    %dma_start3A_163 = arith.constant 0 : i32
    %dma_start3A_164 = tpu.memref_slice %arg4[%dma_start3A_163] : memref<1000000xi32, #tpu.memory_space<hbm>> -> memref<1000000xi32, #tpu.memory_space<hbm>>
    tpu.enqueue_indirect_dma source(%dma_start3A_164 : memref<1000000xi32, #tpu.memory_space<hbm>>) target(%dma_start3A_159 : memref<128xi32, #tpu.memory_space<vmem>>) offsets(%dma_start3A_162 : memref<128xi32, #tpu.memory_space<vmem>>) semaphore(%arg11 : memref<!tpu.dma_semaphore, #tpu.memory_space<semaphore_mem>>)
    %scan3A = arith.constant 0 : i32
    %scan3A_165 = arith.constant 0 : i32
    %scan3A_166 = arith.constant 25 : i32
    %scan3A_167 = arith.addi %scan3A_165, %scan3A_166 : i32
    %scan3A_168 = arith.constant 1 : i32
    %scan3A_169 = scf.for %scan3A_184 = %scan3A_165 to %scan3A_167 step %scan3A_168 iter_args(%scan3A_185 = %scan3A) -> (i32)  : i32 {
      %add3A_186 = arith.constant 1 : i32
      %add3A_187 = arith.addi %scan3A_184, %add3A_186 : i32
      %lt3A = arith.constant 25 : i32
      %lt3A_188 = arith.cmpi slt, %add3A_187, %lt3A : i32
      %jit3A_189 = arith.constant 2 : i32
      %eq3A = arith.constant 0 : i32
      %eq3A_190 = arith.cmpi eq, %jit3A_189, %eq3A : i32
      %jit3A_191 = arith.constant 1 : i32
      %select_n3A_192 = arith.select %eq3A_190, %jit3A_191, %jit3A_189 : i32
      %rem3A_193 = arith.remsi %scan3A_184, %select_n3A_192 : i32
      %ne3A_194 = arith.constant 0 : i32
      %ne3A_195 = arith.cmpi ne, %rem3A_193, %ne3A_194 : i32
      %lt3A_196 = arith.constant 0 : i32
      %lt3A_197 = arith.cmpi slt, %rem3A_193, %lt3A_196 : i32
      %lt3A_198 = arith.constant 0 : i32
      %lt3A_199 = arith.cmpi slt, %select_n3A_192, %lt3A_198 : i32
      %ne3A_200 = arith.xori %lt3A_197, %lt3A_199 : i1
      %and3A_201 = arith.andi %ne3A_200, %ne3A_195 : i1
      %add3A_202 = arith.addi %rem3A_193, %select_n3A_192 : i32
      %select_n3A_203 = arith.select %and3A_201, %add3A_202, %rem3A_193 : i32
      %eq3A_204 = arith.constant 0 : i32
      %eq3A_205 = arith.cmpi eq, %select_n3A_203, %eq3A_204 : i32
      %and3A_206 = arith.andi %lt3A_188, %eq3A_205 : i1
      %convert_element_type3A = arith.extui %and3A_206 : i1 to i32
      %cond3A = arith.constant 0 : i32
      %cond3A_207 = arith.cmpi ne, %convert_element_type3A, %cond3A : i32
      scf.if %cond3A_207 {
        %add3A_277 = arith.constant 1 : i32
        %add3A_278 = arith.addi %scan3A_184, %add3A_277 : i32
        %mul3A_279 = arith.constant 1024 : i32
        %mul3A_280 = arith.muli %add3A_278, %mul3A_279 : i32
        %add3A_281 = arith.addi %mul3A_2, %mul3A_280 : i32
        %multiple_of3A_282 = tpu.assume_multiple %add3A_281, 1024 : i32
        %jit3A_283 = arith.constant 128 : i32
        %div3A_284 = arith.divsi %multiple_of3A_282, %jit3A_283 : i32
        %sign3A_285 = arith.constant 0 : i32
        %sign3A_286 = arith.cmpi sgt, %multiple_of3A_282, %sign3A_285 : i32
        %sign3A_287 = arith.extui %sign3A_286 : i1 to i32
        %sign3A_288 = arith.constant 0 : i32
        %sign3A_289 = arith.cmpi slt, %multiple_of3A_282, %sign3A_288 : i32
        %sign3A_290 = arith.extui %sign3A_289 : i1 to i32
        %sign3A_291 = arith.subi %sign3A_287, %sign3A_290 : i32
        %sign3A_292 = arith.constant 0 : i32
        %sign3A_293 = arith.cmpi sgt, %jit3A_283, %sign3A_292 : i32
        %sign3A_294 = arith.extui %sign3A_293 : i1 to i32
        %sign3A_295 = arith.constant 0 : i32
        %sign3A_296 = arith.cmpi slt, %jit3A_283, %sign3A_295 : i32
        %sign3A_297 = arith.extui %sign3A_296 : i1 to i32
        %sign3A_298 = arith.subi %sign3A_294, %sign3A_297 : i32
        %ne3A_299 = arith.cmpi ne, %sign3A_291, %sign3A_298 : i32
        %rem3A_300 = arith.remsi %multiple_of3A_282, %jit3A_283 : i32
        %ne3A_301 = arith.constant 0 : i32
        %ne3A_302 = arith.cmpi ne, %rem3A_300, %ne3A_301 : i32
        %and3A_303 = arith.andi %ne3A_299, %ne3A_302 : i1
        %sub3A_304 = arith.constant 1 : i32
        %sub3A_305 = arith.subi %div3A_284, %sub3A_304 : i32
        %select_n3A_306 = arith.select %and3A_303, %sub3A_305, %div3A_284 : i32
        %multiple_of3A_307 = tpu.assume_multiple %select_n3A_306, 8 : i32
        "tpu.region"() ({
          %run_scoped3A = tpu.sem_alloc : memref<!tpu.dma_semaphore, #tpu.memory_space<semaphore_mem>>
          %dma_start3A_452 = arith.constant 0 : i32
          %dma_start3A_453 = tpu.memref_slice %arg2[%multiple_of3A_307, %dma_start3A_452] : memref<6400x128xi32, #tpu.memory_space<hbm>> -> memref<8x128xi32, #tpu.memory_space<hbm>>
          %dma_start3A_454 = arith.constant 0 : i32
          %dma_start3A_455 = tpu.memref_slice %arg2[%multiple_of3A_307, %dma_start3A_454] : memref<6400x128xi32, #tpu.memory_space<hbm>> -> memref<8x128xi32, #tpu.memory_space<hbm>>
          tpu.enqueue_dma source(%dma_start3A_455 : memref<8x128xi32, #tpu.memory_space<hbm>>) target(%arg13 : memref<8x128xi32, #tpu.memory_space<vmem>>) target_semaphore(%run_scoped3A : memref<!tpu.dma_semaphore, #tpu.memory_space<semaphore_mem>>)
          %dma_wait3A_456 = arith.constant 0 : i32
          %dma_wait3A_457 = tpu.memref_slice %arg2[%multiple_of3A_307, %dma_wait3A_456] : memref<6400x128xi32, #tpu.memory_space<hbm>> -> memref<8x128xi32, #tpu.memory_space<hbm>>
          %dma_wait3A_458 = arith.constant 0 : i32
          %dma_wait3A_459 = tpu.memref_slice %arg2[%multiple_of3A_307, %dma_wait3A_458] : memref<6400x128xi32, #tpu.memory_space<hbm>> -> memref<8x128xi32, #tpu.memory_space<hbm>>
          tpu.wait_dma2 semaphore(%run_scoped3A : memref<!tpu.dma_semaphore, #tpu.memory_space<semaphore_mem>>) src(%dma_wait3A_459 : memref<8x128xi32, #tpu.memory_space<hbm>>) dst(%arg13 : memref<8x128xi32, #tpu.memory_space<vmem>>)
          tpu.yield
        }) : () -> ()
        %dma_start3A_308 = arith.constant 0 : i32
        %dma_start3A_309 = arith.constant 0 : i32
        %dma_start3A_310 = arith.constant 0 : i32
        %dma_start3A_311 = tpu.memref_slice %arg15[%dma_start3A_309, %dma_start3A_310] : memref<1024x16xi32, #tpu.memory_space<vmem>> -> memref<128x16xi32, #tpu.memory_space<vmem>>
        %dma_start3A_312 = arith.constant 0 : i32
        %dma_start3A_313 = tpu.memref_slice %arg13[%dma_start3A_308, %dma_start3A_312] : memref<8x128xi32, #tpu.memory_space<vmem>> -> memref<1x128xi32, #tpu.memory_space<vmem>>
        %dma_start3A_314 = tpu.memref_squeeze %dma_start3A_313 : memref<1x128xi32, #tpu.memory_space<vmem>> -> memref<128xi32, #tpu.memory_space<vmem>>
        %dma_start3A_315 = arith.constant 0 : i32
        %dma_start3A_316 = arith.constant 0 : i32
        %dma_start3A_317 = tpu.memref_slice %arg3[%dma_start3A_315, %dma_start3A_316] : memref<1000000x16xi32, #tpu.memory_space<hbm>> -> memref<1000000x16xi32, #tpu.memory_space<hbm>>
        tpu.enqueue_indirect_dma source(%dma_start3A_317 : memref<1000000x16xi32, #tpu.memory_space<hbm>>) target(%dma_start3A_311 : memref<128x16xi32, #tpu.memory_space<vmem>>) offsets(%dma_start3A_314 : memref<128xi32, #tpu.memory_space<vmem>>) semaphore(%arg17 : memref<!tpu.dma_semaphore, #tpu.memory_space<semaphore_mem>>)
        %dma_start3A_318 = arith.constant 0 : i32
        %dma_start3A_319 = arith.constant 0 : i32
        %dma_start3A_320 = tpu.memref_slice %arg14[%dma_start3A_319] : memref<1024xi32, #tpu.memory_space<vmem>> -> memref<128xi32, #tpu.memory_space<vmem>>
        %dma_start3A_321 = arith.constant 0 : i32
        %dma_start3A_322 = tpu.memref_slice %arg13[%dma_start3A_318, %dma_start3A_321] : memref<8x128xi32, #tpu.memory_space<vmem>> -> memref<1x128xi32, #tpu.memory_space<vmem>>
        %dma_start3A_323 = tpu.memref_squeeze %dma_start3A_322 : memref<1x128xi32, #tpu.memory_space<vmem>> -> memref<128xi32, #tpu.memory_space<vmem>>
        %dma_start3A_324 = arith.constant 0 : i32
        %dma_start3A_325 = tpu.memref_slice %arg4[%dma_start3A_324] : memref<1000000xi32, #tpu.memory_space<hbm>> -> memref<1000000xi32, #tpu.memory_space<hbm>>
        tpu.enqueue_indirect_dma source(%dma_start3A_325 : memref<1000000xi32, #tpu.memory_space<hbm>>) target(%dma_start3A_320 : memref<128xi32, #tpu.memory_space<vmem>>) offsets(%dma_start3A_323 : memref<128xi32, #tpu.memory_space<vmem>>) semaphore(%arg18 : memref<!tpu.dma_semaphore, #tpu.memory_space<semaphore_mem>>)
        %dma_start3A_326 = arith.constant 1 : i32
        %dma_start3A_327 = arith.constant 128 : i32
        %dma_start3A_328 = arith.constant 0 : i32
        %dma_start3A_329 = tpu.memref_slice %arg15[%dma_start3A_327, %dma_start3A_328] : memref<1024x16xi32, #tpu.memory_space<vmem>> -> memref<128x16xi32, #tpu.memory_space<vmem>>
        %dma_start3A_330 = arith.constant 0 : i32
        %dma_start3A_331 = tpu.memref_slice %arg13[%dma_start3A_326, %dma_start3A_330] : memref<8x128xi32, #tpu.memory_space<vmem>> -> memref<1x128xi32, #tpu.memory_space<vmem>>
        %dma_start3A_332 = tpu.memref_squeeze %dma_start3A_331 : memref<1x128xi32, #tpu.memory_space<vmem>> -> memref<128xi32, #tpu.memory_space<vmem>>
        %dma_start3A_333 = arith.constant 0 : i32
        %dma_start3A_334 = arith.constant 0 : i32
        %dma_start3A_335 = tpu.memref_slice %arg3[%dma_start3A_333, %dma_start3A_334] : memref<1000000x16xi32, #tpu.memory_space<hbm>> -> memref<1000000x16xi32, #tpu.memory_space<hbm>>
        tpu.enqueue_indirect_dma source(%dma_start3A_335 : memref<1000000x16xi32, #tpu.memory_space<hbm>>) target(%dma_start3A_329 : memref<128x16xi32, #tpu.memory_space<vmem>>) offsets(%dma_start3A_332 : memref<128xi32, #tpu.memory_space<vmem>>) semaphore(%arg17 : memref<!tpu.dma_semaphore, #tpu.memory_space<semaphore_mem>>)
        %dma_start3A_336 = arith.constant 1 : i32
        %dma_start3A_337 = arith.constant 128 : i32
        %dma_start3A_338 = tpu.memref_slice %arg14[%dma_start3A_337] : memref<1024xi32, #tpu.memory_space<vmem>> -> memref<128xi32, #tpu.memory_space<vmem>>
        %dma_start3A_339 = arith.constant 0 : i32
        %dma_start3A_340 = tpu.memref_slice %arg13[%dma_start3A_336, %dma_start3A_339] : memref<8x128xi32, #tpu.memory_space<vmem>> -> memref<1x128xi32, #tpu.memory_space<vmem>>
        %dma_start3A_341 = tpu.memref_squeeze %dma_start3A_340 : memref<1x128xi32, #tpu.memory_space<vmem>> -> memref<128xi32, #tpu.memory_space<vmem>>
        %dma_start3A_342 = arith.constant 0 : i32
        %dma_start3A_343 = tpu.memref_slice %arg4[%dma_start3A_342] : memref<1000000xi32, #tpu.memory_space<hbm>> -> memref<1000000xi32, #tpu.memory_space<hbm>>
        tpu.enqueue_indirect_dma source(%dma_start3A_343 : memref<1000000xi32, #tpu.memory_space<hbm>>) target(%dma_start3A_338 : memref<128xi32, #tpu.memory_space<vmem>>) offsets(%dma_start3A_341 : memref<128xi32, #tpu.memory_space<vmem>>) semaphore(%arg18 : memref<!tpu.dma_semaphore, #tpu.memory_space<semaphore_mem>>)
        %dma_start3A_344 = arith.constant 2 : i32
        %dma_start3A_345 = arith.constant 256 : i32
        %dma_start3A_346 = arith.constant 0 : i32
        %dma_start3A_347 = tpu.memref_slice %arg15[%dma_start3A_345, %dma_start3A_346] : memref<1024x16xi32, #tpu.memory_space<vmem>> -> memref<128x16xi32, #tpu.memory_space<vmem>>
        %dma_start3A_348 = arith.constant 0 : i32
        %dma_start3A_349 = tpu.memref_slice %arg13[%dma_start3A_344, %dma_start3A_348] : memref<8x128xi32, #tpu.memory_space<vmem>> -> memref<1x128xi32, #tpu.memory_space<vmem>>
        %dma_start3A_350 = tpu.memref_squeeze %dma_start3A_349 : memref<1x128xi32, #tpu.memory_space<vmem>> -> memref<128xi32, #tpu.memory_space<vmem>>
        %dma_start3A_351 = arith.constant 0 : i32
        %dma_start3A_352 = arith.constant 0 : i32
        %dma_start3A_353 = tpu.memref_slice %arg3[%dma_start3A_351, %dma_start3A_352] : memref<1000000x16xi32, #tpu.memory_space<hbm>> -> memref<1000000x16xi32, #tpu.memory_space<hbm>>
        tpu.enqueue_indirect_dma source(%dma_start3A_353 : memref<1000000x16xi32, #tpu.memory_space<hbm>>) target(%dma_start3A_347 : memref<128x16xi32, #tpu.memory_space<vmem>>) offsets(%dma_start3A_350 : memref<128xi32, #tpu.memory_space<vmem>>) semaphore(%arg17 : memref<!tpu.dma_semaphore, #tpu.memory_space<semaphore_mem>>)
        %dma_start3A_354 = arith.constant 2 : i32
        %dma_start3A_355 = arith.constant 256 : i32
        %dma_start3A_356 = tpu.memref_slice %arg14[%dma_start3A_355] : memref<1024xi32, #tpu.memory_space<vmem>> -> memref<128xi32, #tpu.memory_space<vmem>>
        %dma_start3A_357 = arith.constant 0 : i32
        %dma_start3A_358 = tpu.memref_slice %arg13[%dma_start3A_354, %dma_start3A_357] : memref<8x128xi32, #tpu.memory_space<vmem>> -> memref<1x128xi32, #tpu.memory_space<vmem>>
        %dma_start3A_359 = tpu.memref_squeeze %dma_start3A_358 : memref<1x128xi32, #tpu.memory_space<vmem>> -> memref<128xi32, #tpu.memory_space<vmem>>
        %dma_start3A_360 = arith.constant 0 : i32
        %dma_start3A_361 = tpu.memref_slice %arg4[%dma_start3A_360] : memref<1000000xi32, #tpu.memory_space<hbm>> -> memref<1000000xi32, #tpu.memory_space<hbm>>
        tpu.enqueue_indirect_dma source(%dma_start3A_361 : memref<1000000xi32, #tpu.memory_space<hbm>>) target(%dma_start3A_356 : memref<128xi32, #tpu.memory_space<vmem>>) offsets(%dma_start3A_359 : memref<128xi32, #tpu.memory_space<vmem>>) semaphore(%arg18 : memref<!tpu.dma_semaphore, #tpu.memory_space<semaphore_mem>>)
        %dma_start3A_362 = arith.constant 3 : i32
        %dma_start3A_363 = arith.constant 384 : i32
        %dma_start3A_364 = arith.constant 0 : i32
        %dma_start3A_365 = tpu.memref_slice %arg15[%dma_start3A_363, %dma_start3A_364] : memref<1024x16xi32, #tpu.memory_space<vmem>> -> memref<128x16xi32, #tpu.memory_space<vmem>>
        %dma_start3A_366 = arith.constant 0 : i32
        %dma_start3A_367 = tpu.memref_slice %arg13[%dma_start3A_362, %dma_start3A_366] : memref<8x128xi32, #tpu.memory_space<vmem>> -> memref<1x128xi32, #tpu.memory_space<vmem>>
        %dma_start3A_368 = tpu.memref_squeeze %dma_start3A_367 : memref<1x128xi32, #tpu.memory_space<vmem>> -> memref<128xi32, #tpu.memory_space<vmem>>
        %dma_start3A_369 = arith.constant 0 : i32
        %dma_start3A_370 = arith.constant 0 : i32
        %dma_start3A_371 = tpu.memref_slice %arg3[%dma_start3A_369, %dma_start3A_370] : memref<1000000x16xi32, #tpu.memory_space<hbm>> -> memref<1000000x16xi32, #tpu.memory_space<hbm>>
        tpu.enqueue_indirect_dma source(%dma_start3A_371 : memref<1000000x16xi32, #tpu.memory_space<hbm>>) target(%dma_start3A_365 : memref<128x16xi32, #tpu.memory_space<vmem>>) offsets(%dma_start3A_368 : memref<128xi32, #tpu.memory_space<vmem>>) semaphore(%arg17 : memref<!tpu.dma_semaphore, #tpu.memory_space<semaphore_mem>>)
        %dma_start3A_372 = arith.constant 3 : i32
        %dma_start3A_373 = arith.constant 384 : i32
        %dma_start3A_374 = tpu.memref_slice %arg14[%dma_start3A_373] : memref<1024xi32, #tpu.memory_space<vmem>> -> memref<128xi32, #tpu.memory_space<vmem>>
        %dma_start3A_375 = arith.constant 0 : i32
        %dma_start3A_376 = tpu.memref_slice %arg13[%dma_start3A_372, %dma_start3A_375] : memref<8x128xi32, #tpu.memory_space<vmem>> -> memref<1x128xi32, #tpu.memory_space<vmem>>
        %dma_start3A_377 = tpu.memref_squeeze %dma_start3A_376 : memref<1x128xi32, #tpu.memory_space<vmem>> -> memref<128xi32, #tpu.memory_space<vmem>>
        %dma_start3A_378 = arith.constant 0 : i32
        %dma_start3A_379 = tpu.memref_slice %arg4[%dma_start3A_378] : memref<1000000xi32, #tpu.memory_space<hbm>> -> memref<1000000xi32, #tpu.memory_space<hbm>>
        tpu.enqueue_indirect_dma source(%dma_start3A_379 : memref<1000000xi32, #tpu.memory_space<hbm>>) target(%dma_start3A_374 : memref<128xi32, #tpu.memory_space<vmem>>) offsets(%dma_start3A_377 : memref<128xi32, #tpu.memory_space<vmem>>) semaphore(%arg18 : memref<!tpu.dma_semaphore, #tpu.memory_space<semaphore_mem>>)
        %dma_start3A_380 = arith.constant 4 : i32
        %dma_start3A_381 = arith.constant 512 : i32
        %dma_start3A_382 = arith.constant 0 : i32
        %dma_start3A_383 = tpu.memref_slice %arg15[%dma_start3A_381, %dma_start3A_382] : memref<1024x16xi32, #tpu.memory_space<vmem>> -> memref<128x16xi32, #tpu.memory_space<vmem>>
        %dma_start3A_384 = arith.constant 0 : i32
        %dma_start3A_385 = tpu.memref_slice %arg13[%dma_start3A_380, %dma_start3A_384] : memref<8x128xi32, #tpu.memory_space<vmem>> -> memref<1x128xi32, #tpu.memory_space<vmem>>
        %dma_start3A_386 = tpu.memref_squeeze %dma_start3A_385 : memref<1x128xi32, #tpu.memory_space<vmem>> -> memref<128xi32, #tpu.memory_space<vmem>>
        %dma_start3A_387 = arith.constant 0 : i32
        %dma_start3A_388 = arith.constant 0 : i32
        %dma_start3A_389 = tpu.memref_slice %arg3[%dma_start3A_387, %dma_start3A_388] : memref<1000000x16xi32, #tpu.memory_space<hbm>> -> memref<1000000x16xi32, #tpu.memory_space<hbm>>
        tpu.enqueue_indirect_dma source(%dma_start3A_389 : memref<1000000x16xi32, #tpu.memory_space<hbm>>) target(%dma_start3A_383 : memref<128x16xi32, #tpu.memory_space<vmem>>) offsets(%dma_start3A_386 : memref<128xi32, #tpu.memory_space<vmem>>) semaphore(%arg17 : memref<!tpu.dma_semaphore, #tpu.memory_space<semaphore_mem>>)
        %dma_start3A_390 = arith.constant 4 : i32
        %dma_start3A_391 = arith.constant 512 : i32
        %dma_start3A_392 = tpu.memref_slice %arg14[%dma_start3A_391] : memref<1024xi32, #tpu.memory_space<vmem>> -> memref<128xi32, #tpu.memory_space<vmem>>
        %dma_start3A_393 = arith.constant 0 : i32
        %dma_start3A_394 = tpu.memref_slice %arg13[%dma_start3A_390, %dma_start3A_393] : memref<8x128xi32, #tpu.memory_space<vmem>> -> memref<1x128xi32, #tpu.memory_space<vmem>>
        %dma_start3A_395 = tpu.memref_squeeze %dma_start3A_394 : memref<1x128xi32, #tpu.memory_space<vmem>> -> memref<128xi32, #tpu.memory_space<vmem>>
        %dma_start3A_396 = arith.constant 0 : i32
        %dma_start3A_397 = tpu.memref_slice %arg4[%dma_start3A_396] : memref<1000000xi32, #tpu.memory_space<hbm>> -> memref<1000000xi32, #tpu.memory_space<hbm>>
        tpu.enqueue_indirect_dma source(%dma_start3A_397 : memref<1000000xi32, #tpu.memory_space<hbm>>) target(%dma_start3A_392 : memref<128xi32, #tpu.memory_space<vmem>>) offsets(%dma_start3A_395 : memref<128xi32, #tpu.memory_space<vmem>>) semaphore(%arg18 : memref<!tpu.dma_semaphore, #tpu.memory_space<semaphore_mem>>)
        %dma_start3A_398 = arith.constant 5 : i32
        %dma_start3A_399 = arith.constant 640 : i32
        %dma_start3A_400 = arith.constant 0 : i32
        %dma_start3A_401 = tpu.memref_slice %arg15[%dma_start3A_399, %dma_start3A_400] : memref<1024x16xi32, #tpu.memory_space<vmem>> -> memref<128x16xi32, #tpu.memory_space<vmem>>
        %dma_start3A_402 = arith.constant 0 : i32
        %dma_start3A_403 = tpu.memref_slice %arg13[%dma_start3A_398, %dma_start3A_402] : memref<8x128xi32, #tpu.memory_space<vmem>> -> memref<1x128xi32, #tpu.memory_space<vmem>>
        %dma_start3A_404 = tpu.memref_squeeze %dma_start3A_403 : memref<1x128xi32, #tpu.memory_space<vmem>> -> memref<128xi32, #tpu.memory_space<vmem>>
        %dma_start3A_405 = arith.constant 0 : i32
        %dma_start3A_406 = arith.constant 0 : i32
        %dma_start3A_407 = tpu.memref_slice %arg3[%dma_start3A_405, %dma_start3A_406] : memref<1000000x16xi32, #tpu.memory_space<hbm>> -> memref<1000000x16xi32, #tpu.memory_space<hbm>>
        tpu.enqueue_indirect_dma source(%dma_start3A_407 : memref<1000000x16xi32, #tpu.memory_space<hbm>>) target(%dma_start3A_401 : memref<128x16xi32, #tpu.memory_space<vmem>>) offsets(%dma_start3A_404 : memref<128xi32, #tpu.memory_space<vmem>>) semaphore(%arg17 : memref<!tpu.dma_semaphore, #tpu.memory_space<semaphore_mem>>)
        %dma_start3A_408 = arith.constant 5 : i32
        %dma_start3A_409 = arith.constant 640 : i32
        %dma_start3A_410 = tpu.memref_slice %arg14[%dma_start3A_409] : memref<1024xi32, #tpu.memory_space<vmem>> -> memref<128xi32, #tpu.memory_space<vmem>>
        %dma_start3A_411 = arith.constant 0 : i32
        %dma_start3A_412 = tpu.memref_slice %arg13[%dma_start3A_408, %dma_start3A_411] : memref<8x128xi32, #tpu.memory_space<vmem>> -> memref<1x128xi32, #tpu.memory_space<vmem>>
        %dma_start3A_413 = tpu.memref_squeeze %dma_start3A_412 : memref<1x128xi32, #tpu.memory_space<vmem>> -> memref<128xi32, #tpu.memory_space<vmem>>
        %dma_start3A_414 = arith.constant 0 : i32
        %dma_start3A_415 = tpu.memref_slice %arg4[%dma_start3A_414] : memref<1000000xi32, #tpu.memory_space<hbm>> -> memref<1000000xi32, #tpu.memory_space<hbm>>
        tpu.enqueue_indirect_dma source(%dma_start3A_415 : memref<1000000xi32, #tpu.memory_space<hbm>>) target(%dma_start3A_410 : memref<128xi32, #tpu.memory_space<vmem>>) offsets(%dma_start3A_413 : memref<128xi32, #tpu.memory_space<vmem>>) semaphore(%arg18 : memref<!tpu.dma_semaphore, #tpu.memory_space<semaphore_mem>>)
        %dma_start3A_416 = arith.constant 6 : i32
        %dma_start3A_417 = arith.constant 768 : i32
        %dma_start3A_418 = arith.constant 0 : i32
        %dma_start3A_419 = tpu.memref_slice %arg15[%dma_start3A_417, %dma_start3A_418] : memref<1024x16xi32, #tpu.memory_space<vmem>> -> memref<128x16xi32, #tpu.memory_space<vmem>>
        %dma_start3A_420 = arith.constant 0 : i32
        %dma_start3A_421 = tpu.memref_slice %arg13[%dma_start3A_416, %dma_start3A_420] : memref<8x128xi32, #tpu.memory_space<vmem>> -> memref<1x128xi32, #tpu.memory_space<vmem>>
        %dma_start3A_422 = tpu.memref_squeeze %dma_start3A_421 : memref<1x128xi32, #tpu.memory_space<vmem>> -> memref<128xi32, #tpu.memory_space<vmem>>
        %dma_start3A_423 = arith.constant 0 : i32
        %dma_start3A_424 = arith.constant 0 : i32
        %dma_start3A_425 = tpu.memref_slice %arg3[%dma_start3A_423, %dma_start3A_424] : memref<1000000x16xi32, #tpu.memory_space<hbm>> -> memref<1000000x16xi32, #tpu.memory_space<hbm>>
        tpu.enqueue_indirect_dma source(%dma_start3A_425 : memref<1000000x16xi32, #tpu.memory_space<hbm>>) target(%dma_start3A_419 : memref<128x16xi32, #tpu.memory_space<vmem>>) offsets(%dma_start3A_422 : memref<128xi32, #tpu.memory_space<vmem>>) semaphore(%arg17 : memref<!tpu.dma_semaphore, #tpu.memory_space<semaphore_mem>>)
        %dma_start3A_426 = arith.constant 6 : i32
        %dma_start3A_427 = arith.constant 768 : i32
        %dma_start3A_428 = tpu.memref_slice %arg14[%dma_start3A_427] : memref<1024xi32, #tpu.memory_space<vmem>> -> memref<128xi32, #tpu.memory_space<vmem>>
        %dma_start3A_429 = arith.constant 0 : i32
        %dma_start3A_430 = tpu.memref_slice %arg13[%dma_start3A_426, %dma_start3A_429] : memref<8x128xi32, #tpu.memory_space<vmem>> -> memref<1x128xi32, #tpu.memory_space<vmem>>
        %dma_start3A_431 = tpu.memref_squeeze %dma_start3A_430 : memref<1x128xi32, #tpu.memory_space<vmem>> -> memref<128xi32, #tpu.memory_space<vmem>>
        %dma_start3A_432 = arith.constant 0 : i32
        %dma_start3A_433 = tpu.memref_slice %arg4[%dma_start3A_432] : memref<1000000xi32, #tpu.memory_space<hbm>> -> memref<1000000xi32, #tpu.memory_space<hbm>>
        tpu.enqueue_indirect_dma source(%dma_start3A_433 : memref<1000000xi32, #tpu.memory_space<hbm>>) target(%dma_start3A_428 : memref<128xi32, #tpu.memory_space<vmem>>) offsets(%dma_start3A_431 : memref<128xi32, #tpu.memory_space<vmem>>) semaphore(%arg18 : memref<!tpu.dma_semaphore, #tpu.memory_space<semaphore_mem>>)
        %dma_start3A_434 = arith.constant 7 : i32
        %dma_start3A_435 = arith.constant 896 : i32
        %dma_start3A_436 = arith.constant 0 : i32
        %dma_start3A_437 = tpu.memref_slice %arg15[%dma_start3A_435, %dma_start3A_436] : memref<1024x16xi32, #tpu.memory_space<vmem>> -> memref<128x16xi32, #tpu.memory_space<vmem>>
        %dma_start3A_438 = arith.constant 0 : i32
        %dma_start3A_439 = tpu.memref_slice %arg13[%dma_start3A_434, %dma_start3A_438] : memref<8x128xi32, #tpu.memory_space<vmem>> -> memref<1x128xi32, #tpu.memory_space<vmem>>
        %dma_start3A_440 = tpu.memref_squeeze %dma_start3A_439 : memref<1x128xi32, #tpu.memory_space<vmem>> -> memref<128xi32, #tpu.memory_space<vmem>>
        %dma_start3A_441 = arith.constant 0 : i32
        %dma_start3A_442 = arith.constant 0 : i32
        %dma_start3A_443 = tpu.memref_slice %arg3[%dma_start3A_441, %dma_start3A_442] : memref<1000000x16xi32, #tpu.memory_space<hbm>> -> memref<1000000x16xi32, #tpu.memory_space<hbm>>
        tpu.enqueue_indirect_dma source(%dma_start3A_443 : memref<1000000x16xi32, #tpu.memory_space<hbm>>) target(%dma_start3A_437 : memref<128x16xi32, #tpu.memory_space<vmem>>) offsets(%dma_start3A_440 : memref<128xi32, #tpu.memory_space<vmem>>) semaphore(%arg17 : memref<!tpu.dma_semaphore, #tpu.memory_space<semaphore_mem>>)
        %dma_start3A_444 = arith.constant 7 : i32
        %dma_start3A_445 = arith.constant 896 : i32
        %dma_start3A_446 = tpu.memref_slice %arg14[%dma_start3A_445] : memref<1024xi32, #tpu.memory_space<vmem>> -> memref<128xi32, #tpu.memory_space<vmem>>
        %dma_start3A_447 = arith.constant 0 : i32
        %dma_start3A_448 = tpu.memref_slice %arg13[%dma_start3A_444, %dma_start3A_447] : memref<8x128xi32, #tpu.memory_space<vmem>> -> memref<1x128xi32, #tpu.memory_space<vmem>>
        %dma_start3A_449 = tpu.memref_squeeze %dma_start3A_448 : memref<1x128xi32, #tpu.memory_space<vmem>> -> memref<128xi32, #tpu.memory_space<vmem>>
        %dma_start3A_450 = arith.constant 0 : i32
        %dma_start3A_451 = tpu.memref_slice %arg4[%dma_start3A_450] : memref<1000000xi32, #tpu.memory_space<hbm>> -> memref<1000000xi32, #tpu.memory_space<hbm>>
        tpu.enqueue_indirect_dma source(%dma_start3A_451 : memref<1000000xi32, #tpu.memory_space<hbm>>) target(%dma_start3A_446 : memref<128xi32, #tpu.memory_space<vmem>>) offsets(%dma_start3A_449 : memref<128xi32, #tpu.memory_space<vmem>>) semaphore(%arg18 : memref<!tpu.dma_semaphore, #tpu.memory_space<semaphore_mem>>)
      } else {
      }
      %add3A_208 = arith.constant 1 : i32
      %add3A_209 = arith.addi %scan3A_184, %add3A_208 : i32
      %lt3A_210 = arith.constant 25 : i32
      %lt3A_211 = arith.cmpi slt, %add3A_209, %lt3A_210 : i32
      %jit3A_212 = arith.constant 2 : i32
      %eq3A_213 = arith.constant 0 : i32
      %eq3A_214 = arith.cmpi eq, %jit3A_212, %eq3A_213 : i32
      %jit3A_215 = arith.constant 1 : i32
      %select_n3A_216 = arith.select %eq3A_214, %jit3A_215, %jit3A_212 : i32
      %rem3A_217 = arith.remsi %scan3A_184, %select_n3A_216 : i32
      %ne3A_218 = arith.constant 0 : i32
      %ne3A_219 = arith.cmpi ne, %rem3A_217, %ne3A_218 : i32
      %lt3A_220 = arith.constant 0 : i32
      %lt3A_221 = arith.cmpi slt, %rem3A_217, %lt3A_220 : i32
      %lt3A_222 = arith.constant 0 : i32
      %lt3A_223 = arith.cmpi slt, %select_n3A_216, %lt3A_222 : i32
      %ne3A_224 = arith.xori %lt3A_221, %lt3A_223 : i1
      %and3A_225 = arith.andi %ne3A_224, %ne3A_219 : i1
      %add3A_226 = arith.addi %rem3A_217, %select_n3A_216 : i32
      %select_n3A_227 = arith.select %and3A_225, %add3A_226, %rem3A_217 : i32
      %eq3A_228 = arith.constant 1 : i32
      %eq3A_229 = arith.cmpi eq, %select_n3A_227, %eq3A_228 : i32
      %and3A_230 = arith.andi %lt3A_211, %eq3A_229 : i1
      %convert_element_type3A_231 = arith.extui %and3A_230 : i1 to i32
      %cond3A_232 = arith.constant 0 : i32
      %cond3A_233 = arith.cmpi ne, %convert_element_type3A_231, %cond3A_232 : i32
      scf.if %cond3A_233 {
        %add3A_277 = arith.constant 1 : i32
        %add3A_278 = arith.addi %scan3A_184, %add3A_277 : i32
        %mul3A_279 = arith.constant 1024 : i32
        %mul3A_280 = arith.muli %add3A_278, %mul3A_279 : i32
        %add3A_281 = arith.addi %mul3A_2, %mul3A_280 : i32
        %multiple_of3A_282 = tpu.assume_multiple %add3A_281, 1024 : i32
        %jit3A_283 = arith.constant 128 : i32
        %div3A_284 = arith.divsi %multiple_of3A_282, %jit3A_283 : i32
        %sign3A_285 = arith.constant 0 : i32
        %sign3A_286 = arith.cmpi sgt, %multiple_of3A_282, %sign3A_285 : i32
        %sign3A_287 = arith.extui %sign3A_286 : i1 to i32
        %sign3A_288 = arith.constant 0 : i32
        %sign3A_289 = arith.cmpi slt, %multiple_of3A_282, %sign3A_288 : i32
        %sign3A_290 = arith.extui %sign3A_289 : i1 to i32
        %sign3A_291 = arith.subi %sign3A_287, %sign3A_290 : i32
        %sign3A_292 = arith.constant 0 : i32
        %sign3A_293 = arith.cmpi sgt, %jit3A_283, %sign3A_292 : i32
        %sign3A_294 = arith.extui %sign3A_293 : i1 to i32
        %sign3A_295 = arith.constant 0 : i32
        %sign3A_296 = arith.cmpi slt, %jit3A_283, %sign3A_295 : i32
        %sign3A_297 = arith.extui %sign3A_296 : i1 to i32
        %sign3A_298 = arith.subi %sign3A_294, %sign3A_297 : i32
        %ne3A_299 = arith.cmpi ne, %sign3A_291, %sign3A_298 : i32
        %rem3A_300 = arith.remsi %multiple_of3A_282, %jit3A_283 : i32
        %ne3A_301 = arith.constant 0 : i32
        %ne3A_302 = arith.cmpi ne, %rem3A_300, %ne3A_301 : i32
        %and3A_303 = arith.andi %ne3A_299, %ne3A_302 : i1
        %sub3A_304 = arith.constant 1 : i32
        %sub3A_305 = arith.subi %div3A_284, %sub3A_304 : i32
        %select_n3A_306 = arith.select %and3A_303, %sub3A_305, %div3A_284 : i32
        %multiple_of3A_307 = tpu.assume_multiple %select_n3A_306, 8 : i32
        "tpu.region"() ({
          %run_scoped3A = tpu.sem_alloc : memref<!tpu.dma_semaphore, #tpu.memory_space<semaphore_mem>>
          %dma_start3A_452 = arith.constant 0 : i32
          %dma_start3A_453 = tpu.memref_slice %arg2[%multiple_of3A_307, %dma_start3A_452] : memref<6400x128xi32, #tpu.memory_space<hbm>> -> memref<8x128xi32, #tpu.memory_space<hbm>>
          %dma_start3A_454 = arith.constant 0 : i32
          %dma_start3A_455 = tpu.memref_slice %arg2[%multiple_of3A_307, %dma_start3A_454] : memref<6400x128xi32, #tpu.memory_space<hbm>> -> memref<8x128xi32, #tpu.memory_space<hbm>>
          tpu.enqueue_dma source(%dma_start3A_455 : memref<8x128xi32, #tpu.memory_space<hbm>>) target(%arg6 : memref<8x128xi32, #tpu.memory_space<vmem>>) target_semaphore(%run_scoped3A : memref<!tpu.dma_semaphore, #tpu.memory_space<semaphore_mem>>)
          %dma_wait3A_456 = arith.constant 0 : i32
          %dma_wait3A_457 = tpu.memref_slice %arg2[%multiple_of3A_307, %dma_wait3A_456] : memref<6400x128xi32, #tpu.memory_space<hbm>> -> memref<8x128xi32, #tpu.memory_space<hbm>>
          %dma_wait3A_458 = arith.constant 0 : i32
          %dma_wait3A_459 = tpu.memref_slice %arg2[%multiple_of3A_307, %dma_wait3A_458] : memref<6400x128xi32, #tpu.memory_space<hbm>> -> memref<8x128xi32, #tpu.memory_space<hbm>>
          tpu.wait_dma2 semaphore(%run_scoped3A : memref<!tpu.dma_semaphore, #tpu.memory_space<semaphore_mem>>) src(%dma_wait3A_459 : memref<8x128xi32, #tpu.memory_space<hbm>>) dst(%arg6 : memref<8x128xi32, #tpu.memory_space<vmem>>)
          tpu.yield
        }) : () -> ()
        %dma_start3A_308 = arith.constant 0 : i32
        %dma_start3A_309 = arith.constant 0 : i32
        %dma_start3A_310 = arith.constant 0 : i32
        %dma_start3A_311 = tpu.memref_slice %arg8[%dma_start3A_309, %dma_start3A_310] : memref<1024x16xi32, #tpu.memory_space<vmem>> -> memref<128x16xi32, #tpu.memory_space<vmem>>
        %dma_start3A_312 = arith.constant 0 : i32
        %dma_start3A_313 = tpu.memref_slice %arg6[%dma_start3A_308, %dma_start3A_312] : memref<8x128xi32, #tpu.memory_space<vmem>> -> memref<1x128xi32, #tpu.memory_space<vmem>>
        %dma_start3A_314 = tpu.memref_squeeze %dma_start3A_313 : memref<1x128xi32, #tpu.memory_space<vmem>> -> memref<128xi32, #tpu.memory_space<vmem>>
        %dma_start3A_315 = arith.constant 0 : i32
        %dma_start3A_316 = arith.constant 0 : i32
        %dma_start3A_317 = tpu.memref_slice %arg3[%dma_start3A_315, %dma_start3A_316] : memref<1000000x16xi32, #tpu.memory_space<hbm>> -> memref<1000000x16xi32, #tpu.memory_space<hbm>>
        tpu.enqueue_indirect_dma source(%dma_start3A_317 : memref<1000000x16xi32, #tpu.memory_space<hbm>>) target(%dma_start3A_311 : memref<128x16xi32, #tpu.memory_space<vmem>>) offsets(%dma_start3A_314 : memref<128xi32, #tpu.memory_space<vmem>>) semaphore(%arg10 : memref<!tpu.dma_semaphore, #tpu.memory_space<semaphore_mem>>)
        %dma_start3A_318 = arith.constant 0 : i32
        %dma_start3A_319 = arith.constant 0 : i32
        %dma_start3A_320 = tpu.memref_slice %arg7[%dma_start3A_319] : memref<1024xi32, #tpu.memory_space<vmem>> -> memref<128xi32, #tpu.memory_space<vmem>>
        %dma_start3A_321 = arith.constant 0 : i32
        %dma_start3A_322 = tpu.memref_slice %arg6[%dma_start3A_318, %dma_start3A_321] : memref<8x128xi32, #tpu.memory_space<vmem>> -> memref<1x128xi32, #tpu.memory_space<vmem>>
        %dma_start3A_323 = tpu.memref_squeeze %dma_start3A_322 : memref<1x128xi32, #tpu.memory_space<vmem>> -> memref<128xi32, #tpu.memory_space<vmem>>
        %dma_start3A_324 = arith.constant 0 : i32
        %dma_start3A_325 = tpu.memref_slice %arg4[%dma_start3A_324] : memref<1000000xi32, #tpu.memory_space<hbm>> -> memref<1000000xi32, #tpu.memory_space<hbm>>
        tpu.enqueue_indirect_dma source(%dma_start3A_325 : memref<1000000xi32, #tpu.memory_space<hbm>>) target(%dma_start3A_320 : memref<128xi32, #tpu.memory_space<vmem>>) offsets(%dma_start3A_323 : memref<128xi32, #tpu.memory_space<vmem>>) semaphore(%arg11 : memref<!tpu.dma_semaphore, #tpu.memory_space<semaphore_mem>>)
        %dma_start3A_326 = arith.constant 1 : i32
        %dma_start3A_327 = arith.constant 128 : i32
        %dma_start3A_328 = arith.constant 0 : i32
        %dma_start3A_329 = tpu.memref_slice %arg8[%dma_start3A_327, %dma_start3A_328] : memref<1024x16xi32, #tpu.memory_space<vmem>> -> memref<128x16xi32, #tpu.memory_space<vmem>>
        %dma_start3A_330 = arith.constant 0 : i32
        %dma_start3A_331 = tpu.memref_slice %arg6[%dma_start3A_326, %dma_start3A_330] : memref<8x128xi32, #tpu.memory_space<vmem>> -> memref<1x128xi32, #tpu.memory_space<vmem>>
        %dma_start3A_332 = tpu.memref_squeeze %dma_start3A_331 : memref<1x128xi32, #tpu.memory_space<vmem>> -> memref<128xi32, #tpu.memory_space<vmem>>
        %dma_start3A_333 = arith.constant 0 : i32
        %dma_start3A_334 = arith.constant 0 : i32
        %dma_start3A_335 = tpu.memref_slice %arg3[%dma_start3A_333, %dma_start3A_334] : memref<1000000x16xi32, #tpu.memory_space<hbm>> -> memref<1000000x16xi32, #tpu.memory_space<hbm>>
        tpu.enqueue_indirect_dma source(%dma_start3A_335 : memref<1000000x16xi32, #tpu.memory_space<hbm>>) target(%dma_start3A_329 : memref<128x16xi32, #tpu.memory_space<vmem>>) offsets(%dma_start3A_332 : memref<128xi32, #tpu.memory_space<vmem>>) semaphore(%arg10 : memref<!tpu.dma_semaphore, #tpu.memory_space<semaphore_mem>>)
        %dma_start3A_336 = arith.constant 1 : i32
        %dma_start3A_337 = arith.constant 128 : i32
        %dma_start3A_338 = tpu.memref_slice %arg7[%dma_start3A_337] : memref<1024xi32, #tpu.memory_space<vmem>> -> memref<128xi32, #tpu.memory_space<vmem>>
        %dma_start3A_339 = arith.constant 0 : i32
        %dma_start3A_340 = tpu.memref_slice %arg6[%dma_start3A_336, %dma_start3A_339] : memref<8x128xi32, #tpu.memory_space<vmem>> -> memref<1x128xi32, #tpu.memory_space<vmem>>
        %dma_start3A_341 = tpu.memref_squeeze %dma_start3A_340 : memref<1x128xi32, #tpu.memory_space<vmem>> -> memref<128xi32, #tpu.memory_space<vmem>>
        %dma_start3A_342 = arith.constant 0 : i32
        %dma_start3A_343 = tpu.memref_slice %arg4[%dma_start3A_342] : memref<1000000xi32, #tpu.memory_space<hbm>> -> memref<1000000xi32, #tpu.memory_space<hbm>>
        tpu.enqueue_indirect_dma source(%dma_start3A_343 : memref<1000000xi32, #tpu.memory_space<hbm>>) target(%dma_start3A_338 : memref<128xi32, #tpu.memory_space<vmem>>) offsets(%dma_start3A_341 : memref<128xi32, #tpu.memory_space<vmem>>) semaphore(%arg11 : memref<!tpu.dma_semaphore, #tpu.memory_space<semaphore_mem>>)
        %dma_start3A_344 = arith.constant 2 : i32
        %dma_start3A_345 = arith.constant 256 : i32
        %dma_start3A_346 = arith.constant 0 : i32
        %dma_start3A_347 = tpu.memref_slice %arg8[%dma_start3A_345, %dma_start3A_346] : memref<1024x16xi32, #tpu.memory_space<vmem>> -> memref<128x16xi32, #tpu.memory_space<vmem>>
        %dma_start3A_348 = arith.constant 0 : i32
        %dma_start3A_349 = tpu.memref_slice %arg6[%dma_start3A_344, %dma_start3A_348] : memref<8x128xi32, #tpu.memory_space<vmem>> -> memref<1x128xi32, #tpu.memory_space<vmem>>
        %dma_start3A_350 = tpu.memref_squeeze %dma_start3A_349 : memref<1x128xi32, #tpu.memory_space<vmem>> -> memref<128xi32, #tpu.memory_space<vmem>>
        %dma_start3A_351 = arith.constant 0 : i32
        %dma_start3A_352 = arith.constant 0 : i32
        %dma_start3A_353 = tpu.memref_slice %arg3[%dma_start3A_351, %dma_start3A_352] : memref<1000000x16xi32, #tpu.memory_space<hbm>> -> memref<1000000x16xi32, #tpu.memory_space<hbm>>
        tpu.enqueue_indirect_dma source(%dma_start3A_353 : memref<1000000x16xi32, #tpu.memory_space<hbm>>) target(%dma_start3A_347 : memref<128x16xi32, #tpu.memory_space<vmem>>) offsets(%dma_start3A_350 : memref<128xi32, #tpu.memory_space<vmem>>) semaphore(%arg10 : memref<!tpu.dma_semaphore, #tpu.memory_space<semaphore_mem>>)
        %dma_start3A_354 = arith.constant 2 : i32
        %dma_start3A_355 = arith.constant 256 : i32
        %dma_start3A_356 = tpu.memref_slice %arg7[%dma_start3A_355] : memref<1024xi32, #tpu.memory_space<vmem>> -> memref<128xi32, #tpu.memory_space<vmem>>
        %dma_start3A_357 = arith.constant 0 : i32
        %dma_start3A_358 = tpu.memref_slice %arg6[%dma_start3A_354, %dma_start3A_357] : memref<8x128xi32, #tpu.memory_space<vmem>> -> memref<1x128xi32, #tpu.memory_space<vmem>>
        %dma_start3A_359 = tpu.memref_squeeze %dma_start3A_358 : memref<1x128xi32, #tpu.memory_space<vmem>> -> memref<128xi32, #tpu.memory_space<vmem>>
        %dma_start3A_360 = arith.constant 0 : i32
        %dma_start3A_361 = tpu.memref_slice %arg4[%dma_start3A_360] : memref<1000000xi32, #tpu.memory_space<hbm>> -> memref<1000000xi32, #tpu.memory_space<hbm>>
        tpu.enqueue_indirect_dma source(%dma_start3A_361 : memref<1000000xi32, #tpu.memory_space<hbm>>) target(%dma_start3A_356 : memref<128xi32, #tpu.memory_space<vmem>>) offsets(%dma_start3A_359 : memref<128xi32, #tpu.memory_space<vmem>>) semaphore(%arg11 : memref<!tpu.dma_semaphore, #tpu.memory_space<semaphore_mem>>)
        %dma_start3A_362 = arith.constant 3 : i32
        %dma_start3A_363 = arith.constant 384 : i32
        %dma_start3A_364 = arith.constant 0 : i32
        %dma_start3A_365 = tpu.memref_slice %arg8[%dma_start3A_363, %dma_start3A_364] : memref<1024x16xi32, #tpu.memory_space<vmem>> -> memref<128x16xi32, #tpu.memory_space<vmem>>
        %dma_start3A_366 = arith.constant 0 : i32
        %dma_start3A_367 = tpu.memref_slice %arg6[%dma_start3A_362, %dma_start3A_366] : memref<8x128xi32, #tpu.memory_space<vmem>> -> memref<1x128xi32, #tpu.memory_space<vmem>>
        %dma_start3A_368 = tpu.memref_squeeze %dma_start3A_367 : memref<1x128xi32, #tpu.memory_space<vmem>> -> memref<128xi32, #tpu.memory_space<vmem>>
        %dma_start3A_369 = arith.constant 0 : i32
        %dma_start3A_370 = arith.constant 0 : i32
        %dma_start3A_371 = tpu.memref_slice %arg3[%dma_start3A_369, %dma_start3A_370] : memref<1000000x16xi32, #tpu.memory_space<hbm>> -> memref<1000000x16xi32, #tpu.memory_space<hbm>>
        tpu.enqueue_indirect_dma source(%dma_start3A_371 : memref<1000000x16xi32, #tpu.memory_space<hbm>>) target(%dma_start3A_365 : memref<128x16xi32, #tpu.memory_space<vmem>>) offsets(%dma_start3A_368 : memref<128xi32, #tpu.memory_space<vmem>>) semaphore(%arg10 : memref<!tpu.dma_semaphore, #tpu.memory_space<semaphore_mem>>)
        %dma_start3A_372 = arith.constant 3 : i32
        %dma_start3A_373 = arith.constant 384 : i32
        %dma_start3A_374 = tpu.memref_slice %arg7[%dma_start3A_373] : memref<1024xi32, #tpu.memory_space<vmem>> -> memref<128xi32, #tpu.memory_space<vmem>>
        %dma_start3A_375 = arith.constant 0 : i32
        %dma_start3A_376 = tpu.memref_slice %arg6[%dma_start3A_372, %dma_start3A_375] : memref<8x128xi32, #tpu.memory_space<vmem>> -> memref<1x128xi32, #tpu.memory_space<vmem>>
        %dma_start3A_377 = tpu.memref_squeeze %dma_start3A_376 : memref<1x128xi32, #tpu.memory_space<vmem>> -> memref<128xi32, #tpu.memory_space<vmem>>
        %dma_start3A_378 = arith.constant 0 : i32
        %dma_start3A_379 = tpu.memref_slice %arg4[%dma_start3A_378] : memref<1000000xi32, #tpu.memory_space<hbm>> -> memref<1000000xi32, #tpu.memory_space<hbm>>
        tpu.enqueue_indirect_dma source(%dma_start3A_379 : memref<1000000xi32, #tpu.memory_space<hbm>>) target(%dma_start3A_374 : memref<128xi32, #tpu.memory_space<vmem>>) offsets(%dma_start3A_377 : memref<128xi32, #tpu.memory_space<vmem>>) semaphore(%arg11 : memref<!tpu.dma_semaphore, #tpu.memory_space<semaphore_mem>>)
        %dma_start3A_380 = arith.constant 4 : i32
        %dma_start3A_381 = arith.constant 512 : i32
        %dma_start3A_382 = arith.constant 0 : i32
        %dma_start3A_383 = tpu.memref_slice %arg8[%dma_start3A_381, %dma_start3A_382] : memref<1024x16xi32, #tpu.memory_space<vmem>> -> memref<128x16xi32, #tpu.memory_space<vmem>>
        %dma_start3A_384 = arith.constant 0 : i32
        %dma_start3A_385 = tpu.memref_slice %arg6[%dma_start3A_380, %dma_start3A_384] : memref<8x128xi32, #tpu.memory_space<vmem>> -> memref<1x128xi32, #tpu.memory_space<vmem>>
        %dma_start3A_386 = tpu.memref_squeeze %dma_start3A_385 : memref<1x128xi32, #tpu.memory_space<vmem>> -> memref<128xi32, #tpu.memory_space<vmem>>
        %dma_start3A_387 = arith.constant 0 : i32
        %dma_start3A_388 = arith.constant 0 : i32
        %dma_start3A_389 = tpu.memref_slice %arg3[%dma_start3A_387, %dma_start3A_388] : memref<1000000x16xi32, #tpu.memory_space<hbm>> -> memref<1000000x16xi32, #tpu.memory_space<hbm>>
        tpu.enqueue_indirect_dma source(%dma_start3A_389 : memref<1000000x16xi32, #tpu.memory_space<hbm>>) target(%dma_start3A_383 : memref<128x16xi32, #tpu.memory_space<vmem>>) offsets(%dma_start3A_386 : memref<128xi32, #tpu.memory_space<vmem>>) semaphore(%arg10 : memref<!tpu.dma_semaphore, #tpu.memory_space<semaphore_mem>>)
        %dma_start3A_390 = arith.constant 4 : i32
        %dma_start3A_391 = arith.constant 512 : i32
        %dma_start3A_392 = tpu.memref_slice %arg7[%dma_start3A_391] : memref<1024xi32, #tpu.memory_space<vmem>> -> memref<128xi32, #tpu.memory_space<vmem>>
        %dma_start3A_393 = arith.constant 0 : i32
        %dma_start3A_394 = tpu.memref_slice %arg6[%dma_start3A_390, %dma_start3A_393] : memref<8x128xi32, #tpu.memory_space<vmem>> -> memref<1x128xi32, #tpu.memory_space<vmem>>
        %dma_start3A_395 = tpu.memref_squeeze %dma_start3A_394 : memref<1x128xi32, #tpu.memory_space<vmem>> -> memref<128xi32, #tpu.memory_space<vmem>>
        %dma_start3A_396 = arith.constant 0 : i32
        %dma_start3A_397 = tpu.memref_slice %arg4[%dma_start3A_396] : memref<1000000xi32, #tpu.memory_space<hbm>> -> memref<1000000xi32, #tpu.memory_space<hbm>>
        tpu.enqueue_indirect_dma source(%dma_start3A_397 : memref<1000000xi32, #tpu.memory_space<hbm>>) target(%dma_start3A_392 : memref<128xi32, #tpu.memory_space<vmem>>) offsets(%dma_start3A_395 : memref<128xi32, #tpu.memory_space<vmem>>) semaphore(%arg11 : memref<!tpu.dma_semaphore, #tpu.memory_space<semaphore_mem>>)
        %dma_start3A_398 = arith.constant 5 : i32
        %dma_start3A_399 = arith.constant 640 : i32
        %dma_start3A_400 = arith.constant 0 : i32
        %dma_start3A_401 = tpu.memref_slice %arg8[%dma_start3A_399, %dma_start3A_400] : memref<1024x16xi32, #tpu.memory_space<vmem>> -> memref<128x16xi32, #tpu.memory_space<vmem>>
        %dma_start3A_402 = arith.constant 0 : i32
        %dma_start3A_403 = tpu.memref_slice %arg6[%dma_start3A_398, %dma_start3A_402] : memref<8x128xi32, #tpu.memory_space<vmem>> -> memref<1x128xi32, #tpu.memory_space<vmem>>
        %dma_start3A_404 = tpu.memref_squeeze %dma_start3A_403 : memref<1x128xi32, #tpu.memory_space<vmem>> -> memref<128xi32, #tpu.memory_space<vmem>>
        %dma_start3A_405 = arith.constant 0 : i32
        %dma_start3A_406 = arith.constant 0 : i32
        %dma_start3A_407 = tpu.memref_slice %arg3[%dma_start3A_405, %dma_start3A_406] : memref<1000000x16xi32, #tpu.memory_space<hbm>> -> memref<1000000x16xi32, #tpu.memory_space<hbm>>
        tpu.enqueue_indirect_dma source(%dma_start3A_407 : memref<1000000x16xi32, #tpu.memory_space<hbm>>) target(%dma_start3A_401 : memref<128x16xi32, #tpu.memory_space<vmem>>) offsets(%dma_start3A_404 : memref<128xi32, #tpu.memory_space<vmem>>) semaphore(%arg10 : memref<!tpu.dma_semaphore, #tpu.memory_space<semaphore_mem>>)
        %dma_start3A_408 = arith.constant 5 : i32
        %dma_start3A_409 = arith.constant 640 : i32
        %dma_start3A_410 = tpu.memref_slice %arg7[%dma_start3A_409] : memref<1024xi32, #tpu.memory_space<vmem>> -> memref<128xi32, #tpu.memory_space<vmem>>
        %dma_start3A_411 = arith.constant 0 : i32
        %dma_start3A_412 = tpu.memref_slice %arg6[%dma_start3A_408, %dma_start3A_411] : memref<8x128xi32, #tpu.memory_space<vmem>> -> memref<1x128xi32, #tpu.memory_space<vmem>>
        %dma_start3A_413 = tpu.memref_squeeze %dma_start3A_412 : memref<1x128xi32, #tpu.memory_space<vmem>> -> memref<128xi32, #tpu.memory_space<vmem>>
        %dma_start3A_414 = arith.constant 0 : i32
        %dma_start3A_415 = tpu.memref_slice %arg4[%dma_start3A_414] : memref<1000000xi32, #tpu.memory_space<hbm>> -> memref<1000000xi32, #tpu.memory_space<hbm>>
        tpu.enqueue_indirect_dma source(%dma_start3A_415 : memref<1000000xi32, #tpu.memory_space<hbm>>) target(%dma_start3A_410 : memref<128xi32, #tpu.memory_space<vmem>>) offsets(%dma_start3A_413 : memref<128xi32, #tpu.memory_space<vmem>>) semaphore(%arg11 : memref<!tpu.dma_semaphore, #tpu.memory_space<semaphore_mem>>)
        %dma_start3A_416 = arith.constant 6 : i32
        %dma_start3A_417 = arith.constant 768 : i32
        %dma_start3A_418 = arith.constant 0 : i32
        %dma_start3A_419 = tpu.memref_slice %arg8[%dma_start3A_417, %dma_start3A_418] : memref<1024x16xi32, #tpu.memory_space<vmem>> -> memref<128x16xi32, #tpu.memory_space<vmem>>
        %dma_start3A_420 = arith.constant 0 : i32
        %dma_start3A_421 = tpu.memref_slice %arg6[%dma_start3A_416, %dma_start3A_420] : memref<8x128xi32, #tpu.memory_space<vmem>> -> memref<1x128xi32, #tpu.memory_space<vmem>>
        %dma_start3A_422 = tpu.memref_squeeze %dma_start3A_421 : memref<1x128xi32, #tpu.memory_space<vmem>> -> memref<128xi32, #tpu.memory_space<vmem>>
        %dma_start3A_423 = arith.constant 0 : i32
        %dma_start3A_424 = arith.constant 0 : i32
        %dma_start3A_425 = tpu.memref_slice %arg3[%dma_start3A_423, %dma_start3A_424] : memref<1000000x16xi32, #tpu.memory_space<hbm>> -> memref<1000000x16xi32, #tpu.memory_space<hbm>>
        tpu.enqueue_indirect_dma source(%dma_start3A_425 : memref<1000000x16xi32, #tpu.memory_space<hbm>>) target(%dma_start3A_419 : memref<128x16xi32, #tpu.memory_space<vmem>>) offsets(%dma_start3A_422 : memref<128xi32, #tpu.memory_space<vmem>>) semaphore(%arg10 : memref<!tpu.dma_semaphore, #tpu.memory_space<semaphore_mem>>)
        %dma_start3A_426 = arith.constant 6 : i32
        %dma_start3A_427 = arith.constant 768 : i32
        %dma_start3A_428 = tpu.memref_slice %arg7[%dma_start3A_427] : memref<1024xi32, #tpu.memory_space<vmem>> -> memref<128xi32, #tpu.memory_space<vmem>>
        %dma_start3A_429 = arith.constant 0 : i32
        %dma_start3A_430 = tpu.memref_slice %arg6[%dma_start3A_426, %dma_start3A_429] : memref<8x128xi32, #tpu.memory_space<vmem>> -> memref<1x128xi32, #tpu.memory_space<vmem>>
        %dma_start3A_431 = tpu.memref_squeeze %dma_start3A_430 : memref<1x128xi32, #tpu.memory_space<vmem>> -> memref<128xi32, #tpu.memory_space<vmem>>
        %dma_start3A_432 = arith.constant 0 : i32
        %dma_start3A_433 = tpu.memref_slice %arg4[%dma_start3A_432] : memref<1000000xi32, #tpu.memory_space<hbm>> -> memref<1000000xi32, #tpu.memory_space<hbm>>
        tpu.enqueue_indirect_dma source(%dma_start3A_433 : memref<1000000xi32, #tpu.memory_space<hbm>>) target(%dma_start3A_428 : memref<128xi32, #tpu.memory_space<vmem>>) offsets(%dma_start3A_431 : memref<128xi32, #tpu.memory_space<vmem>>) semaphore(%arg11 : memref<!tpu.dma_semaphore, #tpu.memory_space<semaphore_mem>>)
        %dma_start3A_434 = arith.constant 7 : i32
        %dma_start3A_435 = arith.constant 896 : i32
        %dma_start3A_436 = arith.constant 0 : i32
        %dma_start3A_437 = tpu.memref_slice %arg8[%dma_start3A_435, %dma_start3A_436] : memref<1024x16xi32, #tpu.memory_space<vmem>> -> memref<128x16xi32, #tpu.memory_space<vmem>>
        %dma_start3A_438 = arith.constant 0 : i32
        %dma_start3A_439 = tpu.memref_slice %arg6[%dma_start3A_434, %dma_start3A_438] : memref<8x128xi32, #tpu.memory_space<vmem>> -> memref<1x128xi32, #tpu.memory_space<vmem>>
        %dma_start3A_440 = tpu.memref_squeeze %dma_start3A_439 : memref<1x128xi32, #tpu.memory_space<vmem>> -> memref<128xi32, #tpu.memory_space<vmem>>
        %dma_start3A_441 = arith.constant 0 : i32
        %dma_start3A_442 = arith.constant 0 : i32
        %dma_start3A_443 = tpu.memref_slice %arg3[%dma_start3A_441, %dma_start3A_442] : memref<1000000x16xi32, #tpu.memory_space<hbm>> -> memref<1000000x16xi32, #tpu.memory_space<hbm>>
        tpu.enqueue_indirect_dma source(%dma_start3A_443 : memref<1000000x16xi32, #tpu.memory_space<hbm>>) target(%dma_start3A_437 : memref<128x16xi32, #tpu.memory_space<vmem>>) offsets(%dma_start3A_440 : memref<128xi32, #tpu.memory_space<vmem>>) semaphore(%arg10 : memref<!tpu.dma_semaphore, #tpu.memory_space<semaphore_mem>>)
        %dma_start3A_444 = arith.constant 7 : i32
        %dma_start3A_445 = arith.constant 896 : i32
        %dma_start3A_446 = tpu.memref_slice %arg7[%dma_start3A_445] : memref<1024xi32, #tpu.memory_space<vmem>> -> memref<128xi32, #tpu.memory_space<vmem>>
        %dma_start3A_447 = arith.constant 0 : i32
        %dma_start3A_448 = tpu.memref_slice %arg6[%dma_start3A_444, %dma_start3A_447] : memref<8x128xi32, #tpu.memory_space<vmem>> -> memref<1x128xi32, #tpu.memory_space<vmem>>
        %dma_start3A_449 = tpu.memref_squeeze %dma_start3A_448 : memref<1x128xi32, #tpu.memory_space<vmem>> -> memref<128xi32, #tpu.memory_space<vmem>>
        %dma_start3A_450 = arith.constant 0 : i32
        %dma_start3A_451 = tpu.memref_slice %arg4[%dma_start3A_450] : memref<1000000xi32, #tpu.memory_space<hbm>> -> memref<1000000xi32, #tpu.memory_space<hbm>>
        tpu.enqueue_indirect_dma source(%dma_start3A_451 : memref<1000000xi32, #tpu.memory_space<hbm>>) target(%dma_start3A_446 : memref<128xi32, #tpu.memory_space<vmem>>) offsets(%dma_start3A_449 : memref<128xi32, #tpu.memory_space<vmem>>) semaphore(%arg11 : memref<!tpu.dma_semaphore, #tpu.memory_space<semaphore_mem>>)
      } else {
      }
      %jit3A_234 = arith.constant 2 : i32
      %eq3A_235 = arith.constant 0 : i32
      %eq3A_236 = arith.cmpi eq, %jit3A_234, %eq3A_235 : i32
      %jit3A_237 = arith.constant 1 : i32
      %select_n3A_238 = arith.select %eq3A_236, %jit3A_237, %jit3A_234 : i32
      %rem3A_239 = arith.remsi %scan3A_184, %select_n3A_238 : i32
      %ne3A_240 = arith.constant 0 : i32
      %ne3A_241 = arith.cmpi ne, %rem3A_239, %ne3A_240 : i32
      %lt3A_242 = arith.constant 0 : i32
      %lt3A_243 = arith.cmpi slt, %rem3A_239, %lt3A_242 : i32
      %lt3A_244 = arith.constant 0 : i32
      %lt3A_245 = arith.cmpi slt, %select_n3A_238, %lt3A_244 : i32
      %ne3A_246 = arith.xori %lt3A_243, %lt3A_245 : i1
      %and3A_247 = arith.andi %ne3A_246, %ne3A_241 : i1
      %add3A_248 = arith.addi %rem3A_239, %select_n3A_238 : i32
      %select_n3A_249 = arith.select %and3A_247, %add3A_248, %rem3A_239 : i32
      %eq3A_250 = arith.constant 0 : i32
      %eq3A_251 = arith.cmpi eq, %select_n3A_249, %eq3A_250 : i32
      %convert_element_type3A_252 = arith.extui %eq3A_251 : i1 to i32
      %cond3A_253 = arith.constant 0 : i32
      %cond3A_254 = arith.cmpi ne, %convert_element_type3A_252, %cond3A_253 : i32
      scf.if %cond3A_254 {
        %mul3A_277 = arith.constant 1024 : i32
        %mul3A_278 = arith.muli %scan3A_184, %mul3A_277 : i32
        %add3A_279 = arith.addi %mul3A_2, %mul3A_278 : i32
        %multiple_of3A_280 = tpu.assume_multiple %add3A_279, 1024 : i32
        %dma_wait3A_281 = arith.constant 0 : i32
        %dma_wait3A_282 = arith.constant 0 : i32
        %dma_wait3A_283 = arith.constant 0 : i32
        %dma_wait3A_284 = tpu.memref_slice %arg8[%dma_wait3A_282, %dma_wait3A_283] : memref<1024x16xi32, #tpu.memory_space<vmem>> -> memref<128x16xi32, #tpu.memory_space<vmem>>
        %dma_wait3A_285 = arith.constant 0 : i32
        %dma_wait3A_286 = tpu.memref_slice %arg6[%dma_wait3A_281, %dma_wait3A_285] : memref<8x128xi32, #tpu.memory_space<vmem>> -> memref<1x128xi32, #tpu.memory_space<vmem>>
        %dma_wait3A_287 = tpu.memref_squeeze %dma_wait3A_286 : memref<1x128xi32, #tpu.memory_space<vmem>> -> memref<128xi32, #tpu.memory_space<vmem>>
        %dma_wait3A_288 = arith.constant 0 : i32
        %dma_wait3A_289 = arith.constant 0 : i32
        %dma_wait3A_290 = tpu.memref_slice %arg3[%dma_wait3A_288, %dma_wait3A_289] : memref<1000000x16xi32, #tpu.memory_space<hbm>> -> memref<1000000x16xi32, #tpu.memory_space<hbm>>
        tpu.wait_indirect_dma semaphore(%arg10 : memref<!tpu.dma_semaphore, #tpu.memory_space<semaphore_mem>>) src(%dma_wait3A_290 : memref<1000000x16xi32, #tpu.memory_space<hbm>>) dst(%dma_wait3A_284 : memref<128x16xi32, #tpu.memory_space<vmem>>)
        %dma_wait3A_291 = arith.constant 0 : i32
        %dma_wait3A_292 = arith.constant 0 : i32
        %dma_wait3A_293 = tpu.memref_slice %arg7[%dma_wait3A_292] : memref<1024xi32, #tpu.memory_space<vmem>> -> memref<128xi32, #tpu.memory_space<vmem>>
        %dma_wait3A_294 = arith.constant 0 : i32
        %dma_wait3A_295 = tpu.memref_slice %arg6[%dma_wait3A_291, %dma_wait3A_294] : memref<8x128xi32, #tpu.memory_space<vmem>> -> memref<1x128xi32, #tpu.memory_space<vmem>>
        %dma_wait3A_296 = tpu.memref_squeeze %dma_wait3A_295 : memref<1x128xi32, #tpu.memory_space<vmem>> -> memref<128xi32, #tpu.memory_space<vmem>>
        %dma_wait3A_297 = arith.constant 0 : i32
        %dma_wait3A_298 = tpu.memref_slice %arg4[%dma_wait3A_297] : memref<1000000xi32, #tpu.memory_space<hbm>> -> memref<1000000xi32, #tpu.memory_space<hbm>>
        tpu.wait_indirect_dma semaphore(%arg11 : memref<!tpu.dma_semaphore, #tpu.memory_space<semaphore_mem>>) src(%dma_wait3A_298 : memref<1000000xi32, #tpu.memory_space<hbm>>) dst(%dma_wait3A_293 : memref<128xi32, #tpu.memory_space<vmem>>)
        %dma_wait3A_299 = arith.constant 1 : i32
        %dma_wait3A_300 = arith.constant 128 : i32
        %dma_wait3A_301 = arith.constant 0 : i32
        %dma_wait3A_302 = tpu.memref_slice %arg8[%dma_wait3A_300, %dma_wait3A_301] : memref<1024x16xi32, #tpu.memory_space<vmem>> -> memref<128x16xi32, #tpu.memory_space<vmem>>
        %dma_wait3A_303 = arith.constant 0 : i32
        %dma_wait3A_304 = tpu.memref_slice %arg6[%dma_wait3A_299, %dma_wait3A_303] : memref<8x128xi32, #tpu.memory_space<vmem>> -> memref<1x128xi32, #tpu.memory_space<vmem>>
        %dma_wait3A_305 = tpu.memref_squeeze %dma_wait3A_304 : memref<1x128xi32, #tpu.memory_space<vmem>> -> memref<128xi32, #tpu.memory_space<vmem>>
        %dma_wait3A_306 = arith.constant 0 : i32
        %dma_wait3A_307 = arith.constant 0 : i32
        %dma_wait3A_308 = tpu.memref_slice %arg3[%dma_wait3A_306, %dma_wait3A_307] : memref<1000000x16xi32, #tpu.memory_space<hbm>> -> memref<1000000x16xi32, #tpu.memory_space<hbm>>
        tpu.wait_indirect_dma semaphore(%arg10 : memref<!tpu.dma_semaphore, #tpu.memory_space<semaphore_mem>>) src(%dma_wait3A_308 : memref<1000000x16xi32, #tpu.memory_space<hbm>>) dst(%dma_wait3A_302 : memref<128x16xi32, #tpu.memory_space<vmem>>)
        %dma_wait3A_309 = arith.constant 1 : i32
        %dma_wait3A_310 = arith.constant 128 : i32
        %dma_wait3A_311 = tpu.memref_slice %arg7[%dma_wait3A_310] : memref<1024xi32, #tpu.memory_space<vmem>> -> memref<128xi32, #tpu.memory_space<vmem>>
        %dma_wait3A_312 = arith.constant 0 : i32
        %dma_wait3A_313 = tpu.memref_slice %arg6[%dma_wait3A_309, %dma_wait3A_312] : memref<8x128xi32, #tpu.memory_space<vmem>> -> memref<1x128xi32, #tpu.memory_space<vmem>>
        %dma_wait3A_314 = tpu.memref_squeeze %dma_wait3A_313 : memref<1x128xi32, #tpu.memory_space<vmem>> -> memref<128xi32, #tpu.memory_space<vmem>>
        %dma_wait3A_315 = arith.constant 0 : i32
        %dma_wait3A_316 = tpu.memref_slice %arg4[%dma_wait3A_315] : memref<1000000xi32, #tpu.memory_space<hbm>> -> memref<1000000xi32, #tpu.memory_space<hbm>>
        tpu.wait_indirect_dma semaphore(%arg11 : memref<!tpu.dma_semaphore, #tpu.memory_space<semaphore_mem>>) src(%dma_wait3A_316 : memref<1000000xi32, #tpu.memory_space<hbm>>) dst(%dma_wait3A_311 : memref<128xi32, #tpu.memory_space<vmem>>)
        %dma_wait3A_317 = arith.constant 2 : i32
        %dma_wait3A_318 = arith.constant 256 : i32
        %dma_wait3A_319 = arith.constant 0 : i32
        %dma_wait3A_320 = tpu.memref_slice %arg8[%dma_wait3A_318, %dma_wait3A_319] : memref<1024x16xi32, #tpu.memory_space<vmem>> -> memref<128x16xi32, #tpu.memory_space<vmem>>
        %dma_wait3A_321 = arith.constant 0 : i32
        %dma_wait3A_322 = tpu.memref_slice %arg6[%dma_wait3A_317, %dma_wait3A_321] : memref<8x128xi32, #tpu.memory_space<vmem>> -> memref<1x128xi32, #tpu.memory_space<vmem>>
        %dma_wait3A_323 = tpu.memref_squeeze %dma_wait3A_322 : memref<1x128xi32, #tpu.memory_space<vmem>> -> memref<128xi32, #tpu.memory_space<vmem>>
        %dma_wait3A_324 = arith.constant 0 : i32
        %dma_wait3A_325 = arith.constant 0 : i32
        %dma_wait3A_326 = tpu.memref_slice %arg3[%dma_wait3A_324, %dma_wait3A_325] : memref<1000000x16xi32, #tpu.memory_space<hbm>> -> memref<1000000x16xi32, #tpu.memory_space<hbm>>
        tpu.wait_indirect_dma semaphore(%arg10 : memref<!tpu.dma_semaphore, #tpu.memory_space<semaphore_mem>>) src(%dma_wait3A_326 : memref<1000000x16xi32, #tpu.memory_space<hbm>>) dst(%dma_wait3A_320 : memref<128x16xi32, #tpu.memory_space<vmem>>)
        %dma_wait3A_327 = arith.constant 2 : i32
        %dma_wait3A_328 = arith.constant 256 : i32
        %dma_wait3A_329 = tpu.memref_slice %arg7[%dma_wait3A_328] : memref<1024xi32, #tpu.memory_space<vmem>> -> memref<128xi32, #tpu.memory_space<vmem>>
        %dma_wait3A_330 = arith.constant 0 : i32
        %dma_wait3A_331 = tpu.memref_slice %arg6[%dma_wait3A_327, %dma_wait3A_330] : memref<8x128xi32, #tpu.memory_space<vmem>> -> memref<1x128xi32, #tpu.memory_space<vmem>>
        %dma_wait3A_332 = tpu.memref_squeeze %dma_wait3A_331 : memref<1x128xi32, #tpu.memory_space<vmem>> -> memref<128xi32, #tpu.memory_space<vmem>>
        %dma_wait3A_333 = arith.constant 0 : i32
        %dma_wait3A_334 = tpu.memref_slice %arg4[%dma_wait3A_333] : memref<1000000xi32, #tpu.memory_space<hbm>> -> memref<1000000xi32, #tpu.memory_space<hbm>>
        tpu.wait_indirect_dma semaphore(%arg11 : memref<!tpu.dma_semaphore, #tpu.memory_space<semaphore_mem>>) src(%dma_wait3A_334 : memref<1000000xi32, #tpu.memory_space<hbm>>) dst(%dma_wait3A_329 : memref<128xi32, #tpu.memory_space<vmem>>)
        %dma_wait3A_335 = arith.constant 3 : i32
        %dma_wait3A_336 = arith.constant 384 : i32
        %dma_wait3A_337 = arith.constant 0 : i32
        %dma_wait3A_338 = tpu.memref_slice %arg8[%dma_wait3A_336, %dma_wait3A_337] : memref<1024x16xi32, #tpu.memory_space<vmem>> -> memref<128x16xi32, #tpu.memory_space<vmem>>
        %dma_wait3A_339 = arith.constant 0 : i32
        %dma_wait3A_340 = tpu.memref_slice %arg6[%dma_wait3A_335, %dma_wait3A_339] : memref<8x128xi32, #tpu.memory_space<vmem>> -> memref<1x128xi32, #tpu.memory_space<vmem>>
        %dma_wait3A_341 = tpu.memref_squeeze %dma_wait3A_340 : memref<1x128xi32, #tpu.memory_space<vmem>> -> memref<128xi32, #tpu.memory_space<vmem>>
        %dma_wait3A_342 = arith.constant 0 : i32
        %dma_wait3A_343 = arith.constant 0 : i32
        %dma_wait3A_344 = tpu.memref_slice %arg3[%dma_wait3A_342, %dma_wait3A_343] : memref<1000000x16xi32, #tpu.memory_space<hbm>> -> memref<1000000x16xi32, #tpu.memory_space<hbm>>
        tpu.wait_indirect_dma semaphore(%arg10 : memref<!tpu.dma_semaphore, #tpu.memory_space<semaphore_mem>>) src(%dma_wait3A_344 : memref<1000000x16xi32, #tpu.memory_space<hbm>>) dst(%dma_wait3A_338 : memref<128x16xi32, #tpu.memory_space<vmem>>)
        %dma_wait3A_345 = arith.constant 3 : i32
        %dma_wait3A_346 = arith.constant 384 : i32
        %dma_wait3A_347 = tpu.memref_slice %arg7[%dma_wait3A_346] : memref<1024xi32, #tpu.memory_space<vmem>> -> memref<128xi32, #tpu.memory_space<vmem>>
        %dma_wait3A_348 = arith.constant 0 : i32
        %dma_wait3A_349 = tpu.memref_slice %arg6[%dma_wait3A_345, %dma_wait3A_348] : memref<8x128xi32, #tpu.memory_space<vmem>> -> memref<1x128xi32, #tpu.memory_space<vmem>>
        %dma_wait3A_350 = tpu.memref_squeeze %dma_wait3A_349 : memref<1x128xi32, #tpu.memory_space<vmem>> -> memref<128xi32, #tpu.memory_space<vmem>>
        %dma_wait3A_351 = arith.constant 0 : i32
        %dma_wait3A_352 = tpu.memref_slice %arg4[%dma_wait3A_351] : memref<1000000xi32, #tpu.memory_space<hbm>> -> memref<1000000xi32, #tpu.memory_space<hbm>>
        tpu.wait_indirect_dma semaphore(%arg11 : memref<!tpu.dma_semaphore, #tpu.memory_space<semaphore_mem>>) src(%dma_wait3A_352 : memref<1000000xi32, #tpu.memory_space<hbm>>) dst(%dma_wait3A_347 : memref<128xi32, #tpu.memory_space<vmem>>)
        %dma_wait3A_353 = arith.constant 4 : i32
        %dma_wait3A_354 = arith.constant 512 : i32
        %dma_wait3A_355 = arith.constant 0 : i32
        %dma_wait3A_356 = tpu.memref_slice %arg8[%dma_wait3A_354, %dma_wait3A_355] : memref<1024x16xi32, #tpu.memory_space<vmem>> -> memref<128x16xi32, #tpu.memory_space<vmem>>
        %dma_wait3A_357 = arith.constant 0 : i32
        %dma_wait3A_358 = tpu.memref_slice %arg6[%dma_wait3A_353, %dma_wait3A_357] : memref<8x128xi32, #tpu.memory_space<vmem>> -> memref<1x128xi32, #tpu.memory_space<vmem>>
        %dma_wait3A_359 = tpu.memref_squeeze %dma_wait3A_358 : memref<1x128xi32, #tpu.memory_space<vmem>> -> memref<128xi32, #tpu.memory_space<vmem>>
        %dma_wait3A_360 = arith.constant 0 : i32
        %dma_wait3A_361 = arith.constant 0 : i32
        %dma_wait3A_362 = tpu.memref_slice %arg3[%dma_wait3A_360, %dma_wait3A_361] : memref<1000000x16xi32, #tpu.memory_space<hbm>> -> memref<1000000x16xi32, #tpu.memory_space<hbm>>
        tpu.wait_indirect_dma semaphore(%arg10 : memref<!tpu.dma_semaphore, #tpu.memory_space<semaphore_mem>>) src(%dma_wait3A_362 : memref<1000000x16xi32, #tpu.memory_space<hbm>>) dst(%dma_wait3A_356 : memref<128x16xi32, #tpu.memory_space<vmem>>)
        %dma_wait3A_363 = arith.constant 4 : i32
        %dma_wait3A_364 = arith.constant 512 : i32
        %dma_wait3A_365 = tpu.memref_slice %arg7[%dma_wait3A_364] : memref<1024xi32, #tpu.memory_space<vmem>> -> memref<128xi32, #tpu.memory_space<vmem>>
        %dma_wait3A_366 = arith.constant 0 : i32
        %dma_wait3A_367 = tpu.memref_slice %arg6[%dma_wait3A_363, %dma_wait3A_366] : memref<8x128xi32, #tpu.memory_space<vmem>> -> memref<1x128xi32, #tpu.memory_space<vmem>>
        %dma_wait3A_368 = tpu.memref_squeeze %dma_wait3A_367 : memref<1x128xi32, #tpu.memory_space<vmem>> -> memref<128xi32, #tpu.memory_space<vmem>>
        %dma_wait3A_369 = arith.constant 0 : i32
        %dma_wait3A_370 = tpu.memref_slice %arg4[%dma_wait3A_369] : memref<1000000xi32, #tpu.memory_space<hbm>> -> memref<1000000xi32, #tpu.memory_space<hbm>>
        tpu.wait_indirect_dma semaphore(%arg11 : memref<!tpu.dma_semaphore, #tpu.memory_space<semaphore_mem>>) src(%dma_wait3A_370 : memref<1000000xi32, #tpu.memory_space<hbm>>) dst(%dma_wait3A_365 : memref<128xi32, #tpu.memory_space<vmem>>)
        %dma_wait3A_371 = arith.constant 5 : i32
        %dma_wait3A_372 = arith.constant 640 : i32
        %dma_wait3A_373 = arith.constant 0 : i32
        %dma_wait3A_374 = tpu.memref_slice %arg8[%dma_wait3A_372, %dma_wait3A_373] : memref<1024x16xi32, #tpu.memory_space<vmem>> -> memref<128x16xi32, #tpu.memory_space<vmem>>
        %dma_wait3A_375 = arith.constant 0 : i32
        %dma_wait3A_376 = tpu.memref_slice %arg6[%dma_wait3A_371, %dma_wait3A_375] : memref<8x128xi32, #tpu.memory_space<vmem>> -> memref<1x128xi32, #tpu.memory_space<vmem>>
        %dma_wait3A_377 = tpu.memref_squeeze %dma_wait3A_376 : memref<1x128xi32, #tpu.memory_space<vmem>> -> memref<128xi32, #tpu.memory_space<vmem>>
        %dma_wait3A_378 = arith.constant 0 : i32
        %dma_wait3A_379 = arith.constant 0 : i32
        %dma_wait3A_380 = tpu.memref_slice %arg3[%dma_wait3A_378, %dma_wait3A_379] : memref<1000000x16xi32, #tpu.memory_space<hbm>> -> memref<1000000x16xi32, #tpu.memory_space<hbm>>
        tpu.wait_indirect_dma semaphore(%arg10 : memref<!tpu.dma_semaphore, #tpu.memory_space<semaphore_mem>>) src(%dma_wait3A_380 : memref<1000000x16xi32, #tpu.memory_space<hbm>>) dst(%dma_wait3A_374 : memref<128x16xi32, #tpu.memory_space<vmem>>)
        %dma_wait3A_381 = arith.constant 5 : i32
        %dma_wait3A_382 = arith.constant 640 : i32
        %dma_wait3A_383 = tpu.memref_slice %arg7[%dma_wait3A_382] : memref<1024xi32, #tpu.memory_space<vmem>> -> memref<128xi32, #tpu.memory_space<vmem>>
        %dma_wait3A_384 = arith.constant 0 : i32
        %dma_wait3A_385 = tpu.memref_slice %arg6[%dma_wait3A_381, %dma_wait3A_384] : memref<8x128xi32, #tpu.memory_space<vmem>> -> memref<1x128xi32, #tpu.memory_space<vmem>>
        %dma_wait3A_386 = tpu.memref_squeeze %dma_wait3A_385 : memref<1x128xi32, #tpu.memory_space<vmem>> -> memref<128xi32, #tpu.memory_space<vmem>>
        %dma_wait3A_387 = arith.constant 0 : i32
        %dma_wait3A_388 = tpu.memref_slice %arg4[%dma_wait3A_387] : memref<1000000xi32, #tpu.memory_space<hbm>> -> memref<1000000xi32, #tpu.memory_space<hbm>>
        tpu.wait_indirect_dma semaphore(%arg11 : memref<!tpu.dma_semaphore, #tpu.memory_space<semaphore_mem>>) src(%dma_wait3A_388 : memref<1000000xi32, #tpu.memory_space<hbm>>) dst(%dma_wait3A_383 : memref<128xi32, #tpu.memory_space<vmem>>)
        %dma_wait3A_389 = arith.constant 6 : i32
        %dma_wait3A_390 = arith.constant 768 : i32
        %dma_wait3A_391 = arith.constant 0 : i32
        %dma_wait3A_392 = tpu.memref_slice %arg8[%dma_wait3A_390, %dma_wait3A_391] : memref<1024x16xi32, #tpu.memory_space<vmem>> -> memref<128x16xi32, #tpu.memory_space<vmem>>
        %dma_wait3A_393 = arith.constant 0 : i32
        %dma_wait3A_394 = tpu.memref_slice %arg6[%dma_wait3A_389, %dma_wait3A_393] : memref<8x128xi32, #tpu.memory_space<vmem>> -> memref<1x128xi32, #tpu.memory_space<vmem>>
        %dma_wait3A_395 = tpu.memref_squeeze %dma_wait3A_394 : memref<1x128xi32, #tpu.memory_space<vmem>> -> memref<128xi32, #tpu.memory_space<vmem>>
        %dma_wait3A_396 = arith.constant 0 : i32
        %dma_wait3A_397 = arith.constant 0 : i32
        %dma_wait3A_398 = tpu.memref_slice %arg3[%dma_wait3A_396, %dma_wait3A_397] : memref<1000000x16xi32, #tpu.memory_space<hbm>> -> memref<1000000x16xi32, #tpu.memory_space<hbm>>
        tpu.wait_indirect_dma semaphore(%arg10 : memref<!tpu.dma_semaphore, #tpu.memory_space<semaphore_mem>>) src(%dma_wait3A_398 : memref<1000000x16xi32, #tpu.memory_space<hbm>>) dst(%dma_wait3A_392 : memref<128x16xi32, #tpu.memory_space<vmem>>)
        %dma_wait3A_399 = arith.constant 6 : i32
        %dma_wait3A_400 = arith.constant 768 : i32
        %dma_wait3A_401 = tpu.memref_slice %arg7[%dma_wait3A_400] : memref<1024xi32, #tpu.memory_space<vmem>> -> memref<128xi32, #tpu.memory_space<vmem>>
        %dma_wait3A_402 = arith.constant 0 : i32
        %dma_wait3A_403 = tpu.memref_slice %arg6[%dma_wait3A_399, %dma_wait3A_402] : memref<8x128xi32, #tpu.memory_space<vmem>> -> memref<1x128xi32, #tpu.memory_space<vmem>>
        %dma_wait3A_404 = tpu.memref_squeeze %dma_wait3A_403 : memref<1x128xi32, #tpu.memory_space<vmem>> -> memref<128xi32, #tpu.memory_space<vmem>>
        %dma_wait3A_405 = arith.constant 0 : i32
        %dma_wait3A_406 = tpu.memref_slice %arg4[%dma_wait3A_405] : memref<1000000xi32, #tpu.memory_space<hbm>> -> memref<1000000xi32, #tpu.memory_space<hbm>>
        tpu.wait_indirect_dma semaphore(%arg11 : memref<!tpu.dma_semaphore, #tpu.memory_space<semaphore_mem>>) src(%dma_wait3A_406 : memref<1000000xi32, #tpu.memory_space<hbm>>) dst(%dma_wait3A_401 : memref<128xi32, #tpu.memory_space<vmem>>)
        %dma_wait3A_407 = arith.constant 7 : i32
        %dma_wait3A_408 = arith.constant 896 : i32
        %dma_wait3A_409 = arith.constant 0 : i32
        %dma_wait3A_410 = tpu.memref_slice %arg8[%dma_wait3A_408, %dma_wait3A_409] : memref<1024x16xi32, #tpu.memory_space<vmem>> -> memref<128x16xi32, #tpu.memory_space<vmem>>
        %dma_wait3A_411 = arith.constant 0 : i32
        %dma_wait3A_412 = tpu.memref_slice %arg6[%dma_wait3A_407, %dma_wait3A_411] : memref<8x128xi32, #tpu.memory_space<vmem>> -> memref<1x128xi32, #tpu.memory_space<vmem>>
        %dma_wait3A_413 = tpu.memref_squeeze %dma_wait3A_412 : memref<1x128xi32, #tpu.memory_space<vmem>> -> memref<128xi32, #tpu.memory_space<vmem>>
        %dma_wait3A_414 = arith.constant 0 : i32
        %dma_wait3A_415 = arith.constant 0 : i32
        %dma_wait3A_416 = tpu.memref_slice %arg3[%dma_wait3A_414, %dma_wait3A_415] : memref<1000000x16xi32, #tpu.memory_space<hbm>> -> memref<1000000x16xi32, #tpu.memory_space<hbm>>
        tpu.wait_indirect_dma semaphore(%arg10 : memref<!tpu.dma_semaphore, #tpu.memory_space<semaphore_mem>>) src(%dma_wait3A_416 : memref<1000000x16xi32, #tpu.memory_space<hbm>>) dst(%dma_wait3A_410 : memref<128x16xi32, #tpu.memory_space<vmem>>)
        %dma_wait3A_417 = arith.constant 7 : i32
        %dma_wait3A_418 = arith.constant 896 : i32
        %dma_wait3A_419 = tpu.memref_slice %arg7[%dma_wait3A_418] : memref<1024xi32, #tpu.memory_space<vmem>> -> memref<128xi32, #tpu.memory_space<vmem>>
        %dma_wait3A_420 = arith.constant 0 : i32
        %dma_wait3A_421 = tpu.memref_slice %arg6[%dma_wait3A_417, %dma_wait3A_420] : memref<8x128xi32, #tpu.memory_space<vmem>> -> memref<1x128xi32, #tpu.memory_space<vmem>>
        %dma_wait3A_422 = tpu.memref_squeeze %dma_wait3A_421 : memref<1x128xi32, #tpu.memory_space<vmem>> -> memref<128xi32, #tpu.memory_space<vmem>>
        %dma_wait3A_423 = arith.constant 0 : i32
        %dma_wait3A_424 = tpu.memref_slice %arg4[%dma_wait3A_423] : memref<1000000xi32, #tpu.memory_space<hbm>> -> memref<1000000xi32, #tpu.memory_space<hbm>>
        tpu.wait_indirect_dma semaphore(%arg11 : memref<!tpu.dma_semaphore, #tpu.memory_space<semaphore_mem>>) src(%dma_wait3A_424 : memref<1000000xi32, #tpu.memory_space<hbm>>) dst(%dma_wait3A_419 : memref<128xi32, #tpu.memory_space<vmem>>)
        %ge3A = arith.constant 2 : i32
        %ge3A_425 = arith.cmpi sge, %scan3A_184, %ge3A : i32
        %convert_element_type3A_426 = arith.extui %ge3A_425 : i1 to i32
        %cond3A_427 = arith.constant 0 : i32
        %cond3A_428 = arith.cmpi ne, %convert_element_type3A_426, %cond3A_427 : i32
        scf.if %cond3A_428 {
          %dma_wait3A_440 = arith.constant 0 : i32
          %dma_wait3A_441 = tpu.memref_slice %arg5[%multiple_of3A_280, %dma_wait3A_440] : memref<819200x32xi32, #tpu.memory_space<hbm>> -> memref<1024x32xi32, #tpu.memory_space<hbm>>
          %dma_wait3A_442 = arith.constant 0 : i32
          %dma_wait3A_443 = tpu.memref_slice %arg5[%multiple_of3A_280, %dma_wait3A_442] : memref<819200x32xi32, #tpu.memory_space<hbm>> -> memref<1024x32xi32, #tpu.memory_space<hbm>>
          tpu.wait_dma2 semaphore(%arg12 : memref<!tpu.dma_semaphore, #tpu.memory_space<semaphore_mem>>) src(%arg9 : memref<1024x32xi32, #tpu.memory_space<vmem>>) dst(%dma_wait3A_443 : memref<1024x32xi32, #tpu.memory_space<hbm>>)
        } else {
        }
        %scan3A_429 = arith.constant 0 : i32
        %scan3A_430 = arith.constant 0 : i32
        %scan3A_431 = arith.constant 64 : i32
        %scan3A_432 = arith.addi %scan3A_430, %scan3A_431 : i32
        %scan3A_433 = arith.constant 1 : i32
        %scan3A_434 = scf.for %scan3A_440 = %scan3A_430 to %scan3A_432 step %scan3A_433 iter_args(%scan3A_441 = %scan3A_429) -> (i32)  : i32 {
          %mul3A_442 = arith.constant 16 : i32
          %mul3A_443 = arith.muli %scan3A_440, %mul3A_442 : i32
          %iota3A = tpu.iota {dimensions = array<i32: 0>} : vector<16xi32>
          %add3A_444 = vector.broadcast %mul3A_443 : i32 to vector<16xi32>
          %add3A_445 = arith.addi %add3A_444, %iota3A : vector<16xi32>
          %mul3A_446 = arith.constant 16 : i32
          %mul3A_447 = arith.muli %scan3A_440, %mul3A_446 : i32
          %get3A = arith.index_cast %mul3A_447 : i32 to index
          %get3A_448 = tpu.vector_load %arg7[%get3A] {strides = array<i32>} : memref<1024xi32, #tpu.memory_space<vmem>>, vector<16xi32>,
          %and3A_449 = arith.constant 65535 : i32
          %and3A_450 = vector.broadcast %and3A_449 : i32 to vector<16xi32>
          %and3A_451 = arith.andi %get3A_448, %and3A_450 : vector<16xi32>
          %shift_left3A = arith.constant 16 : i32
          %shift_left3A_452 = vector.broadcast %shift_left3A : i32 to vector<16xi32>
          %shift_left3A_453 = arith.shli %get3A_448, %shift_left3A_452 : vector<16xi32>
          %or3A = arith.ori %and3A_451, %shift_left3A_453 : vector<16xi32>
          %bitcast3A = vector.bitcast %or3A : vector<16xi32> to vector<32xf16>
          %shift_right_logical3A = arith.constant 16 : i32
          %shift_right_logical3A_454 = vector.broadcast %shift_right_logical3A : i32 to vector<16xi32>
          %shift_right_logical3A_455 = arith.shrui %get3A_448, %shift_right_logical3A_454 : vector<16xi32>
          %and3A_456 = arith.constant -65536 : i32
          %and3A_457 = vector.broadcast %and3A_456 : i32 to vector<16xi32>
          %and3A_458 = arith.andi %get3A_448, %and3A_457 : vector<16xi32>
          %or3A_459 = arith.ori %shift_right_logical3A_455, %and3A_458 : vector<16xi32>
          %bitcast3A_460 = vector.bitcast %or3A_459 : vector<16xi32> to vector<32xf16>
          %broadcast_in_dim3A = arith.constant 1.280000e+02 : f16
          %broadcast_in_dim3A_461 = vector.broadcast %broadcast_in_dim3A : f16 to vector<32xf16>
          %broadcast_in_dim3A_462 = arith.constant 0 : i32
          %broadcast_in_dim3A_463 = vector.broadcast %broadcast_in_dim3A_462 : i32 to vector<16xi32>
          %gather3A = tpu.vector_load_idx %arg8[%add3A_445, %broadcast_in_dim3A_463] : memref<1024x16xi32, #tpu.memory_space<vmem>>[vector<16xi32>, vector<16xi32>], vector<16xi32>,
          %xor3A = arith.constant -2139062144 : i32
          %xor3A_464 = vector.broadcast %xor3A : i32 to vector<16xi32>
          %xor3A_465 = arith.xori %gather3A, %xor3A_464 : vector<16xi32>
          %and3A_466 = arith.constant 255 : i32
          %and3A_467 = vector.broadcast %and3A_466 : i32 to vector<16xi32>
          %and3A_468 = arith.andi %xor3A_465, %and3A_467 : vector<16xi32>
          %and3A_469 = arith.constant 65280 : i32
          %and3A_470 = vector.broadcast %and3A_469 : i32 to vector<16xi32>
          %and3A_471 = arith.andi %xor3A_465, %and3A_470 : vector<16xi32>
          %shift_left3A_472 = arith.constant 8 : i32
          %shift_left3A_473 = vector.broadcast %shift_left3A_472 : i32 to vector<16xi32>
          %shift_left3A_474 = arith.shli %and3A_471, %shift_left3A_473 : vector<16xi32>
          %or3A_475 = arith.ori %and3A_468, %shift_left3A_474 : vector<16xi32>
          %shift_right_logical3A_476 = arith.constant 16 : i32
          %shift_right_logical3A_477 = vector.broadcast %shift_right_logical3A_476 : i32 to vector<16xi32>
          %shift_right_logical3A_478 = arith.shrui %xor3A_465, %shift_right_logical3A_477 : vector<16xi32>
          %and3A_479 = arith.constant 255 : i32
          %and3A_480 = vector.broadcast %and3A_479 : i32 to vector<16xi32>
          %and3A_481 = arith.andi %shift_right_logical3A_478, %and3A_480 : vector<16xi32>
          %shift_right_logical3A_482 = arith.constant 8 : i32
          %shift_right_logical3A_483 = vector.broadcast %shift_right_logical3A_482 : i32 to vector<16xi32>
          %shift_right_logical3A_484 = arith.shrui %xor3A_465, %shift_right_logical3A_483 : vector<16xi32>
          %and3A_485 = arith.constant 16711680 : i32
          %and3A_486 = vector.broadcast %and3A_485 : i32 to vector<16xi32>
          %and3A_487 = arith.andi %shift_right_logical3A_484, %and3A_486 : vector<16xi32>
          %or3A_488 = arith.ori %and3A_481, %and3A_487 : vector<16xi32>
          %bitcast3A_489 = vector.bitcast %or3A_475 : vector<16xi32> to vector<32xi16>
          %convert_element_type3A_490 = arith.sitofp %bitcast3A_489 : vector<32xi16> to vector<32xf16>
          %sub3A_491 = arith.subf %convert_element_type3A_490, %broadcast_in_dim3A_461 : vector<32xf16>
          %mul3A_492 = arith.mulf %sub3A_491, %bitcast3A : vector<32xf16>
          %bitcast3A_493 = vector.bitcast %or3A_488 : vector<16xi32> to vector<32xi16>
          %convert_element_type3A_494 = arith.sitofp %bitcast3A_493 : vector<32xi16> to vector<32xf16>
          %sub3A_495 = arith.subf %convert_element_type3A_494, %broadcast_in_dim3A_461 : vector<32xf16>
          %mul3A_496 = arith.mulf %sub3A_495, %bitcast3A : vector<32xf16>
          %broadcast_in_dim3A_497 = arith.constant 0 : i32
          %broadcast_in_dim3A_498 = vector.broadcast %broadcast_in_dim3A_497 : i32 to vector<16xi32>
          %bitcast3A_499 = vector.bitcast %mul3A_492 : vector<32xf16> to vector<16xi32>
          tpu.vector_store_idx %arg9[%add3A_445, %broadcast_in_dim3A_498], %bitcast3A_499 : memref<1024x32xi32, #tpu.memory_space<vmem>>[vector<16xi32>, vector<16xi32>], vector<16xi32>,
          %broadcast_in_dim3A_500 = arith.constant 1 : i32
          %broadcast_in_dim3A_501 = vector.broadcast %broadcast_in_dim3A_500 : i32 to vector<16xi32>
          %bitcast3A_502 = vector.bitcast %mul3A_496 : vector<32xf16> to vector<16xi32>
          tpu.vector_store_idx %arg9[%add3A_445, %broadcast_in_dim3A_501], %bitcast3A_502 : memref<1024x32xi32, #tpu.memory_space<vmem>>[vector<16xi32>, vector<16xi32>], vector<16xi32>,
          %broadcast_in_dim3A_503 = arith.constant 1 : i32
          %broadcast_in_dim3A_504 = vector.broadcast %broadcast_in_dim3A_503 : i32 to vector<16xi32>
          %gather3A_505 = tpu.vector_load_idx %arg8[%add3A_445, %broadcast_in_dim3A_504] : memref<1024x16xi32, #tpu.memory_space<vmem>>[vector<16xi32>, vector<16xi32>], vector<16xi32>,
          %xor3A_506 = arith.constant -2139062144 : i32
          %xor3A_507 = vector.broadcast %xor3A_506 : i32 to vector<16xi32>
          %xor3A_508 = arith.xori %gather3A_505, %xor3A_507 : vector<16xi32>
          %and3A_509 = arith.constant 255 : i32
          %and3A_510 = vector.broadcast %and3A_509 : i32 to vector<16xi32>
          %and3A_511 = arith.andi %xor3A_508, %and3A_510 : vector<16xi32>
          %and3A_512 = arith.constant 65280 : i32
          %and3A_513 = vector.broadcast %and3A_512 : i32 to vector<16xi32>
          %and3A_514 = arith.andi %xor3A_508, %and3A_513 : vector<16xi32>
          %shift_left3A_515 = arith.constant 8 : i32
          %shift_left3A_516 = vector.broadcast %shift_left3A_515 : i32 to vector<16xi32>
          %shift_left3A_517 = arith.shli %and3A_514, %shift_left3A_516 : vector<16xi32>
          %or3A_518 = arith.ori %and3A_511, %shift_left3A_517 : vector<16xi32>
          %shift_right_logical3A_519 = arith.constant 16 : i32
          %shift_right_logical3A_520 = vector.broadcast %shift_right_logical3A_519 : i32 to vector<16xi32>
          %shift_right_logical3A_521 = arith.shrui %xor3A_508, %shift_right_logical3A_520 : vector<16xi32>
          %and3A_522 = arith.constant 255 : i32
          %and3A_523 = vector.broadcast %and3A_522 : i32 to vector<16xi32>
          %and3A_524 = arith.andi %shift_right_logical3A_521, %and3A_523 : vector<16xi32>
          %shift_right_logical3A_525 = arith.constant 8 : i32
          %shift_right_logical3A_526 = vector.broadcast %shift_right_logical3A_525 : i32 to vector<16xi32>
          %shift_right_logical3A_527 = arith.shrui %xor3A_508, %shift_right_logical3A_526 : vector<16xi32>
          %and3A_528 = arith.constant 16711680 : i32
          %and3A_529 = vector.broadcast %and3A_528 : i32 to vector<16xi32>
          %and3A_530 = arith.andi %shift_right_logical3A_527, %and3A_529 : vector<16xi32>
          %or3A_531 = arith.ori %and3A_524, %and3A_530 : vector<16xi32>
          %bitcast3A_532 = vector.bitcast %or3A_518 : vector<16xi32> to vector<32xi16>
          %convert_element_type3A_533 = arith.sitofp %bitcast3A_532 : vector<32xi16> to vector<32xf16>
          %sub3A_534 = arith.subf %convert_element_type3A_533, %broadcast_in_dim3A_461 : vector<32xf16>
          %mul3A_535 = arith.mulf %sub3A_534, %bitcast3A : vector<32xf16>
          %bitcast3A_536 = vector.bitcast %or3A_531 : vector<16xi32> to vector<32xi16>
          %convert_element_type3A_537 = arith.sitofp %bitcast3A_536 : vector<32xi16> to vector<32xf16>
          %sub3A_538 = arith.subf %convert_element_type3A_537, %broadcast_in_dim3A_461 : vector<32xf16>
          %mul3A_539 = arith.mulf %sub3A_538, %bitcast3A : vector<32xf16>
          %broadcast_in_dim3A_540 = arith.constant 2 : i32
          %broadcast_in_dim3A_541 = vector.broadcast %broadcast_in_dim3A_540 : i32 to vector<16xi32>
          %bitcast3A_542 = vector.bitcast %mul3A_535 : vector<32xf16> to vector<16xi32>
          tpu.vector_store_idx %arg9[%add3A_445, %broadcast_in_dim3A_541], %bitcast3A_542 : memref<1024x32xi32, #tpu.memory_space<vmem>>[vector<16xi32>, vector<16xi32>], vector<16xi32>,
          %broadcast_in_dim3A_543 = arith.constant 3 : i32
          %broadcast_in_dim3A_544 = vector.broadcast %broadcast_in_dim3A_543 : i32 to vector<16xi32>
          %bitcast3A_545 = vector.bitcast %mul3A_539 : vector<32xf16> to vector<16xi32>
          tpu.vector_store_idx %arg9[%add3A_445, %broadcast_in_dim3A_544], %bitcast3A_545 : memref<1024x32xi32, #tpu.memory_space<vmem>>[vector<16xi32>, vector<16xi32>], vector<16xi32>,
          %broadcast_in_dim3A_546 = arith.constant 2 : i32
          %broadcast_in_dim3A_547 = vector.broadcast %broadcast_in_dim3A_546 : i32 to vector<16xi32>
          %gather3A_548 = tpu.vector_load_idx %arg8[%add3A_445, %broadcast_in_dim3A_547] : memref<1024x16xi32, #tpu.memory_space<vmem>>[vector<16xi32>, vector<16xi32>], vector<16xi32>,
          %xor3A_549 = arith.constant -2139062144 : i32
          %xor3A_550 = vector.broadcast %xor3A_549 : i32 to vector<16xi32>
          %xor3A_551 = arith.xori %gather3A_548, %xor3A_550 : vector<16xi32>
          %and3A_552 = arith.constant 255 : i32
          %and3A_553 = vector.broadcast %and3A_552 : i32 to vector<16xi32>
          %and3A_554 = arith.andi %xor3A_551, %and3A_553 : vector<16xi32>
          %and3A_555 = arith.constant 65280 : i32
          %and3A_556 = vector.broadcast %and3A_555 : i32 to vector<16xi32>
          %and3A_557 = arith.andi %xor3A_551, %and3A_556 : vector<16xi32>
          %shift_left3A_558 = arith.constant 8 : i32
          %shift_left3A_559 = vector.broadcast %shift_left3A_558 : i32 to vector<16xi32>
          %shift_left3A_560 = arith.shli %and3A_557, %shift_left3A_559 : vector<16xi32>
          %or3A_561 = arith.ori %and3A_554, %shift_left3A_560 : vector<16xi32>
          %shift_right_logical3A_562 = arith.constant 16 : i32
          %shift_right_logical3A_563 = vector.broadcast %shift_right_logical3A_562 : i32 to vector<16xi32>
          %shift_right_logical3A_564 = arith.shrui %xor3A_551, %shift_right_logical3A_563 : vector<16xi32>
          %and3A_565 = arith.constant 255 : i32
          %and3A_566 = vector.broadcast %and3A_565 : i32 to vector<16xi32>
          %and3A_567 = arith.andi %shift_right_logical3A_564, %and3A_566 : vector<16xi32>
          %shift_right_logical3A_568 = arith.constant 8 : i32
          %shift_right_logical3A_569 = vector.broadcast %shift_right_logical3A_568 : i32 to vector<16xi32>
          %shift_right_logical3A_570 = arith.shrui %xor3A_551, %shift_right_logical3A_569 : vector<16xi32>
          %and3A_571 = arith.constant 16711680 : i32
          %and3A_572 = vector.broadcast %and3A_571 : i32 to vector<16xi32>
          %and3A_573 = arith.andi %shift_right_logical3A_570, %and3A_572 : vector<16xi32>
          %or3A_574 = arith.ori %and3A_567, %and3A_573 : vector<16xi32>
          %bitcast3A_575 = vector.bitcast %or3A_561 : vector<16xi32> to vector<32xi16>
          %convert_element_type3A_576 = arith.sitofp %bitcast3A_575 : vector<32xi16> to vector<32xf16>
          %sub3A_577 = arith.subf %convert_element_type3A_576, %broadcast_in_dim3A_461 : vector<32xf16>
          %mul3A_578 = arith.mulf %sub3A_577, %bitcast3A : vector<32xf16>
          %bitcast3A_579 = vector.bitcast %or3A_574 : vector<16xi32> to vector<32xi16>
          %convert_element_type3A_580 = arith.sitofp %bitcast3A_579 : vector<32xi16> to vector<32xf16>
          %sub3A_581 = arith.subf %convert_element_type3A_580, %broadcast_in_dim3A_461 : vector<32xf16>
          %mul3A_582 = arith.mulf %sub3A_581, %bitcast3A : vector<32xf16>
          %broadcast_in_dim3A_583 = arith.constant 4 : i32
          %broadcast_in_dim3A_584 = vector.broadcast %broadcast_in_dim3A_583 : i32 to vector<16xi32>
          %bitcast3A_585 = vector.bitcast %mul3A_578 : vector<32xf16> to vector<16xi32>
          tpu.vector_store_idx %arg9[%add3A_445, %broadcast_in_dim3A_584], %bitcast3A_585 : memref<1024x32xi32, #tpu.memory_space<vmem>>[vector<16xi32>, vector<16xi32>], vector<16xi32>,
          %broadcast_in_dim3A_586 = arith.constant 5 : i32
          %broadcast_in_dim3A_587 = vector.broadcast %broadcast_in_dim3A_586 : i32 to vector<16xi32>
          %bitcast3A_588 = vector.bitcast %mul3A_582 : vector<32xf16> to vector<16xi32>
          tpu.vector_store_idx %arg9[%add3A_445, %broadcast_in_dim3A_587], %bitcast3A_588 : memref<1024x32xi32, #tpu.memory_space<vmem>>[vector<16xi32>, vector<16xi32>], vector<16xi32>,
          %broadcast_in_dim3A_589 = arith.constant 3 : i32
          %broadcast_in_dim3A_590 = vector.broadcast %broadcast_in_dim3A_589 : i32 to vector<16xi32>
          %gather3A_591 = tpu.vector_load_idx %arg8[%add3A_445, %broadcast_in_dim3A_590] : memref<1024x16xi32, #tpu.memory_space<vmem>>[vector<16xi32>, vector<16xi32>], vector<16xi32>,
          %xor3A_592 = arith.constant -2139062144 : i32
          %xor3A_593 = vector.broadcast %xor3A_592 : i32 to vector<16xi32>
          %xor3A_594 = arith.xori %gather3A_591, %xor3A_593 : vector<16xi32>
          %and3A_595 = arith.constant 255 : i32
          %and3A_596 = vector.broadcast %and3A_595 : i32 to vector<16xi32>
          %and3A_597 = arith.andi %xor3A_594, %and3A_596 : vector<16xi32>
          %and3A_598 = arith.constant 65280 : i32
          %and3A_599 = vector.broadcast %and3A_598 : i32 to vector<16xi32>
          %and3A_600 = arith.andi %xor3A_594, %and3A_599 : vector<16xi32>
          %shift_left3A_601 = arith.constant 8 : i32
          %shift_left3A_602 = vector.broadcast %shift_left3A_601 : i32 to vector<16xi32>
          %shift_left3A_603 = arith.shli %and3A_600, %shift_left3A_602 : vector<16xi32>
          %or3A_604 = arith.ori %and3A_597, %shift_left3A_603 : vector<16xi32>
          %shift_right_logical3A_605 = arith.constant 16 : i32
          %shift_right_logical3A_606 = vector.broadcast %shift_right_logical3A_605 : i32 to vector<16xi32>
          %shift_right_logical3A_607 = arith.shrui %xor3A_594, %shift_right_logical3A_606 : vector<16xi32>
          %and3A_608 = arith.constant 255 : i32
          %and3A_609 = vector.broadcast %and3A_608 : i32 to vector<16xi32>
          %and3A_610 = arith.andi %shift_right_logical3A_607, %and3A_609 : vector<16xi32>
          %shift_right_logical3A_611 = arith.constant 8 : i32
          %shift_right_logical3A_612 = vector.broadcast %shift_right_logical3A_611 : i32 to vector<16xi32>
          %shift_right_logical3A_613 = arith.shrui %xor3A_594, %shift_right_logical3A_612 : vector<16xi32>
          %and3A_614 = arith.constant 16711680 : i32
          %and3A_615 = vector.broadcast %and3A_614 : i32 to vector<16xi32>
          %and3A_616 = arith.andi %shift_right_logical3A_613, %and3A_615 : vector<16xi32>
          %or3A_617 = arith.ori %and3A_610, %and3A_616 : vector<16xi32>
          %bitcast3A_618 = vector.bitcast %or3A_604 : vector<16xi32> to vector<32xi16>
          %convert_element_type3A_619 = arith.sitofp %bitcast3A_618 : vector<32xi16> to vector<32xf16>
          %sub3A_620 = arith.subf %convert_element_type3A_619, %broadcast_in_dim3A_461 : vector<32xf16>
          %mul3A_621 = arith.mulf %sub3A_620, %bitcast3A : vector<32xf16>
          %bitcast3A_622 = vector.bitcast %or3A_617 : vector<16xi32> to vector<32xi16>
          %convert_element_type3A_623 = arith.sitofp %bitcast3A_622 : vector<32xi16> to vector<32xf16>
          %sub3A_624 = arith.subf %convert_element_type3A_623, %broadcast_in_dim3A_461 : vector<32xf16>
          %mul3A_625 = arith.mulf %sub3A_624, %bitcast3A : vector<32xf16>
          %broadcast_in_dim3A_626 = arith.constant 6 : i32
          %broadcast_in_dim3A_627 = vector.broadcast %broadcast_in_dim3A_626 : i32 to vector<16xi32>
          %bitcast3A_628 = vector.bitcast %mul3A_621 : vector<32xf16> to vector<16xi32>
          tpu.vector_store_idx %arg9[%add3A_445, %broadcast_in_dim3A_627], %bitcast3A_628 : memref<1024x32xi32, #tpu.memory_space<vmem>>[vector<16xi32>, vector<16xi32>], vector<16xi32>,
          %broadcast_in_dim3A_629 = arith.constant 7 : i32
          %broadcast_in_dim3A_630 = vector.broadcast %broadcast_in_dim3A_629 : i32 to vector<16xi32>
          %bitcast3A_631 = vector.bitcast %mul3A_625 : vector<32xf16> to vector<16xi32>
          tpu.vector_store_idx %arg9[%add3A_445, %broadcast_in_dim3A_630], %bitcast3A_631 : memref<1024x32xi32, #tpu.memory_space<vmem>>[vector<16xi32>, vector<16xi32>], vector<16xi32>,
          %broadcast_in_dim3A_632 = arith.constant 4 : i32
          %broadcast_in_dim3A_633 = vector.broadcast %broadcast_in_dim3A_632 : i32 to vector<16xi32>
          %gather3A_634 = tpu.vector_load_idx %arg8[%add3A_445, %broadcast_in_dim3A_633] : memref<1024x16xi32, #tpu.memory_space<vmem>>[vector<16xi32>, vector<16xi32>], vector<16xi32>,
          %xor3A_635 = arith.constant -2139062144 : i32
          %xor3A_636 = vector.broadcast %xor3A_635 : i32 to vector<16xi32>
          %xor3A_637 = arith.xori %gather3A_634, %xor3A_636 : vector<16xi32>
          %and3A_638 = arith.constant 255 : i32
          %and3A_639 = vector.broadcast %and3A_638 : i32 to vector<16xi32>
          %and3A_640 = arith.andi %xor3A_637, %and3A_639 : vector<16xi32>
          %and3A_641 = arith.constant 65280 : i32
          %and3A_642 = vector.broadcast %and3A_641 : i32 to vector<16xi32>
          %and3A_643 = arith.andi %xor3A_637, %and3A_642 : vector<16xi32>
          %shift_left3A_644 = arith.constant 8 : i32
          %shift_left3A_645 = vector.broadcast %shift_left3A_644 : i32 to vector<16xi32>
          %shift_left3A_646 = arith.shli %and3A_643, %shift_left3A_645 : vector<16xi32>
          %or3A_647 = arith.ori %and3A_640, %shift_left3A_646 : vector<16xi32>
          %shift_right_logical3A_648 = arith.constant 16 : i32
          %shift_right_logical3A_649 = vector.broadcast %shift_right_logical3A_648 : i32 to vector<16xi32>
          %shift_right_logical3A_650 = arith.shrui %xor3A_637, %shift_right_logical3A_649 : vector<16xi32>
          %and3A_651 = arith.constant 255 : i32
          %and3A_652 = vector.broadcast %and3A_651 : i32 to vector<16xi32>
          %and3A_653 = arith.andi %shift_right_logical3A_650, %and3A_652 : vector<16xi32>
          %shift_right_logical3A_654 = arith.constant 8 : i32
          %shift_right_logical3A_655 = vector.broadcast %shift_right_logical3A_654 : i32 to vector<16xi32>
          %shift_right_logical3A_656 = arith.shrui %xor3A_637, %shift_right_logical3A_655 : vector<16xi32>
          %and3A_657 = arith.constant 16711680 : i32
          %and3A_658 = vector.broadcast %and3A_657 : i32 to vector<16xi32>
          %and3A_659 = arith.andi %shift_right_logical3A_656, %and3A_658 : vector<16xi32>
          %or3A_660 = arith.ori %and3A_653, %and3A_659 : vector<16xi32>
          %bitcast3A_661 = vector.bitcast %or3A_647 : vector<16xi32> to vector<32xi16>
          %convert_element_type3A_662 = arith.sitofp %bitcast3A_661 : vector<32xi16> to vector<32xf16>
          %sub3A_663 = arith.subf %convert_element_type3A_662, %broadcast_in_dim3A_461 : vector<32xf16>
          %mul3A_664 = arith.mulf %sub3A_663, %bitcast3A : vector<32xf16>
          %bitcast3A_665 = vector.bitcast %or3A_660 : vector<16xi32> to vector<32xi16>
          %convert_element_type3A_666 = arith.sitofp %bitcast3A_665 : vector<32xi16> to vector<32xf16>
          %sub3A_667 = arith.subf %convert_element_type3A_666, %broadcast_in_dim3A_461 : vector<32xf16>
          %mul3A_668 = arith.mulf %sub3A_667, %bitcast3A : vector<32xf16>
          %broadcast_in_dim3A_669 = arith.constant 8 : i32
          %broadcast_in_dim3A_670 = vector.broadcast %broadcast_in_dim3A_669 : i32 to vector<16xi32>
          %bitcast3A_671 = vector.bitcast %mul3A_664 : vector<32xf16> to vector<16xi32>
          tpu.vector_store_idx %arg9[%add3A_445, %broadcast_in_dim3A_670], %bitcast3A_671 : memref<1024x32xi32, #tpu.memory_space<vmem>>[vector<16xi32>, vector<16xi32>], vector<16xi32>,
          %broadcast_in_dim3A_672 = arith.constant 9 : i32
          %broadcast_in_dim3A_673 = vector.broadcast %broadcast_in_dim3A_672 : i32 to vector<16xi32>
          %bitcast3A_674 = vector.bitcast %mul3A_668 : vector<32xf16> to vector<16xi32>
          tpu.vector_store_idx %arg9[%add3A_445, %broadcast_in_dim3A_673], %bitcast3A_674 : memref<1024x32xi32, #tpu.memory_space<vmem>>[vector<16xi32>, vector<16xi32>], vector<16xi32>,
          %broadcast_in_dim3A_675 = arith.constant 5 : i32
          %broadcast_in_dim3A_676 = vector.broadcast %broadcast_in_dim3A_675 : i32 to vector<16xi32>
          %gather3A_677 = tpu.vector_load_idx %arg8[%add3A_445, %broadcast_in_dim3A_676] : memref<1024x16xi32, #tpu.memory_space<vmem>>[vector<16xi32>, vector<16xi32>], vector<16xi32>,
          %xor3A_678 = arith.constant -2139062144 : i32
          %xor3A_679 = vector.broadcast %xor3A_678 : i32 to vector<16xi32>
          %xor3A_680 = arith.xori %gather3A_677, %xor3A_679 : vector<16xi32>
          %and3A_681 = arith.constant 255 : i32
          %and3A_682 = vector.broadcast %and3A_681 : i32 to vector<16xi32>
          %and3A_683 = arith.andi %xor3A_680, %and3A_682 : vector<16xi32>
          %and3A_684 = arith.constant 65280 : i32
          %and3A_685 = vector.broadcast %and3A_684 : i32 to vector<16xi32>
          %and3A_686 = arith.andi %xor3A_680, %and3A_685 : vector<16xi32>
          %shift_left3A_687 = arith.constant 8 : i32
          %shift_left3A_688 = vector.broadcast %shift_left3A_687 : i32 to vector<16xi32>
          %shift_left3A_689 = arith.shli %and3A_686, %shift_left3A_688 : vector<16xi32>
          %or3A_690 = arith.ori %and3A_683, %shift_left3A_689 : vector<16xi32>
          %shift_right_logical3A_691 = arith.constant 16 : i32
          %shift_right_logical3A_692 = vector.broadcast %shift_right_logical3A_691 : i32 to vector<16xi32>
          %shift_right_logical3A_693 = arith.shrui %xor3A_680, %shift_right_logical3A_692 : vector<16xi32>
          %and3A_694 = arith.constant 255 : i32
          %and3A_695 = vector.broadcast %and3A_694 : i32 to vector<16xi32>
          %and3A_696 = arith.andi %shift_right_logical3A_693, %and3A_695 : vector<16xi32>
          %shift_right_logical3A_697 = arith.constant 8 : i32
          %shift_right_logical3A_698 = vector.broadcast %shift_right_logical3A_697 : i32 to vector<16xi32>
          %shift_right_logical3A_699 = arith.shrui %xor3A_680, %shift_right_logical3A_698 : vector<16xi32>
          %and3A_700 = arith.constant 16711680 : i32
          %and3A_701 = vector.broadcast %and3A_700 : i32 to vector<16xi32>
          %and3A_702 = arith.andi %shift_right_logical3A_699, %and3A_701 : vector<16xi32>
          %or3A_703 = arith.ori %and3A_696, %and3A_702 : vector<16xi32>
          %bitcast3A_704 = vector.bitcast %or3A_690 : vector<16xi32> to vector<32xi16>
          %convert_element_type3A_705 = arith.sitofp %bitcast3A_704 : vector<32xi16> to vector<32xf16>
          %sub3A_706 = arith.subf %convert_element_type3A_705, %broadcast_in_dim3A_461 : vector<32xf16>
          %mul3A_707 = arith.mulf %sub3A_706, %bitcast3A : vector<32xf16>
          %bitcast3A_708 = vector.bitcast %or3A_703 : vector<16xi32> to vector<32xi16>
          %convert_element_type3A_709 = arith.sitofp %bitcast3A_708 : vector<32xi16> to vector<32xf16>
          %sub3A_710 = arith.subf %convert_element_type3A_709, %broadcast_in_dim3A_461 : vector<32xf16>
          %mul3A_711 = arith.mulf %sub3A_710, %bitcast3A : vector<32xf16>
          %broadcast_in_dim3A_712 = arith.constant 10 : i32
          %broadcast_in_dim3A_713 = vector.broadcast %broadcast_in_dim3A_712 : i32 to vector<16xi32>
          %bitcast3A_714 = vector.bitcast %mul3A_707 : vector<32xf16> to vector<16xi32>
          tpu.vector_store_idx %arg9[%add3A_445, %broadcast_in_dim3A_713], %bitcast3A_714 : memref<1024x32xi32, #tpu.memory_space<vmem>>[vector<16xi32>, vector<16xi32>], vector<16xi32>,
          %broadcast_in_dim3A_715 = arith.constant 11 : i32
          %broadcast_in_dim3A_716 = vector.broadcast %broadcast_in_dim3A_715 : i32 to vector<16xi32>
          %bitcast3A_717 = vector.bitcast %mul3A_711 : vector<32xf16> to vector<16xi32>
          tpu.vector_store_idx %arg9[%add3A_445, %broadcast_in_dim3A_716], %bitcast3A_717 : memref<1024x32xi32, #tpu.memory_space<vmem>>[vector<16xi32>, vector<16xi32>], vector<16xi32>,
          %broadcast_in_dim3A_718 = arith.constant 6 : i32
          %broadcast_in_dim3A_719 = vector.broadcast %broadcast_in_dim3A_718 : i32 to vector<16xi32>
          %gather3A_720 = tpu.vector_load_idx %arg8[%add3A_445, %broadcast_in_dim3A_719] : memref<1024x16xi32, #tpu.memory_space<vmem>>[vector<16xi32>, vector<16xi32>], vector<16xi32>,
          %xor3A_721 = arith.constant -2139062144 : i32
          %xor3A_722 = vector.broadcast %xor3A_721 : i32 to vector<16xi32>
          %xor3A_723 = arith.xori %gather3A_720, %xor3A_722 : vector<16xi32>
          %and3A_724 = arith.constant 255 : i32
          %and3A_725 = vector.broadcast %and3A_724 : i32 to vector<16xi32>
          %and3A_726 = arith.andi %xor3A_723, %and3A_725 : vector<16xi32>
          %and3A_727 = arith.constant 65280 : i32
          %and3A_728 = vector.broadcast %and3A_727 : i32 to vector<16xi32>
          %and3A_729 = arith.andi %xor3A_723, %and3A_728 : vector<16xi32>
          %shift_left3A_730 = arith.constant 8 : i32
          %shift_left3A_731 = vector.broadcast %shift_left3A_730 : i32 to vector<16xi32>
          %shift_left3A_732 = arith.shli %and3A_729, %shift_left3A_731 : vector<16xi32>
          %or3A_733 = arith.ori %and3A_726, %shift_left3A_732 : vector<16xi32>
          %shift_right_logical3A_734 = arith.constant 16 : i32
          %shift_right_logical3A_735 = vector.broadcast %shift_right_logical3A_734 : i32 to vector<16xi32>
          %shift_right_logical3A_736 = arith.shrui %xor3A_723, %shift_right_logical3A_735 : vector<16xi32>
          %and3A_737 = arith.constant 255 : i32
          %and3A_738 = vector.broadcast %and3A_737 : i32 to vector<16xi32>
          %and3A_739 = arith.andi %shift_right_logical3A_736, %and3A_738 : vector<16xi32>
          %shift_right_logical3A_740 = arith.constant 8 : i32
          %shift_right_logical3A_741 = vector.broadcast %shift_right_logical3A_740 : i32 to vector<16xi32>
          %shift_right_logical3A_742 = arith.shrui %xor3A_723, %shift_right_logical3A_741 : vector<16xi32>
          %and3A_743 = arith.constant 16711680 : i32
          %and3A_744 = vector.broadcast %and3A_743 : i32 to vector<16xi32>
          %and3A_745 = arith.andi %shift_right_logical3A_742, %and3A_744 : vector<16xi32>
          %or3A_746 = arith.ori %and3A_739, %and3A_745 : vector<16xi32>
          %bitcast3A_747 = vector.bitcast %or3A_733 : vector<16xi32> to vector<32xi16>
          %convert_element_type3A_748 = arith.sitofp %bitcast3A_747 : vector<32xi16> to vector<32xf16>
          %sub3A_749 = arith.subf %convert_element_type3A_748, %broadcast_in_dim3A_461 : vector<32xf16>
          %mul3A_750 = arith.mulf %sub3A_749, %bitcast3A : vector<32xf16>
          %bitcast3A_751 = vector.bitcast %or3A_746 : vector<16xi32> to vector<32xi16>
          %convert_element_type3A_752 = arith.sitofp %bitcast3A_751 : vector<32xi16> to vector<32xf16>
          %sub3A_753 = arith.subf %convert_element_type3A_752, %broadcast_in_dim3A_461 : vector<32xf16>
          %mul3A_754 = arith.mulf %sub3A_753, %bitcast3A : vector<32xf16>
          %broadcast_in_dim3A_755 = arith.constant 12 : i32
          %broadcast_in_dim3A_756 = vector.broadcast %broadcast_in_dim3A_755 : i32 to vector<16xi32>
          %bitcast3A_757 = vector.bitcast %mul3A_750 : vector<32xf16> to vector<16xi32>
          tpu.vector_store_idx %arg9[%add3A_445, %broadcast_in_dim3A_756], %bitcast3A_757 : memref<1024x32xi32, #tpu.memory_space<vmem>>[vector<16xi32>, vector<16xi32>], vector<16xi32>,
          %broadcast_in_dim3A_758 = arith.constant 13 : i32
          %broadcast_in_dim3A_759 = vector.broadcast %broadcast_in_dim3A_758 : i32 to vector<16xi32>
          %bitcast3A_760 = vector.bitcast %mul3A_754 : vector<32xf16> to vector<16xi32>
          tpu.vector_store_idx %arg9[%add3A_445, %broadcast_in_dim3A_759], %bitcast3A_760 : memref<1024x32xi32, #tpu.memory_space<vmem>>[vector<16xi32>, vector<16xi32>], vector<16xi32>,
          %broadcast_in_dim3A_761 = arith.constant 7 : i32
          %broadcast_in_dim3A_762 = vector.broadcast %broadcast_in_dim3A_761 : i32 to vector<16xi32>
          %gather3A_763 = tpu.vector_load_idx %arg8[%add3A_445, %broadcast_in_dim3A_762] : memref<1024x16xi32, #tpu.memory_space<vmem>>[vector<16xi32>, vector<16xi32>], vector<16xi32>,
          %xor3A_764 = arith.constant -2139062144 : i32
          %xor3A_765 = vector.broadcast %xor3A_764 : i32 to vector<16xi32>
          %xor3A_766 = arith.xori %gather3A_763, %xor3A_765 : vector<16xi32>
          %and3A_767 = arith.constant 255 : i32
          %and3A_768 = vector.broadcast %and3A_767 : i32 to vector<16xi32>
          %and3A_769 = arith.andi %xor3A_766, %and3A_768 : vector<16xi32>
          %and3A_770 = arith.constant 65280 : i32
          %and3A_771 = vector.broadcast %and3A_770 : i32 to vector<16xi32>
          %and3A_772 = arith.andi %xor3A_766, %and3A_771 : vector<16xi32>
          %shift_left3A_773 = arith.constant 8 : i32
          %shift_left3A_774 = vector.broadcast %shift_left3A_773 : i32 to vector<16xi32>
          %shift_left3A_775 = arith.shli %and3A_772, %shift_left3A_774 : vector<16xi32>
          %or3A_776 = arith.ori %and3A_769, %shift_left3A_775 : vector<16xi32>
          %shift_right_logical3A_777 = arith.constant 16 : i32
          %shift_right_logical3A_778 = vector.broadcast %shift_right_logical3A_777 : i32 to vector<16xi32>
          %shift_right_logical3A_779 = arith.shrui %xor3A_766, %shift_right_logical3A_778 : vector<16xi32>
          %and3A_780 = arith.constant 255 : i32
          %and3A_781 = vector.broadcast %and3A_780 : i32 to vector<16xi32>
          %and3A_782 = arith.andi %shift_right_logical3A_779, %and3A_781 : vector<16xi32>
          %shift_right_logical3A_783 = arith.constant 8 : i32
          %shift_right_logical3A_784 = vector.broadcast %shift_right_logical3A_783 : i32 to vector<16xi32>
          %shift_right_logical3A_785 = arith.shrui %xor3A_766, %shift_right_logical3A_784 : vector<16xi32>
          %and3A_786 = arith.constant 16711680 : i32
          %and3A_787 = vector.broadcast %and3A_786 : i32 to vector<16xi32>
          %and3A_788 = arith.andi %shift_right_logical3A_785, %and3A_787 : vector<16xi32>
          %or3A_789 = arith.ori %and3A_782, %and3A_788 : vector<16xi32>
          %bitcast3A_790 = vector.bitcast %or3A_776 : vector<16xi32> to vector<32xi16>
          %convert_element_type3A_791 = arith.sitofp %bitcast3A_790 : vector<32xi16> to vector<32xf16>
          %sub3A_792 = arith.subf %convert_element_type3A_791, %broadcast_in_dim3A_461 : vector<32xf16>
          %mul3A_793 = arith.mulf %sub3A_792, %bitcast3A : vector<32xf16>
          %bitcast3A_794 = vector.bitcast %or3A_789 : vector<16xi32> to vector<32xi16>
          %convert_element_type3A_795 = arith.sitofp %bitcast3A_794 : vector<32xi16> to vector<32xf16>
          %sub3A_796 = arith.subf %convert_element_type3A_795, %broadcast_in_dim3A_461 : vector<32xf16>
          %mul3A_797 = arith.mulf %sub3A_796, %bitcast3A : vector<32xf16>
          %broadcast_in_dim3A_798 = arith.constant 14 : i32
          %broadcast_in_dim3A_799 = vector.broadcast %broadcast_in_dim3A_798 : i32 to vector<16xi32>
          %bitcast3A_800 = vector.bitcast %mul3A_793 : vector<32xf16> to vector<16xi32>
          tpu.vector_store_idx %arg9[%add3A_445, %broadcast_in_dim3A_799], %bitcast3A_800 : memref<1024x32xi32, #tpu.memory_space<vmem>>[vector<16xi32>, vector<16xi32>], vector<16xi32>,
          %broadcast_in_dim3A_801 = arith.constant 15 : i32
          %broadcast_in_dim3A_802 = vector.broadcast %broadcast_in_dim3A_801 : i32 to vector<16xi32>
          %bitcast3A_803 = vector.bitcast %mul3A_797 : vector<32xf16> to vector<16xi32>
          tpu.vector_store_idx %arg9[%add3A_445, %broadcast_in_dim3A_802], %bitcast3A_803 : memref<1024x32xi32, #tpu.memory_space<vmem>>[vector<16xi32>, vector<16xi32>], vector<16xi32>,
          %broadcast_in_dim3A_804 = arith.constant 8 : i32
          %broadcast_in_dim3A_805 = vector.broadcast %broadcast_in_dim3A_804 : i32 to vector<16xi32>
          %gather3A_806 = tpu.vector_load_idx %arg8[%add3A_445, %broadcast_in_dim3A_805] : memref<1024x16xi32, #tpu.memory_space<vmem>>[vector<16xi32>, vector<16xi32>], vector<16xi32>,
          %xor3A_807 = arith.constant -2139062144 : i32
          %xor3A_808 = vector.broadcast %xor3A_807 : i32 to vector<16xi32>
          %xor3A_809 = arith.xori %gather3A_806, %xor3A_808 : vector<16xi32>
          %and3A_810 = arith.constant 255 : i32
          %and3A_811 = vector.broadcast %and3A_810 : i32 to vector<16xi32>
          %and3A_812 = arith.andi %xor3A_809, %and3A_811 : vector<16xi32>
          %and3A_813 = arith.constant 65280 : i32
          %and3A_814 = vector.broadcast %and3A_813 : i32 to vector<16xi32>
          %and3A_815 = arith.andi %xor3A_809, %and3A_814 : vector<16xi32>
          %shift_left3A_816 = arith.constant 8 : i32
          %shift_left3A_817 = vector.broadcast %shift_left3A_816 : i32 to vector<16xi32>
          %shift_left3A_818 = arith.shli %and3A_815, %shift_left3A_817 : vector<16xi32>
          %or3A_819 = arith.ori %and3A_812, %shift_left3A_818 : vector<16xi32>
          %shift_right_logical3A_820 = arith.constant 16 : i32
          %shift_right_logical3A_821 = vector.broadcast %shift_right_logical3A_820 : i32 to vector<16xi32>
          %shift_right_logical3A_822 = arith.shrui %xor3A_809, %shift_right_logical3A_821 : vector<16xi32>
          %and3A_823 = arith.constant 255 : i32
          %and3A_824 = vector.broadcast %and3A_823 : i32 to vector<16xi32>
          %and3A_825 = arith.andi %shift_right_logical3A_822, %and3A_824 : vector<16xi32>
          %shift_right_logical3A_826 = arith.constant 8 : i32
          %shift_right_logical3A_827 = vector.broadcast %shift_right_logical3A_826 : i32 to vector<16xi32>
          %shift_right_logical3A_828 = arith.shrui %xor3A_809, %shift_right_logical3A_827 : vector<16xi32>
          %and3A_829 = arith.constant 16711680 : i32
          %and3A_830 = vector.broadcast %and3A_829 : i32 to vector<16xi32>
          %and3A_831 = arith.andi %shift_right_logical3A_828, %and3A_830 : vector<16xi32>
          %or3A_832 = arith.ori %and3A_825, %and3A_831 : vector<16xi32>
          %bitcast3A_833 = vector.bitcast %or3A_819 : vector<16xi32> to vector<32xi16>
          %convert_element_type3A_834 = arith.sitofp %bitcast3A_833 : vector<32xi16> to vector<32xf16>
          %sub3A_835 = arith.subf %convert_element_type3A_834, %broadcast_in_dim3A_461 : vector<32xf16>
          %mul3A_836 = arith.mulf %sub3A_835, %bitcast3A_460 : vector<32xf16>
          %bitcast3A_837 = vector.bitcast %or3A_832 : vector<16xi32> to vector<32xi16>
          %convert_element_type3A_838 = arith.sitofp %bitcast3A_837 : vector<32xi16> to vector<32xf16>
          %sub3A_839 = arith.subf %convert_element_type3A_838, %broadcast_in_dim3A_461 : vector<32xf16>
          %mul3A_840 = arith.mulf %sub3A_839, %bitcast3A_460 : vector<32xf16>
          %broadcast_in_dim3A_841 = arith.constant 16 : i32
          %broadcast_in_dim3A_842 = vector.broadcast %broadcast_in_dim3A_841 : i32 to vector<16xi32>
          %bitcast3A_843 = vector.bitcast %mul3A_836 : vector<32xf16> to vector<16xi32>
          tpu.vector_store_idx %arg9[%add3A_445, %broadcast_in_dim3A_842], %bitcast3A_843 : memref<1024x32xi32, #tpu.memory_space<vmem>>[vector<16xi32>, vector<16xi32>], vector<16xi32>,
          %broadcast_in_dim3A_844 = arith.constant 17 : i32
          %broadcast_in_dim3A_845 = vector.broadcast %broadcast_in_dim3A_844 : i32 to vector<16xi32>
          %bitcast3A_846 = vector.bitcast %mul3A_840 : vector<32xf16> to vector<16xi32>
          tpu.vector_store_idx %arg9[%add3A_445, %broadcast_in_dim3A_845], %bitcast3A_846 : memref<1024x32xi32, #tpu.memory_space<vmem>>[vector<16xi32>, vector<16xi32>], vector<16xi32>,
          %broadcast_in_dim3A_847 = arith.constant 9 : i32
          %broadcast_in_dim3A_848 = vector.broadcast %broadcast_in_dim3A_847 : i32 to vector<16xi32>
          %gather3A_849 = tpu.vector_load_idx %arg8[%add3A_445, %broadcast_in_dim3A_848] : memref<1024x16xi32, #tpu.memory_space<vmem>>[vector<16xi32>, vector<16xi32>], vector<16xi32>,
          %xor3A_850 = arith.constant -2139062144 : i32
          %xor3A_851 = vector.broadcast %xor3A_850 : i32 to vector<16xi32>
          %xor3A_852 = arith.xori %gather3A_849, %xor3A_851 : vector<16xi32>
          %and3A_853 = arith.constant 255 : i32
          %and3A_854 = vector.broadcast %and3A_853 : i32 to vector<16xi32>
          %and3A_855 = arith.andi %xor3A_852, %and3A_854 : vector<16xi32>
          %and3A_856 = arith.constant 65280 : i32
          %and3A_857 = vector.broadcast %and3A_856 : i32 to vector<16xi32>
          %and3A_858 = arith.andi %xor3A_852, %and3A_857 : vector<16xi32>
          %shift_left3A_859 = arith.constant 8 : i32
          %shift_left3A_860 = vector.broadcast %shift_left3A_859 : i32 to vector<16xi32>
          %shift_left3A_861 = arith.shli %and3A_858, %shift_left3A_860 : vector<16xi32>
          %or3A_862 = arith.ori %and3A_855, %shift_left3A_861 : vector<16xi32>
          %shift_right_logical3A_863 = arith.constant 16 : i32
          %shift_right_logical3A_864 = vector.broadcast %shift_right_logical3A_863 : i32 to vector<16xi32>
          %shift_right_logical3A_865 = arith.shrui %xor3A_852, %shift_right_logical3A_864 : vector<16xi32>
          %and3A_866 = arith.constant 255 : i32
          %and3A_867 = vector.broadcast %and3A_866 : i32 to vector<16xi32>
          %and3A_868 = arith.andi %shift_right_logical3A_865, %and3A_867 : vector<16xi32>
          %shift_right_logical3A_869 = arith.constant 8 : i32
          %shift_right_logical3A_870 = vector.broadcast %shift_right_logical3A_869 : i32 to vector<16xi32>
          %shift_right_logical3A_871 = arith.shrui %xor3A_852, %shift_right_logical3A_870 : vector<16xi32>
          %and3A_872 = arith.constant 16711680 : i32
          %and3A_873 = vector.broadcast %and3A_872 : i32 to vector<16xi32>
          %and3A_874 = arith.andi %shift_right_logical3A_871, %and3A_873 : vector<16xi32>
          %or3A_875 = arith.ori %and3A_868, %and3A_874 : vector<16xi32>
          %bitcast3A_876 = vector.bitcast %or3A_862 : vector<16xi32> to vector<32xi16>
          %convert_element_type3A_877 = arith.sitofp %bitcast3A_876 : vector<32xi16> to vector<32xf16>
          %sub3A_878 = arith.subf %convert_element_type3A_877, %broadcast_in_dim3A_461 : vector<32xf16>
          %mul3A_879 = arith.mulf %sub3A_878, %bitcast3A_460 : vector<32xf16>
          %bitcast3A_880 = vector.bitcast %or3A_875 : vector<16xi32> to vector<32xi16>
          %convert_element_type3A_881 = arith.sitofp %bitcast3A_880 : vector<32xi16> to vector<32xf16>
          %sub3A_882 = arith.subf %convert_element_type3A_881, %broadcast_in_dim3A_461 : vector<32xf16>
          %mul3A_883 = arith.mulf %sub3A_882, %bitcast3A_460 : vector<32xf16>
          %broadcast_in_dim3A_884 = arith.constant 18 : i32
          %broadcast_in_dim3A_885 = vector.broadcast %broadcast_in_dim3A_884 : i32 to vector<16xi32>
          %bitcast3A_886 = vector.bitcast %mul3A_879 : vector<32xf16> to vector<16xi32>
          tpu.vector_store_idx %arg9[%add3A_445, %broadcast_in_dim3A_885], %bitcast3A_886 : memref<1024x32xi32, #tpu.memory_space<vmem>>[vector<16xi32>, vector<16xi32>], vector<16xi32>,
          %broadcast_in_dim3A_887 = arith.constant 19 : i32
          %broadcast_in_dim3A_888 = vector.broadcast %broadcast_in_dim3A_887 : i32 to vector<16xi32>
          %bitcast3A_889 = vector.bitcast %mul3A_883 : vector<32xf16> to vector<16xi32>
          tpu.vector_store_idx %arg9[%add3A_445, %broadcast_in_dim3A_888], %bitcast3A_889 : memref<1024x32xi32, #tpu.memory_space<vmem>>[vector<16xi32>, vector<16xi32>], vector<16xi32>,
          %broadcast_in_dim3A_890 = arith.constant 10 : i32
          %broadcast_in_dim3A_891 = vector.broadcast %broadcast_in_dim3A_890 : i32 to vector<16xi32>
          %gather3A_892 = tpu.vector_load_idx %arg8[%add3A_445, %broadcast_in_dim3A_891] : memref<1024x16xi32, #tpu.memory_space<vmem>>[vector<16xi32>, vector<16xi32>], vector<16xi32>,
          %xor3A_893 = arith.constant -2139062144 : i32
          %xor3A_894 = vector.broadcast %xor3A_893 : i32 to vector<16xi32>
          %xor3A_895 = arith.xori %gather3A_892, %xor3A_894 : vector<16xi32>
          %and3A_896 = arith.constant 255 : i32
          %and3A_897 = vector.broadcast %and3A_896 : i32 to vector<16xi32>
          %and3A_898 = arith.andi %xor3A_895, %and3A_897 : vector<16xi32>
          %and3A_899 = arith.constant 65280 : i32
          %and3A_900 = vector.broadcast %and3A_899 : i32 to vector<16xi32>
          %and3A_901 = arith.andi %xor3A_895, %and3A_900 : vector<16xi32>
          %shift_left3A_902 = arith.constant 8 : i32
          %shift_left3A_903 = vector.broadcast %shift_left3A_902 : i32 to vector<16xi32>
          %shift_left3A_904 = arith.shli %and3A_901, %shift_left3A_903 : vector<16xi32>
          %or3A_905 = arith.ori %and3A_898, %shift_left3A_904 : vector<16xi32>
          %shift_right_logical3A_906 = arith.constant 16 : i32
          %shift_right_logical3A_907 = vector.broadcast %shift_right_logical3A_906 : i32 to vector<16xi32>
          %shift_right_logical3A_908 = arith.shrui %xor3A_895, %shift_right_logical3A_907 : vector<16xi32>
          %and3A_909 = arith.constant 255 : i32
          %and3A_910 = vector.broadcast %and3A_909 : i32 to vector<16xi32>
          %and3A_911 = arith.andi %shift_right_logical3A_908, %and3A_910 : vector<16xi32>
          %shift_right_logical3A_912 = arith.constant 8 : i32
          %shift_right_logical3A_913 = vector.broadcast %shift_right_logical3A_912 : i32 to vector<16xi32>
          %shift_right_logical3A_914 = arith.shrui %xor3A_895, %shift_right_logical3A_913 : vector<16xi32>
          %and3A_915 = arith.constant 16711680 : i32
          %and3A_916 = vector.broadcast %and3A_915 : i32 to vector<16xi32>
          %and3A_917 = arith.andi %shift_right_logical3A_914, %and3A_916 : vector<16xi32>
          %or3A_918 = arith.ori %and3A_911, %and3A_917 : vector<16xi32>
          %bitcast3A_919 = vector.bitcast %or3A_905 : vector<16xi32> to vector<32xi16>
          %convert_element_type3A_920 = arith.sitofp %bitcast3A_919 : vector<32xi16> to vector<32xf16>
          %sub3A_921 = arith.subf %convert_element_type3A_920, %broadcast_in_dim3A_461 : vector<32xf16>
          %mul3A_922 = arith.mulf %sub3A_921, %bitcast3A_460 : vector<32xf16>
          %bitcast3A_923 = vector.bitcast %or3A_918 : vector<16xi32> to vector<32xi16>
          %convert_element_type3A_924 = arith.sitofp %bitcast3A_923 : vector<32xi16> to vector<32xf16>
          %sub3A_925 = arith.subf %convert_element_type3A_924, %broadcast_in_dim3A_461 : vector<32xf16>
          %mul3A_926 = arith.mulf %sub3A_925, %bitcast3A_460 : vector<32xf16>
          %broadcast_in_dim3A_927 = arith.constant 20 : i32
          %broadcast_in_dim3A_928 = vector.broadcast %broadcast_in_dim3A_927 : i32 to vector<16xi32>
          %bitcast3A_929 = vector.bitcast %mul3A_922 : vector<32xf16> to vector<16xi32>
          tpu.vector_store_idx %arg9[%add3A_445, %broadcast_in_dim3A_928], %bitcast3A_929 : memref<1024x32xi32, #tpu.memory_space<vmem>>[vector<16xi32>, vector<16xi32>], vector<16xi32>,
          %broadcast_in_dim3A_930 = arith.constant 21 : i32
          %broadcast_in_dim3A_931 = vector.broadcast %broadcast_in_dim3A_930 : i32 to vector<16xi32>
          %bitcast3A_932 = vector.bitcast %mul3A_926 : vector<32xf16> to vector<16xi32>
          tpu.vector_store_idx %arg9[%add3A_445, %broadcast_in_dim3A_931], %bitcast3A_932 : memref<1024x32xi32, #tpu.memory_space<vmem>>[vector<16xi32>, vector<16xi32>], vector<16xi32>,
          %broadcast_in_dim3A_933 = arith.constant 11 : i32
          %broadcast_in_dim3A_934 = vector.broadcast %broadcast_in_dim3A_933 : i32 to vector<16xi32>
          %gather3A_935 = tpu.vector_load_idx %arg8[%add3A_445, %broadcast_in_dim3A_934] : memref<1024x16xi32, #tpu.memory_space<vmem>>[vector<16xi32>, vector<16xi32>], vector<16xi32>,
          %xor3A_936 = arith.constant -2139062144 : i32
          %xor3A_937 = vector.broadcast %xor3A_936 : i32 to vector<16xi32>
          %xor3A_938 = arith.xori %gather3A_935, %xor3A_937 : vector<16xi32>
          %and3A_939 = arith.constant 255 : i32
          %and3A_940 = vector.broadcast %and3A_939 : i32 to vector<16xi32>
          %and3A_941 = arith.andi %xor3A_938, %and3A_940 : vector<16xi32>
          %and3A_942 = arith.constant 65280 : i32
          %and3A_943 = vector.broadcast %and3A_942 : i32 to vector<16xi32>
          %and3A_944 = arith.andi %xor3A_938, %and3A_943 : vector<16xi32>
          %shift_left3A_945 = arith.constant 8 : i32
          %shift_left3A_946 = vector.broadcast %shift_left3A_945 : i32 to vector<16xi32>
          %shift_left3A_947 = arith.shli %and3A_944, %shift_left3A_946 : vector<16xi32>
          %or3A_948 = arith.ori %and3A_941, %shift_left3A_947 : vector<16xi32>
          %shift_right_logical3A_949 = arith.constant 16 : i32
          %shift_right_logical3A_950 = vector.broadcast %shift_right_logical3A_949 : i32 to vector<16xi32>
          %shift_right_logical3A_951 = arith.shrui %xor3A_938, %shift_right_logical3A_950 : vector<16xi32>
          %and3A_952 = arith.constant 255 : i32
          %and3A_953 = vector.broadcast %and3A_952 : i32 to vector<16xi32>
          %and3A_954 = arith.andi %shift_right_logical3A_951, %and3A_953 : vector<16xi32>
          %shift_right_logical3A_955 = arith.constant 8 : i32
          %shift_right_logical3A_956 = vector.broadcast %shift_right_logical3A_955 : i32 to vector<16xi32>
          %shift_right_logical3A_957 = arith.shrui %xor3A_938, %shift_right_logical3A_956 : vector<16xi32>
          %and3A_958 = arith.constant 16711680 : i32
          %and3A_959 = vector.broadcast %and3A_958 : i32 to vector<16xi32>
          %and3A_960 = arith.andi %shift_right_logical3A_957, %and3A_959 : vector<16xi32>
          %or3A_961 = arith.ori %and3A_954, %and3A_960 : vector<16xi32>
          %bitcast3A_962 = vector.bitcast %or3A_948 : vector<16xi32> to vector<32xi16>
          %convert_element_type3A_963 = arith.sitofp %bitcast3A_962 : vector<32xi16> to vector<32xf16>
          %sub3A_964 = arith.subf %convert_element_type3A_963, %broadcast_in_dim3A_461 : vector<32xf16>
          %mul3A_965 = arith.mulf %sub3A_964, %bitcast3A_460 : vector<32xf16>
          %bitcast3A_966 = vector.bitcast %or3A_961 : vector<16xi32> to vector<32xi16>
          %convert_element_type3A_967 = arith.sitofp %bitcast3A_966 : vector<32xi16> to vector<32xf16>
          %sub3A_968 = arith.subf %convert_element_type3A_967, %broadcast_in_dim3A_461 : vector<32xf16>
          %mul3A_969 = arith.mulf %sub3A_968, %bitcast3A_460 : vector<32xf16>
          %broadcast_in_dim3A_970 = arith.constant 22 : i32
          %broadcast_in_dim3A_971 = vector.broadcast %broadcast_in_dim3A_970 : i32 to vector<16xi32>
          %bitcast3A_972 = vector.bitcast %mul3A_965 : vector<32xf16> to vector<16xi32>
          tpu.vector_store_idx %arg9[%add3A_445, %broadcast_in_dim3A_971], %bitcast3A_972 : memref<1024x32xi32, #tpu.memory_space<vmem>>[vector<16xi32>, vector<16xi32>], vector<16xi32>,
          %broadcast_in_dim3A_973 = arith.constant 23 : i32
          %broadcast_in_dim3A_974 = vector.broadcast %broadcast_in_dim3A_973 : i32 to vector<16xi32>
          %bitcast3A_975 = vector.bitcast %mul3A_969 : vector<32xf16> to vector<16xi32>
          tpu.vector_store_idx %arg9[%add3A_445, %broadcast_in_dim3A_974], %bitcast3A_975 : memref<1024x32xi32, #tpu.memory_space<vmem>>[vector<16xi32>, vector<16xi32>], vector<16xi32>,
          %broadcast_in_dim3A_976 = arith.constant 12 : i32
          %broadcast_in_dim3A_977 = vector.broadcast %broadcast_in_dim3A_976 : i32 to vector<16xi32>
          %gather3A_978 = tpu.vector_load_idx %arg8[%add3A_445, %broadcast_in_dim3A_977] : memref<1024x16xi32, #tpu.memory_space<vmem>>[vector<16xi32>, vector<16xi32>], vector<16xi32>,
          %xor3A_979 = arith.constant -2139062144 : i32
          %xor3A_980 = vector.broadcast %xor3A_979 : i32 to vector<16xi32>
          %xor3A_981 = arith.xori %gather3A_978, %xor3A_980 : vector<16xi32>
          %and3A_982 = arith.constant 255 : i32
          %and3A_983 = vector.broadcast %and3A_982 : i32 to vector<16xi32>
          %and3A_984 = arith.andi %xor3A_981, %and3A_983 : vector<16xi32>
          %and3A_985 = arith.constant 65280 : i32
          %and3A_986 = vector.broadcast %and3A_985 : i32 to vector<16xi32>
          %and3A_987 = arith.andi %xor3A_981, %and3A_986 : vector<16xi32>
          %shift_left3A_988 = arith.constant 8 : i32
          %shift_left3A_989 = vector.broadcast %shift_left3A_988 : i32 to vector<16xi32>
          %shift_left3A_990 = arith.shli %and3A_987, %shift_left3A_989 : vector<16xi32>
          %or3A_991 = arith.ori %and3A_984, %shift_left3A_990 : vector<16xi32>
          %shift_right_logical3A_992 = arith.constant 16 : i32
          %shift_right_logical3A_993 = vector.broadcast %shift_right_logical3A_992 : i32 to vector<16xi32>
          %shift_right_logical3A_994 = arith.shrui %xor3A_981, %shift_right_logical3A_993 : vector<16xi32>
          %and3A_995 = arith.constant 255 : i32
          %and3A_996 = vector.broadcast %and3A_995 : i32 to vector<16xi32>
          %and3A_997 = arith.andi %shift_right_logical3A_994, %and3A_996 : vector<16xi32>
          %shift_right_logical3A_998 = arith.constant 8 : i32
          %shift_right_logical3A_999 = vector.broadcast %shift_right_logical3A_998 : i32 to vector<16xi32>
          %shift_right_logical3A_1000 = arith.shrui %xor3A_981, %shift_right_logical3A_999 : vector<16xi32>
          %and3A_1001 = arith.constant 16711680 : i32
          %and3A_1002 = vector.broadcast %and3A_1001 : i32 to vector<16xi32>
          %and3A_1003 = arith.andi %shift_right_logical3A_1000, %and3A_1002 : vector<16xi32>
          %or3A_1004 = arith.ori %and3A_997, %and3A_1003 : vector<16xi32>
          %bitcast3A_1005 = vector.bitcast %or3A_991 : vector<16xi32> to vector<32xi16>
          %convert_element_type3A_1006 = arith.sitofp %bitcast3A_1005 : vector<32xi16> to vector<32xf16>
          %sub3A_1007 = arith.subf %convert_element_type3A_1006, %broadcast_in_dim3A_461 : vector<32xf16>
          %mul3A_1008 = arith.mulf %sub3A_1007, %bitcast3A_460 : vector<32xf16>
          %bitcast3A_1009 = vector.bitcast %or3A_1004 : vector<16xi32> to vector<32xi16>
          %convert_element_type3A_1010 = arith.sitofp %bitcast3A_1009 : vector<32xi16> to vector<32xf16>
          %sub3A_1011 = arith.subf %convert_element_type3A_1010, %broadcast_in_dim3A_461 : vector<32xf16>
          %mul3A_1012 = arith.mulf %sub3A_1011, %bitcast3A_460 : vector<32xf16>
          %broadcast_in_dim3A_1013 = arith.constant 24 : i32
          %broadcast_in_dim3A_1014 = vector.broadcast %broadcast_in_dim3A_1013 : i32 to vector<16xi32>
          %bitcast3A_1015 = vector.bitcast %mul3A_1008 : vector<32xf16> to vector<16xi32>
          tpu.vector_store_idx %arg9[%add3A_445, %broadcast_in_dim3A_1014], %bitcast3A_1015 : memref<1024x32xi32, #tpu.memory_space<vmem>>[vector<16xi32>, vector<16xi32>], vector<16xi32>,
          %broadcast_in_dim3A_1016 = arith.constant 25 : i32
          %broadcast_in_dim3A_1017 = vector.broadcast %broadcast_in_dim3A_1016 : i32 to vector<16xi32>
          %bitcast3A_1018 = vector.bitcast %mul3A_1012 : vector<32xf16> to vector<16xi32>
          tpu.vector_store_idx %arg9[%add3A_445, %broadcast_in_dim3A_1017], %bitcast3A_1018 : memref<1024x32xi32, #tpu.memory_space<vmem>>[vector<16xi32>, vector<16xi32>], vector<16xi32>,
          %broadcast_in_dim3A_1019 = arith.constant 13 : i32
          %broadcast_in_dim3A_1020 = vector.broadcast %broadcast_in_dim3A_1019 : i32 to vector<16xi32>
          %gather3A_1021 = tpu.vector_load_idx %arg8[%add3A_445, %broadcast_in_dim3A_1020] : memref<1024x16xi32, #tpu.memory_space<vmem>>[vector<16xi32>, vector<16xi32>], vector<16xi32>,
          %xor3A_1022 = arith.constant -2139062144 : i32
          %xor3A_1023 = vector.broadcast %xor3A_1022 : i32 to vector<16xi32>
          %xor3A_1024 = arith.xori %gather3A_1021, %xor3A_1023 : vector<16xi32>
          %and3A_1025 = arith.constant 255 : i32
          %and3A_1026 = vector.broadcast %and3A_1025 : i32 to vector<16xi32>
          %and3A_1027 = arith.andi %xor3A_1024, %and3A_1026 : vector<16xi32>
          %and3A_1028 = arith.constant 65280 : i32
          %and3A_1029 = vector.broadcast %and3A_1028 : i32 to vector<16xi32>
          %and3A_1030 = arith.andi %xor3A_1024, %and3A_1029 : vector<16xi32>
          %shift_left3A_1031 = arith.constant 8 : i32
          %shift_left3A_1032 = vector.broadcast %shift_left3A_1031 : i32 to vector<16xi32>
          %shift_left3A_1033 = arith.shli %and3A_1030, %shift_left3A_1032 : vector<16xi32>
          %or3A_1034 = arith.ori %and3A_1027, %shift_left3A_1033 : vector<16xi32>
          %shift_right_logical3A_1035 = arith.constant 16 : i32
          %shift_right_logical3A_1036 = vector.broadcast %shift_right_logical3A_1035 : i32 to vector<16xi32>
          %shift_right_logical3A_1037 = arith.shrui %xor3A_1024, %shift_right_logical3A_1036 : vector<16xi32>
          %and3A_1038 = arith.constant 255 : i32
          %and3A_1039 = vector.broadcast %and3A_1038 : i32 to vector<16xi32>
          %and3A_1040 = arith.andi %shift_right_logical3A_1037, %and3A_1039 : vector<16xi32>
          %shift_right_logical3A_1041 = arith.constant 8 : i32
          %shift_right_logical3A_1042 = vector.broadcast %shift_right_logical3A_1041 : i32 to vector<16xi32>
          %shift_right_logical3A_1043 = arith.shrui %xor3A_1024, %shift_right_logical3A_1042 : vector<16xi32>
          %and3A_1044 = arith.constant 16711680 : i32
          %and3A_1045 = vector.broadcast %and3A_1044 : i32 to vector<16xi32>
          %and3A_1046 = arith.andi %shift_right_logical3A_1043, %and3A_1045 : vector<16xi32>
          %or3A_1047 = arith.ori %and3A_1040, %and3A_1046 : vector<16xi32>
          %bitcast3A_1048 = vector.bitcast %or3A_1034 : vector<16xi32> to vector<32xi16>
          %convert_element_type3A_1049 = arith.sitofp %bitcast3A_1048 : vector<32xi16> to vector<32xf16>
          %sub3A_1050 = arith.subf %convert_element_type3A_1049, %broadcast_in_dim3A_461 : vector<32xf16>
          %mul3A_1051 = arith.mulf %sub3A_1050, %bitcast3A_460 : vector<32xf16>
          %bitcast3A_1052 = vector.bitcast %or3A_1047 : vector<16xi32> to vector<32xi16>
          %convert_element_type3A_1053 = arith.sitofp %bitcast3A_1052 : vector<32xi16> to vector<32xf16>
          %sub3A_1054 = arith.subf %convert_element_type3A_1053, %broadcast_in_dim3A_461 : vector<32xf16>
          %mul3A_1055 = arith.mulf %sub3A_1054, %bitcast3A_460 : vector<32xf16>
          %broadcast_in_dim3A_1056 = arith.constant 26 : i32
          %broadcast_in_dim3A_1057 = vector.broadcast %broadcast_in_dim3A_1056 : i32 to vector<16xi32>
          %bitcast3A_1058 = vector.bitcast %mul3A_1051 : vector<32xf16> to vector<16xi32>
          tpu.vector_store_idx %arg9[%add3A_445, %broadcast_in_dim3A_1057], %bitcast3A_1058 : memref<1024x32xi32, #tpu.memory_space<vmem>>[vector<16xi32>, vector<16xi32>], vector<16xi32>,
          %broadcast_in_dim3A_1059 = arith.constant 27 : i32
          %broadcast_in_dim3A_1060 = vector.broadcast %broadcast_in_dim3A_1059 : i32 to vector<16xi32>
          %bitcast3A_1061 = vector.bitcast %mul3A_1055 : vector<32xf16> to vector<16xi32>
          tpu.vector_store_idx %arg9[%add3A_445, %broadcast_in_dim3A_1060], %bitcast3A_1061 : memref<1024x32xi32, #tpu.memory_space<vmem>>[vector<16xi32>, vector<16xi32>], vector<16xi32>,
          %broadcast_in_dim3A_1062 = arith.constant 14 : i32
          %broadcast_in_dim3A_1063 = vector.broadcast %broadcast_in_dim3A_1062 : i32 to vector<16xi32>
          %gather3A_1064 = tpu.vector_load_idx %arg8[%add3A_445, %broadcast_in_dim3A_1063] : memref<1024x16xi32, #tpu.memory_space<vmem>>[vector<16xi32>, vector<16xi32>], vector<16xi32>,
          %xor3A_1065 = arith.constant -2139062144 : i32
          %xor3A_1066 = vector.broadcast %xor3A_1065 : i32 to vector<16xi32>
          %xor3A_1067 = arith.xori %gather3A_1064, %xor3A_1066 : vector<16xi32>
          %and3A_1068 = arith.constant 255 : i32
          %and3A_1069 = vector.broadcast %and3A_1068 : i32 to vector<16xi32>
          %and3A_1070 = arith.andi %xor3A_1067, %and3A_1069 : vector<16xi32>
          %and3A_1071 = arith.constant 65280 : i32
          %and3A_1072 = vector.broadcast %and3A_1071 : i32 to vector<16xi32>
          %and3A_1073 = arith.andi %xor3A_1067, %and3A_1072 : vector<16xi32>
          %shift_left3A_1074 = arith.constant 8 : i32
          %shift_left3A_1075 = vector.broadcast %shift_left3A_1074 : i32 to vector<16xi32>
          %shift_left3A_1076 = arith.shli %and3A_1073, %shift_left3A_1075 : vector<16xi32>
          %or3A_1077 = arith.ori %and3A_1070, %shift_left3A_1076 : vector<16xi32>
          %shift_right_logical3A_1078 = arith.constant 16 : i32
          %shift_right_logical3A_1079 = vector.broadcast %shift_right_logical3A_1078 : i32 to vector<16xi32>
          %shift_right_logical3A_1080 = arith.shrui %xor3A_1067, %shift_right_logical3A_1079 : vector<16xi32>
          %and3A_1081 = arith.constant 255 : i32
          %and3A_1082 = vector.broadcast %and3A_1081 : i32 to vector<16xi32>
          %and3A_1083 = arith.andi %shift_right_logical3A_1080, %and3A_1082 : vector<16xi32>
          %shift_right_logical3A_1084 = arith.constant 8 : i32
          %shift_right_logical3A_1085 = vector.broadcast %shift_right_logical3A_1084 : i32 to vector<16xi32>
          %shift_right_logical3A_1086 = arith.shrui %xor3A_1067, %shift_right_logical3A_1085 : vector<16xi32>
          %and3A_1087 = arith.constant 16711680 : i32
          %and3A_1088 = vector.broadcast %and3A_1087 : i32 to vector<16xi32>
          %and3A_1089 = arith.andi %shift_right_logical3A_1086, %and3A_1088 : vector<16xi32>
          %or3A_1090 = arith.ori %and3A_1083, %and3A_1089 : vector<16xi32>
          %bitcast3A_1091 = vector.bitcast %or3A_1077 : vector<16xi32> to vector<32xi16>
          %convert_element_type3A_1092 = arith.sitofp %bitcast3A_1091 : vector<32xi16> to vector<32xf16>
          %sub3A_1093 = arith.subf %convert_element_type3A_1092, %broadcast_in_dim3A_461 : vector<32xf16>
          %mul3A_1094 = arith.mulf %sub3A_1093, %bitcast3A_460 : vector<32xf16>
          %bitcast3A_1095 = vector.bitcast %or3A_1090 : vector<16xi32> to vector<32xi16>
          %convert_element_type3A_1096 = arith.sitofp %bitcast3A_1095 : vector<32xi16> to vector<32xf16>
          %sub3A_1097 = arith.subf %convert_element_type3A_1096, %broadcast_in_dim3A_461 : vector<32xf16>
          %mul3A_1098 = arith.mulf %sub3A_1097, %bitcast3A_460 : vector<32xf16>
          %broadcast_in_dim3A_1099 = arith.constant 28 : i32
          %broadcast_in_dim3A_1100 = vector.broadcast %broadcast_in_dim3A_1099 : i32 to vector<16xi32>
          %bitcast3A_1101 = vector.bitcast %mul3A_1094 : vector<32xf16> to vector<16xi32>
          tpu.vector_store_idx %arg9[%add3A_445, %broadcast_in_dim3A_1100], %bitcast3A_1101 : memref<1024x32xi32, #tpu.memory_space<vmem>>[vector<16xi32>, vector<16xi32>], vector<16xi32>,
          %broadcast_in_dim3A_1102 = arith.constant 29 : i32
          %broadcast_in_dim3A_1103 = vector.broadcast %broadcast_in_dim3A_1102 : i32 to vector<16xi32>
          %bitcast3A_1104 = vector.bitcast %mul3A_1098 : vector<32xf16> to vector<16xi32>
          tpu.vector_store_idx %arg9[%add3A_445, %broadcast_in_dim3A_1103], %bitcast3A_1104 : memref<1024x32xi32, #tpu.memory_space<vmem>>[vector<16xi32>, vector<16xi32>], vector<16xi32>,
          %broadcast_in_dim3A_1105 = arith.constant 15 : i32
          %broadcast_in_dim3A_1106 = vector.broadcast %broadcast_in_dim3A_1105 : i32 to vector<16xi32>
          %gather3A_1107 = tpu.vector_load_idx %arg8[%add3A_445, %broadcast_in_dim3A_1106] : memref<1024x16xi32, #tpu.memory_space<vmem>>[vector<16xi32>, vector<16xi32>], vector<16xi32>,
          %xor3A_1108 = arith.constant -2139062144 : i32
          %xor3A_1109 = vector.broadcast %xor3A_1108 : i32 to vector<16xi32>
          %xor3A_1110 = arith.xori %gather3A_1107, %xor3A_1109 : vector<16xi32>
          %and3A_1111 = arith.constant 255 : i32
          %and3A_1112 = vector.broadcast %and3A_1111 : i32 to vector<16xi32>
          %and3A_1113 = arith.andi %xor3A_1110, %and3A_1112 : vector<16xi32>
          %and3A_1114 = arith.constant 65280 : i32
          %and3A_1115 = vector.broadcast %and3A_1114 : i32 to vector<16xi32>
          %and3A_1116 = arith.andi %xor3A_1110, %and3A_1115 : vector<16xi32>
          %shift_left3A_1117 = arith.constant 8 : i32
          %shift_left3A_1118 = vector.broadcast %shift_left3A_1117 : i32 to vector<16xi32>
          %shift_left3A_1119 = arith.shli %and3A_1116, %shift_left3A_1118 : vector<16xi32>
          %or3A_1120 = arith.ori %and3A_1113, %shift_left3A_1119 : vector<16xi32>
          %shift_right_logical3A_1121 = arith.constant 16 : i32
          %shift_right_logical3A_1122 = vector.broadcast %shift_right_logical3A_1121 : i32 to vector<16xi32>
          %shift_right_logical3A_1123 = arith.shrui %xor3A_1110, %shift_right_logical3A_1122 : vector<16xi32>
          %and3A_1124 = arith.constant 255 : i32
          %and3A_1125 = vector.broadcast %and3A_1124 : i32 to vector<16xi32>
          %and3A_1126 = arith.andi %shift_right_logical3A_1123, %and3A_1125 : vector<16xi32>
          %shift_right_logical3A_1127 = arith.constant 8 : i32
          %shift_right_logical3A_1128 = vector.broadcast %shift_right_logical3A_1127 : i32 to vector<16xi32>
          %shift_right_logical3A_1129 = arith.shrui %xor3A_1110, %shift_right_logical3A_1128 : vector<16xi32>
          %and3A_1130 = arith.constant 16711680 : i32
          %and3A_1131 = vector.broadcast %and3A_1130 : i32 to vector<16xi32>
          %and3A_1132 = arith.andi %shift_right_logical3A_1129, %and3A_1131 : vector<16xi32>
          %or3A_1133 = arith.ori %and3A_1126, %and3A_1132 : vector<16xi32>
          %bitcast3A_1134 = vector.bitcast %or3A_1120 : vector<16xi32> to vector<32xi16>
          %convert_element_type3A_1135 = arith.sitofp %bitcast3A_1134 : vector<32xi16> to vector<32xf16>
          %sub3A_1136 = arith.subf %convert_element_type3A_1135, %broadcast_in_dim3A_461 : vector<32xf16>
          %mul3A_1137 = arith.mulf %sub3A_1136, %bitcast3A_460 : vector<32xf16>
          %bitcast3A_1138 = vector.bitcast %or3A_1133 : vector<16xi32> to vector<32xi16>
          %convert_element_type3A_1139 = arith.sitofp %bitcast3A_1138 : vector<32xi16> to vector<32xf16>
          %sub3A_1140 = arith.subf %convert_element_type3A_1139, %broadcast_in_dim3A_461 : vector<32xf16>
          %mul3A_1141 = arith.mulf %sub3A_1140, %bitcast3A_460 : vector<32xf16>
          %broadcast_in_dim3A_1142 = arith.constant 30 : i32
          %broadcast_in_dim3A_1143 = vector.broadcast %broadcast_in_dim3A_1142 : i32 to vector<16xi32>
          %bitcast3A_1144 = vector.bitcast %mul3A_1137 : vector<32xf16> to vector<16xi32>
          tpu.vector_store_idx %arg9[%add3A_445, %broadcast_in_dim3A_1143], %bitcast3A_1144 : memref<1024x32xi32, #tpu.memory_space<vmem>>[vector<16xi32>, vector<16xi32>], vector<16xi32>,
          %broadcast_in_dim3A_1145 = arith.constant 31 : i32
          %broadcast_in_dim3A_1146 = vector.broadcast %broadcast_in_dim3A_1145 : i32 to vector<16xi32>
          %bitcast3A_1147 = vector.bitcast %mul3A_1141 : vector<32xf16> to vector<16xi32>
          tpu.vector_store_idx %arg9[%add3A_445, %broadcast_in_dim3A_1146], %bitcast3A_1147 : memref<1024x32xi32, #tpu.memory_space<vmem>>[vector<16xi32>, vector<16xi32>], vector<16xi32>,
          %scan3A_1148 = arith.constant 0 : i32
          scf.yield %scan3A_1148 : i32
        }
        %scan3A_435 = arith.constant 64 : i32
        %dma_start3A_436 = arith.constant 0 : i32
        %dma_start3A_437 = tpu.memref_slice %arg5[%multiple_of3A_280, %dma_start3A_436] : memref<819200x32xi32, #tpu.memory_space<hbm>> -> memref<1024x32xi32, #tpu.memory_space<hbm>>
        %dma_start3A_438 = arith.constant 0 : i32
        %dma_start3A_439 = tpu.memref_slice %arg5[%multiple_of3A_280, %dma_start3A_438] : memref<819200x32xi32, #tpu.memory_space<hbm>> -> memref<1024x32xi32, #tpu.memory_space<hbm>>
        tpu.enqueue_dma source(%arg9 : memref<1024x32xi32, #tpu.memory_space<vmem>>) target(%dma_start3A_439 : memref<1024x32xi32, #tpu.memory_space<hbm>>) target_semaphore(%arg12 : memref<!tpu.dma_semaphore, #tpu.memory_space<semaphore_mem>>)
      } else {
      }
      %jit3A_255 = arith.constant 2 : i32
      %eq3A_256 = arith.constant 0 : i32
      %eq3A_257 = arith.cmpi eq, %jit3A_255, %eq3A_256 : i32
      %jit3A_258 = arith.constant 1 : i32
      %select_n3A_259 = arith.select %eq3A_257, %jit3A_258, %jit3A_255 : i32
      %rem3A_260 = arith.remsi %scan3A_184, %select_n3A_259 : i32
      %ne3A_261 = arith.constant 0 : i32
      %ne3A_262 = arith.cmpi ne, %rem3A_260, %ne3A_261 : i32
      %lt3A_263 = arith.constant 0 : i32
      %lt3A_264 = arith.cmpi slt, %rem3A_260, %lt3A_263 : i32
      %lt3A_265 = arith.constant 0 : i32
      %lt3A_266 = arith.cmpi slt, %select_n3A_259, %lt3A_265 : i32
      %ne3A_267 = arith.xori %lt3A_264, %lt3A_266 : i1
      %and3A_268 = arith.andi %ne3A_267, %ne3A_262 : i1
      %add3A_269 = arith.addi %rem3A_260, %select_n3A_259 : i32
      %select_n3A_270 = arith.select %and3A_268, %add3A_269, %rem3A_260 : i32
      %eq3A_271 = arith.constant 1 : i32
      %eq3A_272 = arith.cmpi eq, %select_n3A_270, %eq3A_271 : i32
      %convert_element_type3A_273 = arith.extui %eq3A_272 : i1 to i32
      %cond3A_274 = arith.constant 0 : i32
      %cond3A_275 = arith.cmpi ne, %convert_element_type3A_273, %cond3A_274 : i32
      scf.if %cond3A_275 {
        %mul3A_277 = arith.constant 1024 : i32
        %mul3A_278 = arith.muli %scan3A_184, %mul3A_277 : i32
        %add3A_279 = arith.addi %mul3A_2, %mul3A_278 : i32
        %multiple_of3A_280 = tpu.assume_multiple %add3A_279, 1024 : i32
        %dma_wait3A_281 = arith.constant 0 : i32
        %dma_wait3A_282 = arith.constant 0 : i32
        %dma_wait3A_283 = arith.constant 0 : i32
        %dma_wait3A_284 = tpu.memref_slice %arg15[%dma_wait3A_282, %dma_wait3A_283] : memref<1024x16xi32, #tpu.memory_space<vmem>> -> memref<128x16xi32, #tpu.memory_space<vmem>>
        %dma_wait3A_285 = arith.constant 0 : i32
        %dma_wait3A_286 = tpu.memref_slice %arg13[%dma_wait3A_281, %dma_wait3A_285] : memref<8x128xi32, #tpu.memory_space<vmem>> -> memref<1x128xi32, #tpu.memory_space<vmem>>
        %dma_wait3A_287 = tpu.memref_squeeze %dma_wait3A_286 : memref<1x128xi32, #tpu.memory_space<vmem>> -> memref<128xi32, #tpu.memory_space<vmem>>
        %dma_wait3A_288 = arith.constant 0 : i32
        %dma_wait3A_289 = arith.constant 0 : i32
        %dma_wait3A_290 = tpu.memref_slice %arg3[%dma_wait3A_288, %dma_wait3A_289] : memref<1000000x16xi32, #tpu.memory_space<hbm>> -> memref<1000000x16xi32, #tpu.memory_space<hbm>>
        tpu.wait_indirect_dma semaphore(%arg17 : memref<!tpu.dma_semaphore, #tpu.memory_space<semaphore_mem>>) src(%dma_wait3A_290 : memref<1000000x16xi32, #tpu.memory_space<hbm>>) dst(%dma_wait3A_284 : memref<128x16xi32, #tpu.memory_space<vmem>>)
        %dma_wait3A_291 = arith.constant 0 : i32
        %dma_wait3A_292 = arith.constant 0 : i32
        %dma_wait3A_293 = tpu.memref_slice %arg14[%dma_wait3A_292] : memref<1024xi32, #tpu.memory_space<vmem>> -> memref<128xi32, #tpu.memory_space<vmem>>
        %dma_wait3A_294 = arith.constant 0 : i32
        %dma_wait3A_295 = tpu.memref_slice %arg13[%dma_wait3A_291, %dma_wait3A_294] : memref<8x128xi32, #tpu.memory_space<vmem>> -> memref<1x128xi32, #tpu.memory_space<vmem>>
        %dma_wait3A_296 = tpu.memref_squeeze %dma_wait3A_295 : memref<1x128xi32, #tpu.memory_space<vmem>> -> memref<128xi32, #tpu.memory_space<vmem>>
        %dma_wait3A_297 = arith.constant 0 : i32
        %dma_wait3A_298 = tpu.memref_slice %arg4[%dma_wait3A_297] : memref<1000000xi32, #tpu.memory_space<hbm>> -> memref<1000000xi32, #tpu.memory_space<hbm>>
        tpu.wait_indirect_dma semaphore(%arg18 : memref<!tpu.dma_semaphore, #tpu.memory_space<semaphore_mem>>) src(%dma_wait3A_298 : memref<1000000xi32, #tpu.memory_space<hbm>>) dst(%dma_wait3A_293 : memref<128xi32, #tpu.memory_space<vmem>>)
        %dma_wait3A_299 = arith.constant 1 : i32
        %dma_wait3A_300 = arith.constant 128 : i32
        %dma_wait3A_301 = arith.constant 0 : i32
        %dma_wait3A_302 = tpu.memref_slice %arg15[%dma_wait3A_300, %dma_wait3A_301] : memref<1024x16xi32, #tpu.memory_space<vmem>> -> memref<128x16xi32, #tpu.memory_space<vmem>>
        %dma_wait3A_303 = arith.constant 0 : i32
        %dma_wait3A_304 = tpu.memref_slice %arg13[%dma_wait3A_299, %dma_wait3A_303] : memref<8x128xi32, #tpu.memory_space<vmem>> -> memref<1x128xi32, #tpu.memory_space<vmem>>
        %dma_wait3A_305 = tpu.memref_squeeze %dma_wait3A_304 : memref<1x128xi32, #tpu.memory_space<vmem>> -> memref<128xi32, #tpu.memory_space<vmem>>
        %dma_wait3A_306 = arith.constant 0 : i32
        %dma_wait3A_307 = arith.constant 0 : i32
        %dma_wait3A_308 = tpu.memref_slice %arg3[%dma_wait3A_306, %dma_wait3A_307] : memref<1000000x16xi32, #tpu.memory_space<hbm>> -> memref<1000000x16xi32, #tpu.memory_space<hbm>>
        tpu.wait_indirect_dma semaphore(%arg17 : memref<!tpu.dma_semaphore, #tpu.memory_space<semaphore_mem>>) src(%dma_wait3A_308 : memref<1000000x16xi32, #tpu.memory_space<hbm>>) dst(%dma_wait3A_302 : memref<128x16xi32, #tpu.memory_space<vmem>>)
        %dma_wait3A_309 = arith.constant 1 : i32
        %dma_wait3A_310 = arith.constant 128 : i32
        %dma_wait3A_311 = tpu.memref_slice %arg14[%dma_wait3A_310] : memref<1024xi32, #tpu.memory_space<vmem>> -> memref<128xi32, #tpu.memory_space<vmem>>
        %dma_wait3A_312 = arith.constant 0 : i32
        %dma_wait3A_313 = tpu.memref_slice %arg13[%dma_wait3A_309, %dma_wait3A_312] : memref<8x128xi32, #tpu.memory_space<vmem>> -> memref<1x128xi32, #tpu.memory_space<vmem>>
        %dma_wait3A_314 = tpu.memref_squeeze %dma_wait3A_313 : memref<1x128xi32, #tpu.memory_space<vmem>> -> memref<128xi32, #tpu.memory_space<vmem>>
        %dma_wait3A_315 = arith.constant 0 : i32
        %dma_wait3A_316 = tpu.memref_slice %arg4[%dma_wait3A_315] : memref<1000000xi32, #tpu.memory_space<hbm>> -> memref<1000000xi32, #tpu.memory_space<hbm>>
        tpu.wait_indirect_dma semaphore(%arg18 : memref<!tpu.dma_semaphore, #tpu.memory_space<semaphore_mem>>) src(%dma_wait3A_316 : memref<1000000xi32, #tpu.memory_space<hbm>>) dst(%dma_wait3A_311 : memref<128xi32, #tpu.memory_space<vmem>>)
        %dma_wait3A_317 = arith.constant 2 : i32
        %dma_wait3A_318 = arith.constant 256 : i32
        %dma_wait3A_319 = arith.constant 0 : i32
        %dma_wait3A_320 = tpu.memref_slice %arg15[%dma_wait3A_318, %dma_wait3A_319] : memref<1024x16xi32, #tpu.memory_space<vmem>> -> memref<128x16xi32, #tpu.memory_space<vmem>>
        %dma_wait3A_321 = arith.constant 0 : i32
        %dma_wait3A_322 = tpu.memref_slice %arg13[%dma_wait3A_317, %dma_wait3A_321] : memref<8x128xi32, #tpu.memory_space<vmem>> -> memref<1x128xi32, #tpu.memory_space<vmem>>
        %dma_wait3A_323 = tpu.memref_squeeze %dma_wait3A_322 : memref<1x128xi32, #tpu.memory_space<vmem>> -> memref<128xi32, #tpu.memory_space<vmem>>
        %dma_wait3A_324 = arith.constant 0 : i32
        %dma_wait3A_325 = arith.constant 0 : i32
        %dma_wait3A_326 = tpu.memref_slice %arg3[%dma_wait3A_324, %dma_wait3A_325] : memref<1000000x16xi32, #tpu.memory_space<hbm>> -> memref<1000000x16xi32, #tpu.memory_space<hbm>>
        tpu.wait_indirect_dma semaphore(%arg17 : memref<!tpu.dma_semaphore, #tpu.memory_space<semaphore_mem>>) src(%dma_wait3A_326 : memref<1000000x16xi32, #tpu.memory_space<hbm>>) dst(%dma_wait3A_320 : memref<128x16xi32, #tpu.memory_space<vmem>>)
        %dma_wait3A_327 = arith.constant 2 : i32
        %dma_wait3A_328 = arith.constant 256 : i32
        %dma_wait3A_329 = tpu.memref_slice %arg14[%dma_wait3A_328] : memref<1024xi32, #tpu.memory_space<vmem>> -> memref<128xi32, #tpu.memory_space<vmem>>
        %dma_wait3A_330 = arith.constant 0 : i32
        %dma_wait3A_331 = tpu.memref_slice %arg13[%dma_wait3A_327, %dma_wait3A_330] : memref<8x128xi32, #tpu.memory_space<vmem>> -> memref<1x128xi32, #tpu.memory_space<vmem>>
        %dma_wait3A_332 = tpu.memref_squeeze %dma_wait3A_331 : memref<1x128xi32, #tpu.memory_space<vmem>> -> memref<128xi32, #tpu.memory_space<vmem>>
        %dma_wait3A_333 = arith.constant 0 : i32
        %dma_wait3A_334 = tpu.memref_slice %arg4[%dma_wait3A_333] : memref<1000000xi32, #tpu.memory_space<hbm>> -> memref<1000000xi32, #tpu.memory_space<hbm>>
        tpu.wait_indirect_dma semaphore(%arg18 : memref<!tpu.dma_semaphore, #tpu.memory_space<semaphore_mem>>) src(%dma_wait3A_334 : memref<1000000xi32, #tpu.memory_space<hbm>>) dst(%dma_wait3A_329 : memref<128xi32, #tpu.memory_space<vmem>>)
        %dma_wait3A_335 = arith.constant 3 : i32
        %dma_wait3A_336 = arith.constant 384 : i32
        %dma_wait3A_337 = arith.constant 0 : i32
        %dma_wait3A_338 = tpu.memref_slice %arg15[%dma_wait3A_336, %dma_wait3A_337] : memref<1024x16xi32, #tpu.memory_space<vmem>> -> memref<128x16xi32, #tpu.memory_space<vmem>>
        %dma_wait3A_339 = arith.constant 0 : i32
        %dma_wait3A_340 = tpu.memref_slice %arg13[%dma_wait3A_335, %dma_wait3A_339] : memref<8x128xi32, #tpu.memory_space<vmem>> -> memref<1x128xi32, #tpu.memory_space<vmem>>
        %dma_wait3A_341 = tpu.memref_squeeze %dma_wait3A_340 : memref<1x128xi32, #tpu.memory_space<vmem>> -> memref<128xi32, #tpu.memory_space<vmem>>
        %dma_wait3A_342 = arith.constant 0 : i32
        %dma_wait3A_343 = arith.constant 0 : i32
        %dma_wait3A_344 = tpu.memref_slice %arg3[%dma_wait3A_342, %dma_wait3A_343] : memref<1000000x16xi32, #tpu.memory_space<hbm>> -> memref<1000000x16xi32, #tpu.memory_space<hbm>>
        tpu.wait_indirect_dma semaphore(%arg17 : memref<!tpu.dma_semaphore, #tpu.memory_space<semaphore_mem>>) src(%dma_wait3A_344 : memref<1000000x16xi32, #tpu.memory_space<hbm>>) dst(%dma_wait3A_338 : memref<128x16xi32, #tpu.memory_space<vmem>>)
        %dma_wait3A_345 = arith.constant 3 : i32
        %dma_wait3A_346 = arith.constant 384 : i32
        %dma_wait3A_347 = tpu.memref_slice %arg14[%dma_wait3A_346] : memref<1024xi32, #tpu.memory_space<vmem>> -> memref<128xi32, #tpu.memory_space<vmem>>
        %dma_wait3A_348 = arith.constant 0 : i32
        %dma_wait3A_349 = tpu.memref_slice %arg13[%dma_wait3A_345, %dma_wait3A_348] : memref<8x128xi32, #tpu.memory_space<vmem>> -> memref<1x128xi32, #tpu.memory_space<vmem>>
        %dma_wait3A_350 = tpu.memref_squeeze %dma_wait3A_349 : memref<1x128xi32, #tpu.memory_space<vmem>> -> memref<128xi32, #tpu.memory_space<vmem>>
        %dma_wait3A_351 = arith.constant 0 : i32
        %dma_wait3A_352 = tpu.memref_slice %arg4[%dma_wait3A_351] : memref<1000000xi32, #tpu.memory_space<hbm>> -> memref<1000000xi32, #tpu.memory_space<hbm>>
        tpu.wait_indirect_dma semaphore(%arg18 : memref<!tpu.dma_semaphore, #tpu.memory_space<semaphore_mem>>) src(%dma_wait3A_352 : memref<1000000xi32, #tpu.memory_space<hbm>>) dst(%dma_wait3A_347 : memref<128xi32, #tpu.memory_space<vmem>>)
        %dma_wait3A_353 = arith.constant 4 : i32
        %dma_wait3A_354 = arith.constant 512 : i32
        %dma_wait3A_355 = arith.constant 0 : i32
        %dma_wait3A_356 = tpu.memref_slice %arg15[%dma_wait3A_354, %dma_wait3A_355] : memref<1024x16xi32, #tpu.memory_space<vmem>> -> memref<128x16xi32, #tpu.memory_space<vmem>>
        %dma_wait3A_357 = arith.constant 0 : i32
        %dma_wait3A_358 = tpu.memref_slice %arg13[%dma_wait3A_353, %dma_wait3A_357] : memref<8x128xi32, #tpu.memory_space<vmem>> -> memref<1x128xi32, #tpu.memory_space<vmem>>
        %dma_wait3A_359 = tpu.memref_squeeze %dma_wait3A_358 : memref<1x128xi32, #tpu.memory_space<vmem>> -> memref<128xi32, #tpu.memory_space<vmem>>
        %dma_wait3A_360 = arith.constant 0 : i32
        %dma_wait3A_361 = arith.constant 0 : i32
        %dma_wait3A_362 = tpu.memref_slice %arg3[%dma_wait3A_360, %dma_wait3A_361] : memref<1000000x16xi32, #tpu.memory_space<hbm>> -> memref<1000000x16xi32, #tpu.memory_space<hbm>>
        tpu.wait_indirect_dma semaphore(%arg17 : memref<!tpu.dma_semaphore, #tpu.memory_space<semaphore_mem>>) src(%dma_wait3A_362 : memref<1000000x16xi32, #tpu.memory_space<hbm>>) dst(%dma_wait3A_356 : memref<128x16xi32, #tpu.memory_space<vmem>>)
        %dma_wait3A_363 = arith.constant 4 : i32
        %dma_wait3A_364 = arith.constant 512 : i32
        %dma_wait3A_365 = tpu.memref_slice %arg14[%dma_wait3A_364] : memref<1024xi32, #tpu.memory_space<vmem>> -> memref<128xi32, #tpu.memory_space<vmem>>
        %dma_wait3A_366 = arith.constant 0 : i32
        %dma_wait3A_367 = tpu.memref_slice %arg13[%dma_wait3A_363, %dma_wait3A_366] : memref<8x128xi32, #tpu.memory_space<vmem>> -> memref<1x128xi32, #tpu.memory_space<vmem>>
        %dma_wait3A_368 = tpu.memref_squeeze %dma_wait3A_367 : memref<1x128xi32, #tpu.memory_space<vmem>> -> memref<128xi32, #tpu.memory_space<vmem>>
        %dma_wait3A_369 = arith.constant 0 : i32
        %dma_wait3A_370 = tpu.memref_slice %arg4[%dma_wait3A_369] : memref<1000000xi32, #tpu.memory_space<hbm>> -> memref<1000000xi32, #tpu.memory_space<hbm>>
        tpu.wait_indirect_dma semaphore(%arg18 : memref<!tpu.dma_semaphore, #tpu.memory_space<semaphore_mem>>) src(%dma_wait3A_370 : memref<1000000xi32, #tpu.memory_space<hbm>>) dst(%dma_wait3A_365 : memref<128xi32, #tpu.memory_space<vmem>>)
        %dma_wait3A_371 = arith.constant 5 : i32
        %dma_wait3A_372 = arith.constant 640 : i32
        %dma_wait3A_373 = arith.constant 0 : i32
        %dma_wait3A_374 = tpu.memref_slice %arg15[%dma_wait3A_372, %dma_wait3A_373] : memref<1024x16xi32, #tpu.memory_space<vmem>> -> memref<128x16xi32, #tpu.memory_space<vmem>>
        %dma_wait3A_375 = arith.constant 0 : i32
        %dma_wait3A_376 = tpu.memref_slice %arg13[%dma_wait3A_371, %dma_wait3A_375] : memref<8x128xi32, #tpu.memory_space<vmem>> -> memref<1x128xi32, #tpu.memory_space<vmem>>
        %dma_wait3A_377 = tpu.memref_squeeze %dma_wait3A_376 : memref<1x128xi32, #tpu.memory_space<vmem>> -> memref<128xi32, #tpu.memory_space<vmem>>
        %dma_wait3A_378 = arith.constant 0 : i32
        %dma_wait3A_379 = arith.constant 0 : i32
        %dma_wait3A_380 = tpu.memref_slice %arg3[%dma_wait3A_378, %dma_wait3A_379] : memref<1000000x16xi32, #tpu.memory_space<hbm>> -> memref<1000000x16xi32, #tpu.memory_space<hbm>>
        tpu.wait_indirect_dma semaphore(%arg17 : memref<!tpu.dma_semaphore, #tpu.memory_space<semaphore_mem>>) src(%dma_wait3A_380 : memref<1000000x16xi32, #tpu.memory_space<hbm>>) dst(%dma_wait3A_374 : memref<128x16xi32, #tpu.memory_space<vmem>>)
        %dma_wait3A_381 = arith.constant 5 : i32
        %dma_wait3A_382 = arith.constant 640 : i32
        %dma_wait3A_383 = tpu.memref_slice %arg14[%dma_wait3A_382] : memref<1024xi32, #tpu.memory_space<vmem>> -> memref<128xi32, #tpu.memory_space<vmem>>
        %dma_wait3A_384 = arith.constant 0 : i32
        %dma_wait3A_385 = tpu.memref_slice %arg13[%dma_wait3A_381, %dma_wait3A_384] : memref<8x128xi32, #tpu.memory_space<vmem>> -> memref<1x128xi32, #tpu.memory_space<vmem>>
        %dma_wait3A_386 = tpu.memref_squeeze %dma_wait3A_385 : memref<1x128xi32, #tpu.memory_space<vmem>> -> memref<128xi32, #tpu.memory_space<vmem>>
        %dma_wait3A_387 = arith.constant 0 : i32
        %dma_wait3A_388 = tpu.memref_slice %arg4[%dma_wait3A_387] : memref<1000000xi32, #tpu.memory_space<hbm>> -> memref<1000000xi32, #tpu.memory_space<hbm>>
        tpu.wait_indirect_dma semaphore(%arg18 : memref<!tpu.dma_semaphore, #tpu.memory_space<semaphore_mem>>) src(%dma_wait3A_388 : memref<1000000xi32, #tpu.memory_space<hbm>>) dst(%dma_wait3A_383 : memref<128xi32, #tpu.memory_space<vmem>>)
        %dma_wait3A_389 = arith.constant 6 : i32
        %dma_wait3A_390 = arith.constant 768 : i32
        %dma_wait3A_391 = arith.constant 0 : i32
        %dma_wait3A_392 = tpu.memref_slice %arg15[%dma_wait3A_390, %dma_wait3A_391] : memref<1024x16xi32, #tpu.memory_space<vmem>> -> memref<128x16xi32, #tpu.memory_space<vmem>>
        %dma_wait3A_393 = arith.constant 0 : i32
        %dma_wait3A_394 = tpu.memref_slice %arg13[%dma_wait3A_389, %dma_wait3A_393] : memref<8x128xi32, #tpu.memory_space<vmem>> -> memref<1x128xi32, #tpu.memory_space<vmem>>
        %dma_wait3A_395 = tpu.memref_squeeze %dma_wait3A_394 : memref<1x128xi32, #tpu.memory_space<vmem>> -> memref<128xi32, #tpu.memory_space<vmem>>
        %dma_wait3A_396 = arith.constant 0 : i32
        %dma_wait3A_397 = arith.constant 0 : i32
        %dma_wait3A_398 = tpu.memref_slice %arg3[%dma_wait3A_396, %dma_wait3A_397] : memref<1000000x16xi32, #tpu.memory_space<hbm>> -> memref<1000000x16xi32, #tpu.memory_space<hbm>>
        tpu.wait_indirect_dma semaphore(%arg17 : memref<!tpu.dma_semaphore, #tpu.memory_space<semaphore_mem>>) src(%dma_wait3A_398 : memref<1000000x16xi32, #tpu.memory_space<hbm>>) dst(%dma_wait3A_392 : memref<128x16xi32, #tpu.memory_space<vmem>>)
        %dma_wait3A_399 = arith.constant 6 : i32
        %dma_wait3A_400 = arith.constant 768 : i32
        %dma_wait3A_401 = tpu.memref_slice %arg14[%dma_wait3A_400] : memref<1024xi32, #tpu.memory_space<vmem>> -> memref<128xi32, #tpu.memory_space<vmem>>
        %dma_wait3A_402 = arith.constant 0 : i32
        %dma_wait3A_403 = tpu.memref_slice %arg13[%dma_wait3A_399, %dma_wait3A_402] : memref<8x128xi32, #tpu.memory_space<vmem>> -> memref<1x128xi32, #tpu.memory_space<vmem>>
        %dma_wait3A_404 = tpu.memref_squeeze %dma_wait3A_403 : memref<1x128xi32, #tpu.memory_space<vmem>> -> memref<128xi32, #tpu.memory_space<vmem>>
        %dma_wait3A_405 = arith.constant 0 : i32
        %dma_wait3A_406 = tpu.memref_slice %arg4[%dma_wait3A_405] : memref<1000000xi32, #tpu.memory_space<hbm>> -> memref<1000000xi32, #tpu.memory_space<hbm>>
        tpu.wait_indirect_dma semaphore(%arg18 : memref<!tpu.dma_semaphore, #tpu.memory_space<semaphore_mem>>) src(%dma_wait3A_406 : memref<1000000xi32, #tpu.memory_space<hbm>>) dst(%dma_wait3A_401 : memref<128xi32, #tpu.memory_space<vmem>>)
        %dma_wait3A_407 = arith.constant 7 : i32
        %dma_wait3A_408 = arith.constant 896 : i32
        %dma_wait3A_409 = arith.constant 0 : i32
        %dma_wait3A_410 = tpu.memref_slice %arg15[%dma_wait3A_408, %dma_wait3A_409] : memref<1024x16xi32, #tpu.memory_space<vmem>> -> memref<128x16xi32, #tpu.memory_space<vmem>>
        %dma_wait3A_411 = arith.constant 0 : i32
        %dma_wait3A_412 = tpu.memref_slice %arg13[%dma_wait3A_407, %dma_wait3A_411] : memref<8x128xi32, #tpu.memory_space<vmem>> -> memref<1x128xi32, #tpu.memory_space<vmem>>
        %dma_wait3A_413 = tpu.memref_squeeze %dma_wait3A_412 : memref<1x128xi32, #tpu.memory_space<vmem>> -> memref<128xi32, #tpu.memory_space<vmem>>
        %dma_wait3A_414 = arith.constant 0 : i32
        %dma_wait3A_415 = arith.constant 0 : i32
        %dma_wait3A_416 = tpu.memref_slice %arg3[%dma_wait3A_414, %dma_wait3A_415] : memref<1000000x16xi32, #tpu.memory_space<hbm>> -> memref<1000000x16xi32, #tpu.memory_space<hbm>>
        tpu.wait_indirect_dma semaphore(%arg17 : memref<!tpu.dma_semaphore, #tpu.memory_space<semaphore_mem>>) src(%dma_wait3A_416 : memref<1000000x16xi32, #tpu.memory_space<hbm>>) dst(%dma_wait3A_410 : memref<128x16xi32, #tpu.memory_space<vmem>>)
        %dma_wait3A_417 = arith.constant 7 : i32
        %dma_wait3A_418 = arith.constant 896 : i32
        %dma_wait3A_419 = tpu.memref_slice %arg14[%dma_wait3A_418] : memref<1024xi32, #tpu.memory_space<vmem>> -> memref<128xi32, #tpu.memory_space<vmem>>
        %dma_wait3A_420 = arith.constant 0 : i32
        %dma_wait3A_421 = tpu.memref_slice %arg13[%dma_wait3A_417, %dma_wait3A_420] : memref<8x128xi32, #tpu.memory_space<vmem>> -> memref<1x128xi32, #tpu.memory_space<vmem>>
        %dma_wait3A_422 = tpu.memref_squeeze %dma_wait3A_421 : memref<1x128xi32, #tpu.memory_space<vmem>> -> memref<128xi32, #tpu.memory_space<vmem>>
        %dma_wait3A_423 = arith.constant 0 : i32
        %dma_wait3A_424 = tpu.memref_slice %arg4[%dma_wait3A_423] : memref<1000000xi32, #tpu.memory_space<hbm>> -> memref<1000000xi32, #tpu.memory_space<hbm>>
        tpu.wait_indirect_dma semaphore(%arg18 : memref<!tpu.dma_semaphore, #tpu.memory_space<semaphore_mem>>) src(%dma_wait3A_424 : memref<1000000xi32, #tpu.memory_space<hbm>>) dst(%dma_wait3A_419 : memref<128xi32, #tpu.memory_space<vmem>>)
        %ge3A = arith.constant 2 : i32
        %ge3A_425 = arith.cmpi sge, %scan3A_184, %ge3A : i32
        %convert_element_type3A_426 = arith.extui %ge3A_425 : i1 to i32
        %cond3A_427 = arith.constant 0 : i32
        %cond3A_428 = arith.cmpi ne, %convert_element_type3A_426, %cond3A_427 : i32
        scf.if %cond3A_428 {
          %dma_wait3A_440 = arith.constant 0 : i32
          %dma_wait3A_441 = tpu.memref_slice %arg5[%multiple_of3A_280, %dma_wait3A_440] : memref<819200x32xi32, #tpu.memory_space<hbm>> -> memref<1024x32xi32, #tpu.memory_space<hbm>>
          %dma_wait3A_442 = arith.constant 0 : i32
          %dma_wait3A_443 = tpu.memref_slice %arg5[%multiple_of3A_280, %dma_wait3A_442] : memref<819200x32xi32, #tpu.memory_space<hbm>> -> memref<1024x32xi32, #tpu.memory_space<hbm>>
          tpu.wait_dma2 semaphore(%arg19 : memref<!tpu.dma_semaphore, #tpu.memory_space<semaphore_mem>>) src(%arg16 : memref<1024x32xi32, #tpu.memory_space<vmem>>) dst(%dma_wait3A_443 : memref<1024x32xi32, #tpu.memory_space<hbm>>)
        } else {
        }
        %scan3A_429 = arith.constant 0 : i32
        %scan3A_430 = arith.constant 0 : i32
        %scan3A_431 = arith.constant 64 : i32
        %scan3A_432 = arith.addi %scan3A_430, %scan3A_431 : i32
        %scan3A_433 = arith.constant 1 : i32
        %scan3A_434 = scf.for %scan3A_440 = %scan3A_430 to %scan3A_432 step %scan3A_433 iter_args(%scan3A_441 = %scan3A_429) -> (i32)  : i32 {
          %mul3A_442 = arith.constant 16 : i32
          %mul3A_443 = arith.muli %scan3A_440, %mul3A_442 : i32
          %iota3A = tpu.iota {dimensions = array<i32: 0>} : vector<16xi32>
          %add3A_444 = vector.broadcast %mul3A_443 : i32 to vector<16xi32>
          %add3A_445 = arith.addi %add3A_444, %iota3A : vector<16xi32>
          %mul3A_446 = arith.constant 16 : i32
          %mul3A_447 = arith.muli %scan3A_440, %mul3A_446 : i32
          %get3A = arith.index_cast %mul3A_447 : i32 to index
          %get3A_448 = tpu.vector_load %arg14[%get3A] {strides = array<i32>} : memref<1024xi32, #tpu.memory_space<vmem>>, vector<16xi32>,
          %and3A_449 = arith.constant 65535 : i32
          %and3A_450 = vector.broadcast %and3A_449 : i32 to vector<16xi32>
          %and3A_451 = arith.andi %get3A_448, %and3A_450 : vector<16xi32>
          %shift_left3A = arith.constant 16 : i32
          %shift_left3A_452 = vector.broadcast %shift_left3A : i32 to vector<16xi32>
          %shift_left3A_453 = arith.shli %get3A_448, %shift_left3A_452 : vector<16xi32>
          %or3A = arith.ori %and3A_451, %shift_left3A_453 : vector<16xi32>
          %bitcast3A = vector.bitcast %or3A : vector<16xi32> to vector<32xf16>
          %shift_right_logical3A = arith.constant 16 : i32
          %shift_right_logical3A_454 = vector.broadcast %shift_right_logical3A : i32 to vector<16xi32>
          %shift_right_logical3A_455 = arith.shrui %get3A_448, %shift_right_logical3A_454 : vector<16xi32>
          %and3A_456 = arith.constant -65536 : i32
          %and3A_457 = vector.broadcast %and3A_456 : i32 to vector<16xi32>
          %and3A_458 = arith.andi %get3A_448, %and3A_457 : vector<16xi32>
          %or3A_459 = arith.ori %shift_right_logical3A_455, %and3A_458 : vector<16xi32>
          %bitcast3A_460 = vector.bitcast %or3A_459 : vector<16xi32> to vector<32xf16>
          %broadcast_in_dim3A = arith.constant 1.280000e+02 : f16
          %broadcast_in_dim3A_461 = vector.broadcast %broadcast_in_dim3A : f16 to vector<32xf16>
          %broadcast_in_dim3A_462 = arith.constant 0 : i32
          %broadcast_in_dim3A_463 = vector.broadcast %broadcast_in_dim3A_462 : i32 to vector<16xi32>
          %gather3A = tpu.vector_load_idx %arg15[%add3A_445, %broadcast_in_dim3A_463] : memref<1024x16xi32, #tpu.memory_space<vmem>>[vector<16xi32>, vector<16xi32>], vector<16xi32>,
          %xor3A = arith.constant -2139062144 : i32
          %xor3A_464 = vector.broadcast %xor3A : i32 to vector<16xi32>
          %xor3A_465 = arith.xori %gather3A, %xor3A_464 : vector<16xi32>
          %and3A_466 = arith.constant 255 : i32
          %and3A_467 = vector.broadcast %and3A_466 : i32 to vector<16xi32>
          %and3A_468 = arith.andi %xor3A_465, %and3A_467 : vector<16xi32>
          %and3A_469 = arith.constant 65280 : i32
          %and3A_470 = vector.broadcast %and3A_469 : i32 to vector<16xi32>
          %and3A_471 = arith.andi %xor3A_465, %and3A_470 : vector<16xi32>
          %shift_left3A_472 = arith.constant 8 : i32
          %shift_left3A_473 = vector.broadcast %shift_left3A_472 : i32 to vector<16xi32>
          %shift_left3A_474 = arith.shli %and3A_471, %shift_left3A_473 : vector<16xi32>
          %or3A_475 = arith.ori %and3A_468, %shift_left3A_474 : vector<16xi32>
          %shift_right_logical3A_476 = arith.constant 16 : i32
          %shift_right_logical3A_477 = vector.broadcast %shift_right_logical3A_476 : i32 to vector<16xi32>
          %shift_right_logical3A_478 = arith.shrui %xor3A_465, %shift_right_logical3A_477 : vector<16xi32>
          %and3A_479 = arith.constant 255 : i32
          %and3A_480 = vector.broadcast %and3A_479 : i32 to vector<16xi32>
          %and3A_481 = arith.andi %shift_right_logical3A_478, %and3A_480 : vector<16xi32>
          %shift_right_logical3A_482 = arith.constant 8 : i32
          %shift_right_logical3A_483 = vector.broadcast %shift_right_logical3A_482 : i32 to vector<16xi32>
          %shift_right_logical3A_484 = arith.shrui %xor3A_465, %shift_right_logical3A_483 : vector<16xi32>
          %and3A_485 = arith.constant 16711680 : i32
          %and3A_486 = vector.broadcast %and3A_485 : i32 to vector<16xi32>
          %and3A_487 = arith.andi %shift_right_logical3A_484, %and3A_486 : vector<16xi32>
          %or3A_488 = arith.ori %and3A_481, %and3A_487 : vector<16xi32>
          %bitcast3A_489 = vector.bitcast %or3A_475 : vector<16xi32> to vector<32xi16>
          %convert_element_type3A_490 = arith.sitofp %bitcast3A_489 : vector<32xi16> to vector<32xf16>
          %sub3A_491 = arith.subf %convert_element_type3A_490, %broadcast_in_dim3A_461 : vector<32xf16>
          %mul3A_492 = arith.mulf %sub3A_491, %bitcast3A : vector<32xf16>
          %bitcast3A_493 = vector.bitcast %or3A_488 : vector<16xi32> to vector<32xi16>
          %convert_element_type3A_494 = arith.sitofp %bitcast3A_493 : vector<32xi16> to vector<32xf16>
          %sub3A_495 = arith.subf %convert_element_type3A_494, %broadcast_in_dim3A_461 : vector<32xf16>
          %mul3A_496 = arith.mulf %sub3A_495, %bitcast3A : vector<32xf16>
          %broadcast_in_dim3A_497 = arith.constant 0 : i32
          %broadcast_in_dim3A_498 = vector.broadcast %broadcast_in_dim3A_497 : i32 to vector<16xi32>
          %bitcast3A_499 = vector.bitcast %mul3A_492 : vector<32xf16> to vector<16xi32>
          tpu.vector_store_idx %arg16[%add3A_445, %broadcast_in_dim3A_498], %bitcast3A_499 : memref<1024x32xi32, #tpu.memory_space<vmem>>[vector<16xi32>, vector<16xi32>], vector<16xi32>,
          %broadcast_in_dim3A_500 = arith.constant 1 : i32
          %broadcast_in_dim3A_501 = vector.broadcast %broadcast_in_dim3A_500 : i32 to vector<16xi32>
          %bitcast3A_502 = vector.bitcast %mul3A_496 : vector<32xf16> to vector<16xi32>
          tpu.vector_store_idx %arg16[%add3A_445, %broadcast_in_dim3A_501], %bitcast3A_502 : memref<1024x32xi32, #tpu.memory_space<vmem>>[vector<16xi32>, vector<16xi32>], vector<16xi32>,
          %broadcast_in_dim3A_503 = arith.constant 1 : i32
          %broadcast_in_dim3A_504 = vector.broadcast %broadcast_in_dim3A_503 : i32 to vector<16xi32>
          %gather3A_505 = tpu.vector_load_idx %arg15[%add3A_445, %broadcast_in_dim3A_504] : memref<1024x16xi32, #tpu.memory_space<vmem>>[vector<16xi32>, vector<16xi32>], vector<16xi32>,
          %xor3A_506 = arith.constant -2139062144 : i32
          %xor3A_507 = vector.broadcast %xor3A_506 : i32 to vector<16xi32>
          %xor3A_508 = arith.xori %gather3A_505, %xor3A_507 : vector<16xi32>
          %and3A_509 = arith.constant 255 : i32
          %and3A_510 = vector.broadcast %and3A_509 : i32 to vector<16xi32>
          %and3A_511 = arith.andi %xor3A_508, %and3A_510 : vector<16xi32>
          %and3A_512 = arith.constant 65280 : i32
          %and3A_513 = vector.broadcast %and3A_512 : i32 to vector<16xi32>
          %and3A_514 = arith.andi %xor3A_508, %and3A_513 : vector<16xi32>
          %shift_left3A_515 = arith.constant 8 : i32
          %shift_left3A_516 = vector.broadcast %shift_left3A_515 : i32 to vector<16xi32>
          %shift_left3A_517 = arith.shli %and3A_514, %shift_left3A_516 : vector<16xi32>
          %or3A_518 = arith.ori %and3A_511, %shift_left3A_517 : vector<16xi32>
          %shift_right_logical3A_519 = arith.constant 16 : i32
          %shift_right_logical3A_520 = vector.broadcast %shift_right_logical3A_519 : i32 to vector<16xi32>
          %shift_right_logical3A_521 = arith.shrui %xor3A_508, %shift_right_logical3A_520 : vector<16xi32>
          %and3A_522 = arith.constant 255 : i32
          %and3A_523 = vector.broadcast %and3A_522 : i32 to vector<16xi32>
          %and3A_524 = arith.andi %shift_right_logical3A_521, %and3A_523 : vector<16xi32>
          %shift_right_logical3A_525 = arith.constant 8 : i32
          %shift_right_logical3A_526 = vector.broadcast %shift_right_logical3A_525 : i32 to vector<16xi32>
          %shift_right_logical3A_527 = arith.shrui %xor3A_508, %shift_right_logical3A_526 : vector<16xi32>
          %and3A_528 = arith.constant 16711680 : i32
          %and3A_529 = vector.broadcast %and3A_528 : i32 to vector<16xi32>
          %and3A_530 = arith.andi %shift_right_logical3A_527, %and3A_529 : vector<16xi32>
          %or3A_531 = arith.ori %and3A_524, %and3A_530 : vector<16xi32>
          %bitcast3A_532 = vector.bitcast %or3A_518 : vector<16xi32> to vector<32xi16>
          %convert_element_type3A_533 = arith.sitofp %bitcast3A_532 : vector<32xi16> to vector<32xf16>
          %sub3A_534 = arith.subf %convert_element_type3A_533, %broadcast_in_dim3A_461 : vector<32xf16>
          %mul3A_535 = arith.mulf %sub3A_534, %bitcast3A : vector<32xf16>
          %bitcast3A_536 = vector.bitcast %or3A_531 : vector<16xi32> to vector<32xi16>
          %convert_element_type3A_537 = arith.sitofp %bitcast3A_536 : vector<32xi16> to vector<32xf16>
          %sub3A_538 = arith.subf %convert_element_type3A_537, %broadcast_in_dim3A_461 : vector<32xf16>
          %mul3A_539 = arith.mulf %sub3A_538, %bitcast3A : vector<32xf16>
          %broadcast_in_dim3A_540 = arith.constant 2 : i32
          %broadcast_in_dim3A_541 = vector.broadcast %broadcast_in_dim3A_540 : i32 to vector<16xi32>
          %bitcast3A_542 = vector.bitcast %mul3A_535 : vector<32xf16> to vector<16xi32>
          tpu.vector_store_idx %arg16[%add3A_445, %broadcast_in_dim3A_541], %bitcast3A_542 : memref<1024x32xi32, #tpu.memory_space<vmem>>[vector<16xi32>, vector<16xi32>], vector<16xi32>,
          %broadcast_in_dim3A_543 = arith.constant 3 : i32
          %broadcast_in_dim3A_544 = vector.broadcast %broadcast_in_dim3A_543 : i32 to vector<16xi32>
          %bitcast3A_545 = vector.bitcast %mul3A_539 : vector<32xf16> to vector<16xi32>
          tpu.vector_store_idx %arg16[%add3A_445, %broadcast_in_dim3A_544], %bitcast3A_545 : memref<1024x32xi32, #tpu.memory_space<vmem>>[vector<16xi32>, vector<16xi32>], vector<16xi32>,
          %broadcast_in_dim3A_546 = arith.constant 2 : i32
          %broadcast_in_dim3A_547 = vector.broadcast %broadcast_in_dim3A_546 : i32 to vector<16xi32>
          %gather3A_548 = tpu.vector_load_idx %arg15[%add3A_445, %broadcast_in_dim3A_547] : memref<1024x16xi32, #tpu.memory_space<vmem>>[vector<16xi32>, vector<16xi32>], vector<16xi32>,
          %xor3A_549 = arith.constant -2139062144 : i32
          %xor3A_550 = vector.broadcast %xor3A_549 : i32 to vector<16xi32>
          %xor3A_551 = arith.xori %gather3A_548, %xor3A_550 : vector<16xi32>
          %and3A_552 = arith.constant 255 : i32
          %and3A_553 = vector.broadcast %and3A_552 : i32 to vector<16xi32>
          %and3A_554 = arith.andi %xor3A_551, %and3A_553 : vector<16xi32>
          %and3A_555 = arith.constant 65280 : i32
          %and3A_556 = vector.broadcast %and3A_555 : i32 to vector<16xi32>
          %and3A_557 = arith.andi %xor3A_551, %and3A_556 : vector<16xi32>
          %shift_left3A_558 = arith.constant 8 : i32
          %shift_left3A_559 = vector.broadcast %shift_left3A_558 : i32 to vector<16xi32>
          %shift_left3A_560 = arith.shli %and3A_557, %shift_left3A_559 : vector<16xi32>
          %or3A_561 = arith.ori %and3A_554, %shift_left3A_560 : vector<16xi32>
          %shift_right_logical3A_562 = arith.constant 16 : i32
          %shift_right_logical3A_563 = vector.broadcast %shift_right_logical3A_562 : i32 to vector<16xi32>
          %shift_right_logical3A_564 = arith.shrui %xor3A_551, %shift_right_logical3A_563 : vector<16xi32>
          %and3A_565 = arith.constant 255 : i32
          %and3A_566 = vector.broadcast %and3A_565 : i32 to vector<16xi32>
          %and3A_567 = arith.andi %shift_right_logical3A_564, %and3A_566 : vector<16xi32>
          %shift_right_logical3A_568 = arith.constant 8 : i32
          %shift_right_logical3A_569 = vector.broadcast %shift_right_logical3A_568 : i32 to vector<16xi32>
          %shift_right_logical3A_570 = arith.shrui %xor3A_551, %shift_right_logical3A_569 : vector<16xi32>
          %and3A_571 = arith.constant 16711680 : i32
          %and3A_572 = vector.broadcast %and3A_571 : i32 to vector<16xi32>
          %and3A_573 = arith.andi %shift_right_logical3A_570, %and3A_572 : vector<16xi32>
          %or3A_574 = arith.ori %and3A_567, %and3A_573 : vector<16xi32>
          %bitcast3A_575 = vector.bitcast %or3A_561 : vector<16xi32> to vector<32xi16>
          %convert_element_type3A_576 = arith.sitofp %bitcast3A_575 : vector<32xi16> to vector<32xf16>
          %sub3A_577 = arith.subf %convert_element_type3A_576, %broadcast_in_dim3A_461 : vector<32xf16>
          %mul3A_578 = arith.mulf %sub3A_577, %bitcast3A : vector<32xf16>
          %bitcast3A_579 = vector.bitcast %or3A_574 : vector<16xi32> to vector<32xi16>
          %convert_element_type3A_580 = arith.sitofp %bitcast3A_579 : vector<32xi16> to vector<32xf16>
          %sub3A_581 = arith.subf %convert_element_type3A_580, %broadcast_in_dim3A_461 : vector<32xf16>
          %mul3A_582 = arith.mulf %sub3A_581, %bitcast3A : vector<32xf16>
          %broadcast_in_dim3A_583 = arith.constant 4 : i32
          %broadcast_in_dim3A_584 = vector.broadcast %broadcast_in_dim3A_583 : i32 to vector<16xi32>
          %bitcast3A_585 = vector.bitcast %mul3A_578 : vector<32xf16> to vector<16xi32>
          tpu.vector_store_idx %arg16[%add3A_445, %broadcast_in_dim3A_584], %bitcast3A_585 : memref<1024x32xi32, #tpu.memory_space<vmem>>[vector<16xi32>, vector<16xi32>], vector<16xi32>,
          %broadcast_in_dim3A_586 = arith.constant 5 : i32
          %broadcast_in_dim3A_587 = vector.broadcast %broadcast_in_dim3A_586 : i32 to vector<16xi32>
          %bitcast3A_588 = vector.bitcast %mul3A_582 : vector<32xf16> to vector<16xi32>
          tpu.vector_store_idx %arg16[%add3A_445, %broadcast_in_dim3A_587], %bitcast3A_588 : memref<1024x32xi32, #tpu.memory_space<vmem>>[vector<16xi32>, vector<16xi32>], vector<16xi32>,
          %broadcast_in_dim3A_589 = arith.constant 3 : i32
          %broadcast_in_dim3A_590 = vector.broadcast %broadcast_in_dim3A_589 : i32 to vector<16xi32>
          %gather3A_591 = tpu.vector_load_idx %arg15[%add3A_445, %broadcast_in_dim3A_590] : memref<1024x16xi32, #tpu.memory_space<vmem>>[vector<16xi32>, vector<16xi32>], vector<16xi32>,
          %xor3A_592 = arith.constant -2139062144 : i32
          %xor3A_593 = vector.broadcast %xor3A_592 : i32 to vector<16xi32>
          %xor3A_594 = arith.xori %gather3A_591, %xor3A_593 : vector<16xi32>
          %and3A_595 = arith.constant 255 : i32
          %and3A_596 = vector.broadcast %and3A_595 : i32 to vector<16xi32>
          %and3A_597 = arith.andi %xor3A_594, %and3A_596 : vector<16xi32>
          %and3A_598 = arith.constant 65280 : i32
          %and3A_599 = vector.broadcast %and3A_598 : i32 to vector<16xi32>
          %and3A_600 = arith.andi %xor3A_594, %and3A_599 : vector<16xi32>
          %shift_left3A_601 = arith.constant 8 : i32
          %shift_left3A_602 = vector.broadcast %shift_left3A_601 : i32 to vector<16xi32>
          %shift_left3A_603 = arith.shli %and3A_600, %shift_left3A_602 : vector<16xi32>
          %or3A_604 = arith.ori %and3A_597, %shift_left3A_603 : vector<16xi32>
          %shift_right_logical3A_605 = arith.constant 16 : i32
          %shift_right_logical3A_606 = vector.broadcast %shift_right_logical3A_605 : i32 to vector<16xi32>
          %shift_right_logical3A_607 = arith.shrui %xor3A_594, %shift_right_logical3A_606 : vector<16xi32>
          %and3A_608 = arith.constant 255 : i32
          %and3A_609 = vector.broadcast %and3A_608 : i32 to vector<16xi32>
          %and3A_610 = arith.andi %shift_right_logical3A_607, %and3A_609 : vector<16xi32>
          %shift_right_logical3A_611 = arith.constant 8 : i32
          %shift_right_logical3A_612 = vector.broadcast %shift_right_logical3A_611 : i32 to vector<16xi32>
          %shift_right_logical3A_613 = arith.shrui %xor3A_594, %shift_right_logical3A_612 : vector<16xi32>
          %and3A_614 = arith.constant 16711680 : i32
          %and3A_615 = vector.broadcast %and3A_614 : i32 to vector<16xi32>
          %and3A_616 = arith.andi %shift_right_logical3A_613, %and3A_615 : vector<16xi32>
          %or3A_617 = arith.ori %and3A_610, %and3A_616 : vector<16xi32>
          %bitcast3A_618 = vector.bitcast %or3A_604 : vector<16xi32> to vector<32xi16>
          %convert_element_type3A_619 = arith.sitofp %bitcast3A_618 : vector<32xi16> to vector<32xf16>
          %sub3A_620 = arith.subf %convert_element_type3A_619, %broadcast_in_dim3A_461 : vector<32xf16>
          %mul3A_621 = arith.mulf %sub3A_620, %bitcast3A : vector<32xf16>
          %bitcast3A_622 = vector.bitcast %or3A_617 : vector<16xi32> to vector<32xi16>
          %convert_element_type3A_623 = arith.sitofp %bitcast3A_622 : vector<32xi16> to vector<32xf16>
          %sub3A_624 = arith.subf %convert_element_type3A_623, %broadcast_in_dim3A_461 : vector<32xf16>
          %mul3A_625 = arith.mulf %sub3A_624, %bitcast3A : vector<32xf16>
          %broadcast_in_dim3A_626 = arith.constant 6 : i32
          %broadcast_in_dim3A_627 = vector.broadcast %broadcast_in_dim3A_626 : i32 to vector<16xi32>
          %bitcast3A_628 = vector.bitcast %mul3A_621 : vector<32xf16> to vector<16xi32>
          tpu.vector_store_idx %arg16[%add3A_445, %broadcast_in_dim3A_627], %bitcast3A_628 : memref<1024x32xi32, #tpu.memory_space<vmem>>[vector<16xi32>, vector<16xi32>], vector<16xi32>,
          %broadcast_in_dim3A_629 = arith.constant 7 : i32
          %broadcast_in_dim3A_630 = vector.broadcast %broadcast_in_dim3A_629 : i32 to vector<16xi32>
          %bitcast3A_631 = vector.bitcast %mul3A_625 : vector<32xf16> to vector<16xi32>
          tpu.vector_store_idx %arg16[%add3A_445, %broadcast_in_dim3A_630], %bitcast3A_631 : memref<1024x32xi32, #tpu.memory_space<vmem>>[vector<16xi32>, vector<16xi32>], vector<16xi32>,
          %broadcast_in_dim3A_632 = arith.constant 4 : i32
          %broadcast_in_dim3A_633 = vector.broadcast %broadcast_in_dim3A_632 : i32 to vector<16xi32>
          %gather3A_634 = tpu.vector_load_idx %arg15[%add3A_445, %broadcast_in_dim3A_633] : memref<1024x16xi32, #tpu.memory_space<vmem>>[vector<16xi32>, vector<16xi32>], vector<16xi32>,
          %xor3A_635 = arith.constant -2139062144 : i32
          %xor3A_636 = vector.broadcast %xor3A_635 : i32 to vector<16xi32>
          %xor3A_637 = arith.xori %gather3A_634, %xor3A_636 : vector<16xi32>
          %and3A_638 = arith.constant 255 : i32
          %and3A_639 = vector.broadcast %and3A_638 : i32 to vector<16xi32>
          %and3A_640 = arith.andi %xor3A_637, %and3A_639 : vector<16xi32>
          %and3A_641 = arith.constant 65280 : i32
          %and3A_642 = vector.broadcast %and3A_641 : i32 to vector<16xi32>
          %and3A_643 = arith.andi %xor3A_637, %and3A_642 : vector<16xi32>
          %shift_left3A_644 = arith.constant 8 : i32
          %shift_left3A_645 = vector.broadcast %shift_left3A_644 : i32 to vector<16xi32>
          %shift_left3A_646 = arith.shli %and3A_643, %shift_left3A_645 : vector<16xi32>
          %or3A_647 = arith.ori %and3A_640, %shift_left3A_646 : vector<16xi32>
          %shift_right_logical3A_648 = arith.constant 16 : i32
          %shift_right_logical3A_649 = vector.broadcast %shift_right_logical3A_648 : i32 to vector<16xi32>
          %shift_right_logical3A_650 = arith.shrui %xor3A_637, %shift_right_logical3A_649 : vector<16xi32>
          %and3A_651 = arith.constant 255 : i32
          %and3A_652 = vector.broadcast %and3A_651 : i32 to vector<16xi32>
          %and3A_653 = arith.andi %shift_right_logical3A_650, %and3A_652 : vector<16xi32>
          %shift_right_logical3A_654 = arith.constant 8 : i32
          %shift_right_logical3A_655 = vector.broadcast %shift_right_logical3A_654 : i32 to vector<16xi32>
          %shift_right_logical3A_656 = arith.shrui %xor3A_637, %shift_right_logical3A_655 : vector<16xi32>
          %and3A_657 = arith.constant 16711680 : i32
          %and3A_658 = vector.broadcast %and3A_657 : i32 to vector<16xi32>
          %and3A_659 = arith.andi %shift_right_logical3A_656, %and3A_658 : vector<16xi32>
          %or3A_660 = arith.ori %and3A_653, %and3A_659 : vector<16xi32>
          %bitcast3A_661 = vector.bitcast %or3A_647 : vector<16xi32> to vector<32xi16>
          %convert_element_type3A_662 = arith.sitofp %bitcast3A_661 : vector<32xi16> to vector<32xf16>
          %sub3A_663 = arith.subf %convert_element_type3A_662, %broadcast_in_dim3A_461 : vector<32xf16>
          %mul3A_664 = arith.mulf %sub3A_663, %bitcast3A : vector<32xf16>
          %bitcast3A_665 = vector.bitcast %or3A_660 : vector<16xi32> to vector<32xi16>
          %convert_element_type3A_666 = arith.sitofp %bitcast3A_665 : vector<32xi16> to vector<32xf16>
          %sub3A_667 = arith.subf %convert_element_type3A_666, %broadcast_in_dim3A_461 : vector<32xf16>
          %mul3A_668 = arith.mulf %sub3A_667, %bitcast3A : vector<32xf16>
          %broadcast_in_dim3A_669 = arith.constant 8 : i32
          %broadcast_in_dim3A_670 = vector.broadcast %broadcast_in_dim3A_669 : i32 to vector<16xi32>
          %bitcast3A_671 = vector.bitcast %mul3A_664 : vector<32xf16> to vector<16xi32>
          tpu.vector_store_idx %arg16[%add3A_445, %broadcast_in_dim3A_670], %bitcast3A_671 : memref<1024x32xi32, #tpu.memory_space<vmem>>[vector<16xi32>, vector<16xi32>], vector<16xi32>,
          %broadcast_in_dim3A_672 = arith.constant 9 : i32
          %broadcast_in_dim3A_673 = vector.broadcast %broadcast_in_dim3A_672 : i32 to vector<16xi32>
          %bitcast3A_674 = vector.bitcast %mul3A_668 : vector<32xf16> to vector<16xi32>
          tpu.vector_store_idx %arg16[%add3A_445, %broadcast_in_dim3A_673], %bitcast3A_674 : memref<1024x32xi32, #tpu.memory_space<vmem>>[vector<16xi32>, vector<16xi32>], vector<16xi32>,
          %broadcast_in_dim3A_675 = arith.constant 5 : i32
          %broadcast_in_dim3A_676 = vector.broadcast %broadcast_in_dim3A_675 : i32 to vector<16xi32>
          %gather3A_677 = tpu.vector_load_idx %arg15[%add3A_445, %broadcast_in_dim3A_676] : memref<1024x16xi32, #tpu.memory_space<vmem>>[vector<16xi32>, vector<16xi32>], vector<16xi32>,
          %xor3A_678 = arith.constant -2139062144 : i32
          %xor3A_679 = vector.broadcast %xor3A_678 : i32 to vector<16xi32>
          %xor3A_680 = arith.xori %gather3A_677, %xor3A_679 : vector<16xi32>
          %and3A_681 = arith.constant 255 : i32
          %and3A_682 = vector.broadcast %and3A_681 : i32 to vector<16xi32>
          %and3A_683 = arith.andi %xor3A_680, %and3A_682 : vector<16xi32>
          %and3A_684 = arith.constant 65280 : i32
          %and3A_685 = vector.broadcast %and3A_684 : i32 to vector<16xi32>
          %and3A_686 = arith.andi %xor3A_680, %and3A_685 : vector<16xi32>
          %shift_left3A_687 = arith.constant 8 : i32
          %shift_left3A_688 = vector.broadcast %shift_left3A_687 : i32 to vector<16xi32>
          %shift_left3A_689 = arith.shli %and3A_686, %shift_left3A_688 : vector<16xi32>
          %or3A_690 = arith.ori %and3A_683, %shift_left3A_689 : vector<16xi32>
          %shift_right_logical3A_691 = arith.constant 16 : i32
          %shift_right_logical3A_692 = vector.broadcast %shift_right_logical3A_691 : i32 to vector<16xi32>
          %shift_right_logical3A_693 = arith.shrui %xor3A_680, %shift_right_logical3A_692 : vector<16xi32>
          %and3A_694 = arith.constant 255 : i32
          %and3A_695 = vector.broadcast %and3A_694 : i32 to vector<16xi32>
          %and3A_696 = arith.andi %shift_right_logical3A_693, %and3A_695 : vector<16xi32>
          %shift_right_logical3A_697 = arith.constant 8 : i32
          %shift_right_logical3A_698 = vector.broadcast %shift_right_logical3A_697 : i32 to vector<16xi32>
          %shift_right_logical3A_699 = arith.shrui %xor3A_680, %shift_right_logical3A_698 : vector<16xi32>
          %and3A_700 = arith.constant 16711680 : i32
          %and3A_701 = vector.broadcast %and3A_700 : i32 to vector<16xi32>
          %and3A_702 = arith.andi %shift_right_logical3A_699, %and3A_701 : vector<16xi32>
          %or3A_703 = arith.ori %and3A_696, %and3A_702 : vector<16xi32>
          %bitcast3A_704 = vector.bitcast %or3A_690 : vector<16xi32> to vector<32xi16>
          %convert_element_type3A_705 = arith.sitofp %bitcast3A_704 : vector<32xi16> to vector<32xf16>
          %sub3A_706 = arith.subf %convert_element_type3A_705, %broadcast_in_dim3A_461 : vector<32xf16>
          %mul3A_707 = arith.mulf %sub3A_706, %bitcast3A : vector<32xf16>
          %bitcast3A_708 = vector.bitcast %or3A_703 : vector<16xi32> to vector<32xi16>
          %convert_element_type3A_709 = arith.sitofp %bitcast3A_708 : vector<32xi16> to vector<32xf16>
          %sub3A_710 = arith.subf %convert_element_type3A_709, %broadcast_in_dim3A_461 : vector<32xf16>
          %mul3A_711 = arith.mulf %sub3A_710, %bitcast3A : vector<32xf16>
          %broadcast_in_dim3A_712 = arith.constant 10 : i32
          %broadcast_in_dim3A_713 = vector.broadcast %broadcast_in_dim3A_712 : i32 to vector<16xi32>
          %bitcast3A_714 = vector.bitcast %mul3A_707 : vector<32xf16> to vector<16xi32>
          tpu.vector_store_idx %arg16[%add3A_445, %broadcast_in_dim3A_713], %bitcast3A_714 : memref<1024x32xi32, #tpu.memory_space<vmem>>[vector<16xi32>, vector<16xi32>], vector<16xi32>,
          %broadcast_in_dim3A_715 = arith.constant 11 : i32
          %broadcast_in_dim3A_716 = vector.broadcast %broadcast_in_dim3A_715 : i32 to vector<16xi32>
          %bitcast3A_717 = vector.bitcast %mul3A_711 : vector<32xf16> to vector<16xi32>
          tpu.vector_store_idx %arg16[%add3A_445, %broadcast_in_dim3A_716], %bitcast3A_717 : memref<1024x32xi32, #tpu.memory_space<vmem>>[vector<16xi32>, vector<16xi32>], vector<16xi32>,
          %broadcast_in_dim3A_718 = arith.constant 6 : i32
          %broadcast_in_dim3A_719 = vector.broadcast %broadcast_in_dim3A_718 : i32 to vector<16xi32>
          %gather3A_720 = tpu.vector_load_idx %arg15[%add3A_445, %broadcast_in_dim3A_719] : memref<1024x16xi32, #tpu.memory_space<vmem>>[vector<16xi32>, vector<16xi32>], vector<16xi32>,
          %xor3A_721 = arith.constant -2139062144 : i32
          %xor3A_722 = vector.broadcast %xor3A_721 : i32 to vector<16xi32>
          %xor3A_723 = arith.xori %gather3A_720, %xor3A_722 : vector<16xi32>
          %and3A_724 = arith.constant 255 : i32
          %and3A_725 = vector.broadcast %and3A_724 : i32 to vector<16xi32>
          %and3A_726 = arith.andi %xor3A_723, %and3A_725 : vector<16xi32>
          %and3A_727 = arith.constant 65280 : i32
          %and3A_728 = vector.broadcast %and3A_727 : i32 to vector<16xi32>
          %and3A_729 = arith.andi %xor3A_723, %and3A_728 : vector<16xi32>
          %shift_left3A_730 = arith.constant 8 : i32
          %shift_left3A_731 = vector.broadcast %shift_left3A_730 : i32 to vector<16xi32>
          %shift_left3A_732 = arith.shli %and3A_729, %shift_left3A_731 : vector<16xi32>
          %or3A_733 = arith.ori %and3A_726, %shift_left3A_732 : vector<16xi32>
          %shift_right_logical3A_734 = arith.constant 16 : i32
          %shift_right_logical3A_735 = vector.broadcast %shift_right_logical3A_734 : i32 to vector<16xi32>
          %shift_right_logical3A_736 = arith.shrui %xor3A_723, %shift_right_logical3A_735 : vector<16xi32>
          %and3A_737 = arith.constant 255 : i32
          %and3A_738 = vector.broadcast %and3A_737 : i32 to vector<16xi32>
          %and3A_739 = arith.andi %shift_right_logical3A_736, %and3A_738 : vector<16xi32>
          %shift_right_logical3A_740 = arith.constant 8 : i32
          %shift_right_logical3A_741 = vector.broadcast %shift_right_logical3A_740 : i32 to vector<16xi32>
          %shift_right_logical3A_742 = arith.shrui %xor3A_723, %shift_right_logical3A_741 : vector<16xi32>
          %and3A_743 = arith.constant 16711680 : i32
          %and3A_744 = vector.broadcast %and3A_743 : i32 to vector<16xi32>
          %and3A_745 = arith.andi %shift_right_logical3A_742, %and3A_744 : vector<16xi32>
          %or3A_746 = arith.ori %and3A_739, %and3A_745 : vector<16xi32>
          %bitcast3A_747 = vector.bitcast %or3A_733 : vector<16xi32> to vector<32xi16>
          %convert_element_type3A_748 = arith.sitofp %bitcast3A_747 : vector<32xi16> to vector<32xf16>
          %sub3A_749 = arith.subf %convert_element_type3A_748, %broadcast_in_dim3A_461 : vector<32xf16>
          %mul3A_750 = arith.mulf %sub3A_749, %bitcast3A : vector<32xf16>
          %bitcast3A_751 = vector.bitcast %or3A_746 : vector<16xi32> to vector<32xi16>
          %convert_element_type3A_752 = arith.sitofp %bitcast3A_751 : vector<32xi16> to vector<32xf16>
          %sub3A_753 = arith.subf %convert_element_type3A_752, %broadcast_in_dim3A_461 : vector<32xf16>
          %mul3A_754 = arith.mulf %sub3A_753, %bitcast3A : vector<32xf16>
          %broadcast_in_dim3A_755 = arith.constant 12 : i32
          %broadcast_in_dim3A_756 = vector.broadcast %broadcast_in_dim3A_755 : i32 to vector<16xi32>
          %bitcast3A_757 = vector.bitcast %mul3A_750 : vector<32xf16> to vector<16xi32>
          tpu.vector_store_idx %arg16[%add3A_445, %broadcast_in_dim3A_756], %bitcast3A_757 : memref<1024x32xi32, #tpu.memory_space<vmem>>[vector<16xi32>, vector<16xi32>], vector<16xi32>,
          %broadcast_in_dim3A_758 = arith.constant 13 : i32
          %broadcast_in_dim3A_759 = vector.broadcast %broadcast_in_dim3A_758 : i32 to vector<16xi32>
          %bitcast3A_760 = vector.bitcast %mul3A_754 : vector<32xf16> to vector<16xi32>
          tpu.vector_store_idx %arg16[%add3A_445, %broadcast_in_dim3A_759], %bitcast3A_760 : memref<1024x32xi32, #tpu.memory_space<vmem>>[vector<16xi32>, vector<16xi32>], vector<16xi32>,
          %broadcast_in_dim3A_761 = arith.constant 7 : i32
          %broadcast_in_dim3A_762 = vector.broadcast %broadcast_in_dim3A_761 : i32 to vector<16xi32>
          %gather3A_763 = tpu.vector_load_idx %arg15[%add3A_445, %broadcast_in_dim3A_762] : memref<1024x16xi32, #tpu.memory_space<vmem>>[vector<16xi32>, vector<16xi32>], vector<16xi32>,
          %xor3A_764 = arith.constant -2139062144 : i32
          %xor3A_765 = vector.broadcast %xor3A_764 : i32 to vector<16xi32>
          %xor3A_766 = arith.xori %gather3A_763, %xor3A_765 : vector<16xi32>
          %and3A_767 = arith.constant 255 : i32
          %and3A_768 = vector.broadcast %and3A_767 : i32 to vector<16xi32>
          %and3A_769 = arith.andi %xor3A_766, %and3A_768 : vector<16xi32>
          %and3A_770 = arith.constant 65280 : i32
          %and3A_771 = vector.broadcast %and3A_770 : i32 to vector<16xi32>
          %and3A_772 = arith.andi %xor3A_766, %and3A_771 : vector<16xi32>
          %shift_left3A_773 = arith.constant 8 : i32
          %shift_left3A_774 = vector.broadcast %shift_left3A_773 : i32 to vector<16xi32>
          %shift_left3A_775 = arith.shli %and3A_772, %shift_left3A_774 : vector<16xi32>
          %or3A_776 = arith.ori %and3A_769, %shift_left3A_775 : vector<16xi32>
          %shift_right_logical3A_777 = arith.constant 16 : i32
          %shift_right_logical3A_778 = vector.broadcast %shift_right_logical3A_777 : i32 to vector<16xi32>
          %shift_right_logical3A_779 = arith.shrui %xor3A_766, %shift_right_logical3A_778 : vector<16xi32>
          %and3A_780 = arith.constant 255 : i32
          %and3A_781 = vector.broadcast %and3A_780 : i32 to vector<16xi32>
          %and3A_782 = arith.andi %shift_right_logical3A_779, %and3A_781 : vector<16xi32>
          %shift_right_logical3A_783 = arith.constant 8 : i32
          %shift_right_logical3A_784 = vector.broadcast %shift_right_logical3A_783 : i32 to vector<16xi32>
          %shift_right_logical3A_785 = arith.shrui %xor3A_766, %shift_right_logical3A_784 : vector<16xi32>
          %and3A_786 = arith.constant 16711680 : i32
          %and3A_787 = vector.broadcast %and3A_786 : i32 to vector<16xi32>
          %and3A_788 = arith.andi %shift_right_logical3A_785, %and3A_787 : vector<16xi32>
          %or3A_789 = arith.ori %and3A_782, %and3A_788 : vector<16xi32>
          %bitcast3A_790 = vector.bitcast %or3A_776 : vector<16xi32> to vector<32xi16>
          %convert_element_type3A_791 = arith.sitofp %bitcast3A_790 : vector<32xi16> to vector<32xf16>
          %sub3A_792 = arith.subf %convert_element_type3A_791, %broadcast_in_dim3A_461 : vector<32xf16>
          %mul3A_793 = arith.mulf %sub3A_792, %bitcast3A : vector<32xf16>
          %bitcast3A_794 = vector.bitcast %or3A_789 : vector<16xi32> to vector<32xi16>
          %convert_element_type3A_795 = arith.sitofp %bitcast3A_794 : vector<32xi16> to vector<32xf16>
          %sub3A_796 = arith.subf %convert_element_type3A_795, %broadcast_in_dim3A_461 : vector<32xf16>
          %mul3A_797 = arith.mulf %sub3A_796, %bitcast3A : vector<32xf16>
          %broadcast_in_dim3A_798 = arith.constant 14 : i32
          %broadcast_in_dim3A_799 = vector.broadcast %broadcast_in_dim3A_798 : i32 to vector<16xi32>
          %bitcast3A_800 = vector.bitcast %mul3A_793 : vector<32xf16> to vector<16xi32>
          tpu.vector_store_idx %arg16[%add3A_445, %broadcast_in_dim3A_799], %bitcast3A_800 : memref<1024x32xi32, #tpu.memory_space<vmem>>[vector<16xi32>, vector<16xi32>], vector<16xi32>,
          %broadcast_in_dim3A_801 = arith.constant 15 : i32
          %broadcast_in_dim3A_802 = vector.broadcast %broadcast_in_dim3A_801 : i32 to vector<16xi32>
          %bitcast3A_803 = vector.bitcast %mul3A_797 : vector<32xf16> to vector<16xi32>
          tpu.vector_store_idx %arg16[%add3A_445, %broadcast_in_dim3A_802], %bitcast3A_803 : memref<1024x32xi32, #tpu.memory_space<vmem>>[vector<16xi32>, vector<16xi32>], vector<16xi32>,
          %broadcast_in_dim3A_804 = arith.constant 8 : i32
          %broadcast_in_dim3A_805 = vector.broadcast %broadcast_in_dim3A_804 : i32 to vector<16xi32>
          %gather3A_806 = tpu.vector_load_idx %arg15[%add3A_445, %broadcast_in_dim3A_805] : memref<1024x16xi32, #tpu.memory_space<vmem>>[vector<16xi32>, vector<16xi32>], vector<16xi32>,
          %xor3A_807 = arith.constant -2139062144 : i32
          %xor3A_808 = vector.broadcast %xor3A_807 : i32 to vector<16xi32>
          %xor3A_809 = arith.xori %gather3A_806, %xor3A_808 : vector<16xi32>
          %and3A_810 = arith.constant 255 : i32
          %and3A_811 = vector.broadcast %and3A_810 : i32 to vector<16xi32>
          %and3A_812 = arith.andi %xor3A_809, %and3A_811 : vector<16xi32>
          %and3A_813 = arith.constant 65280 : i32
          %and3A_814 = vector.broadcast %and3A_813 : i32 to vector<16xi32>
          %and3A_815 = arith.andi %xor3A_809, %and3A_814 : vector<16xi32>
          %shift_left3A_816 = arith.constant 8 : i32
          %shift_left3A_817 = vector.broadcast %shift_left3A_816 : i32 to vector<16xi32>
          %shift_left3A_818 = arith.shli %and3A_815, %shift_left3A_817 : vector<16xi32>
          %or3A_819 = arith.ori %and3A_812, %shift_left3A_818 : vector<16xi32>
          %shift_right_logical3A_820 = arith.constant 16 : i32
          %shift_right_logical3A_821 = vector.broadcast %shift_right_logical3A_820 : i32 to vector<16xi32>
          %shift_right_logical3A_822 = arith.shrui %xor3A_809, %shift_right_logical3A_821 : vector<16xi32>
          %and3A_823 = arith.constant 255 : i32
          %and3A_824 = vector.broadcast %and3A_823 : i32 to vector<16xi32>
          %and3A_825 = arith.andi %shift_right_logical3A_822, %and3A_824 : vector<16xi32>
          %shift_right_logical3A_826 = arith.constant 8 : i32
          %shift_right_logical3A_827 = vector.broadcast %shift_right_logical3A_826 : i32 to vector<16xi32>
          %shift_right_logical3A_828 = arith.shrui %xor3A_809, %shift_right_logical3A_827 : vector<16xi32>
          %and3A_829 = arith.constant 16711680 : i32
          %and3A_830 = vector.broadcast %and3A_829 : i32 to vector<16xi32>
          %and3A_831 = arith.andi %shift_right_logical3A_828, %and3A_830 : vector<16xi32>
          %or3A_832 = arith.ori %and3A_825, %and3A_831 : vector<16xi32>
          %bitcast3A_833 = vector.bitcast %or3A_819 : vector<16xi32> to vector<32xi16>
          %convert_element_type3A_834 = arith.sitofp %bitcast3A_833 : vector<32xi16> to vector<32xf16>
          %sub3A_835 = arith.subf %convert_element_type3A_834, %broadcast_in_dim3A_461 : vector<32xf16>
          %mul3A_836 = arith.mulf %sub3A_835, %bitcast3A_460 : vector<32xf16>
          %bitcast3A_837 = vector.bitcast %or3A_832 : vector<16xi32> to vector<32xi16>
          %convert_element_type3A_838 = arith.sitofp %bitcast3A_837 : vector<32xi16> to vector<32xf16>
          %sub3A_839 = arith.subf %convert_element_type3A_838, %broadcast_in_dim3A_461 : vector<32xf16>
          %mul3A_840 = arith.mulf %sub3A_839, %bitcast3A_460 : vector<32xf16>
          %broadcast_in_dim3A_841 = arith.constant 16 : i32
          %broadcast_in_dim3A_842 = vector.broadcast %broadcast_in_dim3A_841 : i32 to vector<16xi32>
          %bitcast3A_843 = vector.bitcast %mul3A_836 : vector<32xf16> to vector<16xi32>
          tpu.vector_store_idx %arg16[%add3A_445, %broadcast_in_dim3A_842], %bitcast3A_843 : memref<1024x32xi32, #tpu.memory_space<vmem>>[vector<16xi32>, vector<16xi32>], vector<16xi32>,
          %broadcast_in_dim3A_844 = arith.constant 17 : i32
          %broadcast_in_dim3A_845 = vector.broadcast %broadcast_in_dim3A_844 : i32 to vector<16xi32>
          %bitcast3A_846 = vector.bitcast %mul3A_840 : vector<32xf16> to vector<16xi32>
          tpu.vector_store_idx %arg16[%add3A_445, %broadcast_in_dim3A_845], %bitcast3A_846 : memref<1024x32xi32, #tpu.memory_space<vmem>>[vector<16xi32>, vector<16xi32>], vector<16xi32>,
          %broadcast_in_dim3A_847 = arith.constant 9 : i32
          %broadcast_in_dim3A_848 = vector.broadcast %broadcast_in_dim3A_847 : i32 to vector<16xi32>
          %gather3A_849 = tpu.vector_load_idx %arg15[%add3A_445, %broadcast_in_dim3A_848] : memref<1024x16xi32, #tpu.memory_space<vmem>>[vector<16xi32>, vector<16xi32>], vector<16xi32>,
          %xor3A_850 = arith.constant -2139062144 : i32
          %xor3A_851 = vector.broadcast %xor3A_850 : i32 to vector<16xi32>
          %xor3A_852 = arith.xori %gather3A_849, %xor3A_851 : vector<16xi32>
          %and3A_853 = arith.constant 255 : i32
          %and3A_854 = vector.broadcast %and3A_853 : i32 to vector<16xi32>
          %and3A_855 = arith.andi %xor3A_852, %and3A_854 : vector<16xi32>
          %and3A_856 = arith.constant 65280 : i32
          %and3A_857 = vector.broadcast %and3A_856 : i32 to vector<16xi32>
          %and3A_858 = arith.andi %xor3A_852, %and3A_857 : vector<16xi32>
          %shift_left3A_859 = arith.constant 8 : i32
          %shift_left3A_860 = vector.broadcast %shift_left3A_859 : i32 to vector<16xi32>
          %shift_left3A_861 = arith.shli %and3A_858, %shift_left3A_860 : vector<16xi32>
          %or3A_862 = arith.ori %and3A_855, %shift_left3A_861 : vector<16xi32>
          %shift_right_logical3A_863 = arith.constant 16 : i32
          %shift_right_logical3A_864 = vector.broadcast %shift_right_logical3A_863 : i32 to vector<16xi32>
          %shift_right_logical3A_865 = arith.shrui %xor3A_852, %shift_right_logical3A_864 : vector<16xi32>
          %and3A_866 = arith.constant 255 : i32
          %and3A_867 = vector.broadcast %and3A_866 : i32 to vector<16xi32>
          %and3A_868 = arith.andi %shift_right_logical3A_865, %and3A_867 : vector<16xi32>
          %shift_right_logical3A_869 = arith.constant 8 : i32
          %shift_right_logical3A_870 = vector.broadcast %shift_right_logical3A_869 : i32 to vector<16xi32>
          %shift_right_logical3A_871 = arith.shrui %xor3A_852, %shift_right_logical3A_870 : vector<16xi32>
          %and3A_872 = arith.constant 16711680 : i32
          %and3A_873 = vector.broadcast %and3A_872 : i32 to vector<16xi32>
          %and3A_874 = arith.andi %shift_right_logical3A_871, %and3A_873 : vector<16xi32>
          %or3A_875 = arith.ori %and3A_868, %and3A_874 : vector<16xi32>
          %bitcast3A_876 = vector.bitcast %or3A_862 : vector<16xi32> to vector<32xi16>
          %convert_element_type3A_877 = arith.sitofp %bitcast3A_876 : vector<32xi16> to vector<32xf16>
          %sub3A_878 = arith.subf %convert_element_type3A_877, %broadcast_in_dim3A_461 : vector<32xf16>
          %mul3A_879 = arith.mulf %sub3A_878, %bitcast3A_460 : vector<32xf16>
          %bitcast3A_880 = vector.bitcast %or3A_875 : vector<16xi32> to vector<32xi16>
          %convert_element_type3A_881 = arith.sitofp %bitcast3A_880 : vector<32xi16> to vector<32xf16>
          %sub3A_882 = arith.subf %convert_element_type3A_881, %broadcast_in_dim3A_461 : vector<32xf16>
          %mul3A_883 = arith.mulf %sub3A_882, %bitcast3A_460 : vector<32xf16>
          %broadcast_in_dim3A_884 = arith.constant 18 : i32
          %broadcast_in_dim3A_885 = vector.broadcast %broadcast_in_dim3A_884 : i32 to vector<16xi32>
          %bitcast3A_886 = vector.bitcast %mul3A_879 : vector<32xf16> to vector<16xi32>
          tpu.vector_store_idx %arg16[%add3A_445, %broadcast_in_dim3A_885], %bitcast3A_886 : memref<1024x32xi32, #tpu.memory_space<vmem>>[vector<16xi32>, vector<16xi32>], vector<16xi32>,
          %broadcast_in_dim3A_887 = arith.constant 19 : i32
          %broadcast_in_dim3A_888 = vector.broadcast %broadcast_in_dim3A_887 : i32 to vector<16xi32>
          %bitcast3A_889 = vector.bitcast %mul3A_883 : vector<32xf16> to vector<16xi32>
          tpu.vector_store_idx %arg16[%add3A_445, %broadcast_in_dim3A_888], %bitcast3A_889 : memref<1024x32xi32, #tpu.memory_space<vmem>>[vector<16xi32>, vector<16xi32>], vector<16xi32>,
          %broadcast_in_dim3A_890 = arith.constant 10 : i32
          %broadcast_in_dim3A_891 = vector.broadcast %broadcast_in_dim3A_890 : i32 to vector<16xi32>
          %gather3A_892 = tpu.vector_load_idx %arg15[%add3A_445, %broadcast_in_dim3A_891] : memref<1024x16xi32, #tpu.memory_space<vmem>>[vector<16xi32>, vector<16xi32>], vector<16xi32>,
          %xor3A_893 = arith.constant -2139062144 : i32
          %xor3A_894 = vector.broadcast %xor3A_893 : i32 to vector<16xi32>
          %xor3A_895 = arith.xori %gather3A_892, %xor3A_894 : vector<16xi32>
          %and3A_896 = arith.constant 255 : i32
          %and3A_897 = vector.broadcast %and3A_896 : i32 to vector<16xi32>
          %and3A_898 = arith.andi %xor3A_895, %and3A_897 : vector<16xi32>
          %and3A_899 = arith.constant 65280 : i32
          %and3A_900 = vector.broadcast %and3A_899 : i32 to vector<16xi32>
          %and3A_901 = arith.andi %xor3A_895, %and3A_900 : vector<16xi32>
          %shift_left3A_902 = arith.constant 8 : i32
          %shift_left3A_903 = vector.broadcast %shift_left3A_902 : i32 to vector<16xi32>
          %shift_left3A_904 = arith.shli %and3A_901, %shift_left3A_903 : vector<16xi32>
          %or3A_905 = arith.ori %and3A_898, %shift_left3A_904 : vector<16xi32>
          %shift_right_logical3A_906 = arith.constant 16 : i32
          %shift_right_logical3A_907 = vector.broadcast %shift_right_logical3A_906 : i32 to vector<16xi32>
          %shift_right_logical3A_908 = arith.shrui %xor3A_895, %shift_right_logical3A_907 : vector<16xi32>
          %and3A_909 = arith.constant 255 : i32
          %and3A_910 = vector.broadcast %and3A_909 : i32 to vector<16xi32>
          %and3A_911 = arith.andi %shift_right_logical3A_908, %and3A_910 : vector<16xi32>
          %shift_right_logical3A_912 = arith.constant 8 : i32
          %shift_right_logical3A_913 = vector.broadcast %shift_right_logical3A_912 : i32 to vector<16xi32>
          %shift_right_logical3A_914 = arith.shrui %xor3A_895, %shift_right_logical3A_913 : vector<16xi32>
          %and3A_915 = arith.constant 16711680 : i32
          %and3A_916 = vector.broadcast %and3A_915 : i32 to vector<16xi32>
          %and3A_917 = arith.andi %shift_right_logical3A_914, %and3A_916 : vector<16xi32>
          %or3A_918 = arith.ori %and3A_911, %and3A_917 : vector<16xi32>
          %bitcast3A_919 = vector.bitcast %or3A_905 : vector<16xi32> to vector<32xi16>
          %convert_element_type3A_920 = arith.sitofp %bitcast3A_919 : vector<32xi16> to vector<32xf16>
          %sub3A_921 = arith.subf %convert_element_type3A_920, %broadcast_in_dim3A_461 : vector<32xf16>
          %mul3A_922 = arith.mulf %sub3A_921, %bitcast3A_460 : vector<32xf16>
          %bitcast3A_923 = vector.bitcast %or3A_918 : vector<16xi32> to vector<32xi16>
          %convert_element_type3A_924 = arith.sitofp %bitcast3A_923 : vector<32xi16> to vector<32xf16>
          %sub3A_925 = arith.subf %convert_element_type3A_924, %broadcast_in_dim3A_461 : vector<32xf16>
          %mul3A_926 = arith.mulf %sub3A_925, %bitcast3A_460 : vector<32xf16>
          %broadcast_in_dim3A_927 = arith.constant 20 : i32
          %broadcast_in_dim3A_928 = vector.broadcast %broadcast_in_dim3A_927 : i32 to vector<16xi32>
          %bitcast3A_929 = vector.bitcast %mul3A_922 : vector<32xf16> to vector<16xi32>
          tpu.vector_store_idx %arg16[%add3A_445, %broadcast_in_dim3A_928], %bitcast3A_929 : memref<1024x32xi32, #tpu.memory_space<vmem>>[vector<16xi32>, vector<16xi32>], vector<16xi32>,
          %broadcast_in_dim3A_930 = arith.constant 21 : i32
          %broadcast_in_dim3A_931 = vector.broadcast %broadcast_in_dim3A_930 : i32 to vector<16xi32>
          %bitcast3A_932 = vector.bitcast %mul3A_926 : vector<32xf16> to vector<16xi32>
          tpu.vector_store_idx %arg16[%add3A_445, %broadcast_in_dim3A_931], %bitcast3A_932 : memref<1024x32xi32, #tpu.memory_space<vmem>>[vector<16xi32>, vector<16xi32>], vector<16xi32>,
          %broadcast_in_dim3A_933 = arith.constant 11 : i32
          %broadcast_in_dim3A_934 = vector.broadcast %broadcast_in_dim3A_933 : i32 to vector<16xi32>
          %gather3A_935 = tpu.vector_load_idx %arg15[%add3A_445, %broadcast_in_dim3A_934] : memref<1024x16xi32, #tpu.memory_space<vmem>>[vector<16xi32>, vector<16xi32>], vector<16xi32>,
          %xor3A_936 = arith.constant -2139062144 : i32
          %xor3A_937 = vector.broadcast %xor3A_936 : i32 to vector<16xi32>
          %xor3A_938 = arith.xori %gather3A_935, %xor3A_937 : vector<16xi32>
          %and3A_939 = arith.constant 255 : i32
          %and3A_940 = vector.broadcast %and3A_939 : i32 to vector<16xi32>
          %and3A_941 = arith.andi %xor3A_938, %and3A_940 : vector<16xi32>
          %and3A_942 = arith.constant 65280 : i32
          %and3A_943 = vector.broadcast %and3A_942 : i32 to vector<16xi32>
          %and3A_944 = arith.andi %xor3A_938, %and3A_943 : vector<16xi32>
          %shift_left3A_945 = arith.constant 8 : i32
          %shift_left3A_946 = vector.broadcast %shift_left3A_945 : i32 to vector<16xi32>
          %shift_left3A_947 = arith.shli %and3A_944, %shift_left3A_946 : vector<16xi32>
          %or3A_948 = arith.ori %and3A_941, %shift_left3A_947 : vector<16xi32>
          %shift_right_logical3A_949 = arith.constant 16 : i32
          %shift_right_logical3A_950 = vector.broadcast %shift_right_logical3A_949 : i32 to vector<16xi32>
          %shift_right_logical3A_951 = arith.shrui %xor3A_938, %shift_right_logical3A_950 : vector<16xi32>
          %and3A_952 = arith.constant 255 : i32
          %and3A_953 = vector.broadcast %and3A_952 : i32 to vector<16xi32>
          %and3A_954 = arith.andi %shift_right_logical3A_951, %and3A_953 : vector<16xi32>
          %shift_right_logical3A_955 = arith.constant 8 : i32
          %shift_right_logical3A_956 = vector.broadcast %shift_right_logical3A_955 : i32 to vector<16xi32>
          %shift_right_logical3A_957 = arith.shrui %xor3A_938, %shift_right_logical3A_956 : vector<16xi32>
          %and3A_958 = arith.constant 16711680 : i32
          %and3A_959 = vector.broadcast %and3A_958 : i32 to vector<16xi32>
          %and3A_960 = arith.andi %shift_right_logical3A_957, %and3A_959 : vector<16xi32>
          %or3A_961 = arith.ori %and3A_954, %and3A_960 : vector<16xi32>
          %bitcast3A_962 = vector.bitcast %or3A_948 : vector<16xi32> to vector<32xi16>
          %convert_element_type3A_963 = arith.sitofp %bitcast3A_962 : vector<32xi16> to vector<32xf16>
          %sub3A_964 = arith.subf %convert_element_type3A_963, %broadcast_in_dim3A_461 : vector<32xf16>
          %mul3A_965 = arith.mulf %sub3A_964, %bitcast3A_460 : vector<32xf16>
          %bitcast3A_966 = vector.bitcast %or3A_961 : vector<16xi32> to vector<32xi16>
          %convert_element_type3A_967 = arith.sitofp %bitcast3A_966 : vector<32xi16> to vector<32xf16>
          %sub3A_968 = arith.subf %convert_element_type3A_967, %broadcast_in_dim3A_461 : vector<32xf16>
          %mul3A_969 = arith.mulf %sub3A_968, %bitcast3A_460 : vector<32xf16>
          %broadcast_in_dim3A_970 = arith.constant 22 : i32
          %broadcast_in_dim3A_971 = vector.broadcast %broadcast_in_dim3A_970 : i32 to vector<16xi32>
          %bitcast3A_972 = vector.bitcast %mul3A_965 : vector<32xf16> to vector<16xi32>
          tpu.vector_store_idx %arg16[%add3A_445, %broadcast_in_dim3A_971], %bitcast3A_972 : memref<1024x32xi32, #tpu.memory_space<vmem>>[vector<16xi32>, vector<16xi32>], vector<16xi32>,
          %broadcast_in_dim3A_973 = arith.constant 23 : i32
          %broadcast_in_dim3A_974 = vector.broadcast %broadcast_in_dim3A_973 : i32 to vector<16xi32>
          %bitcast3A_975 = vector.bitcast %mul3A_969 : vector<32xf16> to vector<16xi32>
          tpu.vector_store_idx %arg16[%add3A_445, %broadcast_in_dim3A_974], %bitcast3A_975 : memref<1024x32xi32, #tpu.memory_space<vmem>>[vector<16xi32>, vector<16xi32>], vector<16xi32>,
          %broadcast_in_dim3A_976 = arith.constant 12 : i32
          %broadcast_in_dim3A_977 = vector.broadcast %broadcast_in_dim3A_976 : i32 to vector<16xi32>
          %gather3A_978 = tpu.vector_load_idx %arg15[%add3A_445, %broadcast_in_dim3A_977] : memref<1024x16xi32, #tpu.memory_space<vmem>>[vector<16xi32>, vector<16xi32>], vector<16xi32>,
          %xor3A_979 = arith.constant -2139062144 : i32
          %xor3A_980 = vector.broadcast %xor3A_979 : i32 to vector<16xi32>
          %xor3A_981 = arith.xori %gather3A_978, %xor3A_980 : vector<16xi32>
          %and3A_982 = arith.constant 255 : i32
          %and3A_983 = vector.broadcast %and3A_982 : i32 to vector<16xi32>
          %and3A_984 = arith.andi %xor3A_981, %and3A_983 : vector<16xi32>
          %and3A_985 = arith.constant 65280 : i32
          %and3A_986 = vector.broadcast %and3A_985 : i32 to vector<16xi32>
          %and3A_987 = arith.andi %xor3A_981, %and3A_986 : vector<16xi32>
          %shift_left3A_988 = arith.constant 8 : i32
          %shift_left3A_989 = vector.broadcast %shift_left3A_988 : i32 to vector<16xi32>
          %shift_left3A_990 = arith.shli %and3A_987, %shift_left3A_989 : vector<16xi32>
          %or3A_991 = arith.ori %and3A_984, %shift_left3A_990 : vector<16xi32>
          %shift_right_logical3A_992 = arith.constant 16 : i32
          %shift_right_logical3A_993 = vector.broadcast %shift_right_logical3A_992 : i32 to vector<16xi32>
          %shift_right_logical3A_994 = arith.shrui %xor3A_981, %shift_right_logical3A_993 : vector<16xi32>
          %and3A_995 = arith.constant 255 : i32
          %and3A_996 = vector.broadcast %and3A_995 : i32 to vector<16xi32>
          %and3A_997 = arith.andi %shift_right_logical3A_994, %and3A_996 : vector<16xi32>
          %shift_right_logical3A_998 = arith.constant 8 : i32
          %shift_right_logical3A_999 = vector.broadcast %shift_right_logical3A_998 : i32 to vector<16xi32>
          %shift_right_logical3A_1000 = arith.shrui %xor3A_981, %shift_right_logical3A_999 : vector<16xi32>
          %and3A_1001 = arith.constant 16711680 : i32
          %and3A_1002 = vector.broadcast %and3A_1001 : i32 to vector<16xi32>
          %and3A_1003 = arith.andi %shift_right_logical3A_1000, %and3A_1002 : vector<16xi32>
          %or3A_1004 = arith.ori %and3A_997, %and3A_1003 : vector<16xi32>
          %bitcast3A_1005 = vector.bitcast %or3A_991 : vector<16xi32> to vector<32xi16>
          %convert_element_type3A_1006 = arith.sitofp %bitcast3A_1005 : vector<32xi16> to vector<32xf16>
          %sub3A_1007 = arith.subf %convert_element_type3A_1006, %broadcast_in_dim3A_461 : vector<32xf16>
          %mul3A_1008 = arith.mulf %sub3A_1007, %bitcast3A_460 : vector<32xf16>
          %bitcast3A_1009 = vector.bitcast %or3A_1004 : vector<16xi32> to vector<32xi16>
          %convert_element_type3A_1010 = arith.sitofp %bitcast3A_1009 : vector<32xi16> to vector<32xf16>
          %sub3A_1011 = arith.subf %convert_element_type3A_1010, %broadcast_in_dim3A_461 : vector<32xf16>
          %mul3A_1012 = arith.mulf %sub3A_1011, %bitcast3A_460 : vector<32xf16>
          %broadcast_in_dim3A_1013 = arith.constant 24 : i32
          %broadcast_in_dim3A_1014 = vector.broadcast %broadcast_in_dim3A_1013 : i32 to vector<16xi32>
          %bitcast3A_1015 = vector.bitcast %mul3A_1008 : vector<32xf16> to vector<16xi32>
          tpu.vector_store_idx %arg16[%add3A_445, %broadcast_in_dim3A_1014], %bitcast3A_1015 : memref<1024x32xi32, #tpu.memory_space<vmem>>[vector<16xi32>, vector<16xi32>], vector<16xi32>,
          %broadcast_in_dim3A_1016 = arith.constant 25 : i32
          %broadcast_in_dim3A_1017 = vector.broadcast %broadcast_in_dim3A_1016 : i32 to vector<16xi32>
          %bitcast3A_1018 = vector.bitcast %mul3A_1012 : vector<32xf16> to vector<16xi32>
          tpu.vector_store_idx %arg16[%add3A_445, %broadcast_in_dim3A_1017], %bitcast3A_1018 : memref<1024x32xi32, #tpu.memory_space<vmem>>[vector<16xi32>, vector<16xi32>], vector<16xi32>,
          %broadcast_in_dim3A_1019 = arith.constant 13 : i32
          %broadcast_in_dim3A_1020 = vector.broadcast %broadcast_in_dim3A_1019 : i32 to vector<16xi32>
          %gather3A_1021 = tpu.vector_load_idx %arg15[%add3A_445, %broadcast_in_dim3A_1020] : memref<1024x16xi32, #tpu.memory_space<vmem>>[vector<16xi32>, vector<16xi32>], vector<16xi32>,
          %xor3A_1022 = arith.constant -2139062144 : i32
          %xor3A_1023 = vector.broadcast %xor3A_1022 : i32 to vector<16xi32>
          %xor3A_1024 = arith.xori %gather3A_1021, %xor3A_1023 : vector<16xi32>
          %and3A_1025 = arith.constant 255 : i32
          %and3A_1026 = vector.broadcast %and3A_1025 : i32 to vector<16xi32>
          %and3A_1027 = arith.andi %xor3A_1024, %and3A_1026 : vector<16xi32>
          %and3A_1028 = arith.constant 65280 : i32
          %and3A_1029 = vector.broadcast %and3A_1028 : i32 to vector<16xi32>
          %and3A_1030 = arith.andi %xor3A_1024, %and3A_1029 : vector<16xi32>
          %shift_left3A_1031 = arith.constant 8 : i32
          %shift_left3A_1032 = vector.broadcast %shift_left3A_1031 : i32 to vector<16xi32>
          %shift_left3A_1033 = arith.shli %and3A_1030, %shift_left3A_1032 : vector<16xi32>
          %or3A_1034 = arith.ori %and3A_1027, %shift_left3A_1033 : vector<16xi32>
          %shift_right_logical3A_1035 = arith.constant 16 : i32
          %shift_right_logical3A_1036 = vector.broadcast %shift_right_logical3A_1035 : i32 to vector<16xi32>
          %shift_right_logical3A_1037 = arith.shrui %xor3A_1024, %shift_right_logical3A_1036 : vector<16xi32>
          %and3A_1038 = arith.constant 255 : i32
          %and3A_1039 = vector.broadcast %and3A_1038 : i32 to vector<16xi32>
          %and3A_1040 = arith.andi %shift_right_logical3A_1037, %and3A_1039 : vector<16xi32>
          %shift_right_logical3A_1041 = arith.constant 8 : i32
          %shift_right_logical3A_1042 = vector.broadcast %shift_right_logical3A_1041 : i32 to vector<16xi32>
          %shift_right_logical3A_1043 = arith.shrui %xor3A_1024, %shift_right_logical3A_1042 : vector<16xi32>
          %and3A_1044 = arith.constant 16711680 : i32
          %and3A_1045 = vector.broadcast %and3A_1044 : i32 to vector<16xi32>
          %and3A_1046 = arith.andi %shift_right_logical3A_1043, %and3A_1045 : vector<16xi32>
          %or3A_1047 = arith.ori %and3A_1040, %and3A_1046 : vector<16xi32>
          %bitcast3A_1048 = vector.bitcast %or3A_1034 : vector<16xi32> to vector<32xi16>
          %convert_element_type3A_1049 = arith.sitofp %bitcast3A_1048 : vector<32xi16> to vector<32xf16>
          %sub3A_1050 = arith.subf %convert_element_type3A_1049, %broadcast_in_dim3A_461 : vector<32xf16>
          %mul3A_1051 = arith.mulf %sub3A_1050, %bitcast3A_460 : vector<32xf16>
          %bitcast3A_1052 = vector.bitcast %or3A_1047 : vector<16xi32> to vector<32xi16>
          %convert_element_type3A_1053 = arith.sitofp %bitcast3A_1052 : vector<32xi16> to vector<32xf16>
          %sub3A_1054 = arith.subf %convert_element_type3A_1053, %broadcast_in_dim3A_461 : vector<32xf16>
          %mul3A_1055 = arith.mulf %sub3A_1054, %bitcast3A_460 : vector<32xf16>
          %broadcast_in_dim3A_1056 = arith.constant 26 : i32
          %broadcast_in_dim3A_1057 = vector.broadcast %broadcast_in_dim3A_1056 : i32 to vector<16xi32>
          %bitcast3A_1058 = vector.bitcast %mul3A_1051 : vector<32xf16> to vector<16xi32>
          tpu.vector_store_idx %arg16[%add3A_445, %broadcast_in_dim3A_1057], %bitcast3A_1058 : memref<1024x32xi32, #tpu.memory_space<vmem>>[vector<16xi32>, vector<16xi32>], vector<16xi32>,
          %broadcast_in_dim3A_1059 = arith.constant 27 : i32
          %broadcast_in_dim3A_1060 = vector.broadcast %broadcast_in_dim3A_1059 : i32 to vector<16xi32>
          %bitcast3A_1061 = vector.bitcast %mul3A_1055 : vector<32xf16> to vector<16xi32>
          tpu.vector_store_idx %arg16[%add3A_445, %broadcast_in_dim3A_1060], %bitcast3A_1061 : memref<1024x32xi32, #tpu.memory_space<vmem>>[vector<16xi32>, vector<16xi32>], vector<16xi32>,
          %broadcast_in_dim3A_1062 = arith.constant 14 : i32
          %broadcast_in_dim3A_1063 = vector.broadcast %broadcast_in_dim3A_1062 : i32 to vector<16xi32>
          %gather3A_1064 = tpu.vector_load_idx %arg15[%add3A_445, %broadcast_in_dim3A_1063] : memref<1024x16xi32, #tpu.memory_space<vmem>>[vector<16xi32>, vector<16xi32>], vector<16xi32>,
          %xor3A_1065 = arith.constant -2139062144 : i32
          %xor3A_1066 = vector.broadcast %xor3A_1065 : i32 to vector<16xi32>
          %xor3A_1067 = arith.xori %gather3A_1064, %xor3A_1066 : vector<16xi32>
          %and3A_1068 = arith.constant 255 : i32
          %and3A_1069 = vector.broadcast %and3A_1068 : i32 to vector<16xi32>
          %and3A_1070 = arith.andi %xor3A_1067, %and3A_1069 : vector<16xi32>
          %and3A_1071 = arith.constant 65280 : i32
          %and3A_1072 = vector.broadcast %and3A_1071 : i32 to vector<16xi32>
          %and3A_1073 = arith.andi %xor3A_1067, %and3A_1072 : vector<16xi32>
          %shift_left3A_1074 = arith.constant 8 : i32
          %shift_left3A_1075 = vector.broadcast %shift_left3A_1074 : i32 to vector<16xi32>
          %shift_left3A_1076 = arith.shli %and3A_1073, %shift_left3A_1075 : vector<16xi32>
          %or3A_1077 = arith.ori %and3A_1070, %shift_left3A_1076 : vector<16xi32>
          %shift_right_logical3A_1078 = arith.constant 16 : i32
          %shift_right_logical3A_1079 = vector.broadcast %shift_right_logical3A_1078 : i32 to vector<16xi32>
          %shift_right_logical3A_1080 = arith.shrui %xor3A_1067, %shift_right_logical3A_1079 : vector<16xi32>
          %and3A_1081 = arith.constant 255 : i32
          %and3A_1082 = vector.broadcast %and3A_1081 : i32 to vector<16xi32>
          %and3A_1083 = arith.andi %shift_right_logical3A_1080, %and3A_1082 : vector<16xi32>
          %shift_right_logical3A_1084 = arith.constant 8 : i32
          %shift_right_logical3A_1085 = vector.broadcast %shift_right_logical3A_1084 : i32 to vector<16xi32>
          %shift_right_logical3A_1086 = arith.shrui %xor3A_1067, %shift_right_logical3A_1085 : vector<16xi32>
          %and3A_1087 = arith.constant 16711680 : i32
          %and3A_1088 = vector.broadcast %and3A_1087 : i32 to vector<16xi32>
          %and3A_1089 = arith.andi %shift_right_logical3A_1086, %and3A_1088 : vector<16xi32>
          %or3A_1090 = arith.ori %and3A_1083, %and3A_1089 : vector<16xi32>
          %bitcast3A_1091 = vector.bitcast %or3A_1077 : vector<16xi32> to vector<32xi16>
          %convert_element_type3A_1092 = arith.sitofp %bitcast3A_1091 : vector<32xi16> to vector<32xf16>
          %sub3A_1093 = arith.subf %convert_element_type3A_1092, %broadcast_in_dim3A_461 : vector<32xf16>
          %mul3A_1094 = arith.mulf %sub3A_1093, %bitcast3A_460 : vector<32xf16>
          %bitcast3A_1095 = vector.bitcast %or3A_1090 : vector<16xi32> to vector<32xi16>
          %convert_element_type3A_1096 = arith.sitofp %bitcast3A_1095 : vector<32xi16> to vector<32xf16>
          %sub3A_1097 = arith.subf %convert_element_type3A_1096, %broadcast_in_dim3A_461 : vector<32xf16>
          %mul3A_1098 = arith.mulf %sub3A_1097, %bitcast3A_460 : vector<32xf16>
          %broadcast_in_dim3A_1099 = arith.constant 28 : i32
          %broadcast_in_dim3A_1100 = vector.broadcast %broadcast_in_dim3A_1099 : i32 to vector<16xi32>
          %bitcast3A_1101 = vector.bitcast %mul3A_1094 : vector<32xf16> to vector<16xi32>
          tpu.vector_store_idx %arg16[%add3A_445, %broadcast_in_dim3A_1100], %bitcast3A_1101 : memref<1024x32xi32, #tpu.memory_space<vmem>>[vector<16xi32>, vector<16xi32>], vector<16xi32>,
          %broadcast_in_dim3A_1102 = arith.constant 29 : i32
          %broadcast_in_dim3A_1103 = vector.broadcast %broadcast_in_dim3A_1102 : i32 to vector<16xi32>
          %bitcast3A_1104 = vector.bitcast %mul3A_1098 : vector<32xf16> to vector<16xi32>
          tpu.vector_store_idx %arg16[%add3A_445, %broadcast_in_dim3A_1103], %bitcast3A_1104 : memref<1024x32xi32, #tpu.memory_space<vmem>>[vector<16xi32>, vector<16xi32>], vector<16xi32>,
          %broadcast_in_dim3A_1105 = arith.constant 15 : i32
          %broadcast_in_dim3A_1106 = vector.broadcast %broadcast_in_dim3A_1105 : i32 to vector<16xi32>
          %gather3A_1107 = tpu.vector_load_idx %arg15[%add3A_445, %broadcast_in_dim3A_1106] : memref<1024x16xi32, #tpu.memory_space<vmem>>[vector<16xi32>, vector<16xi32>], vector<16xi32>,
          %xor3A_1108 = arith.constant -2139062144 : i32
          %xor3A_1109 = vector.broadcast %xor3A_1108 : i32 to vector<16xi32>
          %xor3A_1110 = arith.xori %gather3A_1107, %xor3A_1109 : vector<16xi32>
          %and3A_1111 = arith.constant 255 : i32
          %and3A_1112 = vector.broadcast %and3A_1111 : i32 to vector<16xi32>
          %and3A_1113 = arith.andi %xor3A_1110, %and3A_1112 : vector<16xi32>
          %and3A_1114 = arith.constant 65280 : i32
          %and3A_1115 = vector.broadcast %and3A_1114 : i32 to vector<16xi32>
          %and3A_1116 = arith.andi %xor3A_1110, %and3A_1115 : vector<16xi32>
          %shift_left3A_1117 = arith.constant 8 : i32
          %shift_left3A_1118 = vector.broadcast %shift_left3A_1117 : i32 to vector<16xi32>
          %shift_left3A_1119 = arith.shli %and3A_1116, %shift_left3A_1118 : vector<16xi32>
          %or3A_1120 = arith.ori %and3A_1113, %shift_left3A_1119 : vector<16xi32>
          %shift_right_logical3A_1121 = arith.constant 16 : i32
          %shift_right_logical3A_1122 = vector.broadcast %shift_right_logical3A_1121 : i32 to vector<16xi32>
          %shift_right_logical3A_1123 = arith.shrui %xor3A_1110, %shift_right_logical3A_1122 : vector<16xi32>
          %and3A_1124 = arith.constant 255 : i32
          %and3A_1125 = vector.broadcast %and3A_1124 : i32 to vector<16xi32>
          %and3A_1126 = arith.andi %shift_right_logical3A_1123, %and3A_1125 : vector<16xi32>
          %shift_right_logical3A_1127 = arith.constant 8 : i32
          %shift_right_logical3A_1128 = vector.broadcast %shift_right_logical3A_1127 : i32 to vector<16xi32>
          %shift_right_logical3A_1129 = arith.shrui %xor3A_1110, %shift_right_logical3A_1128 : vector<16xi32>
          %and3A_1130 = arith.constant 16711680 : i32
          %and3A_1131 = vector.broadcast %and3A_1130 : i32 to vector<16xi32>
          %and3A_1132 = arith.andi %shift_right_logical3A_1129, %and3A_1131 : vector<16xi32>
          %or3A_1133 = arith.ori %and3A_1126, %and3A_1132 : vector<16xi32>
          %bitcast3A_1134 = vector.bitcast %or3A_1120 : vector<16xi32> to vector<32xi16>
          %convert_element_type3A_1135 = arith.sitofp %bitcast3A_1134 : vector<32xi16> to vector<32xf16>
          %sub3A_1136 = arith.subf %convert_element_type3A_1135, %broadcast_in_dim3A_461 : vector<32xf16>
          %mul3A_1137 = arith.mulf %sub3A_1136, %bitcast3A_460 : vector<32xf16>
          %bitcast3A_1138 = vector.bitcast %or3A_1133 : vector<16xi32> to vector<32xi16>
          %convert_element_type3A_1139 = arith.sitofp %bitcast3A_1138 : vector<32xi16> to vector<32xf16>
          %sub3A_1140 = arith.subf %convert_element_type3A_1139, %broadcast_in_dim3A_461 : vector<32xf16>
          %mul3A_1141 = arith.mulf %sub3A_1140, %bitcast3A_460 : vector<32xf16>
          %broadcast_in_dim3A_1142 = arith.constant 30 : i32
          %broadcast_in_dim3A_1143 = vector.broadcast %broadcast_in_dim3A_1142 : i32 to vector<16xi32>
          %bitcast3A_1144 = vector.bitcast %mul3A_1137 : vector<32xf16> to vector<16xi32>
          tpu.vector_store_idx %arg16[%add3A_445, %broadcast_in_dim3A_1143], %bitcast3A_1144 : memref<1024x32xi32, #tpu.memory_space<vmem>>[vector<16xi32>, vector<16xi32>], vector<16xi32>,
          %broadcast_in_dim3A_1145 = arith.constant 31 : i32
          %broadcast_in_dim3A_1146 = vector.broadcast %broadcast_in_dim3A_1145 : i32 to vector<16xi32>
          %bitcast3A_1147 = vector.bitcast %mul3A_1141 : vector<32xf16> to vector<16xi32>
          tpu.vector_store_idx %arg16[%add3A_445, %broadcast_in_dim3A_1146], %bitcast3A_1147 : memref<1024x32xi32, #tpu.memory_space<vmem>>[vector<16xi32>, vector<16xi32>], vector<16xi32>,
          %scan3A_1148 = arith.constant 0 : i32
          scf.yield %scan3A_1148 : i32
        }
        %scan3A_435 = arith.constant 64 : i32
        %dma_start3A_436 = arith.constant 0 : i32
        %dma_start3A_437 = tpu.memref_slice %arg5[%multiple_of3A_280, %dma_start3A_436] : memref<819200x32xi32, #tpu.memory_space<hbm>> -> memref<1024x32xi32, #tpu.memory_space<hbm>>
        %dma_start3A_438 = arith.constant 0 : i32
        %dma_start3A_439 = tpu.memref_slice %arg5[%multiple_of3A_280, %dma_start3A_438] : memref<819200x32xi32, #tpu.memory_space<hbm>> -> memref<1024x32xi32, #tpu.memory_space<hbm>>
        tpu.enqueue_dma source(%arg16 : memref<1024x32xi32, #tpu.memory_space<vmem>>) target(%dma_start3A_439 : memref<1024x32xi32, #tpu.memory_space<hbm>>) target_semaphore(%arg19 : memref<!tpu.dma_semaphore, #tpu.memory_space<semaphore_mem>>)
      } else {
      }
      %scan3A_276 = arith.constant 0 : i32
      scf.yield %scan3A_276 : i32
    }
    %scan3A_170 = arith.constant 25 : i32
    %add3A_171 = arith.constant 23552 : i32
    %add3A_172 = arith.addi %mul3A_2, %add3A_171 : i32
    %multiple_of3A_173 = tpu.assume_multiple %add3A_172, 1024 : i32
    %dma_wait3A = arith.constant 0 : i32
    %dma_wait3A_174 = tpu.memref_slice %arg5[%multiple_of3A_173, %dma_wait3A] : memref<819200x32xi32, #tpu.memory_space<hbm>> -> memref<1024x32xi32, #tpu.memory_space<hbm>>
    %dma_wait3A_175 = arith.constant 0 : i32
    %dma_wait3A_176 = tpu.memref_slice %arg5[%multiple_of3A_173, %dma_wait3A_175] : memref<819200x32xi32, #tpu.memory_space<hbm>> -> memref<1024x32xi32, #tpu.memory_space<hbm>>
    tpu.wait_dma2 semaphore(%arg19 : memref<!tpu.dma_semaphore, #tpu.memory_space<semaphore_mem>>) src(%arg16 : memref<1024x32xi32, #tpu.memory_space<vmem>>) dst(%dma_wait3A_176 : memref<1024x32xi32, #tpu.memory_space<hbm>>)
    %add3A_177 = arith.constant 24576 : i32
    %add3A_178 = arith.addi %mul3A_2, %add3A_177 : i32
    %multiple_of3A_179 = tpu.assume_multiple %add3A_178, 1024 : i32
    %dma_wait3A_180 = arith.constant 0 : i32
    %dma_wait3A_181 = tpu.memref_slice %arg5[%multiple_of3A_179, %dma_wait3A_180] : memref<819200x32xi32, #tpu.memory_space<hbm>> -> memref<1024x32xi32, #tpu.memory_space<hbm>>
    %dma_wait3A_182 = arith.constant 0 : i32
    %dma_wait3A_183 = tpu.memref_slice %arg5[%multiple_of3A_179, %dma_wait3A_182] : memref<819200x32xi32, #tpu.memory_space<hbm>> -> memref<1024x32xi32, #tpu.memory_space<hbm>>
    tpu.wait_dma2 semaphore(%arg12 : memref<!tpu.dma_semaphore, #tpu.memory_space<semaphore_mem>>) src(%arg9 : memref<1024x32xi32, #tpu.memory_space<vmem>>) dst(%dma_wait3A_183 : memref<1024x32xi32, #tpu.memory_space<hbm>>)
    return
  }
}

</mosaic_0001>

<sc_bundles>
// kernel: kernel.3.cloned.1.call-start
scs
__scs_entry_jumppad:
0x0: {  	(pc) =	sbr.rel $0x88, $3  }
0x1: {  	(tag) =	ssettag $0x0;
	lr =	simm.s32 $0x1  }
0x2: {  	[smem:$0x3F9E] =	sst lr;
	_ =	strace $0xD0000000  }
0x3: {  	_ = 	snop  }
0x4: {  	_ = 	snop  }
0x5: {  	_ = 	snop  }
0x6: {  	_ = 	snop  }
0x7: {  	_ = 	snop  }
__scs_overlays_trampoline_lowered:
0x8: {  	[smem:$0x3FAD] =	sst s0  }
0x9: {  	[smem:$0x3FAE] =	sst s1  }
0xa: {  	[smem:$0x3FAF] =	sst s2  }
0xb: {  	[smem:$0x3FB0] =	sst s3  }
0xc: {  	[smem:$0x3FB1] =	sst s4  }
0xd: {  	[smem:$0x3FB2] =	sst s5  }
0xe: {  	[smem:$0x3FB3] =	sst s6  }
0xf: {  	[smem:$0x3FB4] =	sst s7  }
0x10: {  	[smem:$0x3FB5] =	sst s8  }
0x11: {  	[smem:$0x3FB6] =	sst s9;
	s0 =	simm.s32 @!p0 $0x0  }
0x12: {  	s1 =	sld [smem:$0x3F9C];
	s0 =	simm.s32 @p0 $0x1  }
0x13: {  	[smem:$0x3FB7] =	sst s0;
	s0 =	simm.s32 @!p1 $0x0  }
0x14: {  	s2 =	sld [smem:$0x3F9B];
	s0 =	simm.s32 @p1 $0x1  }
0x15: {  	[smem:$0x3FB8] =	sst s0;
	s0 =	simm.s32 @!p2 $0x0  }
0x16: {  	s3 =	sld [smem:$0x3FDB];
	s0 =	simm.s32 @p2 $0x1  }
0x17: {  	s4 =	simm.s32 $0x1BF5;
	[smem:$0x3FBA] =	sst s0  }
0x18: {  	s0 =	sld [smem:$0x3F9D];
	_ =	swait.ge [sflag:s4], $0x0  }
0x19: {  	s7 =	sld [smem:$0x3F9E]  }
0x1a: {  	s8 =	sadd.s32 $0xFFFFE003, lr  }
0x1b: {  	s9 =	sadd.s32 $0xFFFFFEF7, lr;
	s5 =	simm.s32 $0xFFFFFFFF;
	p2 =	slt.u32 s8, $0xFFFFF086  }
0x1c: {  	p1 =	slt.u32 s9, $0xF7A;
	s5 =	simm.s32 @!p2 $0x0  }
0x1d: {  	s5 =	simm.s32 @p1 $0x1;
	p0 =	seq.s32 s7, s2  }
0x1e: {  	s7 =	smul.u32 @!p0 $0xF7A, s2;
	p2 =	seq.s32 @!p0 s5, $0x0  }
0x1f: {  	s9 =	smul.u32 $0xF7A, s1;
	s8 =	simm.s32 @!p0 $0x1BF5;
	p2 =	por !p2, p0  }
0x20: {  	[sflag:s8] =	ssyncset.s32 @!p0 $0xFFFFF086;
	s6 =	sadd.s32 @!p0 s3, s7;
	s7 =	simm.s32 @!p0 $0x108  }
0x21: {  	s3 =	sadd.s32 s3, s9;
	s6 =	sadd.s32 @!p0 $0x88, s6;
	s7 =	simm.s32 @p2 $0x1082  }
0x22: {  	[simem:s7], [sflag:s8] =	dma.local @!p0 [hbm:s6], $0xF7A  }
0x23: {  	s9 =	sor.u32 $0xD0000000, s2;
	s6 =	simm.s32 $0x108;
	_ =	swait.ge @!p0 [sflag:s8], $0x0  }
0x24: {  	s3 =	sadd.s32 $0x88, s3;
	s6 =	simm.s32 @!p1 $0x1082;
	[sflag:s4] =	ssyncset.s32 $0xFFFFF086  }
0x25: {  	[simem:s6], [sflag:s4] =	dma.local [hbm:s3], $0xF7A  }
0x26: {  	[smem:$0x3F9E] =	sst s1;
	(tag) =	ssettag s2;
	_ =	strace s9  }
0x27: {  	s1 =	sld [smem:$0x3FAE]  }
0x28: {  	s2 =	sld [smem:$0x3FAF]  }
0x29: {  	s4 =	sld [smem:$0x3FB1]  }
0x2a: {  	p0 =	seq.s32 s5, $0x0;
	s5 =	sld [smem:$0x3FB2]  }
0x2b: {  	s6 =	sld [smem:$0x3FB3]  }
0x2c: {  	s7 =	sld [smem:$0x3FB4]  }
0x2d: {  	s3 =	simm.s32 $0x108;
	s8 =	sld [smem:$0x3FB5]  }
0x2e: {  	s3 =	simm.s32 @!p0 $0x1082;
	s9 =	sld [smem:$0x3FB6]  }
0x2f: {  	lr =	sadd.s32 s0, s3;
	s0 =	sld [smem:$0x3FAD]  }
0x30: {  	s3 =	sld [smem:$0x3FB0]  }
0x31: {  	[smem:$0x3FB9] =	sst s10  }
0x32: {  	s10 =	sld [smem:$0x3FB7];
	_ =	sdelay $0x3  }
0x33: {  	p0 =	seq.s32 s10, $0x1;
	s10 =	sld [smem:$0x3FB9];
	_ =	sdelay $0x3  }
0x34: {  	[smem:$0x3FB9] =	sst s10  }
0x35: {  	s10 =	sld [smem:$0x3FB8];
	_ =	sdelay $0x3  }
0x36: {  	p1 =	seq.s32 s10, $0x1;
	s10 =	sld [smem:$0x3FB9];
	_ =	sdelay $0x3  }
0x37: {  	[smem:$0x3FB9] =	sst s10  }
0x38: {  	s10 =	sld [smem:$0x3FBA]  }
0x39: {  	_ = 	snop;
	(pc) =	sbr.ind lr, $3  }
0x3a: {  	_ = 	snop  }
0x3b: {  	_ = 	snop  }
0x3c: {  	p2 =	seq.s32 s10, $0x1;
	s10 =	sld [smem:$0x3FB9]  }
0x3d: {  	_ =	shalt  }
0x3e: {  	_ =	shalt  }
0x3f: {  	_ =	shalt  }
0x40: {  	_ =	shalt  }
0x41: {  	_ =	shalt  }
0x42: {  	_ =	shalt  }
0x43: {  	_ =	shalt  }
0x44: {  	_ =	shalt  }
0x45: {  	_ =	shalt  }
0x46: {  	_ =	shalt  }
0x47: {  	_ =	shalt  }
0x48: {  	_ =	shalt  }
0x49: {  	_ =	shalt  }
0x4a: {  	_ =	shalt  }
0x4b: {  	_ =	shalt  }
0x4c: {  	_ =	shalt  }
0x4d: {  	_ =	shalt  }
0x4e: {  	_ =	shalt  }
0x4f: {  	_ =	shalt  }
0x50: {  	_ =	shalt  }
0x51: {  	_ =	shalt  }
0x52: {  	_ =	shalt  }
0x53: {  	_ =	shalt  }
0x54: {  	_ =	shalt  }
0x55: {  	_ =	shalt  }
0x56: {  	_ =	shalt  }
0x57: {  	_ =	shalt  }
0x58: {  	_ =	shalt  }
0x59: {  	_ =	shalt  }
0x5a: {  	_ =	shalt  }
0x5b: {  	_ =	shalt  }
0x5c: {  	_ =	shalt  }
0x5d: {  	_ =	shalt  }
0x5e: {  	_ =	shalt  }
0x5f: {  	_ =	shalt  }
0x60: {  	_ =	shalt  }
0x61: {  	_ =	shalt  }
0x62: {  	_ =	shalt  }
0x63: {  	_ =	shalt  }
0x64: {  	_ =	shalt  }
0x65: {  	_ =	shalt  }
0x66: {  	_ =	shalt  }
0x67: {  	_ =	shalt  }
0x68: {  	_ =	shalt  }
0x69: {  	_ =	shalt  }
0x6a: {  	_ =	shalt  }
0x6b: {  	_ =	shalt  }
0x6c: {  	_ =	shalt  }
0x6d: {  	_ =	shalt  }
0x6e: {  	_ =	shalt  }
0x6f: {  	_ =	shalt  }
0x70: {  	_ =	shalt  }
0x71: {  	_ =	shalt  }
0x72: {  	_ =	shalt  }
0x73: {  	_ =	shalt  }
0x74: {  	_ =	shalt  }
0x75: {  	_ =	shalt  }
0x76: {  	_ =	shalt  }
0x77: {  	_ =	shalt  }
0x78: {  	_ =	shalt  }
0x79: {  	_ =	shalt  }
0x7a: {  	_ =	shalt  }
0x7b: {  	_ =	shalt  }
0x7c: {  	_ =	shalt  }
0x7d: {  	_ =	shalt  }
0x7e: {  	_ =	shalt  }
0x7f: {  	_ =	shalt  }
0x80: {  	_ =	shalt  }
0x81: {  	_ =	shalt  }
0x82: {  	_ =	shalt  }
0x83: {  	_ =	shalt  }
0x84: {  	_ =	shalt  }
0x85: {  	_ =	shalt  }
0x86: {  	_ =	shalt  }
0x87: {  	_ =	shalt  }
.Lfunc_end0:
.L_simem_size_0:
called_computation.3_lowered:
.L_overlay_start_0:
0x88: {  	s2 =	sld [smem:$0x3FD9]  }
0x89: {  	s3 =	sld [smem:$0x3FFE];
	_ =	sdelay $0x1  }
0x8a: {  	s1 =	srdreg.scid  }
0x8b: {  	s0 =	sand.u32 $0x1, s1  }
0x8c: {  	s17 =	sshll.u32 s0, $0xA;
	s2 =	sadd.s32 s3, s2  }
0x8d: {  	s2 =	sadd.s32 s2, s17  }
0x8e: {  	[smem:$0x3FC5] =	sst s2  }
0x8f: {  	_ = 	snop  }
0x90: {  	s2 =	sld [smem:$0x3FD0];
	(tm) =	ssettm $0x1  }
0x91: {  	s18 =	sld [smem:$0x3FFB];
	_ =	sdelay $0x3  }
0x92: {  	_ =	strace s18  }
0x93: {  	s3 =	sld [smem:$0x3FFC];
	_ =	sdelay $0x3  }
0x94: {  	_ =	strace s3  }
0x95: {  	s3 =	sld [smem:$0x3FFD];
	_ =	sdelay $0x3  }
0x96: {  	_ =	strace s3  }
0x97: {  	_ =	strace $0x8FFFFFFF  }
0x98: {  	s19 =	sld [smem:$0x3FDB];
	_ =	sdelay $0x1  }
0x99: {  	s4 =	simm.s32 $_scs_section_size  }
0x9a: {  	s5 =	simm.s32 $_size__tile_overlayer_lowered;
	s6 =	simm.s32 $_tile_overlayer_lowered  }
0x9b: {  	s22 =	simm.s32 $0x1BFF;
	s21 =	sshll.u32 s6, $0x1;
	s3 =	sadd.s32 s4, s19  }
0x9c: {  	s7 =	simm.s32 $0x0;
	s20 =	sshll.u32 s5, $0x1;
	s5 =	sadd.s32 s21, s3  }
0x9d: {  	[timem:s7], [sflag:s22] =	dma.local [hbm:s5], s20  }
0x9e: {  	_ =	swait.ge [sflag:s22], s20  }
0x9f: {  	s4 =	ssub.s32 $0x0, s20;
	[sflag:s22] =	ssyncset.done $0x0  }
0xa0: {  	[sflag:s22] =	ssyncadd.s32 s4;
	_ =	sdelay $0x1  }
0xa1: {  	s23 =	simm.s32 $0x1B8B  }
0xa2: {  	_ =	swait.ge [sflag:s23], $0x1  }
0xa3: {  	[sflag:s23] =	ssyncset.done $0x0  }
0xa4: {  	s25 =	simm.s32 $0x1B8E;
	s24 =	sld [smem:$0x3FFE];
	[sflag:s23] =	ssyncadd.s32 $0xFFFFFFFF  }
0xa5: {  	s26 =	simm.s32 $execute0_lowered;
	[smem:$0x3FD2] =	sst s25  }
0xa6: {  	s5 =	sshll.u32 s26, $0x1;
	_ =	strace $0x80000049;
	[dreg:$0x1] =	wrdreg $0xFFFFFFFF  }
0xa7: {  	s28 =	simm.s32 $_size_execute0_lowered;
	s3 =	sadd.s32 s3, s5;
	[dreg:$0x0] =	wrdreg $0x0  }
0xa8: {  	s5 =	sshll.u32 s28, $0x1;
	[dreg:$0x2] =	wrdreg s3  }
0xa9: {  	[dreg:$0x3] =	wrdreg s5  }
0xaa: {  	[dreg:$0x4] =	wrdreg $0xC0  }
0xab: {  	_ =	task [dreg:s7], $0x5FFFF  }
0xac: {  	[dreg:$0x1] =	wrdreg $0xFFFFFFFF  }
0xad: {  	[dreg:$0x0] =	wrdreg $0x60  }
0xae: {  	[dreg:$0x2] =	wrdreg s24  }
0xaf: {  	[dreg:$0x3] =	wrdreg s2  }
0xb0: {  	[dreg:$0x4] =	wrdreg $0x9  }
0xb1: {  	_ =	task.clear_ibuf [dreg:s7], $0x5FFFF;
	_ =	strace $0x90000049  }
0xb2: {  	s29 =	simm.s32 $0x9;
	_ =	strace $0x8000004B  }
0xb3: {  	_ =	swait.ge [sflag:s29], $0x1  }
0xb4: {  	[sflag:s29] =	ssyncadd.s32 $0xFFFFFFFF  }
0xb5: {  	_ =	strace $0x9000004B  }
0xb6: {  	_ =	sfence  }
0xb7: {  	s30 =	sld [smem:$0x0];
	_ =	sdelay $0x2  }
0xb8: {  	s31 =	sshll.u32 s1, $0xD;
	s1 =	sshrl.u32 s1, $0x2  }
0xb9: {  	s3 =	sand.u32 $0x4000, s31;
	s1 =	sadd.s32 s1, s30  }
0xba: {  	s0 =	sor.u32 s3, s0;
	s1 =	sshll.u32 s1, $0x11  }
0xbb: {  	s0 =	sor.u32 s1, s0  }
0xbc: {  	s0 =	sadd.s32 $0x8F2B, s0  }
0xbd: {  	[sflag:s0] =	ssyncadd.remote.s32 $0x1  }
0xbe: {  	_ =	sfence.sel $0xFFFF  }
0xbf: {  	[dreg:$0x0] =	wrdreg $0xFFFFFFFF;
	(pc) =	sbr.abs _section_cstart, $3  }
0xc0: {  	[dreg:$0x1] =	wrdreg $0xFFFFFFFF  }
0xc1: {  	_ =	task.clear_ibuf [dreg:s7], $0x2FFFF;
	_ =	strace $0x9FFFFFFF  }
0xc2: {  	(tm) =	ssettm $0x7FFFFFFF  }
0xc3: {  	_ =	shalt  }
tec
execute0_lowered:
.L_overlay_start_1:
0x0: {  	(tag) =	ssettag $0x1  }
0x1: {  	s0 =	rddreg [dreg:$0x0];
	s1 =	srdreg.scid  }
0x2: {  	s3 =	stileid.u32;
	s2 =	rddreg [dreg:$0x1];
	s11 =	simm.s32 $0x7  }
0x3: {  	s12 =	simm.s32 $0x80;
	s13 =	simm.s32 $0x800;
	s30 =	simm.s32 $0x300  }
0x4: {  	s16 =	simm.s32 $0x1;
	s18 =	simm.s32 $0x2;
	s19 =	simm.s32 $0x4800  }
0x5: {  	s21 =	simm.s32 $0x4;
	s22 =	simm.s32 $0x5;
	s24 =	simm.s32 $0xD000  }
0x6: {  	s25 =	simm.s32 $0x11000;
	s28 =	simm.s32 $0x6;
	s29 =	simm.s32 $0x3  }
0x7: {  	s31 =	simm.s32 $0x0;
	s1 =	sand.u32 $0x1, s1;
	s4 =	sshll.u32 s3, $0x1  }
0x8: {  	s3 =	simm.s32 $0x0;
	s5 =	sadd.s32 $0x112B400, s0;
	s6 =	sadd.s32 $0xA00, s0  }
.Ltmp0:
0x9: {  	s7 =	sadd.s32 $0x1144400, s0;
	s9 =	sor.u32 s1, s4;
	(pc) =	sbr.rel .LBB2_1-.Ltmp0, $4  }
0xa: {  	[smem:$0x7FF] =	sst s3;
	s1 =	ssub.s32 $0x2, s1;
	s4 =	smul.u32 $0x6400, s9  }
0xb: {  	s0 =	simm.s32 $0x380;
	_ =	strace $0x8000004A;
	s8 =	sshrl.u32 s1, $0x1  }
0xc: {  	s9 =	smul.u32 $0xC8000, s9;
	s26 =	ssub.s32 s1, s8;
	s10 =	sshrl.u32 s4, $0x3  }
0xd: {  	v0 =	vlaneseq.u32;
	s8 =	sadd.s32 s5, s10;
	s10 =	smax.u32 s26, $0x1;
	s26 =	simm.s32 $0x280  }
.LBB2_11:
0xe: {  	s31 =	sadd.s32 $0x1, s31  }
0xf: {  	_ =	swait.ge [sflag:s28], $0x8000;
	p0 =	sne.s32 s31, s10  }
.Ltmp1:
0x10: {  	[sflag:s28] =	ssyncset.done $0x0;
	(pc) =	sbr.rel @!p0 .LBB2_12-.Ltmp1, $4  }
0x11: {  	[sflag:s28] =	ssyncadd.s32 $0xFFFF8000  }
0x12: {  	_ =	swait.ge [sflag:s29], $0x8000  }
0x13: {  	[sflag:s29] =	ssyncset.done $0x0  }
0x14: {  	[sflag:s29] =	ssyncadd.s32 $0xFFFF8000  }
.LBB2_1:
0x15: {  	[tilespmem:s3], [sflag:$0x7] =	stream.linear.gather [hbm4b:s8+s3], $0x400, $0x38;
	[tilespmem:$0x19000] =	vst v63  }
0x16: {  	_ =	swait.ge [sflag:s11], $0x400  }
0x17: {  	[sflag:s11] =	ssyncset.done $0x0  }
0x18: {  	[sflag:s11] =	ssyncadd.s32 $0xFFFFFC00  }
0x19: {  	[tilespmem:s13], [sflag:$0x1] =	stream.indirect.gather [hbm4b:s6+s12], $0x10, s3, s12, $0xb8;
	[tilespmem:$0x19000] =	vst v63  }
0x1a: {  	s1 =	simm.s32 $0x400  }
0x1b: {  	[tilespmem:s1], [sflag:$0x2] =	stream.indirect.gather [hbm4b:s7+s12], $0x1, s3, s12, $0xb8;
	[tilespmem:$0x19000] =	vst v63  }
0x1c: {  	s17 =	simm.s32 $0x1000  }
0x1d: {  	[tilespmem:s17], [sflag:$0x1] =	stream.indirect.gather [hbm4b:s6+s12], $0x10, s12, s12, $0xb8;
	[tilespmem:$0x19000] =	vst v63  }
0x1e: {  	s20 =	simm.s32 $0x480  }
0x1f: {  	[tilespmem:s20], [sflag:$0x2] =	stream.indirect.gather [hbm4b:s7+s12], $0x1, s12, s12, $0xb8;
	[tilespmem:$0x19000] =	vst v63  }
0x20: {  	s23 =	simm.s32 $0x100;
	s14 =	simm.s32 $0x1800  }
0x21: {  	[tilespmem:s14], [sflag:$0x1] =	stream.indirect.gather [hbm4b:s6+s12], $0x10, s23, s12, $0xb8;
	[tilespmem:$0x19000] =	vst v63  }
0x22: {  	s15 =	simm.s32 $0x500  }
0x23: {  	[tilespmem:s15], [sflag:$0x2] =	stream.indirect.gather [hbm4b:s7+s12], $0x1, s23, s12, $0xb8;
	[tilespmem:$0x19000] =	vst v63  }
0x24: {  	s17 =	simm.s32 $0x180;
	s20 =	simm.s32 $0x2000  }
0x25: {  	[tilespmem:s20], [sflag:$0x1] =	stream.indirect.gather [hbm4b:s6+s12], $0x10, s17, s12, $0xb8;
	[tilespmem:$0x19000] =	vst v63  }
0x26: {  	s23 =	simm.s32 $0x580  }
0x27: {  	[tilespmem:s23], [sflag:$0x2] =	stream.indirect.gather [hbm4b:s7+s12], $0x1, s17, s12, $0xb8;
	[tilespmem:$0x19000] =	vst v63  }
0x28: {  	s15 =	simm.s32 $0x200;
	s17 =	simm.s32 $0x2800  }
0x29: {  	[tilespmem:s17], [sflag:$0x1] =	stream.indirect.gather [hbm4b:s6+s12], $0x10, s15, s12, $0xb8;
	[tilespmem:$0x19000] =	vst v63  }
0x2a: {  	s20 =	simm.s32 $0x600  }
0x2b: {  	[tilespmem:s20], [sflag:$0x2] =	stream.indirect.gather [hbm4b:s7+s12], $0x1, s15, s12, $0xb8;
	[tilespmem:$0x19000] =	vst v63  }
0x2c: {  	s23 =	simm.s32 $0x3000  }
0x2d: {  	[tilespmem:s23], [sflag:$0x1] =	stream.indirect.gather [hbm4b:s6+s12], $0x10, s26, s12, $0xb8;
	[tilespmem:$0x19000] =	vst v63  }
0x2e: {  	s14 =	simm.s32 $0x680  }
0x2f: {  	[tilespmem:s14], [sflag:$0x2] =	stream.indirect.gather [hbm4b:s7+s12], $0x1, s26, s12, $0xb8;
	[tilespmem:$0x19000] =	vst v63  }
0x30: {  	s15 =	simm.s32 $0x3800  }
0x31: {  	[tilespmem:s15], [sflag:$0x1] =	stream.indirect.gather [hbm4b:s6+s12], $0x10, s30, s12, $0xb8;
	[tilespmem:$0x19000] =	vst v63  }
0x32: {  	s17 =	simm.s32 $0x700  }
0x33: {  	[tilespmem:s17], [sflag:$0x2] =	stream.indirect.gather [hbm4b:s7+s12], $0x1, s30, s12, $0xb8;
	[tilespmem:$0x19000] =	vst v63  }
.Ltmp2:
0x34: {  	_ = 	snop;
	(pc) =	sbr.rel .LBB2_2-.Ltmp2, $4  }
0x35: {  	s20 =	simm.s32 $0x4000  }
0x36: {  	[tilespmem:s20], [sflag:$0x1] =	stream.indirect.gather [hbm4b:s6+s12], $0x10, s0, s12, $0xb8;
	[tilespmem:$0x19000] =	vst v63  }
0x37: {  	s1 =	simm.s32 $0x0;
	s23 =	simm.s32 $0x780  }
0x38: {  	[tilespmem:s23], [sflag:$0x2] =	stream.indirect.gather [hbm4b:s7+s12], $0x1, s0, s12, $0xb8;
	[tilespmem:$0x19000] =	vst v63  }
.LBB2_10:
0x39: {  	p0 =	sne.s32 s14, $0x19  }
.Ltmp3:
0x3a: {  	_ = 	snop;
	(pc) =	sbr.rel @!p0 .LBB2_11-.Ltmp3, $2  }
0x3b: {  	_ =	sdelay $0x2  }
0x3c: {  	s1 =	smov.u32 s14  }
.LBB2_2:
0x3d: {  	p0 =	seq.s32 s1, $0x18;
	s15 =	sand.u32 $0x1, s1  }
0x3e: {  	p1 =	sne.s32 @!p0 s15, $0x0  }
0x3f: {  	s14 =	sadd.s32 $0x1, s1;
	p0 =	por p1, p0  }
0x40: {  	s17 =	sshll.u32 @!p0 s14, $0xA  }
0x41: {  	s17 =	sadd.s32 @!p0 s4, s17  }
0x42: {  	s17 =	sshrl.u32 @!p0 s17, $0x3  }
0x43: {  	s20 =	simm.s32 @!p0 $0x0;
	s23 =	simm.s32 @!p0 $0xC800;
	s17 =	sadd.s32 @!p0 s5, s17  }
0x44: {  	[tilespmem:s23], [sflag:$0x7] =	stream.linear.gather @!p0 [hbm4b:s17+s20], $0x400, $0x38;
	[tilespmem:$0x19000] =	vst v63  }
0x45: {  	s17 =	simm.s32 @!p0 $0x7  }
0x46: {  	_ =	swait.ge @!p0 [sflag:s17], $0x400  }
0x47: {  	[sflag:s17] =	ssyncset.done @!p0 $0x0  }
0x48: {  	s20 =	simm.s32 @!p0 $0xD000;
	[sflag:s17] =	ssyncadd.s32 @!p0 $0xFFFFFC00;
	s17 =	simm.s32 @!p0 $0x80  }
0x49: {  	[tilespmem:s20], [sflag:$0x4] =	stream.indirect.gather @!p0 [hbm4b:s6+s17], $0x10, s23, s17, $0xb8;
	[tilespmem:$0x19000] =	vst v63  }
0x4a: {  	s20 =	simm.s32 @!p0 $0xCC00  }
0x4b: {  	[tilespmem:s20], [sflag:$0x5] =	stream.indirect.gather @!p0 [hbm4b:s7+s17], $0x1, s23, s17, $0xb8;
	[tilespmem:$0x19000] =	vst v63  }
0x4c: {  	s20 =	simm.s32 @!p0 $0xC880;
	s23 =	simm.s32 @!p0 $0xD800  }
0x4d: {  	[tilespmem:s23], [sflag:$0x4] =	stream.indirect.gather @!p0 [hbm4b:s6+s17], $0x10, s20, s17, $0xb8;
	[tilespmem:$0x19000] =	vst v63  }
0x4e: {  	s23 =	simm.s32 @!p0 $0xCC80  }
0x4f: {  	[tilespmem:s23], [sflag:$0x5] =	stream.indirect.gather @!p0 [hbm4b:s7+s17], $0x1, s20, s17, $0xb8;
	[tilespmem:$0x19000] =	vst v63  }
0x50: {  	s20 =	simm.s32 @!p0 $0xC900;
	s23 =	simm.s32 @!p0 $0xE000  }
0x51: {  	[tilespmem:s23], [sflag:$0x4] =	stream.indirect.gather @!p0 [hbm4b:s6+s17], $0x10, s20, s17, $0xb8;
	[tilespmem:$0x19000] =	vst v63  }
0x52: {  	s23 =	simm.s32 @!p0 $0xCD00  }
0x53: {  	[tilespmem:s23], [sflag:$0x5] =	stream.indirect.gather @!p0 [hbm4b:s7+s17], $0x1, s20, s17, $0xb8;
	[tilespmem:$0x19000] =	vst v63  }
0x54: {  	s20 =	simm.s32 @!p0 $0xC980;
	s23 =	simm.s32 @!p0 $0xE800  }
0x55: {  	[tilespmem:s23], [sflag:$0x4] =	stream.indirect.gather @!p0 [hbm4b:s6+s17], $0x10, s20, s17, $0xb8;
	[tilespmem:$0x19000] =	vst v63  }
0x56: {  	s23 =	simm.s32 @!p0 $0xCD80  }
0x57: {  	[tilespmem:s23], [sflag:$0x5] =	stream.indirect.gather @!p0 [hbm4b:s7+s17], $0x1, s20, s17, $0xb8;
	[tilespmem:$0x19000] =	vst v63  }
0x58: {  	s20 =	simm.s32 @!p0 $0xCA00;
	s23 =	simm.s32 @!p0 $0xF000  }
0x59: {  	[tilespmem:s23], [sflag:$0x4] =	stream.indirect.gather @!p0 [hbm4b:s6+s17], $0x10, s20, s17, $0xb8;
	[tilespmem:$0x19000] =	vst v63  }
0x5a: {  	s23 =	simm.s32 @!p0 $0xCE00  }
0x5b: {  	[tilespmem:s23], [sflag:$0x5] =	stream.indirect.gather @!p0 [hbm4b:s7+s17], $0x1, s20, s17, $0xb8;
	[tilespmem:$0x19000] =	vst v63  }
0x5c: {  	s20 =	simm.s32 @!p0 $0xCA80;
	s23 =	simm.s32 @!p0 $0xF800  }
0x5d: {  	[tilespmem:s23], [sflag:$0x4] =	stream.indirect.gather @!p0 [hbm4b:s6+s17], $0x10, s20, s17, $0xb8;
	[tilespmem:$0x19000] =	vst v63  }
0x5e: {  	s23 =	simm.s32 @!p0 $0xCE80  }
0x5f: {  	[tilespmem:s23], [sflag:$0x5] =	stream.indirect.gather @!p0 [hbm4b:s7+s17], $0x1, s20, s17, $0xb8;
	[tilespmem:$0x19000] =	vst v63  }
0x60: {  	s20 =	simm.s32 @!p0 $0xCB00;
	s23 =	simm.s32 @!p0 $0x10000  }
0x61: {  	[tilespmem:s23], [sflag:$0x4] =	stream.indirect.gather @!p0 [hbm4b:s6+s17], $0x10, s20, s17, $0xb8;
	[tilespmem:$0x19000] =	vst v63  }
0x62: {  	s23 =	simm.s32 @!p0 $0xCF00  }
0x63: {  	[tilespmem:s23], [sflag:$0x5] =	stream.indirect.gather @!p0 [hbm4b:s7+s17], $0x1, s20, s17, $0xb8;
	[tilespmem:$0x19000] =	vst v63  }
0x64: {  	s20 =	simm.s32 @!p0 $0xCB80;
	s23 =	simm.s32 @!p0 $0x10800  }
0x65: {  	[tilespmem:s23], [sflag:$0x4] =	stream.indirect.gather @!p0 [hbm4b:s6+s17], $0x10, s20, s17, $0xb8;
	[tilespmem:$0x19000] =	vst v63  }
0x66: {  	s23 =	simm.s32 @!p0 $0xCF80  }
0x67: {  	[tilespmem:s23], [sflag:$0x5] =	stream.indirect.gather @!p0 [hbm4b:s7+s17], $0x1, s20, s17, $0xb8;
	[tilespmem:$0x19000] =	vst v63  }
0x68: {  	p0 =	seq.s32 s15, $0x0  }
0x69: {  	s17 =	sshll.u32 @!p0 s14, $0xA  }
0x6a: {  	s17 =	sadd.s32 @!p0 s4, s17  }
0x6b: {  	s17 =	sshrl.u32 @!p0 s17, $0x3  }
0x6c: {  	s20 =	simm.s32 @!p0 $0x0;
	s17 =	sadd.s32 @!p0 s5, s17  }
0x6d: {  	[tilespmem:s20], [sflag:$0x7] =	stream.linear.gather @!p0 [hbm4b:s17+s20], $0x400, $0x38;
	[tilespmem:$0x19000] =	vst v63  }
0x6e: {  	s17 =	simm.s32 @!p0 $0x7  }
0x6f: {  	_ =	swait.ge @!p0 [sflag:s17], $0x400  }
0x70: {  	[sflag:s17] =	ssyncset.done @!p0 $0x0  }
0x71: {  	s23 =	simm.s32 @!p0 $0x800;
	[sflag:s17] =	ssyncadd.s32 @!p0 $0xFFFFFC00;
	s17 =	simm.s32 @!p0 $0x80  }
0x72: {  	[tilespmem:s23], [sflag:$0x1] =	stream.indirect.gather @!p0 [hbm4b:s6+s17], $0x10, s20, s17, $0xb8;
	[tilespmem:$0x19000] =	vst v63  }
0x73: {  	s23 =	simm.s32 @!p0 $0x400  }
0x74: {  	[tilespmem:s23], [sflag:$0x2] =	stream.indirect.gather @!p0 [hbm4b:s7+s17], $0x1, s20, s17, $0xb8;
	[tilespmem:$0x19000] =	vst v63  }
0x75: {  	s20 =	simm.s32 @!p0 $0x1000  }
0x76: {  	[tilespmem:s20], [sflag:$0x1] =	stream.indirect.gather @!p0 [hbm4b:s6+s17], $0x10, s17, s17, $0xb8;
	[tilespmem:$0x19000] =	vst v63  }
0x77: {  	s20 =	simm.s32 @!p0 $0x480  }
0x78: {  	[tilespmem:s20], [sflag:$0x2] =	stream.indirect.gather @!p0 [hbm4b:s7+s17], $0x1, s17, s17, $0xb8;
	[tilespmem:$0x19000] =	vst v63  }
0x79: {  	s23 =	simm.s32 @!p0 $0x1800;
	s20 =	simm.s32 @!p0 $0x100  }
0x7a: {  	[tilespmem:s23], [sflag:$0x1] =	stream.indirect.gather @!p0 [hbm4b:s6+s17], $0x10, s20, s17, $0xb8;
	[tilespmem:$0x19000] =	vst v63  }
0x7b: {  	s23 =	simm.s32 @!p0 $0x500  }
0x7c: {  	[tilespmem:s23], [sflag:$0x2] =	stream.indirect.gather @!p0 [hbm4b:s7+s17], $0x1, s20, s17, $0xb8;
	[tilespmem:$0x19000] =	vst v63  }
0x7d: {  	s20 =	simm.s32 @!p0 $0x180;
	s23 =	simm.s32 @!p0 $0x2000  }
0x7e: {  	[tilespmem:s23], [sflag:$0x1] =	stream.indirect.gather @!p0 [hbm4b:s6+s17], $0x10, s20, s17, $0xb8;
	[tilespmem:$0x19000] =	vst v63  }
0x7f: {  	s23 =	simm.s32 @!p0 $0x580  }
0x80: {  	[tilespmem:s23], [sflag:$0x2] =	stream.indirect.gather @!p0 [hbm4b:s7+s17], $0x1, s20, s17, $0xb8;
	[tilespmem:$0x19000] =	vst v63  }
0x81: {  	s20 =	simm.s32 @!p0 $0x200;
	s23 =	simm.s32 @!p0 $0x2800  }
0x82: {  	[tilespmem:s23], [sflag:$0x1] =	stream.indirect.gather @!p0 [hbm4b:s6+s17], $0x10, s20, s17, $0xb8;
	[tilespmem:$0x19000] =	vst v63  }
0x83: {  	s23 =	simm.s32 @!p0 $0x600  }
0x84: {  	[tilespmem:s23], [sflag:$0x2] =	stream.indirect.gather @!p0 [hbm4b:s7+s17], $0x1, s20, s17, $0xb8;
	[tilespmem:$0x19000] =	vst v63  }
0x85: {  	s20 =	simm.s32 @!p0 $0x280;
	s23 =	simm.s32 @!p0 $0x3000  }
0x86: {  	[tilespmem:s23], [sflag:$0x1] =	stream.indirect.gather @!p0 [hbm4b:s6+s17], $0x10, s20, s17, $0xb8;
	[tilespmem:$0x19000] =	vst v63  }
0x87: {  	s23 =	simm.s32 @!p0 $0x680  }
0x88: {  	[tilespmem:s23], [sflag:$0x2] =	stream.indirect.gather @!p0 [hbm4b:s7+s17], $0x1, s20, s17, $0xb8;
	[tilespmem:$0x19000] =	vst v63  }
0x89: {  	s20 =	simm.s32 @!p0 $0x300;
	s23 =	simm.s32 @!p0 $0x3800  }
0x8a: {  	[tilespmem:s23], [sflag:$0x1] =	stream.indirect.gather @!p0 [hbm4b:s6+s17], $0x10, s20, s17, $0xb8;
	[tilespmem:$0x19000] =	vst v63  }
0x8b: {  	s23 =	simm.s32 @!p0 $0x700  }
0x8c: {  	[tilespmem:s23], [sflag:$0x2] =	stream.indirect.gather @!p0 [hbm4b:s7+s17], $0x1, s20, s17, $0xb8;
	[tilespmem:$0x19000] =	vst v63  }
0x8d: {  	s20 =	simm.s32 @!p0 $0x380;
	s23 =	simm.s32 @!p0 $0x4000  }
0x8e: {  	[tilespmem:s23], [sflag:$0x1] =	stream.indirect.gather @!p0 [hbm4b:s6+s17], $0x10, s20, s17, $0xb8;
	[tilespmem:$0x19000] =	vst v63  }
0x8f: {  	s23 =	simm.s32 @!p0 $0x780  }
0x90: {  	[tilespmem:s23], [sflag:$0x2] =	stream.indirect.gather @!p0 [hbm4b:s7+s17], $0x1, s20, s17, $0xb8;
	[tilespmem:$0x19000] =	vst v63  }
0x91: {  	p0 =	sne.s32 s15, $0x0  }
.Ltmp4:
0x92: {  	_ = 	snop;
	(pc) =	sbr.rel @p0 .LBB2_6-.Ltmp4, $1  }
0x93: {  	_ =	sdelay $0x3  }
0x94: {  	_ =	swait.ge [sflag:s16], $0x800  }
0x95: {  	[sflag:s16] =	ssyncset.done $0x0  }
0x96: {  	[sflag:s16] =	ssyncadd.s32 $0xFFFFF800  }
0x97: {  	_ =	swait.ge [sflag:s18], $0x80  }
0x98: {  	[sflag:s18] =	ssyncset.done $0x0  }
0x99: {  	[sflag:s18] =	ssyncadd.s32 $0xFFFFFF80  }
0x9a: {  	_ =	swait.ge [sflag:s16], $0x800  }
0x9b: {  	[sflag:s16] =	ssyncset.done $0x0  }
0x9c: {  	[sflag:s16] =	ssyncadd.s32 $0xFFFFF800  }
0x9d: {  	_ =	swait.ge [sflag:s18], $0x80  }
0x9e: {  	[sflag:s18] =	ssyncset.done $0x0  }
0x9f: {  	[sflag:s18] =	ssyncadd.s32 $0xFFFFFF80  }
0xa0: {  	_ =	swait.ge [sflag:s16], $0x800  }
0xa1: {  	[sflag:s16] =	ssyncset.done $0x0  }
0xa2: {  	[sflag:s16] =	ssyncadd.s32 $0xFFFFF800  }
0xa3: {  	_ =	swait.ge [sflag:s18], $0x80  }
0xa4: {  	[sflag:s18] =	ssyncset.done $0x0  }
0xa5: {  	[sflag:s18] =	ssyncadd.s32 $0xFFFFFF80  }
0xa6: {  	_ =	swait.ge [sflag:s16], $0x800  }
0xa7: {  	[sflag:s16] =	ssyncset.done $0x0  }
0xa8: {  	[sflag:s16] =	ssyncadd.s32 $0xFFFFF800  }
0xa9: {  	_ =	swait.ge [sflag:s18], $0x80  }
0xaa: {  	[sflag:s18] =	ssyncset.done $0x0  }
0xab: {  	[sflag:s18] =	ssyncadd.s32 $0xFFFFFF80  }
0xac: {  	_ =	swait.ge [sflag:s16], $0x800  }
0xad: {  	[sflag:s16] =	ssyncset.done $0x0  }
0xae: {  	[sflag:s16] =	ssyncadd.s32 $0xFFFFF800  }
0xaf: {  	_ =	swait.ge [sflag:s18], $0x80  }
0xb0: {  	[sflag:s18] =	ssyncset.done $0x0  }
0xb1: {  	[sflag:s18] =	ssyncadd.s32 $0xFFFFFF80  }
0xb2: {  	_ =	swait.ge [sflag:s16], $0x800  }
0xb3: {  	[sflag:s16] =	ssyncset.done $0x0  }
0xb4: {  	[sflag:s16] =	ssyncadd.s32 $0xFFFFF800  }
0xb5: {  	_ =	swait.ge [sflag:s18], $0x80  }
0xb6: {  	[sflag:s18] =	ssyncset.done $0x0  }
0xb7: {  	[sflag:s18] =	ssyncadd.s32 $0xFFFFFF80  }
0xb8: {  	_ =	swait.ge [sflag:s16], $0x800  }
0xb9: {  	[sflag:s16] =	ssyncset.done $0x0  }
0xba: {  	[sflag:s16] =	ssyncadd.s32 $0xFFFFF800  }
0xbb: {  	_ =	swait.ge [sflag:s18], $0x80  }
0xbc: {  	[sflag:s18] =	ssyncset.done $0x0  }
0xbd: {  	[sflag:s18] =	ssyncadd.s32 $0xFFFFFF80  }
0xbe: {  	_ =	swait.ge [sflag:s16], $0x800  }
0xbf: {  	[sflag:s16] =	ssyncset.done $0x0  }
0xc0: {  	s17 =	simm.s32 $0x0;
	[sflag:s16] =	ssyncadd.s32 $0xFFFFF800  }
0xc1: {  	v1 =	vor.u32 s17, v0;
	_ =	swait.ge [sflag:s18], $0x80  }
0xc2: {  	p0 =	slt.u32 s1, $0x2;
	v2 =	vshll.u32 v1, $0x4;
	[sflag:s18] =	ssyncset.done $0x0  }
0xc3: {  	s17 =	simm.s32 @!p0 $0x3;
	[sflag:s18] =	ssyncadd.s32 $0xFFFFFF80  }
0xc4: {  	_ =	swait.ge @!p0 [sflag:s17], $0x8000  }
0xc5: {  	[sflag:s17] =	ssyncset.done @!p0 $0x0  }
0xc6: {  	[sflag:s17] =	ssyncadd.s32 @!p0 $0xFFFF8000  }
0xc7: {  	v3 =	vld.idx.msk [tilespmem:v2+s13+$0x0], $0xffff;
	_ =	sdelay $0x4  }
0xc8: {  	s17 =	simm.s32 $0x400;
	v4 =	vxor.u32 $0x80808080, v3  }
0xc9: {  	v3 =	vld [tilespmem:s17+$0x0];
	v5 =	vshll.u32 v4, $0x8;
	v6 =	vshrl.u32 v4, $0x10  }
0xca: {  	v7 =	vshrl.u32 v4, $0x8;
	v4 =	vand.u32 $0xFF, v4;
	v5 =	vand.u32 $0xFF0000, v5  }
0xcb: {  	v6 =	vand.u32 $0xFF, v6;
	v4 =	vor.u32 v4, v5;
	v5 =	vand.u32 $0xFF0000, v7  }
0xcc: {  	v5 =	vor.u32 v5, v6;
	v6 =	vunpack.c.u.s16.s32 v4  }
0xcd: {  	v4 =	vunpack.c.l.s16.s32 v4;
	v7 =	vunpack.c.l.s16.s32 v5  }
0xce: {  	v5 =	vunpack.c.u.s16.s32 v5;
	v8 =	vand.u32 $0xFFFF, v3;
	v6 =	vcvt.s32.f32 v6  }
0xcf: {  	v9 =	vshll.u32 v3, $0x10;
	v4 =	vcvt.s32.f32 v4;
	v7 =	vcvt.s32.f32 v7  }
0xd0: {  	v10 =	vcvt.s32.f32 v5;
	v5 =	vor.u32 v9, v8;
	v6 =	vadd.f32 $-1.280000000e+02, v6  }
0xd1: {  	v8 =	vadd.f32 $-1.280000000e+02, v4;
	v4 =	vunpack.c.u.hf16.f32 v5;
	v5 =	vunpack.c.l.hf16.f32 v5  }
0xd2: {  	v15 =	vadd.f32 $-1.280000000e+02, v10;
	v7 =	vadd.f32 $-1.280000000e+02, v7  }
0xd3: {  	v6 =	vmul.f32 v4, v6;
	v8 =	vmul.f32 v5, v8  }
0xd4: {  	v1 =	vshll.u32 v1, $0x5;
	v9 =	vmul.f32 v15, v4;
	v7 =	vmul.f32 v7, v5  }
0xd5: {  	v16 =	vor.u32 $0x1, v1;
	v6 =	vcvt.f32.hf16 v6;
	v8 =	vcvt.f32.hf16 v8  }
0xd6: {  	v11 =	vor.u32 $0x1, v2;
	v9 =	vcvt.f32.hf16 v9;
	v7 =	vcvt.f32.hf16 v7  }
0xd7: {  	v6 =	vpack.c.b32.b16 v6, v8  }
0xd8: {  	v7 =	vpack.c.b32.b16 v9, v7  }
0xd9: {  	[tilespmem:v1+s19+$0x0] =	vst.idx.msk $0xffff, v6  }
0xda: {  	[tilespmem:v16+s19+$0x0] =	vst.idx.msk $0xffff, v7  }
0xdb: {  	v6 =	vld.idx.msk [tilespmem:v11+s13+$0x0], $0xffff;
	_ =	sdelay $0x4  }
0xdc: {  	v6 =	vxor.u32 $0x80808080, v6  }
0xdd: {  	v7 =	vand.u32 $0xFF, v6;
	v8 =	vshll.u32 v6, $0x8  }
0xde: {  	v17 =	vshrl.u32 v6, $0x10;
	v6 =	vshrl.u32 v6, $0x8;
	v8 =	vand.u32 $0xFF0000, v8  }
0xdf: {  	v9 =	vand.u32 $0xFF, v17;
	v6 =	vand.u32 $0xFF0000, v6;
	v7 =	vor.u32 v7, v8  }
0xe0: {  	v6 =	vor.u32 v6, v9;
	v8 =	vunpack.c.u.s16.s32 v7;
	v7 =	vunpack.c.l.s16.s32 v7  }
0xe1: {  	v9 =	vunpack.c.u.s16.s32 v6;
	v6 =	vunpack.c.l.s16.s32 v6  }
0xe2: {  	v7 =	vcvt.s32.f32 v7;
	v8 =	vcvt.s32.f32 v8  }
0xe3: {  	v6 =	vcvt.s32.f32 v6;
	v9 =	vcvt.s32.f32 v9  }
0xe4: {  	v8 =	vadd.f32 $-1.280000000e+02, v8;
	v7 =	vadd.f32 $-1.280000000e+02, v7  }
0xe5: {  	v9 =	vadd.f32 $-1.280000000e+02, v9;
	v6 =	vadd.f32 $-1.280000000e+02, v6  }
0xe6: {  	v8 =	vmul.f32 v8, v4;
	v7 =	vmul.f32 v7, v5  }
0xe7: {  	v18 =	vor.u32 $0x2, v1;
	v9 =	vmul.f32 v9, v4;
	v6 =	vmul.f32 v6, v5  }
0xe8: {  	v19 =	vor.u32 $0x3, v1;
	v8 =	vcvt.f32.hf16 v8;
	v7 =	vcvt.f32.hf16 v7  }
0xe9: {  	v12 =	vor.u32 $0x2, v2;
	v9 =	vcvt.f32.hf16 v9;
	v6 =	vcvt.f32.hf16 v6  }
0xea: {  	v7 =	vpack.c.b32.b16 v8, v7  }
0xeb: {  	v6 =	vpack.c.b32.b16 v9, v6  }
0xec: {  	[tilespmem:v18+s19+$0x0] =	vst.idx.msk $0xffff, v7  }
0xed: {  	[tilespmem:v19+s19+$0x0] =	vst.idx.msk $0xffff, v6  }
0xee: {  	v6 =	vld.idx.msk [tilespmem:v12+s13+$0x0], $0xffff;
	_ =	sdelay $0x4  }
0xef: {  	v6 =	vxor.u32 $0x80808080, v6  }
0xf0: {  	v7 =	vand.u32 $0xFF, v6;
	v8 =	vshll.u32 v6, $0x8  }
0xf1: {  	v20 =	vshrl.u32 v6, $0x10;
	v6 =	vshrl.u32 v6, $0x8;
	v8 =	vand.u32 $0xFF0000, v8  }
0xf2: {  	v9 =	vand.u32 $0xFF, v20;
	v6 =	vand.u32 $0xFF0000, v6;
	v7 =	vor.u32 v7, v8  }
0xf3: {  	v6 =	vor.u32 v6, v9;
	v8 =	vunpack.c.u.s16.s32 v7;
	v7 =	vunpack.c.l.s16.s32 v7  }
0xf4: {  	v9 =	vunpack.c.u.s16.s32 v6;
	v6 =	vunpack.c.l.s16.s32 v6  }
0xf5: {  	v7 =	vcvt.s32.f32 v7;
	v8 =	vcvt.s32.f32 v8  }
0xf6: {  	v6 =	vcvt.s32.f32 v6;
	v9 =	vcvt.s32.f32 v9  }
0xf7: {  	v8 =	vadd.f32 $-1.280000000e+02, v8;
	v7 =	vadd.f32 $-1.280000000e+02, v7  }
0xf8: {  	v9 =	vadd.f32 $-1.280000000e+02, v9;
	v6 =	vadd.f32 $-1.280000000e+02, v6  }
0xf9: {  	v8 =	vmul.f32 v8, v4;
	v7 =	vmul.f32 v7, v5  }
0xfa: {  	v21 =	vor.u32 $0x4, v1;
	v9 =	vmul.f32 v9, v4;
	v6 =	vmul.f32 v6, v5  }
0xfb: {  	v22 =	vor.u32 $0x5, v1;
	v8 =	vcvt.f32.hf16 v8;
	v7 =	vcvt.f32.hf16 v7  }
0xfc: {  	v23 =	vor.u32 $0x3, v2;
	v9 =	vcvt.f32.hf16 v9;
	v6 =	vcvt.f32.hf16 v6  }
0xfd: {  	v7 =	vpack.c.b32.b16 v8, v7  }
0xfe: {  	v6 =	vpack.c.b32.b16 v9, v6  }
0xff: {  	[tilespmem:v21+s19+$0x0] =	vst.idx.msk $0xffff, v7  }
0x100: {  	[tilespmem:v22+s19+$0x0] =	vst.idx.msk $0xffff, v6  }
0x101: {  	v6 =	vld.idx.msk [tilespmem:v23+s13+$0x0], $0xffff;
	_ =	sdelay $0x4  }
0x102: {  	v6 =	vxor.u32 $0x80808080, v6  }
0x103: {  	v7 =	vand.u32 $0xFF, v6;
	v8 =	vshll.u32 v6, $0x8  }
0x104: {  	v24 =	vshrl.u32 v6, $0x10;
	v6 =	vshrl.u32 v6, $0x8;
	v8 =	vand.u32 $0xFF0000, v8  }
0x105: {  	v9 =	vand.u32 $0xFF, v24;
	v6 =	vand.u32 $0xFF0000, v6;
	v7 =	vor.u32 v7, v8  }
0x106: {  	v6 =	vor.u32 v6, v9;
	v8 =	vunpack.c.u.s16.s32 v7;
	v7 =	vunpack.c.l.s16.s32 v7  }
0x107: {  	v9 =	vunpack.c.u.s16.s32 v6;
	v6 =	vunpack.c.l.s16.s32 v6  }
0x108: {  	v7 =	vcvt.s32.f32 v7;
	v8 =	vcvt.s32.f32 v8  }
0x109: {  	v6 =	vcvt.s32.f32 v6;
	v9 =	vcvt.s32.f32 v9  }
0x10a: {  	v8 =	vadd.f32 $-1.280000000e+02, v8;
	v7 =	vadd.f32 $-1.280000000e+02, v7  }
0x10b: {  	v9 =	vadd.f32 $-1.280000000e+02, v9;
	v6 =	vadd.f32 $-1.280000000e+02, v6  }
0x10c: {  	v8 =	vmul.f32 v8, v4;
	v7 =	vmul.f32 v7, v5  }
0x10d: {  	v25 =	vor.u32 $0x6, v1;
	v9 =	vmul.f32 v9, v4;
	v6 =	vmul.f32 v6, v5  }
0x10e: {  	v26 =	vor.u32 $0x7, v1;
	v8 =	vcvt.f32.hf16 v8;
	v7 =	vcvt.f32.hf16 v7  }
0x10f: {  	v27 =	vor.u32 $0x4, v2;
	v9 =	vcvt.f32.hf16 v9;
	v6 =	vcvt.f32.hf16 v6  }
0x110: {  	v7 =	vpack.c.b32.b16 v8, v7  }
0x111: {  	v6 =	vpack.c.b32.b16 v9, v6  }
0x112: {  	[tilespmem:v25+s19+$0x0] =	vst.idx.msk $0xffff, v7  }
0x113: {  	[tilespmem:v26+s19+$0x0] =	vst.idx.msk $0xffff, v6  }
0x114: {  	v6 =	vld.idx.msk [tilespmem:v27+s13+$0x0], $0xffff;
	_ =	sdelay $0x4  }
0x115: {  	v6 =	vxor.u32 $0x80808080, v6  }
0x116: {  	v7 =	vand.u32 $0xFF, v6;
	v8 =	vshll.u32 v6, $0x8  }
0x117: {  	v28 =	vshrl.u32 v6, $0x10;
	v6 =	vshrl.u32 v6, $0x8;
	v8 =	vand.u32 $0xFF0000, v8  }
0x118: {  	v9 =	vand.u32 $0xFF, v28;
	v6 =	vand.u32 $0xFF0000, v6;
	v7 =	vor.u32 v7, v8  }
0x119: {  	v6 =	vor.u32 v6, v9;
	v8 =	vunpack.c.u.s16.s32 v7;
	v7 =	vunpack.c.l.s16.s32 v7  }
0x11a: {  	v9 =	vunpack.c.u.s16.s32 v6;
	v6 =	vunpack.c.l.s16.s32 v6  }
0x11b: {  	v7 =	vcvt.s32.f32 v7;
	v8 =	vcvt.s32.f32 v8  }
0x11c: {  	v6 =	vcvt.s32.f32 v6;
	v9 =	vcvt.s32.f32 v9  }
0x11d: {  	v8 =	vadd.f32 $-1.280000000e+02, v8;
	v7 =	vadd.f32 $-1.280000000e+02, v7  }
0x11e: {  	v9 =	vadd.f32 $-1.280000000e+02, v9;
	v6 =	vadd.f32 $-1.280000000e+02, v6  }
0x11f: {  	v8 =	vmul.f32 v8, v4;
	v7 =	vmul.f32 v7, v5  }
0x120: {  	v29 =	vor.u32 $0x8, v1;
	v9 =	vmul.f32 v9, v4;
	v6 =	vmul.f32 v6, v5  }
0x121: {  	v30 =	vor.u32 $0x9, v1;
	v8 =	vcvt.f32.hf16 v8;
	v7 =	vcvt.f32.hf16 v7  }
0x122: {  	v31 =	vor.u32 $0x5, v2;
	v9 =	vcvt.f32.hf16 v9;
	v6 =	vcvt.f32.hf16 v6  }
0x123: {  	v7 =	vpack.c.b32.b16 v8, v7  }
0x124: {  	v6 =	vpack.c.b32.b16 v9, v6  }
0x125: {  	[tilespmem:v29+s19+$0x0] =	vst.idx.msk $0xffff, v7  }
0x126: {  	[tilespmem:v30+s19+$0x0] =	vst.idx.msk $0xffff, v6  }
0x127: {  	v6 =	vld.idx.msk [tilespmem:v31+s13+$0x0], $0xffff;
	_ =	sdelay $0x4  }
0x128: {  	v6 =	vxor.u32 $0x80808080, v6  }
0x129: {  	v7 =	vand.u32 $0xFF, v6;
	v8 =	vshll.u32 v6, $0x8  }
0x12a: {  	v32 =	vshrl.u32 v6, $0x10;
	v6 =	vshrl.u32 v6, $0x8;
	v8 =	vand.u32 $0xFF0000, v8  }
0x12b: {  	v9 =	vand.u32 $0xFF, v32;
	v6 =	vand.u32 $0xFF0000, v6;
	v7 =	vor.u32 v7, v8  }
0x12c: {  	v6 =	vor.u32 v6, v9;
	v8 =	vunpack.c.u.s16.s32 v7;
	v7 =	vunpack.c.l.s16.s32 v7  }
0x12d: {  	v9 =	vunpack.c.u.s16.s32 v6;
	v6 =	vunpack.c.l.s16.s32 v6  }
0x12e: {  	v7 =	vcvt.s32.f32 v7;
	v8 =	vcvt.s32.f32 v8  }
0x12f: {  	v6 =	vcvt.s32.f32 v6;
	v9 =	vcvt.s32.f32 v9  }
0x130: {  	v8 =	vadd.f32 $-1.280000000e+02, v8;
	v7 =	vadd.f32 $-1.280000000e+02, v7  }
0x131: {  	v9 =	vadd.f32 $-1.280000000e+02, v9;
	v6 =	vadd.f32 $-1.280000000e+02, v6  }
0x132: {  	v8 =	vmul.f32 v8, v4;
	v7 =	vmul.f32 v7, v5  }
0x133: {  	v33 =	vor.u32 $0xA, v1;
	v9 =	vmul.f32 v9, v4;
	v6 =	vmul.f32 v6, v5  }
0x134: {  	v34 =	vor.u32 $0xB, v1;
	v8 =	vcvt.f32.hf16 v8;
	v7 =	vcvt.f32.hf16 v7  }
0x135: {  	v35 =	vor.u32 $0x6, v2;
	v9 =	vcvt.f32.hf16 v9;
	v6 =	vcvt.f32.hf16 v6  }
0x136: {  	v7 =	vpack.c.b32.b16 v8, v7  }
0x137: {  	v6 =	vpack.c.b32.b16 v9, v6  }
0x138: {  	[tilespmem:v33+s19+$0x0] =	vst.idx.msk $0xffff, v7  }
0x139: {  	[tilespmem:v34+s19+$0x0] =	vst.idx.msk $0xffff, v6  }
0x13a: {  	v6 =	vld.idx.msk [tilespmem:v35+s13+$0x0], $0xffff;
	_ =	sdelay $0x4  }
0x13b: {  	v6 =	vxor.u32 $0x80808080, v6  }
0x13c: {  	v7 =	vand.u32 $0xFF, v6;
	v8 =	vshll.u32 v6, $0x8  }
0x13d: {  	v36 =	vshrl.u32 v6, $0x10;
	v6 =	vshrl.u32 v6, $0x8;
	v8 =	vand.u32 $0xFF0000, v8  }
0x13e: {  	v9 =	vand.u32 $0xFF, v36;
	v6 =	vand.u32 $0xFF0000, v6;
	v7 =	vor.u32 v7, v8  }
0x13f: {  	v6 =	vor.u32 v6, v9;
	v8 =	vunpack.c.u.s16.s32 v7;
	v7 =	vunpack.c.l.s16.s32 v7  }
0x140: {  	v9 =	vunpack.c.u.s16.s32 v6;
	v6 =	vunpack.c.l.s16.s32 v6  }
0x141: {  	v7 =	vcvt.s32.f32 v7;
	v8 =	vcvt.s32.f32 v8  }
0x142: {  	v6 =	vcvt.s32.f32 v6;
	v9 =	vcvt.s32.f32 v9  }
0x143: {  	v8 =	vadd.f32 $-1.280000000e+02, v8;
	v7 =	vadd.f32 $-1.280000000e+02, v7  }
0x144: {  	v9 =	vadd.f32 $-1.280000000e+02, v9;
	v6 =	vadd.f32 $-1.280000000e+02, v6  }
0x145: {  	v8 =	vmul.f32 v8, v4;
	v7 =	vmul.f32 v7, v5  }
0x146: {  	v37 =	vor.u32 $0xC, v1;
	v9 =	vmul.f32 v9, v4;
	v6 =	vmul.f32 v6, v5  }
0x147: {  	v38 =	vor.u32 $0xD, v1;
	v8 =	vcvt.f32.hf16 v8;
	v7 =	vcvt.f32.hf16 v7  }
0x148: {  	v39 =	vor.u32 $0x7, v2;
	v9 =	vcvt.f32.hf16 v9;
	v6 =	vcvt.f32.hf16 v6  }
0x149: {  	v7 =	vpack.c.b32.b16 v8, v7  }
0x14a: {  	v6 =	vpack.c.b32.b16 v9, v6  }
0x14b: {  	[tilespmem:v37+s19+$0x0] =	vst.idx.msk $0xffff, v7  }
0x14c: {  	[tilespmem:v38+s19+$0x0] =	vst.idx.msk $0xffff, v6  }
0x14d: {  	v6 =	vld.idx.msk [tilespmem:v39+s13+$0x0], $0xffff;
	_ =	sdelay $0x4  }
0x14e: {  	v6 =	vxor.u32 $0x80808080, v6  }
0x14f: {  	v7 =	vand.u32 $0xFF, v6;
	v8 =	vshll.u32 v6, $0x8  }
0x150: {  	v40 =	vshrl.u32 v6, $0x10;
	v6 =	vshrl.u32 v6, $0x8;
	v8 =	vand.u32 $0xFF0000, v8  }
0x151: {  	v9 =	vand.u32 $0xFF, v40;
	v6 =	vand.u32 $0xFF0000, v6;
	v7 =	vor.u32 v7, v8  }
0x152: {  	v6 =	vor.u32 v6, v9;
	v8 =	vunpack.c.u.s16.s32 v7;
	v7 =	vunpack.c.l.s16.s32 v7  }
0x153: {  	v9 =	vunpack.c.u.s16.s32 v6;
	v6 =	vunpack.c.l.s16.s32 v6  }
0x154: {  	v7 =	vcvt.s32.f32 v7;
	v8 =	vcvt.s32.f32 v8  }
0x155: {  	v6 =	vcvt.s32.f32 v6;
	v9 =	vcvt.s32.f32 v9  }
0x156: {  	v8 =	vadd.f32 $-1.280000000e+02, v8;
	v7 =	vadd.f32 $-1.280000000e+02, v7  }
0x157: {  	v9 =	vadd.f32 $-1.280000000e+02, v9;
	v6 =	vadd.f32 $-1.280000000e+02, v6  }
0x158: {  	v8 =	vmul.f32 v8, v4;
	v7 =	vmul.f32 v7, v5  }
0x159: {  	v41 =	vor.u32 $0xE, v1;
	v4 =	vmul.f32 v9, v4;
	v5 =	vmul.f32 v6, v5  }
0x15a: {  	v6 =	vor.u32 $0xF, v1;
	v8 =	vcvt.f32.hf16 v8;
	v7 =	vcvt.f32.hf16 v7  }
0x15b: {  	v42 =	vor.u32 $0x8, v2;
	v4 =	vcvt.f32.hf16 v4;
	v5 =	vcvt.f32.hf16 v5  }
0x15c: {  	v7 =	vpack.c.b32.b16 v8, v7  }
0x15d: {  	v4 =	vpack.c.b32.b16 v4, v5  }
0x15e: {  	[tilespmem:v41+s19+$0x0] =	vst.idx.msk $0xffff, v7  }
0x15f: {  	[tilespmem:v6+s19+$0x0] =	vst.idx.msk $0xffff, v4  }
0x160: {  	v4 =	vld.idx.msk [tilespmem:v42+s13+$0x0], $0xffff;
	_ =	sdelay $0x4  }
0x161: {  	v4 =	vxor.u32 $0x80808080, v4  }
0x162: {  	v5 =	vshrl.u32 v3, $0x10;
	v6 =	vand.u32 $0xFF, v4;
	v7 =	vshll.u32 v4, $0x8  }
0x163: {  	v8 =	vshrl.u32 v4, $0x10;
	v4 =	vshrl.u32 v4, $0x8;
	v7 =	vand.u32 $0xFF0000, v7  }
0x164: {  	v8 =	vand.u32 $0xFF, v8;
	v4 =	vand.u32 $0xFF0000, v4;
	v6 =	vor.u32 v6, v7  }
0x165: {  	v4 =	vor.u32 v4, v8;
	v7 =	vunpack.c.u.s16.s32 v6;
	v6 =	vunpack.c.l.s16.s32 v6  }
0x166: {  	v3 =	vand.u32 $0xFFFF0000, v3;
	v8 =	vunpack.c.u.s16.s32 v4;
	v4 =	vunpack.c.l.s16.s32 v4  }
0x167: {  	v5 =	vor.u32 v3, v5;
	v6 =	vcvt.s32.f32 v6;
	v7 =	vcvt.s32.f32 v7  }
0x168: {  	v3 =	vunpack.c.l.hf16.f32 v5;
	v43 =	vcvt.s32.f32 v4;
	v8 =	vcvt.s32.f32 v8  }
0x169: {  	v4 =	vunpack.c.u.hf16.f32 v5;
	v5 =	vadd.f32 $-1.280000000e+02, v7;
	v6 =	vadd.f32 $-1.280000000e+02, v6  }
0x16a: {  	v7 =	vadd.f32 $-1.280000000e+02, v8;
	v8 =	vadd.f32 $-1.280000000e+02, v43  }
0x16b: {  	v5 =	vmul.f32 v4, v5;
	v6 =	vmul.f32 v3, v6  }
0x16c: {  	v44 =	vor.u32 $0x10, v1;
	v7 =	vmul.f32 v7, v4;
	v8 =	vmul.f32 v8, v3  }
0x16d: {  	v45 =	vor.u32 $0x11, v1;
	v5 =	vcvt.f32.hf16 v5;
	v6 =	vcvt.f32.hf16 v6  }
0x16e: {  	v46 =	vor.u32 $0x9, v2;
	v7 =	vcvt.f32.hf16 v7;
	v8 =	vcvt.f32.hf16 v8  }
0x16f: {  	v5 =	vpack.c.b32.b16 v5, v6  }
0x170: {  	v6 =	vpack.c.b32.b16 v7, v8  }
0x171: {  	[tilespmem:v44+s19+$0x0] =	vst.idx.msk $0xffff, v5  }
0x172: {  	[tilespmem:v45+s19+$0x0] =	vst.idx.msk $0xffff, v6  }
0x173: {  	v5 =	vld.idx.msk [tilespmem:v46+s13+$0x0], $0xffff;
	_ =	sdelay $0x4  }
0x174: {  	v5 =	vxor.u32 $0x80808080, v5  }
0x175: {  	v6 =	vand.u32 $0xFF, v5;
	v7 =	vshll.u32 v5, $0x8  }
0x176: {  	v8 =	vshrl.u32 v5, $0x10;
	v5 =	vshrl.u32 v5, $0x8;
	v7 =	vand.u32 $0xFF0000, v7  }
0x177: {  	v8 =	vand.u32 $0xFF, v8;
	v5 =	vand.u32 $0xFF0000, v5;
	v6 =	vor.u32 v6, v7  }
0x178: {  	v5 =	vor.u32 v5, v8;
	v7 =	vunpack.c.u.s16.s32 v6;
	v6 =	vunpack.c.l.s16.s32 v6  }
0x179: {  	v8 =	vunpack.c.u.s16.s32 v5;
	v5 =	vunpack.c.l.s16.s32 v5  }
0x17a: {  	v6 =	vcvt.s32.f32 v6;
	v7 =	vcvt.s32.f32 v7  }
0x17b: {  	v5 =	vcvt.s32.f32 v5;
	v8 =	vcvt.s32.f32 v8  }
0x17c: {  	v7 =	vadd.f32 $-1.280000000e+02, v7;
	v6 =	vadd.f32 $-1.280000000e+02, v6  }
0x17d: {  	v8 =	vadd.f32 $-1.280000000e+02, v8;
	v5 =	vadd.f32 $-1.280000000e+02, v5  }
0x17e: {  	v7 =	vmul.f32 v7, v4;
	v6 =	vmul.f32 v6, v3  }
0x17f: {  	v47 =	vor.u32 $0x12, v1;
	v8 =	vmul.f32 v8, v4;
	v5 =	vmul.f32 v5, v3  }
0x180: {  	v48 =	vor.u32 $0x13, v1;
	v7 =	vcvt.f32.hf16 v7;
	v6 =	vcvt.f32.hf16 v6  }
0x181: {  	v49 =	vor.u32 $0xA, v2;
	v8 =	vcvt.f32.hf16 v8;
	v5 =	vcvt.f32.hf16 v5  }
0x182: {  	v6 =	vpack.c.b32.b16 v7, v6  }
0x183: {  	v5 =	vpack.c.b32.b16 v8, v5  }
0x184: {  	[tilespmem:v47+s19+$0x0] =	vst.idx.msk $0xffff, v6  }
0x185: {  	[tilespmem:v48+s19+$0x0] =	vst.idx.msk $0xffff, v5  }
0x186: {  	v5 =	vld.idx.msk [tilespmem:v49+s13+$0x0], $0xffff;
	_ =	sdelay $0x4  }
0x187: {  	v5 =	vxor.u32 $0x80808080, v5  }
0x188: {  	v6 =	vand.u32 $0xFF, v5;
	v7 =	vshll.u32 v5, $0x8  }
0x189: {  	v8 =	vshrl.u32 v5, $0x10;
	v5 =	vshrl.u32 v5, $0x8;
	v7 =	vand.u32 $0xFF0000, v7  }
0x18a: {  	v8 =	vand.u32 $0xFF, v8;
	v5 =	vand.u32 $0xFF0000, v5;
	v6 =	vor.u32 v6, v7  }
0x18b: {  	v5 =	vor.u32 v5, v8;
	v7 =	vunpack.c.u.s16.s32 v6;
	v6 =	vunpack.c.l.s16.s32 v6  }
0x18c: {  	v8 =	vunpack.c.u.s16.s32 v5;
	v5 =	vunpack.c.l.s16.s32 v5  }
0x18d: {  	v6 =	vcvt.s32.f32 v6;
	v7 =	vcvt.s32.f32 v7  }
0x18e: {  	v5 =	vcvt.s32.f32 v5;
	v8 =	vcvt.s32.f32 v8  }
0x18f: {  	v7 =	vadd.f32 $-1.280000000e+02, v7;
	v6 =	vadd.f32 $-1.280000000e+02, v6  }
0x190: {  	v8 =	vadd.f32 $-1.280000000e+02, v8;
	v5 =	vadd.f32 $-1.280000000e+02, v5  }
0x191: {  	v7 =	vmul.f32 v7, v4;
	v6 =	vmul.f32 v6, v3  }
0x192: {  	v50 =	vor.u32 $0x14, v1;
	v8 =	vmul.f32 v8, v4;
	v5 =	vmul.f32 v5, v3  }
0x193: {  	v51 =	vor.u32 $0x15, v1;
	v7 =	vcvt.f32.hf16 v7;
	v6 =	vcvt.f32.hf16 v6  }
0x194: {  	v52 =	vor.u32 $0xB, v2;
	v8 =	vcvt.f32.hf16 v8;
	v5 =	vcvt.f32.hf16 v5  }
0x195: {  	v6 =	vpack.c.b32.b16 v7, v6  }
0x196: {  	v5 =	vpack.c.b32.b16 v8, v5  }
0x197: {  	[tilespmem:v50+s19+$0x0] =	vst.idx.msk $0xffff, v6  }
0x198: {  	[tilespmem:v51+s19+$0x0] =	vst.idx.msk $0xffff, v5  }
0x199: {  	v5 =	vld.idx.msk [tilespmem:v52+s13+$0x0], $0xffff;
	_ =	sdelay $0x4  }
0x19a: {  	v5 =	vxor.u32 $0x80808080, v5  }
0x19b: {  	v6 =	vand.u32 $0xFF, v5;
	v7 =	vshll.u32 v5, $0x8  }
0x19c: {  	v8 =	vshrl.u32 v5, $0x10;
	v5 =	vshrl.u32 v5, $0x8;
	v7 =	vand.u32 $0xFF0000, v7  }
0x19d: {  	v8 =	vand.u32 $0xFF, v8;
	v5 =	vand.u32 $0xFF0000, v5;
	v6 =	vor.u32 v6, v7  }
0x19e: {  	v5 =	vor.u32 v5, v8;
	v7 =	vunpack.c.u.s16.s32 v6;
	v6 =	vunpack.c.l.s16.s32 v6  }
0x19f: {  	v8 =	vunpack.c.u.s16.s32 v5;
	v5 =	vunpack.c.l.s16.s32 v5  }
0x1a0: {  	v6 =	vcvt.s32.f32 v6;
	v7 =	vcvt.s32.f32 v7  }
0x1a1: {  	v5 =	vcvt.s32.f32 v5;
	v8 =	vcvt.s32.f32 v8  }
0x1a2: {  	v7 =	vadd.f32 $-1.280000000e+02, v7;
	v6 =	vadd.f32 $-1.280000000e+02, v6  }
0x1a3: {  	v8 =	vadd.f32 $-1.280000000e+02, v8;
	v5 =	vadd.f32 $-1.280000000e+02, v5  }
0x1a4: {  	v7 =	vmul.f32 v7, v4;
	v6 =	vmul.f32 v6, v3  }
0x1a5: {  	v53 =	vor.u32 $0x16, v1;
	v8 =	vmul.f32 v8, v4;
	v5 =	vmul.f32 v5, v3  }
0x1a6: {  	v54 =	vor.u32 $0x17, v1;
	v7 =	vcvt.f32.hf16 v7;
	v6 =	vcvt.f32.hf16 v6  }
0x1a7: {  	v55 =	vor.u32 $0xC, v2;
	v8 =	vcvt.f32.hf16 v8;
	v5 =	vcvt.f32.hf16 v5  }
0x1a8: {  	v6 =	vpack.c.b32.b16 v7, v6  }
0x1a9: {  	v5 =	vpack.c.b32.b16 v8, v5  }
0x1aa: {  	[tilespmem:v53+s19+$0x0] =	vst.idx.msk $0xffff, v6  }
0x1ab: {  	[tilespmem:v54+s19+$0x0] =	vst.idx.msk $0xffff, v5  }
0x1ac: {  	v5 =	vld.idx.msk [tilespmem:v55+s13+$0x0], $0xffff;
	_ =	sdelay $0x4  }
0x1ad: {  	v5 =	vxor.u32 $0x80808080, v5  }
0x1ae: {  	v6 =	vand.u32 $0xFF, v5;
	v7 =	vshll.u32 v5, $0x8  }
0x1af: {  	v8 =	vshrl.u32 v5, $0x10;
	v5 =	vshrl.u32 v5, $0x8;
	v7 =	vand.u32 $0xFF0000, v7  }
0x1b0: {  	v8 =	vand.u32 $0xFF, v8;
	v5 =	vand.u32 $0xFF0000, v5;
	v6 =	vor.u32 v6, v7  }
0x1b1: {  	v5 =	vor.u32 v5, v8;
	v7 =	vunpack.c.u.s16.s32 v6;
	v6 =	vunpack.c.l.s16.s32 v6  }
0x1b2: {  	v8 =	vunpack.c.u.s16.s32 v5;
	v5 =	vunpack.c.l.s16.s32 v5  }
0x1b3: {  	v6 =	vcvt.s32.f32 v6;
	v7 =	vcvt.s32.f32 v7  }
0x1b4: {  	v5 =	vcvt.s32.f32 v5;
	v8 =	vcvt.s32.f32 v8  }
0x1b5: {  	v7 =	vadd.f32 $-1.280000000e+02, v7;
	v6 =	vadd.f32 $-1.280000000e+02, v6  }
0x1b6: {  	v8 =	vadd.f32 $-1.280000000e+02, v8;
	v5 =	vadd.f32 $-1.280000000e+02, v5  }
0x1b7: {  	v7 =	vmul.f32 v7, v4;
	v6 =	vmul.f32 v6, v3  }
0x1b8: {  	v56 =	vor.u32 $0x18, v1;
	v8 =	vmul.f32 v8, v4;
	v5 =	vmul.f32 v5, v3  }
0x1b9: {  	v57 =	vor.u32 $0x19, v1;
	v7 =	vcvt.f32.hf16 v7;
	v6 =	vcvt.f32.hf16 v6  }
0x1ba: {  	v58 =	vor.u32 $0xD, v2;
	v8 =	vcvt.f32.hf16 v8;
	v5 =	vcvt.f32.hf16 v5  }
0x1bb: {  	v6 =	vpack.c.b32.b16 v7, v6  }
0x1bc: {  	v5 =	vpack.c.b32.b16 v8, v5  }
0x1bd: {  	[tilespmem:v56+s19+$0x0] =	vst.idx.msk $0xffff, v6  }
0x1be: {  	[tilespmem:v57+s19+$0x0] =	vst.idx.msk $0xffff, v5  }
0x1bf: {  	v5 =	vld.idx.msk [tilespmem:v58+s13+$0x0], $0xffff;
	_ =	sdelay $0x4  }
0x1c0: {  	v5 =	vxor.u32 $0x80808080, v5  }
0x1c1: {  	v6 =	vand.u32 $0xFF, v5;
	v7 =	vshll.u32 v5, $0x8  }
0x1c2: {  	v8 =	vshrl.u32 v5, $0x10;
	v5 =	vshrl.u32 v5, $0x8;
	v7 =	vand.u32 $0xFF0000, v7  }
0x1c3: {  	v8 =	vand.u32 $0xFF, v8;
	v5 =	vand.u32 $0xFF0000, v5;
	v6 =	vor.u32 v6, v7  }
0x1c4: {  	v5 =	vor.u32 v5, v8;
	v7 =	vunpack.c.u.s16.s32 v6;
	v6 =	vunpack.c.l.s16.s32 v6  }
0x1c5: {  	v8 =	vunpack.c.u.s16.s32 v5;
	v5 =	vunpack.c.l.s16.s32 v5  }
0x1c6: {  	v6 =	vcvt.s32.f32 v6;
	v7 =	vcvt.s32.f32 v7  }
0x1c7: {  	v5 =	vcvt.s32.f32 v5;
	v8 =	vcvt.s32.f32 v8  }
0x1c8: {  	v7 =	vadd.f32 $-1.280000000e+02, v7;
	v6 =	vadd.f32 $-1.280000000e+02, v6  }
0x1c9: {  	v8 =	vadd.f32 $-1.280000000e+02, v8;
	v5 =	vadd.f32 $-1.280000000e+02, v5  }
0x1ca: {  	v7 =	vmul.f32 v7, v4;
	v6 =	vmul.f32 v6, v3  }
0x1cb: {  	v59 =	vor.u32 $0x1A, v1;
	v8 =	vmul.f32 v8, v4;
	v5 =	vmul.f32 v5, v3  }
0x1cc: {  	v60 =	vor.u32 $0x1B, v1;
	v7 =	vcvt.f32.hf16 v7;
	v6 =	vcvt.f32.hf16 v6  }
0x1cd: {  	v61 =	vor.u32 $0xE, v2;
	v8 =	vcvt.f32.hf16 v8;
	v5 =	vcvt.f32.hf16 v5  }
0x1ce: {  	v6 =	vpack.c.b32.b16 v7, v6  }
0x1cf: {  	v5 =	vpack.c.b32.b16 v8, v5  }
0x1d0: {  	[tilespmem:v59+s19+$0x0] =	vst.idx.msk $0xffff, v6  }
0x1d1: {  	[tilespmem:v60+s19+$0x0] =	vst.idx.msk $0xffff, v5  }
0x1d2: {  	v5 =	vld.idx.msk [tilespmem:v61+s13+$0x0], $0xffff;
	_ =	sdelay $0x4  }
0x1d3: {  	v5 =	vxor.u32 $0x80808080, v5  }
0x1d4: {  	v6 =	vand.u32 $0xFF, v5;
	v7 =	vshll.u32 v5, $0x8  }
0x1d5: {  	v8 =	vshrl.u32 v5, $0x10;
	v5 =	vshrl.u32 v5, $0x8;
	v7 =	vand.u32 $0xFF0000, v7  }
0x1d6: {  	v8 =	vand.u32 $0xFF, v8;
	v5 =	vand.u32 $0xFF0000, v5;
	v6 =	vor.u32 v6, v7  }
0x1d7: {  	v5 =	vor.u32 v5, v8;
	v7 =	vunpack.c.u.s16.s32 v6;
	v6 =	vunpack.c.l.s16.s32 v6  }
0x1d8: {  	v8 =	vunpack.c.u.s16.s32 v5;
	v5 =	vunpack.c.l.s16.s32 v5  }
0x1d9: {  	v6 =	vcvt.s32.f32 v6;
	v7 =	vcvt.s32.f32 v7  }
0x1da: {  	v5 =	vcvt.s32.f32 v5;
	v8 =	vcvt.s32.f32 v8  }
0x1db: {  	v7 =	vadd.f32 $-1.280000000e+02, v7;
	v6 =	vadd.f32 $-1.280000000e+02, v6  }
0x1dc: {  	v8 =	vadd.f32 $-1.280000000e+02, v8;
	v5 =	vadd.f32 $-1.280000000e+02, v5  }
0x1dd: {  	v7 =	vmul.f32 v7, v4;
	v6 =	vmul.f32 v6, v3  }
0x1de: {  	v62 =	vor.u32 $0x1C, v1;
	v8 =	vmul.f32 v8, v4;
	v5 =	vmul.f32 v5, v3  }
0x1df: {  	v63 =	vor.u32 $0x1D, v1;
	v7 =	vcvt.f32.hf16 v7;
	v6 =	vcvt.f32.hf16 v6  }
0x1e0: {  	v2 =	vor.u32 $0xF, v2;
	v8 =	vcvt.f32.hf16 v8;
	v5 =	vcvt.f32.hf16 v5  }
0x1e1: {  	v6 =	vpack.c.b32.b16 v7, v6  }
0x1e2: {  	v5 =	vpack.c.b32.b16 v8, v5  }
0x1e3: {  	[tilespmem:v62+s19+$0x0] =	vst.idx.msk $0xffff, v6  }
0x1e4: {  	[tilespmem:v63+s19+$0x0] =	vst.idx.msk $0xffff, v5  }
0x1e5: {  	v2 =	vld.idx.msk [tilespmem:v2+s13+$0x0], $0xffff;
	_ =	sdelay $0x4  }
0x1e6: {  	v2 =	vxor.u32 $0x80808080, v2  }
0x1e7: {  	v5 =	vand.u32 $0xFF, v2;
	v6 =	vshll.u32 v2, $0x8  }
0x1e8: {  	v7 =	vshrl.u32 v2, $0x10;
	v2 =	vshrl.u32 v2, $0x8;
	v6 =	vand.u32 $0xFF0000, v6  }
0x1e9: {  	v7 =	vand.u32 $0xFF, v7;
	v2 =	vand.u32 $0xFF0000, v2;
	v5 =	vor.u32 v5, v6  }
0x1ea: {  	v2 =	vor.u32 v2, v7;
	v6 =	vunpack.c.u.s16.s32 v5;
	v5 =	vunpack.c.l.s16.s32 v5  }
0x1eb: {  	v7 =	vunpack.c.u.s16.s32 v2;
	v2 =	vunpack.c.l.s16.s32 v2  }
0x1ec: {  	v5 =	vcvt.s32.f32 v5;
	v6 =	vcvt.s32.f32 v6  }
0x1ed: {  	v2 =	vcvt.s32.f32 v2;
	v7 =	vcvt.s32.f32 v7  }
0x1ee: {  	v6 =	vadd.f32 $-1.280000000e+02, v6;
	v5 =	vadd.f32 $-1.280000000e+02, v5  }
0x1ef: {  	v7 =	vadd.f32 $-1.280000000e+02, v7;
	v2 =	vadd.f32 $-1.280000000e+02, v2  }
0x1f0: {  	v6 =	vmul.f32 v6, v4;
	v5 =	vmul.f32 v5, v3  }
0x1f1: {  	v4 =	vmul.f32 v7, v4;
	v2 =	vmul.f32 v2, v3;
	v3 =	vor.u32 $0x1F, v1  }
0x1f2: {  	s20 =	simm.s32 $0x10;
	v6 =	vcvt.f32.hf16 v6;
	v7 =	vcvt.f32.hf16 v5;
	v5 =	vor.u32 $0x1E, v1  }
0x1f3: {  	v4 =	vcvt.f32.hf16 v4;
	v8 =	vcvt.f32.hf16 v2;
	v2 =	vor.u32 s20, v0  }
0x1f4: {  	v1 =	vshll.u32 v2, $0x4  }
0x1f5: {  	s20 =	simm.s32 $0x20;
	v6 =	vpack.c.b32.b16 v6, v7;
	v4 =	vpack.c.b32.b16 v4, v8  }
.LBB2_4:
0x1f6: {  	p0 =	sne.s32 s20, $0x3F0  }
0x1f7: {  	[tilespmem:v5+s19+$0x0] =	vst.idx.msk $0xffff, v6;
	s17 =	sadd.s32 $0x10, s17;
	s23 =	smov.u32 s20;
	s20 =	sadd.s32 $0x10, s20  }
0x1f8: {  	[tilespmem:v3+s19+$0x0] =	vst.idx.msk $0xffff, v4  }
0x1f9: {  	v3 =	vld.idx.msk [tilespmem:v1+s13+$0x0], $0xffff;
	_ =	sdelay $0x5  }
0x1fa: {  	v3 =	vxor.u32 $0x80808080, v3  }
0x1fb: {  	v4 =	vshll.u32 v3, $0x8;
	v5 =	vshrl.u32 v3, $0x10;
	v7 =	vshrl.u32 v3, $0x8;
	v6 =	vld [tilespmem:s17+$0x0]  }
0x1fc: {  	v3 =	vand.u32 $0xFF, v3;
	v4 =	vand.u32 $0xFF0000, v4;
	v5 =	vand.u32 $0xFF, v5  }
0x1fd: {  	v3 =	vor.u32 v3, v4;
	v4 =	vand.u32 $0xFF0000, v7  }
0x1fe: {  	v4 =	vor.u32 v4, v5;
	v5 =	vunpack.c.u.s16.s32 v3;
	v3 =	vunpack.c.l.s16.s32 v3  }
0x1ff: {  	v7 =	vunpack.c.u.s16.s32 v4;
	v4 =	vunpack.c.l.s16.s32 v4  }
0x200: {  	v3 =	vcvt.s32.f32 v3;
	v5 =	vcvt.s32.f32 v5;
	v8 =	vand.u32 $0xFFFF, v6  }
0x201: {  	v9 =	vshll.u32 v6, $0x10;
	v10 =	vcvt.s32.f32 v4;
	v7 =	vcvt.s32.f32 v7  }
0x202: {  	v8 =	vor.u32 v9, v8;
	v9 =	vadd.f32 $-1.280000000e+02, v5;
	v3 =	vadd.f32 $-1.280000000e+02, v3  }
0x203: {  	v4 =	vunpack.c.u.hf16.f32 v8;
	v5 =	vunpack.c.l.hf16.f32 v8;
	v7 =	vadd.f32 $-1.280000000e+02, v7  }
0x204: {  	v8 =	vshrl.u32 v6, $0x10;
	v6 =	vand.u32 $0xFFFF0000, v6;
	v10 =	vadd.f32 $-1.280000000e+02, v10  }
0x205: {  	v2 =	vshll.u32 v2, $0x5;
	v9 =	vmul.f32 v4, v9;
	v3 =	vmul.f32 v5, v3  }
0x206: {  	v11 =	vor.u32 $0x1, v2;
	v7 =	vmul.f32 v7, v4;
	v10 =	vmul.f32 v10, v5  }
0x207: {  	v13 =	vor.u32 $0x1, v1;
	v9 =	vcvt.f32.hf16 v9;
	v12 =	vcvt.f32.hf16 v3  }
0x208: {  	v3 =	vor.u32 v6, v8;
	v6 =	vcvt.f32.hf16 v7;
	v7 =	vcvt.f32.hf16 v10  }
0x209: {  	v8 =	vpack.c.b32.b16 v9, v12  }
0x20a: {  	v6 =	vpack.c.b32.b16 v6, v7  }
0x20b: {  	[tilespmem:v2+s19+$0x0] =	vst.idx.msk $0xffff, v8  }
0x20c: {  	[tilespmem:v11+s19+$0x0] =	vst.idx.msk $0xffff, v6  }
0x20d: {  	v6 =	vld.idx.msk [tilespmem:v13+s13+$0x0], $0xffff;
	_ =	sdelay $0x5  }
0x20e: {  	v6 =	vxor.u32 $0x80808080, v6  }
0x20f: {  	v7 =	vand.u32 $0xFF, v6;
	v8 =	vshll.u32 v6, $0x8;
	v9 =	vshrl.u32 v6, $0x10  }
0x210: {  	v6 =	vshrl.u32 v6, $0x8;
	v8 =	vand.u32 $0xFF0000, v8;
	v9 =	vand.u32 $0xFF, v9  }
0x211: {  	v6 =	vand.u32 $0xFF0000, v6;
	v7 =	vor.u32 v7, v8  }
0x212: {  	v6 =	vor.u32 v6, v9;
	v8 =	vunpack.c.u.s16.s32 v7;
	v7 =	vunpack.c.l.s16.s32 v7  }
0x213: {  	v9 =	vunpack.c.u.s16.s32 v6;
	v6 =	vunpack.c.l.s16.s32 v6  }
0x214: {  	v7 =	vcvt.s32.f32 v7;
	v8 =	vcvt.s32.f32 v8  }
0x215: {  	v6 =	vcvt.s32.f32 v6;
	v9 =	vcvt.s32.f32 v9  }
0x216: {  	v8 =	vadd.f32 $-1.280000000e+02, v8;
	v7 =	vadd.f32 $-1.280000000e+02, v7  }
0x217: {  	v9 =	vadd.f32 $-1.280000000e+02, v9;
	v6 =	vadd.f32 $-1.280000000e+02, v6  }
0x218: {  	v10 =	vor.u32 $0x2, v2;
	v8 =	vmul.f32 v8, v4;
	v7 =	vmul.f32 v7, v5  }
0x219: {  	v11 =	vor.u32 $0x3, v2;
	v9 =	vmul.f32 v9, v4;
	v6 =	vmul.f32 v6, v5  }
0x21a: {  	v12 =	vor.u32 $0x2, v1;
	v8 =	vcvt.f32.hf16 v8;
	v7 =	vcvt.f32.hf16 v7  }
0x21b: {  	v9 =	vcvt.f32.hf16 v9;
	v6 =	vcvt.f32.hf16 v6  }
0x21c: {  	v7 =	vpack.c.b32.b16 v8, v7  }
0x21d: {  	v6 =	vpack.c.b32.b16 v9, v6  }
0x21e: {  	[tilespmem:v10+s19+$0x0] =	vst.idx.msk $0xffff, v7  }
0x21f: {  	[tilespmem:v11+s19+$0x0] =	vst.idx.msk $0xffff, v6  }
0x220: {  	v6 =	vld.idx.msk [tilespmem:v12+s13+$0x0], $0xffff;
	_ =	sdelay $0x5  }
0x221: {  	v6 =	vxor.u32 $0x80808080, v6  }
0x222: {  	v7 =	vand.u32 $0xFF, v6;
	v8 =	vshll.u32 v6, $0x8;
	v9 =	vshrl.u32 v6, $0x10  }
0x223: {  	v6 =	vshrl.u32 v6, $0x8;
	v8 =	vand.u32 $0xFF0000, v8;
	v9 =	vand.u32 $0xFF, v9  }
0x224: {  	v6 =	vand.u32 $0xFF0000, v6;
	v7 =	vor.u32 v7, v8  }
0x225: {  	v6 =	vor.u32 v6, v9;
	v8 =	vunpack.c.u.s16.s32 v7;
	v7 =	vunpack.c.l.s16.s32 v7  }
0x226: {  	v9 =	vunpack.c.u.s16.s32 v6;
	v6 =	vunpack.c.l.s16.s32 v6  }
0x227: {  	v7 =	vcvt.s32.f32 v7;
	v8 =	vcvt.s32.f32 v8  }
0x228: {  	v6 =	vcvt.s32.f32 v6;
	v9 =	vcvt.s32.f32 v9  }
0x229: {  	v8 =	vadd.f32 $-1.280000000e+02, v8;
	v7 =	vadd.f32 $-1.280000000e+02, v7  }
0x22a: {  	v9 =	vadd.f32 $-1.280000000e+02, v9;
	v6 =	vadd.f32 $-1.280000000e+02, v6  }
0x22b: {  	v10 =	vor.u32 $0x4, v2;
	v8 =	vmul.f32 v8, v4;
	v7 =	vmul.f32 v7, v5  }
0x22c: {  	v11 =	vor.u32 $0x5, v2;
	v9 =	vmul.f32 v9, v4;
	v6 =	vmul.f32 v6, v5  }
0x22d: {  	v12 =	vor.u32 $0x3, v1;
	v8 =	vcvt.f32.hf16 v8;
	v7 =	vcvt.f32.hf16 v7  }
0x22e: {  	v9 =	vcvt.f32.hf16 v9;
	v6 =	vcvt.f32.hf16 v6  }
0x22f: {  	v7 =	vpack.c.b32.b16 v8, v7  }
0x230: {  	v6 =	vpack.c.b32.b16 v9, v6  }
0x231: {  	[tilespmem:v10+s19+$0x0] =	vst.idx.msk $0xffff, v7  }
0x232: {  	[tilespmem:v11+s19+$0x0] =	vst.idx.msk $0xffff, v6  }
0x233: {  	v6 =	vld.idx.msk [tilespmem:v12+s13+$0x0], $0xffff;
	_ =	sdelay $0x5  }
0x234: {  	v6 =	vxor.u32 $0x80808080, v6  }
0x235: {  	v7 =	vand.u32 $0xFF, v6;
	v8 =	vshll.u32 v6, $0x8;
	v9 =	vshrl.u32 v6, $0x10  }
0x236: {  	v6 =	vshrl.u32 v6, $0x8;
	v8 =	vand.u32 $0xFF0000, v8;
	v9 =	vand.u32 $0xFF, v9  }
0x237: {  	v6 =	vand.u32 $0xFF0000, v6;
	v7 =	vor.u32 v7, v8  }
0x238: {  	v6 =	vor.u32 v6, v9;
	v8 =	vunpack.c.u.s16.s32 v7;
	v7 =	vunpack.c.l.s16.s32 v7  }
0x239: {  	v9 =	vunpack.c.u.s16.s32 v6;
	v6 =	vunpack.c.l.s16.s32 v6  }
0x23a: {  	v7 =	vcvt.s32.f32 v7;
	v8 =	vcvt.s32.f32 v8  }
0x23b: {  	v6 =	vcvt.s32.f32 v6;
	v9 =	vcvt.s32.f32 v9  }
0x23c: {  	v8 =	vadd.f32 $-1.280000000e+02, v8;
	v7 =	vadd.f32 $-1.280000000e+02, v7  }
0x23d: {  	v9 =	vadd.f32 $-1.280000000e+02, v9;
	v6 =	vadd.f32 $-1.280000000e+02, v6  }
0x23e: {  	v10 =	vor.u32 $0x6, v2;
	v8 =	vmul.f32 v8, v4;
	v7 =	vmul.f32 v7, v5  }
0x23f: {  	v11 =	vor.u32 $0x7, v2;
	v9 =	vmul.f32 v9, v4;
	v6 =	vmul.f32 v6, v5  }
0x240: {  	v12 =	vor.u32 $0x4, v1;
	v8 =	vcvt.f32.hf16 v8;
	v7 =	vcvt.f32.hf16 v7  }
0x241: {  	v9 =	vcvt.f32.hf16 v9;
	v6 =	vcvt.f32.hf16 v6  }
0x242: {  	v7 =	vpack.c.b32.b16 v8, v7  }
0x243: {  	v6 =	vpack.c.b32.b16 v9, v6  }
0x244: {  	[tilespmem:v10+s19+$0x0] =	vst.idx.msk $0xffff, v7  }
0x245: {  	[tilespmem:v11+s19+$0x0] =	vst.idx.msk $0xffff, v6  }
0x246: {  	v6 =	vld.idx.msk [tilespmem:v12+s13+$0x0], $0xffff;
	_ =	sdelay $0x5  }
0x247: {  	v6 =	vxor.u32 $0x80808080, v6  }
0x248: {  	v7 =	vand.u32 $0xFF, v6;
	v8 =	vshll.u32 v6, $0x8;
	v9 =	vshrl.u32 v6, $0x10  }
0x249: {  	v6 =	vshrl.u32 v6, $0x8;
	v8 =	vand.u32 $0xFF0000, v8;
	v9 =	vand.u32 $0xFF, v9  }
0x24a: {  	v6 =	vand.u32 $0xFF0000, v6;
	v7 =	vor.u32 v7, v8  }
0x24b: {  	v6 =	vor.u32 v6, v9;
	v8 =	vunpack.c.u.s16.s32 v7;
	v7 =	vunpack.c.l.s16.s32 v7  }
0x24c: {  	v9 =	vunpack.c.u.s16.s32 v6;
	v6 =	vunpack.c.l.s16.s32 v6  }
0x24d: {  	v7 =	vcvt.s32.f32 v7;
	v8 =	vcvt.s32.f32 v8  }
0x24e: {  	v6 =	vcvt.s32.f32 v6;
	v9 =	vcvt.s32.f32 v9  }
0x24f: {  	v8 =	vadd.f32 $-1.280000000e+02, v8;
	v7 =	vadd.f32 $-1.280000000e+02, v7  }
0x250: {  	v9 =	vadd.f32 $-1.280000000e+02, v9;
	v6 =	vadd.f32 $-1.280000000e+02, v6  }
0x251: {  	v10 =	vor.u32 $0x8, v2;
	v8 =	vmul.f32 v8, v4;
	v7 =	vmul.f32 v7, v5  }
0x252: {  	v11 =	vor.u32 $0x9, v2;
	v9 =	vmul.f32 v9, v4;
	v6 =	vmul.f32 v6, v5  }
0x253: {  	v12 =	vor.u32 $0x5, v1;
	v8 =	vcvt.f32.hf16 v8;
	v7 =	vcvt.f32.hf16 v7  }
0x254: {  	v9 =	vcvt.f32.hf16 v9;
	v6 =	vcvt.f32.hf16 v6  }
0x255: {  	v7 =	vpack.c.b32.b16 v8, v7  }
0x256: {  	v6 =	vpack.c.b32.b16 v9, v6  }
0x257: {  	[tilespmem:v10+s19+$0x0] =	vst.idx.msk $0xffff, v7  }
0x258: {  	[tilespmem:v11+s19+$0x0] =	vst.idx.msk $0xffff, v6  }
0x259: {  	v6 =	vld.idx.msk [tilespmem:v12+s13+$0x0], $0xffff;
	_ =	sdelay $0x5  }
0x25a: {  	v6 =	vxor.u32 $0x80808080, v6  }
0x25b: {  	v7 =	vand.u32 $0xFF, v6;
	v8 =	vshll.u32 v6, $0x8;
	v9 =	vshrl.u32 v6, $0x10  }
0x25c: {  	v6 =	vshrl.u32 v6, $0x8;
	v8 =	vand.u32 $0xFF0000, v8;
	v9 =	vand.u32 $0xFF, v9  }
0x25d: {  	v6 =	vand.u32 $0xFF0000, v6;
	v7 =	vor.u32 v7, v8  }
0x25e: {  	v6 =	vor.u32 v6, v9;
	v8 =	vunpack.c.u.s16.s32 v7;
	v7 =	vunpack.c.l.s16.s32 v7  }
0x25f: {  	v9 =	vunpack.c.u.s16.s32 v6;
	v6 =	vunpack.c.l.s16.s32 v6  }
0x260: {  	v7 =	vcvt.s32.f32 v7;
	v8 =	vcvt.s32.f32 v8  }
0x261: {  	v6 =	vcvt.s32.f32 v6;
	v9 =	vcvt.s32.f32 v9  }
0x262: {  	v8 =	vadd.f32 $-1.280000000e+02, v8;
	v7 =	vadd.f32 $-1.280000000e+02, v7  }
0x263: {  	v9 =	vadd.f32 $-1.280000000e+02, v9;
	v6 =	vadd.f32 $-1.280000000e+02, v6  }
0x264: {  	v10 =	vor.u32 $0xA, v2;
	v8 =	vmul.f32 v8, v4;
	v7 =	vmul.f32 v7, v5  }
0x265: {  	v11 =	vor.u32 $0xB, v2;
	v9 =	vmul.f32 v9, v4;
	v6 =	vmul.f32 v6, v5  }
0x266: {  	v12 =	vor.u32 $0x6, v1;
	v8 =	vcvt.f32.hf16 v8;
	v7 =	vcvt.f32.hf16 v7  }
0x267: {  	v9 =	vcvt.f32.hf16 v9;
	v6 =	vcvt.f32.hf16 v6  }
0x268: {  	v7 =	vpack.c.b32.b16 v8, v7  }
0x269: {  	v6 =	vpack.c.b32.b16 v9, v6  }
0x26a: {  	[tilespmem:v10+s19+$0x0] =	vst.idx.msk $0xffff, v7  }
0x26b: {  	[tilespmem:v11+s19+$0x0] =	vst.idx.msk $0xffff, v6  }
0x26c: {  	v6 =	vld.idx.msk [tilespmem:v12+s13+$0x0], $0xffff;
	_ =	sdelay $0x5  }
0x26d: {  	v6 =	vxor.u32 $0x80808080, v6  }
0x26e: {  	v7 =	vand.u32 $0xFF, v6;
	v8 =	vshll.u32 v6, $0x8;
	v9 =	vshrl.u32 v6, $0x10  }
0x26f: {  	v6 =	vshrl.u32 v6, $0x8;
	v8 =	vand.u32 $0xFF0000, v8;
	v9 =	vand.u32 $0xFF, v9  }
0x270: {  	v6 =	vand.u32 $0xFF0000, v6;
	v7 =	vor.u32 v7, v8  }
0x271: {  	v6 =	vor.u32 v6, v9;
	v8 =	vunpack.c.u.s16.s32 v7;
	v7 =	vunpack.c.l.s16.s32 v7  }
0x272: {  	v9 =	vunpack.c.u.s16.s32 v6;
	v6 =	vunpack.c.l.s16.s32 v6  }
0x273: {  	v7 =	vcvt.s32.f32 v7;
	v8 =	vcvt.s32.f32 v8  }
0x274: {  	v6 =	vcvt.s32.f32 v6;
	v9 =	vcvt.s32.f32 v9  }
0x275: {  	v8 =	vadd.f32 $-1.280000000e+02, v8;
	v7 =	vadd.f32 $-1.280000000e+02, v7  }
0x276: {  	v9 =	vadd.f32 $-1.280000000e+02, v9;
	v6 =	vadd.f32 $-1.280000000e+02, v6  }
0x277: {  	v10 =	vor.u32 $0xC, v2;
	v8 =	vmul.f32 v8, v4;
	v7 =	vmul.f32 v7, v5  }
0x278: {  	v11 =	vor.u32 $0xD, v2;
	v9 =	vmul.f32 v9, v4;
	v6 =	vmul.f32 v6, v5  }
0x279: {  	v12 =	vor.u32 $0x7, v1;
	v8 =	vcvt.f32.hf16 v8;
	v7 =	vcvt.f32.hf16 v7  }
0x27a: {  	v9 =	vcvt.f32.hf16 v9;
	v6 =	vcvt.f32.hf16 v6  }
0x27b: {  	v7 =	vpack.c.b32.b16 v8, v7  }
0x27c: {  	v6 =	vpack.c.b32.b16 v9, v6  }
0x27d: {  	[tilespmem:v10+s19+$0x0] =	vst.idx.msk $0xffff, v7  }
0x27e: {  	[tilespmem:v11+s19+$0x0] =	vst.idx.msk $0xffff, v6  }
0x27f: {  	v6 =	vld.idx.msk [tilespmem:v12+s13+$0x0], $0xffff;
	_ =	sdelay $0x5  }
0x280: {  	v6 =	vxor.u32 $0x80808080, v6  }
0x281: {  	v7 =	vand.u32 $0xFF, v6;
	v8 =	vshll.u32 v6, $0x8;
	v9 =	vshrl.u32 v6, $0x10  }
0x282: {  	v6 =	vshrl.u32 v6, $0x8;
	v8 =	vand.u32 $0xFF0000, v8;
	v9 =	vand.u32 $0xFF, v9  }
0x283: {  	v6 =	vand.u32 $0xFF0000, v6;
	v7 =	vor.u32 v7, v8  }
0x284: {  	v6 =	vor.u32 v6, v9;
	v8 =	vunpack.c.u.s16.s32 v7;
	v7 =	vunpack.c.l.s16.s32 v7  }
0x285: {  	v9 =	vunpack.c.u.s16.s32 v6;
	v6 =	vunpack.c.l.s16.s32 v6  }
0x286: {  	v7 =	vcvt.s32.f32 v7;
	v8 =	vcvt.s32.f32 v8  }
0x287: {  	v6 =	vcvt.s32.f32 v6;
	v9 =	vcvt.s32.f32 v9  }
0x288: {  	v8 =	vadd.f32 $-1.280000000e+02, v8;
	v7 =	vadd.f32 $-1.280000000e+02, v7  }
0x289: {  	v9 =	vadd.f32 $-1.280000000e+02, v9;
	v6 =	vadd.f32 $-1.280000000e+02, v6  }
0x28a: {  	v10 =	vor.u32 $0xE, v2;
	v8 =	vmul.f32 v8, v4;
	v7 =	vmul.f32 v7, v5  }
0x28b: {  	v4 =	vmul.f32 v9, v4;
	v5 =	vmul.f32 v6, v5;
	v6 =	vor.u32 $0xF, v2  }
0x28c: {  	v9 =	vor.u32 $0x8, v1;
	v8 =	vcvt.f32.hf16 v8;
	v7 =	vcvt.f32.hf16 v7  }
0x28d: {  	v4 =	vcvt.f32.hf16 v4;
	v5 =	vcvt.f32.hf16 v5  }
0x28e: {  	v7 =	vpack.c.b32.b16 v8, v7  }
0x28f: {  	v4 =	vpack.c.b32.b16 v4, v5  }
0x290: {  	[tilespmem:v10+s19+$0x0] =	vst.idx.msk $0xffff, v7  }
0x291: {  	[tilespmem:v6+s19+$0x0] =	vst.idx.msk $0xffff, v4  }
0x292: {  	v4 =	vld.idx.msk [tilespmem:v9+s13+$0x0], $0xffff;
	_ =	sdelay $0x5  }
0x293: {  	v4 =	vxor.u32 $0x80808080, v4  }
0x294: {  	v5 =	vand.u32 $0xFF, v4;
	v6 =	vshll.u32 v4, $0x8;
	v7 =	vshrl.u32 v4, $0x10  }
0x295: {  	v4 =	vshrl.u32 v4, $0x8;
	v6 =	vand.u32 $0xFF0000, v6;
	v7 =	vand.u32 $0xFF, v7  }
0x296: {  	v4 =	vand.u32 $0xFF0000, v4;
	v5 =	vor.u32 v5, v6  }
0x297: {  	v4 =	vor.u32 v4, v7;
	v6 =	vunpack.c.u.s16.s32 v5;
	v5 =	vunpack.c.l.s16.s32 v5  }
0x298: {  	v7 =	vunpack.c.u.s16.s32 v4;
	v8 =	vunpack.c.l.s16.s32 v4  }
0x299: {  	v4 =	vunpack.c.l.hf16.f32 v3;
	v5 =	vcvt.s32.f32 v5;
	v6 =	vcvt.s32.f32 v6  }
0x29a: {  	v3 =	vunpack.c.u.hf16.f32 v3;
	v8 =	vcvt.s32.f32 v8;
	v7 =	vcvt.s32.f32 v7  }
0x29b: {  	v6 =	vadd.f32 $-1.280000000e+02, v6;
	v5 =	vadd.f32 $-1.280000000e+02, v5  }
0x29c: {  	v7 =	vadd.f32 $-1.280000000e+02, v7;
	v8 =	vadd.f32 $-1.280000000e+02, v8  }
0x29d: {  	v9 =	vor.u32 $0x10, v2;
	v6 =	vmul.f32 v3, v6;
	v5 =	vmul.f32 v4, v5  }
0x29e: {  	v10 =	vor.u32 $0x11, v2;
	v7 =	vmul.f32 v7, v3;
	v8 =	vmul.f32 v8, v4  }
0x29f: {  	v11 =	vor.u32 $0x9, v1;
	v6 =	vcvt.f32.hf16 v6;
	v5 =	vcvt.f32.hf16 v5  }
0x2a0: {  	v7 =	vcvt.f32.hf16 v7;
	v8 =	vcvt.f32.hf16 v8  }
0x2a1: {  	v5 =	vpack.c.b32.b16 v6, v5  }
0x2a2: {  	v6 =	vpack.c.b32.b16 v7, v8  }
0x2a3: {  	[tilespmem:v9+s19+$0x0] =	vst.idx.msk $0xffff, v5  }
0x2a4: {  	[tilespmem:v10+s19+$0x0] =	vst.idx.msk $0xffff, v6  }
0x2a5: {  	v5 =	vld.idx.msk [tilespmem:v11+s13+$0x0], $0xffff;
	_ =	sdelay $0x5  }
0x2a6: {  	v5 =	vxor.u32 $0x80808080, v5  }
0x2a7: {  	v6 =	vand.u32 $0xFF, v5;
	v7 =	vshll.u32 v5, $0x8;
	v8 =	vshrl.u32 v5, $0x10  }
0x2a8: {  	v5 =	vshrl.u32 v5, $0x8;
	v7 =	vand.u32 $0xFF0000, v7;
	v8 =	vand.u32 $0xFF, v8  }
0x2a9: {  	v5 =	vand.u32 $0xFF0000, v5;
	v6 =	vor.u32 v6, v7  }
0x2aa: {  	v5 =	vor.u32 v5, v8;
	v7 =	vunpack.c.u.s16.s32 v6;
	v6 =	vunpack.c.l.s16.s32 v6  }
0x2ab: {  	v8 =	vunpack.c.u.s16.s32 v5;
	v5 =	vunpack.c.l.s16.s32 v5  }
0x2ac: {  	v6 =	vcvt.s32.f32 v6;
	v7 =	vcvt.s32.f32 v7  }
0x2ad: {  	v5 =	vcvt.s32.f32 v5;
	v8 =	vcvt.s32.f32 v8  }
0x2ae: {  	v7 =	vadd.f32 $-1.280000000e+02, v7;
	v6 =	vadd.f32 $-1.280000000e+02, v6  }
0x2af: {  	v8 =	vadd.f32 $-1.280000000e+02, v8;
	v5 =	vadd.f32 $-1.280000000e+02, v5  }
0x2b0: {  	v9 =	vor.u32 $0x12, v2;
	v7 =	vmul.f32 v7, v3;
	v6 =	vmul.f32 v6, v4  }
0x2b1: {  	v10 =	vor.u32 $0x13, v2;
	v8 =	vmul.f32 v8, v3;
	v5 =	vmul.f32 v5, v4  }
0x2b2: {  	v11 =	vor.u32 $0xA, v1;
	v7 =	vcvt.f32.hf16 v7;
	v6 =	vcvt.f32.hf16 v6  }
0x2b3: {  	v8 =	vcvt.f32.hf16 v8;
	v5 =	vcvt.f32.hf16 v5  }
0x2b4: {  	v6 =	vpack.c.b32.b16 v7, v6  }
0x2b5: {  	v5 =	vpack.c.b32.b16 v8, v5  }
0x2b6: {  	[tilespmem:v9+s19+$0x0] =	vst.idx.msk $0xffff, v6  }
0x2b7: {  	[tilespmem:v10+s19+$0x0] =	vst.idx.msk $0xffff, v5  }
0x2b8: {  	v5 =	vld.idx.msk [tilespmem:v11+s13+$0x0], $0xffff;
	_ =	sdelay $0x5  }
0x2b9: {  	v5 =	vxor.u32 $0x80808080, v5  }
0x2ba: {  	v6 =	vand.u32 $0xFF, v5;
	v7 =	vshll.u32 v5, $0x8;
	v8 =	vshrl.u32 v5, $0x10  }
0x2bb: {  	v5 =	vshrl.u32 v5, $0x8;
	v7 =	vand.u32 $0xFF0000, v7;
	v8 =	vand.u32 $0xFF, v8  }
0x2bc: {  	v5 =	vand.u32 $0xFF0000, v5;
	v6 =	vor.u32 v6, v7  }
0x2bd: {  	v5 =	vor.u32 v5, v8;
	v7 =	vunpack.c.u.s16.s32 v6;
	v6 =	vunpack.c.l.s16.s32 v6  }
0x2be: {  	v8 =	vunpack.c.u.s16.s32 v5;
	v5 =	vunpack.c.l.s16.s32 v5  }
0x2bf: {  	v6 =	vcvt.s32.f32 v6;
	v7 =	vcvt.s32.f32 v7  }
0x2c0: {  	v5 =	vcvt.s32.f32 v5;
	v8 =	vcvt.s32.f32 v8  }
0x2c1: {  	v7 =	vadd.f32 $-1.280000000e+02, v7;
	v6 =	vadd.f32 $-1.280000000e+02, v6  }
0x2c2: {  	v8 =	vadd.f32 $-1.280000000e+02, v8;
	v5 =	vadd.f32 $-1.280000000e+02, v5  }
0x2c3: {  	v9 =	vor.u32 $0x14, v2;
	v7 =	vmul.f32 v7, v3;
	v6 =	vmul.f32 v6, v4  }
0x2c4: {  	v10 =	vor.u32 $0x15, v2;
	v8 =	vmul.f32 v8, v3;
	v5 =	vmul.f32 v5, v4  }
0x2c5: {  	v11 =	vor.u32 $0xB, v1;
	v7 =	vcvt.f32.hf16 v7;
	v6 =	vcvt.f32.hf16 v6  }
0x2c6: {  	v8 =	vcvt.f32.hf16 v8;
	v5 =	vcvt.f32.hf16 v5  }
0x2c7: {  	v6 =	vpack.c.b32.b16 v7, v6  }
0x2c8: {  	v5 =	vpack.c.b32.b16 v8, v5  }
0x2c9: {  	[tilespmem:v9+s19+$0x0] =	vst.idx.msk $0xffff, v6  }
0x2ca: {  	[tilespmem:v10+s19+$0x0] =	vst.idx.msk $0xffff, v5  }
0x2cb: {  	v5 =	vld.idx.msk [tilespmem:v11+s13+$0x0], $0xffff;
	_ =	sdelay $0x5  }
0x2cc: {  	v5 =	vxor.u32 $0x80808080, v5  }
0x2cd: {  	v6 =	vand.u32 $0xFF, v5;
	v7 =	vshll.u32 v5, $0x8;
	v8 =	vshrl.u32 v5, $0x10  }
0x2ce: {  	v5 =	vshrl.u32 v5, $0x8;
	v7 =	vand.u32 $0xFF0000, v7;
	v8 =	vand.u32 $0xFF, v8  }
0x2cf: {  	v5 =	vand.u32 $0xFF0000, v5;
	v6 =	vor.u32 v6, v7  }
0x2d0: {  	v5 =	vor.u32 v5, v8;
	v7 =	vunpack.c.u.s16.s32 v6;
	v6 =	vunpack.c.l.s16.s32 v6  }
0x2d1: {  	v8 =	vunpack.c.u.s16.s32 v5;
	v5 =	vunpack.c.l.s16.s32 v5  }
0x2d2: {  	v6 =	vcvt.s32.f32 v6;
	v7 =	vcvt.s32.f32 v7  }
0x2d3: {  	v5 =	vcvt.s32.f32 v5;
	v8 =	vcvt.s32.f32 v8  }
0x2d4: {  	v7 =	vadd.f32 $-1.280000000e+02, v7;
	v6 =	vadd.f32 $-1.280000000e+02, v6  }
0x2d5: {  	v8 =	vadd.f32 $-1.280000000e+02, v8;
	v5 =	vadd.f32 $-1.280000000e+02, v5  }
0x2d6: {  	v9 =	vor.u32 $0x16, v2;
	v7 =	vmul.f32 v7, v3;
	v6 =	vmul.f32 v6, v4  }
0x2d7: {  	v10 =	vor.u32 $0x17, v2;
	v8 =	vmul.f32 v8, v3;
	v5 =	vmul.f32 v5, v4  }
0x2d8: {  	v11 =	vor.u32 $0xC, v1;
	v7 =	vcvt.f32.hf16 v7;
	v6 =	vcvt.f32.hf16 v6  }
0x2d9: {  	v8 =	vcvt.f32.hf16 v8;
	v5 =	vcvt.f32.hf16 v5  }
0x2da: {  	v6 =	vpack.c.b32.b16 v7, v6  }
0x2db: {  	v5 =	vpack.c.b32.b16 v8, v5  }
0x2dc: {  	[tilespmem:v9+s19+$0x0] =	vst.idx.msk $0xffff, v6  }
0x2dd: {  	[tilespmem:v10+s19+$0x0] =	vst.idx.msk $0xffff, v5  }
0x2de: {  	v5 =	vld.idx.msk [tilespmem:v11+s13+$0x0], $0xffff;
	_ =	sdelay $0x5  }
0x2df: {  	v5 =	vxor.u32 $0x80808080, v5  }
0x2e0: {  	v6 =	vand.u32 $0xFF, v5;
	v7 =	vshll.u32 v5, $0x8;
	v8 =	vshrl.u32 v5, $0x10  }
0x2e1: {  	v5 =	vshrl.u32 v5, $0x8;
	v7 =	vand.u32 $0xFF0000, v7;
	v8 =	vand.u32 $0xFF, v8  }
0x2e2: {  	v5 =	vand.u32 $0xFF0000, v5;
	v6 =	vor.u32 v6, v7  }
0x2e3: {  	v5 =	vor.u32 v5, v8;
	v7 =	vunpack.c.u.s16.s32 v6;
	v6 =	vunpack.c.l.s16.s32 v6  }
0x2e4: {  	v8 =	vunpack.c.u.s16.s32 v5;
	v5 =	vunpack.c.l.s16.s32 v5  }
0x2e5: {  	v6 =	vcvt.s32.f32 v6;
	v7 =	vcvt.s32.f32 v7  }
0x2e6: {  	v5 =	vcvt.s32.f32 v5;
	v8 =	vcvt.s32.f32 v8  }
0x2e7: {  	v7 =	vadd.f32 $-1.280000000e+02, v7;
	v6 =	vadd.f32 $-1.280000000e+02, v6  }
0x2e8: {  	v8 =	vadd.f32 $-1.280000000e+02, v8;
	v5 =	vadd.f32 $-1.280000000e+02, v5  }
0x2e9: {  	v9 =	vor.u32 $0x18, v2;
	v7 =	vmul.f32 v7, v3;
	v6 =	vmul.f32 v6, v4  }
0x2ea: {  	v10 =	vor.u32 $0x19, v2;
	v8 =	vmul.f32 v8, v3;
	v5 =	vmul.f32 v5, v4  }
0x2eb: {  	v11 =	vor.u32 $0xD, v1;
	v7 =	vcvt.f32.hf16 v7;
	v6 =	vcvt.f32.hf16 v6  }
0x2ec: {  	v8 =	vcvt.f32.hf16 v8;
	v5 =	vcvt.f32.hf16 v5  }
0x2ed: {  	v6 =	vpack.c.b32.b16 v7, v6  }
0x2ee: {  	v5 =	vpack.c.b32.b16 v8, v5  }
0x2ef: {  	[tilespmem:v9+s19+$0x0] =	vst.idx.msk $0xffff, v6  }
0x2f0: {  	[tilespmem:v10+s19+$0x0] =	vst.idx.msk $0xffff, v5  }
0x2f1: {  	v5 =	vld.idx.msk [tilespmem:v11+s13+$0x0], $0xffff;
	_ =	sdelay $0x5  }
0x2f2: {  	v5 =	vxor.u32 $0x80808080, v5  }
0x2f3: {  	v6 =	vand.u32 $0xFF, v5;
	v7 =	vshll.u32 v5, $0x8;
	v8 =	vshrl.u32 v5, $0x10  }
0x2f4: {  	v5 =	vshrl.u32 v5, $0x8;
	v7 =	vand.u32 $0xFF0000, v7;
	v8 =	vand.u32 $0xFF, v8  }
0x2f5: {  	v5 =	vand.u32 $0xFF0000, v5;
	v6 =	vor.u32 v6, v7  }
0x2f6: {  	v5 =	vor.u32 v5, v8;
	v7 =	vunpack.c.u.s16.s32 v6;
	v6 =	vunpack.c.l.s16.s32 v6  }
0x2f7: {  	v8 =	vunpack.c.u.s16.s32 v5;
	v5 =	vunpack.c.l.s16.s32 v5  }
0x2f8: {  	v6 =	vcvt.s32.f32 v6;
	v7 =	vcvt.s32.f32 v7  }
0x2f9: {  	v5 =	vcvt.s32.f32 v5;
	v8 =	vcvt.s32.f32 v8  }
0x2fa: {  	v7 =	vadd.f32 $-1.280000000e+02, v7;
	v6 =	vadd.f32 $-1.280000000e+02, v6  }
0x2fb: {  	v8 =	vadd.f32 $-1.280000000e+02, v8;
	v5 =	vadd.f32 $-1.280000000e+02, v5  }
0x2fc: {  	v9 =	vor.u32 $0x1A, v2;
	v7 =	vmul.f32 v7, v3;
	v6 =	vmul.f32 v6, v4  }
0x2fd: {  	v10 =	vor.u32 $0x1B, v2;
	v8 =	vmul.f32 v8, v3;
	v5 =	vmul.f32 v5, v4  }
0x2fe: {  	v11 =	vor.u32 $0xE, v1;
	v7 =	vcvt.f32.hf16 v7;
	v6 =	vcvt.f32.hf16 v6  }
0x2ff: {  	v8 =	vcvt.f32.hf16 v8;
	v5 =	vcvt.f32.hf16 v5  }
0x300: {  	v6 =	vpack.c.b32.b16 v7, v6  }
0x301: {  	v5 =	vpack.c.b32.b16 v8, v5  }
0x302: {  	[tilespmem:v9+s19+$0x0] =	vst.idx.msk $0xffff, v6  }
0x303: {  	[tilespmem:v10+s19+$0x0] =	vst.idx.msk $0xffff, v5  }
0x304: {  	v5 =	vld.idx.msk [tilespmem:v11+s13+$0x0], $0xffff;
	_ =	sdelay $0x5  }
0x305: {  	v5 =	vxor.u32 $0x80808080, v5  }
0x306: {  	v6 =	vand.u32 $0xFF, v5;
	v7 =	vshll.u32 v5, $0x8;
	v8 =	vshrl.u32 v5, $0x10  }
0x307: {  	v5 =	vshrl.u32 v5, $0x8;
	v7 =	vand.u32 $0xFF0000, v7;
	v8 =	vand.u32 $0xFF, v8  }
0x308: {  	v5 =	vand.u32 $0xFF0000, v5;
	v6 =	vor.u32 v6, v7  }
0x309: {  	v5 =	vor.u32 v5, v8;
	v7 =	vunpack.c.u.s16.s32 v6;
	v6 =	vunpack.c.l.s16.s32 v6  }
0x30a: {  	v8 =	vunpack.c.u.s16.s32 v5;
	v5 =	vunpack.c.l.s16.s32 v5  }
0x30b: {  	v6 =	vcvt.s32.f32 v6;
	v7 =	vcvt.s32.f32 v7  }
0x30c: {  	v5 =	vcvt.s32.f32 v5;
	v8 =	vcvt.s32.f32 v8  }
0x30d: {  	v7 =	vadd.f32 $-1.280000000e+02, v7;
	v6 =	vadd.f32 $-1.280000000e+02, v6  }
0x30e: {  	v8 =	vadd.f32 $-1.280000000e+02, v8;
	v5 =	vadd.f32 $-1.280000000e+02, v5  }
0x30f: {  	v9 =	vor.u32 $0x1C, v2;
	v7 =	vmul.f32 v7, v3;
	v6 =	vmul.f32 v6, v4  }
0x310: {  	v10 =	vor.u32 $0x1D, v2;
	v8 =	vmul.f32 v8, v3;
	v5 =	vmul.f32 v5, v4  }
0x311: {  	v1 =	vor.u32 $0xF, v1;
	v7 =	vcvt.f32.hf16 v7;
	v6 =	vcvt.f32.hf16 v6  }
0x312: {  	v8 =	vcvt.f32.hf16 v8;
	v5 =	vcvt.f32.hf16 v5  }
0x313: {  	v6 =	vpack.c.b32.b16 v7, v6  }
0x314: {  	v5 =	vpack.c.b32.b16 v8, v5  }
0x315: {  	[tilespmem:v9+s19+$0x0] =	vst.idx.msk $0xffff, v6  }
0x316: {  	[tilespmem:v10+s19+$0x0] =	vst.idx.msk $0xffff, v5  }
0x317: {  	v1 =	vld.idx.msk [tilespmem:v1+s13+$0x0], $0xffff;
	_ =	sdelay $0x5  }
0x318: {  	v1 =	vxor.u32 $0x80808080, v1  }
0x319: {  	v5 =	vand.u32 $0xFF, v1;
	v6 =	vshll.u32 v1, $0x8;
	v7 =	vshrl.u32 v1, $0x10  }
0x31a: {  	v1 =	vshrl.u32 v1, $0x8;
	v6 =	vand.u32 $0xFF0000, v6;
	v7 =	vand.u32 $0xFF, v7  }
0x31b: {  	v1 =	vand.u32 $0xFF0000, v1;
	v5 =	vor.u32 v5, v6  }
0x31c: {  	v1 =	vor.u32 v1, v7;
	v6 =	vunpack.c.u.s16.s32 v5;
	v5 =	vunpack.c.l.s16.s32 v5  }
0x31d: {  	v7 =	vunpack.c.u.s16.s32 v1;
	v1 =	vunpack.c.l.s16.s32 v1  }
0x31e: {  	v5 =	vcvt.s32.f32 v5;
	v6 =	vcvt.s32.f32 v6  }
0x31f: {  	v1 =	vcvt.s32.f32 v1;
	v7 =	vcvt.s32.f32 v7  }
0x320: {  	v6 =	vadd.f32 $-1.280000000e+02, v6;
	v5 =	vadd.f32 $-1.280000000e+02, v5  }
0x321: {  	v7 =	vadd.f32 $-1.280000000e+02, v7;
	v1 =	vadd.f32 $-1.280000000e+02, v1  }
0x322: {  	v6 =	vmul.f32 v6, v3;
	v8 =	vmul.f32 v5, v4;
	v5 =	vor.u32 $0x1E, v2  }
.Ltmp5:
0x323: {  	v7 =	vmul.f32 v7, v3;
	v4 =	vmul.f32 v1, v4;
	v3 =	vor.u32 $0x1F, v2;
	(pc) =	sbr.rel @p0 .LBB2_4-.Ltmp5, $4  }
0x324: {  	v2 =	vor.u32 s23, v0;
	v6 =	vcvt.f32.hf16 v6;
	v8 =	vcvt.f32.hf16 v8  }
0x325: {  	v1 =	vshll.u32 v2, $0x4;
	v7 =	vcvt.f32.hf16 v7;
	v4 =	vcvt.f32.hf16 v4  }
0x326: {  	v6 =	vpack.c.b32.b16 v6, v8  }
0x327: {  	v4 =	vpack.c.b32.b16 v7, v4  }
0x328: {  	_ =	sdelay $0x3  }
0x329: {  	[tilespmem:v5+s19+$0x0] =	vst.idx.msk $0xffff, v6  }
0x32a: {  	[tilespmem:v3+s19+$0x0] =	vst.idx.msk $0xffff, v4  }
0x32b: {  	v3 =	vld.idx.msk [tilespmem:v1+s13+$0x0], $0xffff;
	_ =	sdelay $0x4  }
0x32c: {  	s17 =	sadd.s32 $0x10, s17;
	v12 =	vxor.u32 $0x80808080, v3  }
0x32d: {  	v3 =	vld [tilespmem:s17+$0x0];
	v13 =	vshll.u32 v12, $0x8  }
0x32e: {  	v14 =	vshrl.u32 v12, $0x10;
	v7 =	vshrl.u32 v12, $0x8;
	v4 =	vand.u32 $0xFF, v12  }
0x32f: {  	v5 =	vand.u32 $0xFF0000, v13;
	v6 =	vand.u32 $0xFF, v14;
	v15 =	vand.u32 $0xFF0000, v7  }
0x330: {  	v4 =	vor.u32 v4, v5;
	v5 =	vor.u32 v15, v6  }
0x331: {  	v16 =	vunpack.c.u.s16.s32 v4;
	v4 =	vunpack.c.l.s16.s32 v4;
	v17 =	vunpack.c.l.s16.s32 v5  }
0x332: {  	v5 =	vunpack.c.u.s16.s32 v5;
	v8 =	vand.u32 $0xFFFF, v3;
	v9 =	vshll.u32 v3, $0x10  }
0x333: {  	v6 =	vcvt.s32.f32 v16;
	v4 =	vcvt.s32.f32 v4;
	v18 =	vor.u32 v9, v8  }
0x334: {  	v7 =	vcvt.s32.f32 v17;
	v10 =	vcvt.s32.f32 v5;
	v20 =	vunpack.c.u.hf16.f32 v18  }
0x335: {  	v5 =	vunpack.c.l.hf16.f32 v18;
	v6 =	vadd.f32 $-1.280000000e+02, v6;
	v19 =	vadd.f32 $-1.280000000e+02, v4  }
0x336: {  	v21 =	vadd.f32 $-1.280000000e+02, v10;
	v7 =	vadd.f32 $-1.280000000e+02, v7  }
0x337: {  	v6 =	vmul.f32 v20, v6;
	v8 =	vmul.f32 v5, v19  }
0x338: {  	v2 =	vshll.u32 v2, $0x5;
	v9 =	vmul.f32 v21, v20;
	v7 =	vmul.f32 v7, v5  }
0x339: {  	v22 =	vor.u32 $0x1, v2;
	v6 =	vcvt.f32.hf16 v6;
	v8 =	vcvt.f32.hf16 v8  }
0x33a: {  	v11 =	vor.u32 $0x1, v1;
	v9 =	vcvt.f32.hf16 v9;
	v7 =	vcvt.f32.hf16 v7  }
0x33b: {  	v6 =	vpack.c.b32.b16 v6, v8  }
0x33c: {  	v7 =	vpack.c.b32.b16 v9, v7  }
0x33d: {  	[tilespmem:v2+s19+$0x0] =	vst.idx.msk $0xffff, v6  }
0x33e: {  	[tilespmem:v22+s19+$0x0] =	vst.idx.msk $0xffff, v7  }
0x33f: {  	v6 =	vld.idx.msk [tilespmem:v11+s13+$0x0], $0xffff;
	_ =	sdelay $0x4  }
0x340: {  	v6 =	vxor.u32 $0x80808080, v6  }
0x341: {  	v23 =	vand.u32 $0xFF, v6;
	v24 =	vshll.u32 v6, $0x8  }
0x342: {  	v25 =	vshrl.u32 v6, $0x10;
	v6 =	vshrl.u32 v6, $0x8;
	v8 =	vand.u32 $0xFF0000, v24  }
0x343: {  	v9 =	vand.u32 $0xFF, v25;
	v6 =	vand.u32 $0xFF0000, v6;
	v7 =	vor.u32 v23, v8  }
0x344: {  	v6 =	vor.u32 v6, v9;
	v8 =	vunpack.c.u.s16.s32 v7;
	v7 =	vunpack.c.l.s16.s32 v7  }
0x345: {  	v9 =	vunpack.c.u.s16.s32 v6;
	v6 =	vunpack.c.l.s16.s32 v6  }
0x346: {  	v7 =	vcvt.s32.f32 v7;
	v8 =	vcvt.s32.f32 v8  }
0x347: {  	v6 =	vcvt.s32.f32 v6;
	v9 =	vcvt.s32.f32 v9  }
0x348: {  	v8 =	vadd.f32 $-1.280000000e+02, v8;
	v7 =	vadd.f32 $-1.280000000e+02, v7  }
0x349: {  	v9 =	vadd.f32 $-1.280000000e+02, v9;
	v6 =	vadd.f32 $-1.280000000e+02, v6  }
0x34a: {  	v8 =	vmul.f32 v8, v20;
	v7 =	vmul.f32 v7, v5  }
0x34b: {  	v26 =	vor.u32 $0x2, v2;
	v9 =	vmul.f32 v9, v20;
	v6 =	vmul.f32 v6, v5  }
0x34c: {  	v27 =	vor.u32 $0x3, v2;
	v8 =	vcvt.f32.hf16 v8;
	v7 =	vcvt.f32.hf16 v7  }
0x34d: {  	v12 =	vor.u32 $0x2, v1;
	v9 =	vcvt.f32.hf16 v9;
	v6 =	vcvt.f32.hf16 v6  }
0x34e: {  	v7 =	vpack.c.b32.b16 v8, v7  }
0x34f: {  	v6 =	vpack.c.b32.b16 v9, v6  }
0x350: {  	[tilespmem:v26+s19+$0x0] =	vst.idx.msk $0xffff, v7  }
0x351: {  	[tilespmem:v27+s19+$0x0] =	vst.idx.msk $0xffff, v6  }
0x352: {  	v6 =	vld.idx.msk [tilespmem:v12+s13+$0x0], $0xffff;
	_ =	sdelay $0x4  }
0x353: {  	v6 =	vxor.u32 $0x80808080, v6  }
0x354: {  	v28 =	vand.u32 $0xFF, v6;
	v29 =	vshll.u32 v6, $0x8  }
0x355: {  	v30 =	vshrl.u32 v6, $0x10;
	v6 =	vshrl.u32 v6, $0x8;
	v8 =	vand.u32 $0xFF0000, v29  }
0x356: {  	v9 =	vand.u32 $0xFF, v30;
	v6 =	vand.u32 $0xFF0000, v6;
	v7 =	vor.u32 v28, v8  }
0x357: {  	v6 =	vor.u32 v6, v9;
	v8 =	vunpack.c.u.s16.s32 v7;
	v7 =	vunpack.c.l.s16.s32 v7  }
0x358: {  	v9 =	vunpack.c.u.s16.s32 v6;
	v6 =	vunpack.c.l.s16.s32 v6  }
0x359: {  	v7 =	vcvt.s32.f32 v7;
	v8 =	vcvt.s32.f32 v8  }
0x35a: {  	v6 =	vcvt.s32.f32 v6;
	v9 =	vcvt.s32.f32 v9  }
0x35b: {  	v8 =	vadd.f32 $-1.280000000e+02, v8;
	v7 =	vadd.f32 $-1.280000000e+02, v7  }
0x35c: {  	v9 =	vadd.f32 $-1.280000000e+02, v9;
	v6 =	vadd.f32 $-1.280000000e+02, v6  }
0x35d: {  	v8 =	vmul.f32 v8, v20;
	v7 =	vmul.f32 v7, v5  }
0x35e: {  	v31 =	vor.u32 $0x4, v2;
	v9 =	vmul.f32 v9, v20;
	v6 =	vmul.f32 v6, v5  }
0x35f: {  	v32 =	vor.u32 $0x5, v2;
	v8 =	vcvt.f32.hf16 v8;
	v7 =	vcvt.f32.hf16 v7  }
0x360: {  	v33 =	vor.u32 $0x3, v1;
	v9 =	vcvt.f32.hf16 v9;
	v6 =	vcvt.f32.hf16 v6  }
0x361: {  	v7 =	vpack.c.b32.b16 v8, v7  }
0x362: {  	v6 =	vpack.c.b32.b16 v9, v6  }
0x363: {  	[tilespmem:v31+s19+$0x0] =	vst.idx.msk $0xffff, v7  }
0x364: {  	[tilespmem:v32+s19+$0x0] =	vst.idx.msk $0xffff, v6  }
0x365: {  	v6 =	vld.idx.msk [tilespmem:v33+s13+$0x0], $0xffff;
	_ =	sdelay $0x4  }
0x366: {  	v6 =	vxor.u32 $0x80808080, v6  }
0x367: {  	v34 =	vand.u32 $0xFF, v6;
	v35 =	vshll.u32 v6, $0x8  }
0x368: {  	v36 =	vshrl.u32 v6, $0x10;
	v6 =	vshrl.u32 v6, $0x8;
	v8 =	vand.u32 $0xFF0000, v35  }
0x369: {  	v9 =	vand.u32 $0xFF, v36;
	v6 =	vand.u32 $0xFF0000, v6;
	v7 =	vor.u32 v34, v8  }
0x36a: {  	v6 =	vor.u32 v6, v9;
	v8 =	vunpack.c.u.s16.s32 v7;
	v7 =	vunpack.c.l.s16.s32 v7  }
0x36b: {  	v9 =	vunpack.c.u.s16.s32 v6;
	v6 =	vunpack.c.l.s16.s32 v6  }
0x36c: {  	v7 =	vcvt.s32.f32 v7;
	v8 =	vcvt.s32.f32 v8  }
0x36d: {  	v6 =	vcvt.s32.f32 v6;
	v9 =	vcvt.s32.f32 v9  }
0x36e: {  	v8 =	vadd.f32 $-1.280000000e+02, v8;
	v7 =	vadd.f32 $-1.280000000e+02, v7  }
0x36f: {  	v9 =	vadd.f32 $-1.280000000e+02, v9;
	v6 =	vadd.f32 $-1.280000000e+02, v6  }
0x370: {  	v8 =	vmul.f32 v8, v20;
	v7 =	vmul.f32 v7, v5  }
0x371: {  	v37 =	vor.u32 $0x6, v2;
	v9 =	vmul.f32 v9, v20;
	v6 =	vmul.f32 v6, v5  }
0x372: {  	v38 =	vor.u32 $0x7, v2;
	v8 =	vcvt.f32.hf16 v8;
	v7 =	vcvt.f32.hf16 v7  }
0x373: {  	v39 =	vor.u32 $0x4, v1;
	v9 =	vcvt.f32.hf16 v9;
	v6 =	vcvt.f32.hf16 v6  }
0x374: {  	v7 =	vpack.c.b32.b16 v8, v7  }
0x375: {  	v6 =	vpack.c.b32.b16 v9, v6  }
0x376: {  	[tilespmem:v37+s19+$0x0] =	vst.idx.msk $0xffff, v7  }
0x377: {  	[tilespmem:v38+s19+$0x0] =	vst.idx.msk $0xffff, v6  }
0x378: {  	v6 =	vld.idx.msk [tilespmem:v39+s13+$0x0], $0xffff;
	_ =	sdelay $0x4  }
0x379: {  	v6 =	vxor.u32 $0x80808080, v6  }
0x37a: {  	v40 =	vand.u32 $0xFF, v6;
	v41 =	vshll.u32 v6, $0x8  }
0x37b: {  	v42 =	vshrl.u32 v6, $0x10;
	v6 =	vshrl.u32 v6, $0x8;
	v8 =	vand.u32 $0xFF0000, v41  }
0x37c: {  	v9 =	vand.u32 $0xFF, v42;
	v6 =	vand.u32 $0xFF0000, v6;
	v7 =	vor.u32 v40, v8  }
0x37d: {  	v6 =	vor.u32 v6, v9;
	v8 =	vunpack.c.u.s16.s32 v7;
	v7 =	vunpack.c.l.s16.s32 v7  }
0x37e: {  	v9 =	vunpack.c.u.s16.s32 v6;
	v6 =	vunpack.c.l.s16.s32 v6  }
0x37f: {  	v7 =	vcvt.s32.f32 v7;
	v8 =	vcvt.s32.f32 v8  }
0x380: {  	v6 =	vcvt.s32.f32 v6;
	v9 =	vcvt.s32.f32 v9  }
0x381: {  	v8 =	vadd.f32 $-1.280000000e+02, v8;
	v7 =	vadd.f32 $-1.280000000e+02, v7  }
0x382: {  	v9 =	vadd.f32 $-1.280000000e+02, v9;
	v6 =	vadd.f32 $-1.280000000e+02, v6  }
0x383: {  	v8 =	vmul.f32 v8, v20;
	v7 =	vmul.f32 v7, v5  }
0x384: {  	v43 =	vor.u32 $0x8, v2;
	v9 =	vmul.f32 v9, v20;
	v6 =	vmul.f32 v6, v5  }
0x385: {  	v44 =	vor.u32 $0x9, v2;
	v8 =	vcvt.f32.hf16 v8;
	v7 =	vcvt.f32.hf16 v7  }
0x386: {  	v45 =	vor.u32 $0x5, v1;
	v9 =	vcvt.f32.hf16 v9;
	v6 =	vcvt.f32.hf16 v6  }
0x387: {  	v7 =	vpack.c.b32.b16 v8, v7  }
0x388: {  	v6 =	vpack.c.b32.b16 v9, v6  }
0x389: {  	[tilespmem:v43+s19+$0x0] =	vst.idx.msk $0xffff, v7  }
0x38a: {  	[tilespmem:v44+s19+$0x0] =	vst.idx.msk $0xffff, v6  }
0x38b: {  	v6 =	vld.idx.msk [tilespmem:v45+s13+$0x0], $0xffff;
	_ =	sdelay $0x4  }
0x38c: {  	v6 =	vxor.u32 $0x80808080, v6  }
0x38d: {  	v46 =	vand.u32 $0xFF, v6;
	v47 =	vshll.u32 v6, $0x8  }
0x38e: {  	v48 =	vshrl.u32 v6, $0x10;
	v6 =	vshrl.u32 v6, $0x8;
	v8 =	vand.u32 $0xFF0000, v47  }
0x38f: {  	v9 =	vand.u32 $0xFF, v48;
	v6 =	vand.u32 $0xFF0000, v6;
	v7 =	vor.u32 v46, v8  }
0x390: {  	v6 =	vor.u32 v6, v9;
	v8 =	vunpack.c.u.s16.s32 v7;
	v7 =	vunpack.c.l.s16.s32 v7  }
0x391: {  	v9 =	vunpack.c.u.s16.s32 v6;
	v6 =	vunpack.c.l.s16.s32 v6  }
0x392: {  	v7 =	vcvt.s32.f32 v7;
	v8 =	vcvt.s32.f32 v8  }
0x393: {  	v6 =	vcvt.s32.f32 v6;
	v9 =	vcvt.s32.f32 v9  }
0x394: {  	v8 =	vadd.f32 $-1.280000000e+02, v8;
	v7 =	vadd.f32 $-1.280000000e+02, v7  }
0x395: {  	v9 =	vadd.f32 $-1.280000000e+02, v9;
	v6 =	vadd.f32 $-1.280000000e+02, v6  }
0x396: {  	v8 =	vmul.f32 v8, v20;
	v7 =	vmul.f32 v7, v5  }
0x397: {  	v49 =	vor.u32 $0xA, v2;
	v9 =	vmul.f32 v9, v20;
	v6 =	vmul.f32 v6, v5  }
0x398: {  	v50 =	vor.u32 $0xB, v2;
	v8 =	vcvt.f32.hf16 v8;
	v7 =	vcvt.f32.hf16 v7  }
0x399: {  	v51 =	vor.u32 $0x6, v1;
	v9 =	vcvt.f32.hf16 v9;
	v6 =	vcvt.f32.hf16 v6  }
0x39a: {  	v7 =	vpack.c.b32.b16 v8, v7  }
0x39b: {  	v6 =	vpack.c.b32.b16 v9, v6  }
0x39c: {  	[tilespmem:v49+s19+$0x0] =	vst.idx.msk $0xffff, v7  }
0x39d: {  	[tilespmem:v50+s19+$0x0] =	vst.idx.msk $0xffff, v6  }
0x39e: {  	v6 =	vld.idx.msk [tilespmem:v51+s13+$0x0], $0xffff;
	_ =	sdelay $0x4  }
0x39f: {  	v6 =	vxor.u32 $0x80808080, v6  }
0x3a0: {  	v52 =	vand.u32 $0xFF, v6;
	v53 =	vshll.u32 v6, $0x8  }
0x3a1: {  	v54 =	vshrl.u32 v6, $0x10;
	v6 =	vshrl.u32 v6, $0x8;
	v8 =	vand.u32 $0xFF0000, v53  }
0x3a2: {  	v9 =	vand.u32 $0xFF, v54;
	v6 =	vand.u32 $0xFF0000, v6;
	v7 =	vor.u32 v52, v8  }
0x3a3: {  	v6 =	vor.u32 v6, v9;
	v8 =	vunpack.c.u.s16.s32 v7;
	v7 =	vunpack.c.l.s16.s32 v7  }
0x3a4: {  	v9 =	vunpack.c.u.s16.s32 v6;
	v6 =	vunpack.c.l.s16.s32 v6  }
0x3a5: {  	v7 =	vcvt.s32.f32 v7;
	v8 =	vcvt.s32.f32 v8  }
0x3a6: {  	v6 =	vcvt.s32.f32 v6;
	v9 =	vcvt.s32.f32 v9  }
0x3a7: {  	v8 =	vadd.f32 $-1.280000000e+02, v8;
	v7 =	vadd.f32 $-1.280000000e+02, v7  }
0x3a8: {  	v9 =	vadd.f32 $-1.280000000e+02, v9;
	v6 =	vadd.f32 $-1.280000000e+02, v6  }
0x3a9: {  	v8 =	vmul.f32 v8, v20;
	v7 =	vmul.f32 v7, v5  }
0x3aa: {  	v55 =	vor.u32 $0xC, v2;
	v9 =	vmul.f32 v9, v20;
	v6 =	vmul.f32 v6, v5  }
0x3ab: {  	v56 =	vor.u32 $0xD, v2;
	v8 =	vcvt.f32.hf16 v8;
	v7 =	vcvt.f32.hf16 v7  }
0x3ac: {  	v57 =	vor.u32 $0x7, v1;
	v9 =	vcvt.f32.hf16 v9;
	v6 =	vcvt.f32.hf16 v6  }
0x3ad: {  	v7 =	vpack.c.b32.b16 v8, v7  }
0x3ae: {  	v6 =	vpack.c.b32.b16 v9, v6  }
0x3af: {  	[tilespmem:v55+s19+$0x0] =	vst.idx.msk $0xffff, v7  }
0x3b0: {  	[tilespmem:v56+s19+$0x0] =	vst.idx.msk $0xffff, v6  }
0x3b1: {  	v6 =	vld.idx.msk [tilespmem:v57+s13+$0x0], $0xffff;
	_ =	sdelay $0x4  }
0x3b2: {  	v6 =	vxor.u32 $0x80808080, v6  }
0x3b3: {  	v58 =	vand.u32 $0xFF, v6;
	v59 =	vshll.u32 v6, $0x8  }
0x3b4: {  	v60 =	vshrl.u32 v6, $0x10;
	v6 =	vshrl.u32 v6, $0x8;
	v8 =	vand.u32 $0xFF0000, v59  }
0x3b5: {  	v9 =	vand.u32 $0xFF, v60;
	v6 =	vand.u32 $0xFF0000, v6;
	v7 =	vor.u32 v58, v8  }
0x3b6: {  	v6 =	vor.u32 v6, v9;
	v8 =	vunpack.c.u.s16.s32 v7;
	v7 =	vunpack.c.l.s16.s32 v7  }
0x3b7: {  	v9 =	vunpack.c.u.s16.s32 v6;
	v6 =	vunpack.c.l.s16.s32 v6  }
0x3b8: {  	v7 =	vcvt.s32.f32 v7;
	v8 =	vcvt.s32.f32 v8  }
0x3b9: {  	v6 =	vcvt.s32.f32 v6;
	v9 =	vcvt.s32.f32 v9  }
0x3ba: {  	v8 =	vadd.f32 $-1.280000000e+02, v8;
	v7 =	vadd.f32 $-1.280000000e+02, v7  }
0x3bb: {  	v9 =	vadd.f32 $-1.280000000e+02, v9;
	v6 =	vadd.f32 $-1.280000000e+02, v6  }
0x3bc: {  	v8 =	vmul.f32 v8, v20;
	v7 =	vmul.f32 v7, v5  }
0x3bd: {  	v61 =	vor.u32 $0xE, v2;
	v4 =	vmul.f32 v9, v20;
	v5 =	vmul.f32 v6, v5  }
0x3be: {  	v62 =	vor.u32 $0xF, v2;
	v8 =	vcvt.f32.hf16 v8;
	v7 =	vcvt.f32.hf16 v7  }
0x3bf: {  	v63 =	vor.u32 $0x8, v1;
	v4 =	vcvt.f32.hf16 v4;
	v5 =	vcvt.f32.hf16 v5  }
0x3c0: {  	v7 =	vpack.c.b32.b16 v8, v7  }
0x3c1: {  	v4 =	vpack.c.b32.b16 v4, v5  }
0x3c2: {  	[tilespmem:v61+s19+$0x0] =	vst.idx.msk $0xffff, v7  }
0x3c3: {  	[tilespmem:v62+s19+$0x0] =	vst.idx.msk $0xffff, v4  }
0x3c4: {  	v4 =	vld.idx.msk [tilespmem:v63+s13+$0x0], $0xffff;
	_ =	sdelay $0x4  }
0x3c5: {  	v4 =	vxor.u32 $0x80808080, v4  }
0x3c6: {  	v12 =	vshrl.u32 v3, $0x10;
	v13 =	vand.u32 $0xFF, v4;
	v14 =	vshll.u32 v4, $0x8  }
0x3c7: {  	v15 =	vshrl.u32 v4, $0x10;
	v4 =	vshrl.u32 v4, $0x8;
	v7 =	vand.u32 $0xFF0000, v14  }
0x3c8: {  	v8 =	vand.u32 $0xFF, v15;
	v4 =	vand.u32 $0xFF0000, v4;
	v6 =	vor.u32 v13, v7  }
0x3c9: {  	v4 =	vor.u32 v4, v8;
	v7 =	vunpack.c.u.s16.s32 v6;
	v6 =	vunpack.c.l.s16.s32 v6  }
0x3ca: {  	v3 =	vand.u32 $0xFFFF0000, v3;
	v8 =	vunpack.c.u.s16.s32 v4;
	v4 =	vunpack.c.l.s16.s32 v4  }
0x3cb: {  	v5 =	vor.u32 v3, v12;
	v6 =	vcvt.s32.f32 v6;
	v7 =	vcvt.s32.f32 v7  }
0x3cc: {  	v3 =	vunpack.c.l.hf16.f32 v5;
	v16 =	vcvt.s32.f32 v4;
	v8 =	vcvt.s32.f32 v8  }
0x3cd: {  	v17 =	vunpack.c.u.hf16.f32 v5;
	v18 =	vadd.f32 $-1.280000000e+02, v7;
	v6 =	vadd.f32 $-1.280000000e+02, v6  }
0x3ce: {  	v19 =	vadd.f32 $-1.280000000e+02, v8;
	v20 =	vadd.f32 $-1.280000000e+02, v16  }
0x3cf: {  	v5 =	vmul.f32 v17, v18;
	v6 =	vmul.f32 v3, v6  }
0x3d0: {  	v21 =	vor.u32 $0x10, v2;
	v7 =	vmul.f32 v19, v17;
	v8 =	vmul.f32 v20, v3  }
0x3d1: {  	v22 =	vor.u32 $0x11, v2;
	v5 =	vcvt.f32.hf16 v5;
	v6 =	vcvt.f32.hf16 v6  }
0x3d2: {  	v23 =	vor.u32 $0x9, v1;
	v7 =	vcvt.f32.hf16 v7;
	v8 =	vcvt.f32.hf16 v8  }
0x3d3: {  	v5 =	vpack.c.b32.b16 v5, v6  }
0x3d4: {  	v24 =	vpack.c.b32.b16 v7, v8  }
0x3d5: {  	[tilespmem:v21+s19+$0x0] =	vst.idx.msk $0xffff, v5  }
0x3d6: {  	[tilespmem:v22+s19+$0x0] =	vst.idx.msk $0xffff, v24  }
0x3d7: {  	v5 =	vld.idx.msk [tilespmem:v23+s13+$0x0], $0xffff;
	_ =	sdelay $0x4  }
0x3d8: {  	v5 =	vxor.u32 $0x80808080, v5  }
0x3d9: {  	v25 =	vand.u32 $0xFF, v5;
	v26 =	vshll.u32 v5, $0x8  }
0x3da: {  	v27 =	vshrl.u32 v5, $0x10;
	v5 =	vshrl.u32 v5, $0x8;
	v7 =	vand.u32 $0xFF0000, v26  }
0x3db: {  	v8 =	vand.u32 $0xFF, v27;
	v5 =	vand.u32 $0xFF0000, v5;
	v6 =	vor.u32 v25, v7  }
0x3dc: {  	v5 =	vor.u32 v5, v8;
	v7 =	vunpack.c.u.s16.s32 v6;
	v6 =	vunpack.c.l.s16.s32 v6  }
0x3dd: {  	v8 =	vunpack.c.u.s16.s32 v5;
	v5 =	vunpack.c.l.s16.s32 v5  }
0x3de: {  	v6 =	vcvt.s32.f32 v6;
	v7 =	vcvt.s32.f32 v7  }
0x3df: {  	v5 =	vcvt.s32.f32 v5;
	v8 =	vcvt.s32.f32 v8  }
0x3e0: {  	v7 =	vadd.f32 $-1.280000000e+02, v7;
	v6 =	vadd.f32 $-1.280000000e+02, v6  }
0x3e1: {  	v8 =	vadd.f32 $-1.280000000e+02, v8;
	v5 =	vadd.f32 $-1.280000000e+02, v5  }
0x3e2: {  	v7 =	vmul.f32 v7, v17;
	v6 =	vmul.f32 v6, v3  }
0x3e3: {  	v28 =	vor.u32 $0x12, v2;
	v8 =	vmul.f32 v8, v17;
	v5 =	vmul.f32 v5, v3  }
0x3e4: {  	v29 =	vor.u32 $0x13, v2;
	v7 =	vcvt.f32.hf16 v7;
	v6 =	vcvt.f32.hf16 v6  }
0x3e5: {  	v30 =	vor.u32 $0xA, v1;
	v8 =	vcvt.f32.hf16 v8;
	v5 =	vcvt.f32.hf16 v5  }
0x3e6: {  	v6 =	vpack.c.b32.b16 v7, v6  }
0x3e7: {  	v5 =	vpack.c.b32.b16 v8, v5  }
0x3e8: {  	[tilespmem:v28+s19+$0x0] =	vst.idx.msk $0xffff, v6  }
0x3e9: {  	[tilespmem:v29+s19+$0x0] =	vst.idx.msk $0xffff, v5  }
0x3ea: {  	v5 =	vld.idx.msk [tilespmem:v30+s13+$0x0], $0xffff;
	_ =	sdelay $0x4  }
0x3eb: {  	v5 =	vxor.u32 $0x80808080, v5  }
0x3ec: {  	v31 =	vand.u32 $0xFF, v5;
	v32 =	vshll.u32 v5, $0x8  }
0x3ed: {  	v33 =	vshrl.u32 v5, $0x10;
	v5 =	vshrl.u32 v5, $0x8;
	v7 =	vand.u32 $0xFF0000, v32  }
0x3ee: {  	v8 =	vand.u32 $0xFF, v33;
	v5 =	vand.u32 $0xFF0000, v5;
	v6 =	vor.u32 v31, v7  }
0x3ef: {  	v5 =	vor.u32 v5, v8;
	v7 =	vunpack.c.u.s16.s32 v6;
	v6 =	vunpack.c.l.s16.s32 v6  }
0x3f0: {  	v8 =	vunpack.c.u.s16.s32 v5;
	v5 =	vunpack.c.l.s16.s32 v5  }
0x3f1: {  	v6 =	vcvt.s32.f32 v6;
	v7 =	vcvt.s32.f32 v7  }
0x3f2: {  	v5 =	vcvt.s32.f32 v5;
	v8 =	vcvt.s32.f32 v8  }
0x3f3: {  	v7 =	vadd.f32 $-1.280000000e+02, v7;
	v6 =	vadd.f32 $-1.280000000e+02, v6  }
0x3f4: {  	v8 =	vadd.f32 $-1.280000000e+02, v8;
	v5 =	vadd.f32 $-1.280000000e+02, v5  }
0x3f5: {  	v7 =	vmul.f32 v7, v17;
	v6 =	vmul.f32 v6, v3  }
0x3f6: {  	v34 =	vor.u32 $0x14, v2;
	v8 =	vmul.f32 v8, v17;
	v5 =	vmul.f32 v5, v3  }
0x3f7: {  	v35 =	vor.u32 $0x15, v2;
	v7 =	vcvt.f32.hf16 v7;
	v6 =	vcvt.f32.hf16 v6  }
0x3f8: {  	v36 =	vor.u32 $0xB, v1;
	v8 =	vcvt.f32.hf16 v8;
	v5 =	vcvt.f32.hf16 v5  }
0x3f9: {  	v6 =	vpack.c.b32.b16 v7, v6  }
0x3fa: {  	v5 =	vpack.c.b32.b16 v8, v5  }
0x3fb: {  	[tilespmem:v34+s19+$0x0] =	vst.idx.msk $0xffff, v6  }
0x3fc: {  	[tilespmem:v35+s19+$0x0] =	vst.idx.msk $0xffff, v5  }
0x3fd: {  	v5 =	vld.idx.msk [tilespmem:v36+s13+$0x0], $0xffff;
	_ =	sdelay $0x4  }
0x3fe: {  	v5 =	vxor.u32 $0x80808080, v5  }
0x3ff: {  	v37 =	vand.u32 $0xFF, v5;
	v38 =	vshll.u32 v5, $0x8  }
0x400: {  	v39 =	vshrl.u32 v5, $0x10;
	v5 =	vshrl.u32 v5, $0x8;
	v7 =	vand.u32 $0xFF0000, v38  }
0x401: {  	v8 =	vand.u32 $0xFF, v39;
	v5 =	vand.u32 $0xFF0000, v5;
	v6 =	vor.u32 v37, v7  }
0x402: {  	v5 =	vor.u32 v5, v8;
	v7 =	vunpack.c.u.s16.s32 v6;
	v6 =	vunpack.c.l.s16.s32 v6  }
0x403: {  	v8 =	vunpack.c.u.s16.s32 v5;
	v5 =	vunpack.c.l.s16.s32 v5  }
0x404: {  	v6 =	vcvt.s32.f32 v6;
	v7 =	vcvt.s32.f32 v7  }
0x405: {  	v5 =	vcvt.s32.f32 v5;
	v8 =	vcvt.s32.f32 v8  }
0x406: {  	v7 =	vadd.f32 $-1.280000000e+02, v7;
	v6 =	vadd.f32 $-1.280000000e+02, v6  }
0x407: {  	v8 =	vadd.f32 $-1.280000000e+02, v8;
	v5 =	vadd.f32 $-1.280000000e+02, v5  }
0x408: {  	v7 =	vmul.f32 v7, v17;
	v6 =	vmul.f32 v6, v3  }
0x409: {  	v40 =	vor.u32 $0x16, v2;
	v8 =	vmul.f32 v8, v17;
	v5 =	vmul.f32 v5, v3  }
0x40a: {  	v41 =	vor.u32 $0x17, v2;
	v7 =	vcvt.f32.hf16 v7;
	v6 =	vcvt.f32.hf16 v6  }
0x40b: {  	v42 =	vor.u32 $0xC, v1;
	v8 =	vcvt.f32.hf16 v8;
	v5 =	vcvt.f32.hf16 v5  }
0x40c: {  	v6 =	vpack.c.b32.b16 v7, v6  }
0x40d: {  	v5 =	vpack.c.b32.b16 v8, v5  }
0x40e: {  	[tilespmem:v40+s19+$0x0] =	vst.idx.msk $0xffff, v6  }
0x40f: {  	[tilespmem:v41+s19+$0x0] =	vst.idx.msk $0xffff, v5  }
0x410: {  	v5 =	vld.idx.msk [tilespmem:v42+s13+$0x0], $0xffff;
	_ =	sdelay $0x4  }
0x411: {  	v5 =	vxor.u32 $0x80808080, v5  }
0x412: {  	v43 =	vand.u32 $0xFF, v5;
	v44 =	vshll.u32 v5, $0x8  }
0x413: {  	v45 =	vshrl.u32 v5, $0x10;
	v5 =	vshrl.u32 v5, $0x8;
	v7 =	vand.u32 $0xFF0000, v44  }
0x414: {  	v8 =	vand.u32 $0xFF, v45;
	v5 =	vand.u32 $0xFF0000, v5;
	v6 =	vor.u32 v43, v7  }
0x415: {  	v5 =	vor.u32 v5, v8;
	v7 =	vunpack.c.u.s16.s32 v6;
	v6 =	vunpack.c.l.s16.s32 v6  }
0x416: {  	v8 =	vunpack.c.u.s16.s32 v5;
	v5 =	vunpack.c.l.s16.s32 v5  }
0x417: {  	v6 =	vcvt.s32.f32 v6;
	v7 =	vcvt.s32.f32 v7  }
0x418: {  	v5 =	vcvt.s32.f32 v5;
	v8 =	vcvt.s32.f32 v8  }
0x419: {  	v7 =	vadd.f32 $-1.280000000e+02, v7;
	v6 =	vadd.f32 $-1.280000000e+02, v6  }
0x41a: {  	v8 =	vadd.f32 $-1.280000000e+02, v8;
	v5 =	vadd.f32 $-1.280000000e+02, v5  }
0x41b: {  	v7 =	vmul.f32 v7, v17;
	v6 =	vmul.f32 v6, v3  }
0x41c: {  	v46 =	vor.u32 $0x18, v2;
	v8 =	vmul.f32 v8, v17;
	v5 =	vmul.f32 v5, v3  }
0x41d: {  	v47 =	vor.u32 $0x19, v2;
	v7 =	vcvt.f32.hf16 v7;
	v6 =	vcvt.f32.hf16 v6  }
0x41e: {  	v48 =	vor.u32 $0xD, v1;
	v8 =	vcvt.f32.hf16 v8;
	v5 =	vcvt.f32.hf16 v5  }
0x41f: {  	v6 =	vpack.c.b32.b16 v7, v6  }
0x420: {  	v5 =	vpack.c.b32.b16 v8, v5  }
0x421: {  	[tilespmem:v46+s19+$0x0] =	vst.idx.msk $0xffff, v6  }
0x422: {  	[tilespmem:v47+s19+$0x0] =	vst.idx.msk $0xffff, v5  }
0x423: {  	v5 =	vld.idx.msk [tilespmem:v48+s13+$0x0], $0xffff;
	_ =	sdelay $0x4  }
0x424: {  	v5 =	vxor.u32 $0x80808080, v5  }
0x425: {  	v49 =	vand.u32 $0xFF, v5;
	v50 =	vshll.u32 v5, $0x8  }
0x426: {  	v51 =	vshrl.u32 v5, $0x10;
	v5 =	vshrl.u32 v5, $0x8;
	v7 =	vand.u32 $0xFF0000, v50  }
0x427: {  	v8 =	vand.u32 $0xFF, v51;
	v5 =	vand.u32 $0xFF0000, v5;
	v6 =	vor.u32 v49, v7  }
0x428: {  	v5 =	vor.u32 v5, v8;
	v7 =	vunpack.c.u.s16.s32 v6;
	v6 =	vunpack.c.l.s16.s32 v6  }
0x429: {  	v8 =	vunpack.c.u.s16.s32 v5;
	v5 =	vunpack.c.l.s16.s32 v5  }
0x42a: {  	v6 =	vcvt.s32.f32 v6;
	v7 =	vcvt.s32.f32 v7  }
0x42b: {  	v5 =	vcvt.s32.f32 v5;
	v8 =	vcvt.s32.f32 v8  }
0x42c: {  	v7 =	vadd.f32 $-1.280000000e+02, v7;
	v6 =	vadd.f32 $-1.280000000e+02, v6  }
0x42d: {  	v8 =	vadd.f32 $-1.280000000e+02, v8;
	v5 =	vadd.f32 $-1.280000000e+02, v5  }
0x42e: {  	v7 =	vmul.f32 v7, v17;
	v6 =	vmul.f32 v6, v3  }
0x42f: {  	v52 =	vor.u32 $0x1A, v2;
	v8 =	vmul.f32 v8, v17;
	v5 =	vmul.f32 v5, v3  }
0x430: {  	v53 =	vor.u32 $0x1B, v2;
	v7 =	vcvt.f32.hf16 v7;
	v6 =	vcvt.f32.hf16 v6  }
0x431: {  	v54 =	vor.u32 $0xE, v1;
	v8 =	vcvt.f32.hf16 v8;
	v5 =	vcvt.f32.hf16 v5  }
0x432: {  	v6 =	vpack.c.b32.b16 v7, v6  }
0x433: {  	v5 =	vpack.c.b32.b16 v8, v5  }
0x434: {  	[tilespmem:v52+s19+$0x0] =	vst.idx.msk $0xffff, v6  }
0x435: {  	[tilespmem:v53+s19+$0x0] =	vst.idx.msk $0xffff, v5  }
0x436: {  	v5 =	vld.idx.msk [tilespmem:v54+s13+$0x0], $0xffff;
	_ =	sdelay $0x4  }
0x437: {  	v5 =	vxor.u32 $0x80808080, v5  }
0x438: {  	v55 =	vand.u32 $0xFF, v5;
	v56 =	vshll.u32 v5, $0x8  }
0x439: {  	v57 =	vshrl.u32 v5, $0x10;
	v5 =	vshrl.u32 v5, $0x8;
	v7 =	vand.u32 $0xFF0000, v56  }
0x43a: {  	v8 =	vand.u32 $0xFF, v57;
	v5 =	vand.u32 $0xFF0000, v5;
	v6 =	vor.u32 v55, v7  }
0x43b: {  	v5 =	vor.u32 v5, v8;
	v7 =	vunpack.c.u.s16.s32 v6;
	v6 =	vunpack.c.l.s16.s32 v6  }
0x43c: {  	v8 =	vunpack.c.u.s16.s32 v5;
	v5 =	vunpack.c.l.s16.s32 v5  }
0x43d: {  	v6 =	vcvt.s32.f32 v6;
	v7 =	vcvt.s32.f32 v7  }
0x43e: {  	v5 =	vcvt.s32.f32 v5;
	v8 =	vcvt.s32.f32 v8  }
0x43f: {  	v7 =	vadd.f32 $-1.280000000e+02, v7;
	v6 =	vadd.f32 $-1.280000000e+02, v6  }
0x440: {  	v8 =	vadd.f32 $-1.280000000e+02, v8;
	v5 =	vadd.f32 $-1.280000000e+02, v5  }
0x441: {  	v7 =	vmul.f32 v7, v17;
	v6 =	vmul.f32 v6, v3  }
0x442: {  	v58 =	vor.u32 $0x1C, v2;
	v8 =	vmul.f32 v8, v17;
	v5 =	vmul.f32 v5, v3  }
0x443: {  	v59 =	vor.u32 $0x1D, v2;
	v7 =	vcvt.f32.hf16 v7;
	v6 =	vcvt.f32.hf16 v6  }
0x444: {  	v1 =	vor.u32 $0xF, v1;
	v8 =	vcvt.f32.hf16 v8;
	v5 =	vcvt.f32.hf16 v5  }
0x445: {  	v6 =	vpack.c.b32.b16 v7, v6  }
0x446: {  	v5 =	vpack.c.b32.b16 v8, v5  }
0x447: {  	[tilespmem:v58+s19+$0x0] =	vst.idx.msk $0xffff, v6  }
0x448: {  	[tilespmem:v59+s19+$0x0] =	vst.idx.msk $0xffff, v5  }
0x449: {  	v1 =	vld.idx.msk [tilespmem:v1+s13+$0x0], $0xffff;
	_ =	sdelay $0x4  }
0x44a: {  	v1 =	vxor.u32 $0x80808080, v1  }
0x44b: {  	v60 =	vand.u32 $0xFF, v1;
	v61 =	vshll.u32 v1, $0x8  }
0x44c: {  	v62 =	vshrl.u32 v1, $0x10;
	v1 =	vshrl.u32 v1, $0x8;
	v6 =	vand.u32 $0xFF0000, v61  }
0x44d: {  	v7 =	vand.u32 $0xFF, v62;
	v1 =	vand.u32 $0xFF0000, v1;
	v5 =	vor.u32 v60, v6  }
0x44e: {  	v1 =	vor.u32 v1, v7;
	v6 =	vunpack.c.u.s16.s32 v5;
	v5 =	vunpack.c.l.s16.s32 v5  }
0x44f: {  	v7 =	vunpack.c.u.s16.s32 v1;
	v1 =	vunpack.c.l.s16.s32 v1  }
0x450: {  	v5 =	vcvt.s32.f32 v5;
	v6 =	vcvt.s32.f32 v6  }
0x451: {  	v1 =	vcvt.s32.f32 v1;
	v7 =	vcvt.s32.f32 v7  }
0x452: {  	v6 =	vadd.f32 $-1.280000000e+02, v6;
	v5 =	vadd.f32 $-1.280000000e+02, v5  }
0x453: {  	v7 =	vadd.f32 $-1.280000000e+02, v7;
	v1 =	vadd.f32 $-1.280000000e+02, v1  }
0x454: {  	v6 =	vmul.f32 v6, v17;
	v5 =	vmul.f32 v5, v3  }
0x455: {  	v63 =	vor.u32 $0x1E, v2;
	v4 =	vmul.f32 v7, v17;
	v1 =	vmul.f32 v1, v3  }
0x456: {  	v2 =	vor.u32 $0x1F, v2;
	v3 =	vcvt.f32.hf16 v6;
	v5 =	vcvt.f32.hf16 v5  }
0x457: {  	v4 =	vcvt.f32.hf16 v4;
	v1 =	vcvt.f32.hf16 v1  }
0x458: {  	s23 =	sshll.u32 s1, $0xF;
	v3 =	vpack.c.b32.b16 v3, v5  }
0x459: {  	s17 =	sadd.s32 s9, s23;
	v1 =	vpack.c.b32.b16 v4, v1  }
0x45a: {  	s17 =	sshrl.u32 s17, $0x3;
	[tilespmem:v63+s19+$0x0] =	vst.idx.msk $0xffff, v3  }
0x45b: {  	s17 =	sadd.s32 s2, s17;
	[tilespmem:v2+s19+$0x0] =	vst.idx.msk $0xffff, v1  }
0x45c: {  	[hbm4b:s17+s3] =	stream.linear.scatter [tilespmem:s19], [sflag:$0x3], $0x8000, $0x38;
	[tilespmem:$0x19000] =	vst v63  }
.LBB2_6:
0x45d: {  	p0 =	seq.s32 s15, $0x1  }
.Ltmp6:
0x45e: {  	_ = 	snop;
	(pc) =	sbr.rel @!p0 .LBB2_10-.Ltmp6, $1  }
0x45f: {  	_ =	sdelay $0x3  }
0x460: {  	_ =	swait.ge [sflag:s21], $0x800  }
0x461: {  	[sflag:s21] =	ssyncset.done $0x0  }
0x462: {  	[sflag:s21] =	ssyncadd.s32 $0xFFFFF800  }
0x463: {  	_ =	swait.ge [sflag:s22], $0x80  }
0x464: {  	[sflag:s22] =	ssyncset.done $0x0  }
0x465: {  	[sflag:s22] =	ssyncadd.s32 $0xFFFFFF80  }
0x466: {  	_ =	swait.ge [sflag:s21], $0x800  }
0x467: {  	[sflag:s21] =	ssyncset.done $0x0  }
0x468: {  	[sflag:s21] =	ssyncadd.s32 $0xFFFFF800  }
0x469: {  	_ =	swait.ge [sflag:s22], $0x80  }
0x46a: {  	[sflag:s22] =	ssyncset.done $0x0  }
0x46b: {  	[sflag:s22] =	ssyncadd.s32 $0xFFFFFF80  }
0x46c: {  	_ =	swait.ge [sflag:s21], $0x800  }
0x46d: {  	[sflag:s21] =	ssyncset.done $0x0  }
0x46e: {  	[sflag:s21] =	ssyncadd.s32 $0xFFFFF800  }
0x46f: {  	_ =	swait.ge [sflag:s22], $0x80  }
0x470: {  	[sflag:s22] =	ssyncset.done $0x0  }
0x471: {  	[sflag:s22] =	ssyncadd.s32 $0xFFFFFF80  }
0x472: {  	_ =	swait.ge [sflag:s21], $0x800  }
0x473: {  	[sflag:s21] =	ssyncset.done $0x0  }
0x474: {  	[sflag:s21] =	ssyncadd.s32 $0xFFFFF800  }
0x475: {  	_ =	swait.ge [sflag:s22], $0x80  }
0x476: {  	[sflag:s22] =	ssyncset.done $0x0  }
0x477: {  	[sflag:s22] =	ssyncadd.s32 $0xFFFFFF80  }
0x478: {  	_ =	swait.ge [sflag:s21], $0x800  }
0x479: {  	[sflag:s21] =	ssyncset.done $0x0  }
0x47a: {  	[sflag:s21] =	ssyncadd.s32 $0xFFFFF800  }
0x47b: {  	_ =	swait.ge [sflag:s22], $0x80  }
0x47c: {  	[sflag:s22] =	ssyncset.done $0x0  }
0x47d: {  	[sflag:s22] =	ssyncadd.s32 $0xFFFFFF80  }
0x47e: {  	_ =	swait.ge [sflag:s21], $0x800  }
0x47f: {  	[sflag:s21] =	ssyncset.done $0x0  }
0x480: {  	[sflag:s21] =	ssyncadd.s32 $0xFFFFF800  }
0x481: {  	_ =	swait.ge [sflag:s22], $0x80  }
0x482: {  	[sflag:s22] =	ssyncset.done $0x0  }
0x483: {  	[sflag:s22] =	ssyncadd.s32 $0xFFFFFF80  }
0x484: {  	_ =	swait.ge [sflag:s21], $0x800  }
0x485: {  	[sflag:s21] =	ssyncset.done $0x0  }
0x486: {  	[sflag:s21] =	ssyncadd.s32 $0xFFFFF800  }
0x487: {  	_ =	swait.ge [sflag:s22], $0x80  }
0x488: {  	[sflag:s22] =	ssyncset.done $0x0  }
0x489: {  	[sflag:s22] =	ssyncadd.s32 $0xFFFFFF80  }
0x48a: {  	_ =	swait.ge [sflag:s21], $0x800  }
0x48b: {  	[sflag:s21] =	ssyncset.done $0x0  }
0x48c: {  	s15 =	simm.s32 $0x0;
	[sflag:s21] =	ssyncadd.s32 $0xFFFFF800  }
0x48d: {  	v1 =	vor.u32 s15, v0;
	_ =	swait.ge [sflag:s22], $0x80  }
0x48e: {  	p0 =	slt.u32 s1, $0x2;
	v2 =	vshll.u32 v1, $0x4;
	[sflag:s22] =	ssyncset.done $0x0  }
0x48f: {  	s15 =	simm.s32 @!p0 $0x6;
	[sflag:s22] =	ssyncadd.s32 $0xFFFFFF80  }
0x490: {  	_ =	swait.ge @!p0 [sflag:s15], $0x8000  }
0x491: {  	[sflag:s15] =	ssyncset.done @!p0 $0x0  }
0x492: {  	[sflag:s15] =	ssyncadd.s32 @!p0 $0xFFFF8000  }
0x493: {  	v3 =	vld.idx.msk [tilespmem:v2+s24+$0x0], $0xffff;
	_ =	sdelay $0x4  }
0x494: {  	s15 =	simm.s32 $0xCC00;
	v4 =	vxor.u32 $0x80808080, v3  }
0x495: {  	v3 =	vld [tilespmem:s15+$0x0];
	v5 =	vshll.u32 v4, $0x8;
	v6 =	vshrl.u32 v4, $0x10  }
0x496: {  	v7 =	vshrl.u32 v4, $0x8;
	v4 =	vand.u32 $0xFF, v4;
	v5 =	vand.u32 $0xFF0000, v5  }
0x497: {  	v6 =	vand.u32 $0xFF, v6;
	v4 =	vor.u32 v4, v5;
	v5 =	vand.u32 $0xFF0000, v7  }
0x498: {  	v5 =	vor.u32 v5, v6;
	v6 =	vunpack.c.u.s16.s32 v4  }
0x499: {  	v4 =	vunpack.c.l.s16.s32 v4;
	v7 =	vunpack.c.l.s16.s32 v5  }
0x49a: {  	v5 =	vunpack.c.u.s16.s32 v5;
	v8 =	vand.u32 $0xFFFF, v3;
	v6 =	vcvt.s32.f32 v6  }
0x49b: {  	v9 =	vshll.u32 v3, $0x10;
	v4 =	vcvt.s32.f32 v4;
	v7 =	vcvt.s32.f32 v7  }
0x49c: {  	v10 =	vcvt.s32.f32 v5;
	v5 =	vor.u32 v9, v8;
	v6 =	vadd.f32 $-1.280000000e+02, v6  }
0x49d: {  	v8 =	vadd.f32 $-1.280000000e+02, v4;
	v4 =	vunpack.c.u.hf16.f32 v5;
	v5 =	vunpack.c.l.hf16.f32 v5  }
0x49e: {  	v15 =	vadd.f32 $-1.280000000e+02, v10;
	v7 =	vadd.f32 $-1.280000000e+02, v7  }
0x49f: {  	v6 =	vmul.f32 v4, v6;
	v8 =	vmul.f32 v5, v8  }
0x4a0: {  	v1 =	vshll.u32 v1, $0x5;
	v9 =	vmul.f32 v15, v4;
	v7 =	vmul.f32 v7, v5  }
0x4a1: {  	v16 =	vor.u32 $0x1, v1;
	v6 =	vcvt.f32.hf16 v6;
	v8 =	vcvt.f32.hf16 v8  }
0x4a2: {  	v11 =	vor.u32 $0x1, v2;
	v9 =	vcvt.f32.hf16 v9;
	v7 =	vcvt.f32.hf16 v7  }
0x4a3: {  	v6 =	vpack.c.b32.b16 v6, v8  }
0x4a4: {  	v7 =	vpack.c.b32.b16 v9, v7  }
0x4a5: {  	[tilespmem:v1+s25+$0x0] =	vst.idx.msk $0xffff, v6  }
0x4a6: {  	[tilespmem:v16+s25+$0x0] =	vst.idx.msk $0xffff, v7  }
0x4a7: {  	v6 =	vld.idx.msk [tilespmem:v11+s24+$0x0], $0xffff;
	_ =	sdelay $0x4  }
0x4a8: {  	v6 =	vxor.u32 $0x80808080, v6  }
0x4a9: {  	v7 =	vand.u32 $0xFF, v6;
	v8 =	vshll.u32 v6, $0x8  }
0x4aa: {  	v17 =	vshrl.u32 v6, $0x10;
	v6 =	vshrl.u32 v6, $0x8;
	v8 =	vand.u32 $0xFF0000, v8  }
0x4ab: {  	v9 =	vand.u32 $0xFF, v17;
	v6 =	vand.u32 $0xFF0000, v6;
	v7 =	vor.u32 v7, v8  }
0x4ac: {  	v6 =	vor.u32 v6, v9;
	v8 =	vunpack.c.u.s16.s32 v7;
	v7 =	vunpack.c.l.s16.s32 v7  }
0x4ad: {  	v9 =	vunpack.c.u.s16.s32 v6;
	v6 =	vunpack.c.l.s16.s32 v6  }
0x4ae: {  	v7 =	vcvt.s32.f32 v7;
	v8 =	vcvt.s32.f32 v8  }
0x4af: {  	v6 =	vcvt.s32.f32 v6;
	v9 =	vcvt.s32.f32 v9  }
0x4b0: {  	v8 =	vadd.f32 $-1.280000000e+02, v8;
	v7 =	vadd.f32 $-1.280000000e+02, v7  }
0x4b1: {  	v9 =	vadd.f32 $-1.280000000e+02, v9;
	v6 =	vadd.f32 $-1.280000000e+02, v6  }
0x4b2: {  	v8 =	vmul.f32 v8, v4;
	v7 =	vmul.f32 v7, v5  }
0x4b3: {  	v18 =	vor.u32 $0x2, v1;
	v9 =	vmul.f32 v9, v4;
	v6 =	vmul.f32 v6, v5  }
0x4b4: {  	v19 =	vor.u32 $0x3, v1;
	v8 =	vcvt.f32.hf16 v8;
	v7 =	vcvt.f32.hf16 v7  }
0x4b5: {  	v12 =	vor.u32 $0x2, v2;
	v9 =	vcvt.f32.hf16 v9;
	v6 =	vcvt.f32.hf16 v6  }
0x4b6: {  	v7 =	vpack.c.b32.b16 v8, v7  }
0x4b7: {  	v6 =	vpack.c.b32.b16 v9, v6  }
0x4b8: {  	[tilespmem:v18+s25+$0x0] =	vst.idx.msk $0xffff, v7  }
0x4b9: {  	[tilespmem:v19+s25+$0x0] =	vst.idx.msk $0xffff, v6  }
0x4ba: {  	v6 =	vld.idx.msk [tilespmem:v12+s24+$0x0], $0xffff;
	_ =	sdelay $0x4  }
0x4bb: {  	v6 =	vxor.u32 $0x80808080, v6  }
0x4bc: {  	v7 =	vand.u32 $0xFF, v6;
	v8 =	vshll.u32 v6, $0x8  }
0x4bd: {  	v20 =	vshrl.u32 v6, $0x10;
	v6 =	vshrl.u32 v6, $0x8;
	v8 =	vand.u32 $0xFF0000, v8  }
0x4be: {  	v9 =	vand.u32 $0xFF, v20;
	v6 =	vand.u32 $0xFF0000, v6;
	v7 =	vor.u32 v7, v8  }
0x4bf: {  	v6 =	vor.u32 v6, v9;
	v8 =	vunpack.c.u.s16.s32 v7;
	v7 =	vunpack.c.l.s16.s32 v7  }
0x4c0: {  	v9 =	vunpack.c.u.s16.s32 v6;
	v6 =	vunpack.c.l.s16.s32 v6  }
0x4c1: {  	v7 =	vcvt.s32.f32 v7;
	v8 =	vcvt.s32.f32 v8  }
0x4c2: {  	v6 =	vcvt.s32.f32 v6;
	v9 =	vcvt.s32.f32 v9  }
0x4c3: {  	v8 =	vadd.f32 $-1.280000000e+02, v8;
	v7 =	vadd.f32 $-1.280000000e+02, v7  }
0x4c4: {  	v9 =	vadd.f32 $-1.280000000e+02, v9;
	v6 =	vadd.f32 $-1.280000000e+02, v6  }
0x4c5: {  	v8 =	vmul.f32 v8, v4;
	v7 =	vmul.f32 v7, v5  }
0x4c6: {  	v21 =	vor.u32 $0x4, v1;
	v9 =	vmul.f32 v9, v4;
	v6 =	vmul.f32 v6, v5  }
0x4c7: {  	v22 =	vor.u32 $0x5, v1;
	v8 =	vcvt.f32.hf16 v8;
	v7 =	vcvt.f32.hf16 v7  }
0x4c8: {  	v23 =	vor.u32 $0x3, v2;
	v9 =	vcvt.f32.hf16 v9;
	v6 =	vcvt.f32.hf16 v6  }
0x4c9: {  	v7 =	vpack.c.b32.b16 v8, v7  }
0x4ca: {  	v6 =	vpack.c.b32.b16 v9, v6  }
0x4cb: {  	[tilespmem:v21+s25+$0x0] =	vst.idx.msk $0xffff, v7  }
0x4cc: {  	[tilespmem:v22+s25+$0x0] =	vst.idx.msk $0xffff, v6  }
0x4cd: {  	v6 =	vld.idx.msk [tilespmem:v23+s24+$0x0], $0xffff;
	_ =	sdelay $0x4  }
0x4ce: {  	v6 =	vxor.u32 $0x80808080, v6  }
0x4cf: {  	v7 =	vand.u32 $0xFF, v6;
	v8 =	vshll.u32 v6, $0x8  }
0x4d0: {  	v24 =	vshrl.u32 v6, $0x10;
	v6 =	vshrl.u32 v6, $0x8;
	v8 =	vand.u32 $0xFF0000, v8  }
0x4d1: {  	v9 =	vand.u32 $0xFF, v24;
	v6 =	vand.u32 $0xFF0000, v6;
	v7 =	vor.u32 v7, v8  }
0x4d2: {  	v6 =	vor.u32 v6, v9;
	v8 =	vunpack.c.u.s16.s32 v7;
	v7 =	vunpack.c.l.s16.s32 v7  }
0x4d3: {  	v9 =	vunpack.c.u.s16.s32 v6;
	v6 =	vunpack.c.l.s16.s32 v6  }
0x4d4: {  	v7 =	vcvt.s32.f32 v7;
	v8 =	vcvt.s32.f32 v8  }
0x4d5: {  	v6 =	vcvt.s32.f32 v6;
	v9 =	vcvt.s32.f32 v9  }
0x4d6: {  	v8 =	vadd.f32 $-1.280000000e+02, v8;
	v7 =	vadd.f32 $-1.280000000e+02, v7  }
0x4d7: {  	v9 =	vadd.f32 $-1.280000000e+02, v9;
	v6 =	vadd.f32 $-1.280000000e+02, v6  }
0x4d8: {  	v8 =	vmul.f32 v8, v4;
	v7 =	vmul.f32 v7, v5  }
0x4d9: {  	v25 =	vor.u32 $0x6, v1;
	v9 =	vmul.f32 v9, v4;
	v6 =	vmul.f32 v6, v5  }
0x4da: {  	v26 =	vor.u32 $0x7, v1;
	v8 =	vcvt.f32.hf16 v8;
	v7 =	vcvt.f32.hf16 v7  }
0x4db: {  	v27 =	vor.u32 $0x4, v2;
	v9 =	vcvt.f32.hf16 v9;
	v6 =	vcvt.f32.hf16 v6  }
0x4dc: {  	v7 =	vpack.c.b32.b16 v8, v7  }
0x4dd: {  	v6 =	vpack.c.b32.b16 v9, v6  }
0x4de: {  	[tilespmem:v25+s25+$0x0] =	vst.idx.msk $0xffff, v7  }
0x4df: {  	[tilespmem:v26+s25+$0x0] =	vst.idx.msk $0xffff, v6  }
0x4e0: {  	v6 =	vld.idx.msk [tilespmem:v27+s24+$0x0], $0xffff;
	_ =	sdelay $0x4  }
0x4e1: {  	v6 =	vxor.u32 $0x80808080, v6  }
0x4e2: {  	v7 =	vand.u32 $0xFF, v6;
	v8 =	vshll.u32 v6, $0x8  }
0x4e3: {  	v28 =	vshrl.u32 v6, $0x10;
	v6 =	vshrl.u32 v6, $0x8;
	v8 =	vand.u32 $0xFF0000, v8  }
0x4e4: {  	v9 =	vand.u32 $0xFF, v28;
	v6 =	vand.u32 $0xFF0000, v6;
	v7 =	vor.u32 v7, v8  }
0x4e5: {  	v6 =	vor.u32 v6, v9;
	v8 =	vunpack.c.u.s16.s32 v7;
	v7 =	vunpack.c.l.s16.s32 v7  }
0x4e6: {  	v9 =	vunpack.c.u.s16.s32 v6;
	v6 =	vunpack.c.l.s16.s32 v6  }
0x4e7: {  	v7 =	vcvt.s32.f32 v7;
	v8 =	vcvt.s32.f32 v8  }
0x4e8: {  	v6 =	vcvt.s32.f32 v6;
	v9 =	vcvt.s32.f32 v9  }
0x4e9: {  	v8 =	vadd.f32 $-1.280000000e+02, v8;
	v7 =	vadd.f32 $-1.280000000e+02, v7  }
0x4ea: {  	v9 =	vadd.f32 $-1.280000000e+02, v9;
	v6 =	vadd.f32 $-1.280000000e+02, v6  }
0x4eb: {  	v8 =	vmul.f32 v8, v4;
	v7 =	vmul.f32 v7, v5  }
0x4ec: {  	v29 =	vor.u32 $0x8, v1;
	v9 =	vmul.f32 v9, v4;
	v6 =	vmul.f32 v6, v5  }
0x4ed: {  	v30 =	vor.u32 $0x9, v1;
	v8 =	vcvt.f32.hf16 v8;
	v7 =	vcvt.f32.hf16 v7  }
0x4ee: {  	v31 =	vor.u32 $0x5, v2;
	v9 =	vcvt.f32.hf16 v9;
	v6 =	vcvt.f32.hf16 v6  }
0x4ef: {  	v7 =	vpack.c.b32.b16 v8, v7  }
0x4f0: {  	v6 =	vpack.c.b32.b16 v9, v6  }
0x4f1: {  	[tilespmem:v29+s25+$0x0] =	vst.idx.msk $0xffff, v7  }
0x4f2: {  	[tilespmem:v30+s25+$0x0] =	vst.idx.msk $0xffff, v6  }
0x4f3: {  	v6 =	vld.idx.msk [tilespmem:v31+s24+$0x0], $0xffff;
	_ =	sdelay $0x4  }
0x4f4: {  	v6 =	vxor.u32 $0x80808080, v6  }
0x4f5: {  	v7 =	vand.u32 $0xFF, v6;
	v8 =	vshll.u32 v6, $0x8  }
0x4f6: {  	v32 =	vshrl.u32 v6, $0x10;
	v6 =	vshrl.u32 v6, $0x8;
	v8 =	vand.u32 $0xFF0000, v8  }
0x4f7: {  	v9 =	vand.u32 $0xFF, v32;
	v6 =	vand.u32 $0xFF0000, v6;
	v7 =	vor.u32 v7, v8  }
0x4f8: {  	v6 =	vor.u32 v6, v9;
	v8 =	vunpack.c.u.s16.s32 v7;
	v7 =	vunpack.c.l.s16.s32 v7  }
0x4f9: {  	v9 =	vunpack.c.u.s16.s32 v6;
	v6 =	vunpack.c.l.s16.s32 v6  }
0x4fa: {  	v7 =	vcvt.s32.f32 v7;
	v8 =	vcvt.s32.f32 v8  }
0x4fb: {  	v6 =	vcvt.s32.f32 v6;
	v9 =	vcvt.s32.f32 v9  }
0x4fc: {  	v8 =	vadd.f32 $-1.280000000e+02, v8;
	v7 =	vadd.f32 $-1.280000000e+02, v7  }
0x4fd: {  	v9 =	vadd.f32 $-1.280000000e+02, v9;
	v6 =	vadd.f32 $-1.280000000e+02, v6  }
0x4fe: {  	v8 =	vmul.f32 v8, v4;
	v7 =	vmul.f32 v7, v5  }
0x4ff: {  	v33 =	vor.u32 $0xA, v1;
	v9 =	vmul.f32 v9, v4;
	v6 =	vmul.f32 v6, v5  }
0x500: {  	v34 =	vor.u32 $0xB, v1;
	v8 =	vcvt.f32.hf16 v8;
	v7 =	vcvt.f32.hf16 v7  }
0x501: {  	v35 =	vor.u32 $0x6, v2;
	v9 =	vcvt.f32.hf16 v9;
	v6 =	vcvt.f32.hf16 v6  }
0x502: {  	v7 =	vpack.c.b32.b16 v8, v7  }
0x503: {  	v6 =	vpack.c.b32.b16 v9, v6  }
0x504: {  	[tilespmem:v33+s25+$0x0] =	vst.idx.msk $0xffff, v7  }
0x505: {  	[tilespmem:v34+s25+$0x0] =	vst.idx.msk $0xffff, v6  }
0x506: {  	v6 =	vld.idx.msk [tilespmem:v35+s24+$0x0], $0xffff;
	_ =	sdelay $0x4  }
0x507: {  	v6 =	vxor.u32 $0x80808080, v6  }
0x508: {  	v7 =	vand.u32 $0xFF, v6;
	v8 =	vshll.u32 v6, $0x8  }
0x509: {  	v36 =	vshrl.u32 v6, $0x10;
	v6 =	vshrl.u32 v6, $0x8;
	v8 =	vand.u32 $0xFF0000, v8  }
0x50a: {  	v9 =	vand.u32 $0xFF, v36;
	v6 =	vand.u32 $0xFF0000, v6;
	v7 =	vor.u32 v7, v8  }
0x50b: {  	v6 =	vor.u32 v6, v9;
	v8 =	vunpack.c.u.s16.s32 v7;
	v7 =	vunpack.c.l.s16.s32 v7  }
0x50c: {  	v9 =	vunpack.c.u.s16.s32 v6;
	v6 =	vunpack.c.l.s16.s32 v6  }
0x50d: {  	v7 =	vcvt.s32.f32 v7;
	v8 =	vcvt.s32.f32 v8  }
0x50e: {  	v6 =	vcvt.s32.f32 v6;
	v9 =	vcvt.s32.f32 v9  }
0x50f: {  	v8 =	vadd.f32 $-1.280000000e+02, v8;
	v7 =	vadd.f32 $-1.280000000e+02, v7  }
0x510: {  	v9 =	vadd.f32 $-1.280000000e+02, v9;
	v6 =	vadd.f32 $-1.280000000e+02, v6  }
0x511: {  	v8 =	vmul.f32 v8, v4;
	v7 =	vmul.f32 v7, v5  }
0x512: {  	v37 =	vor.u32 $0xC, v1;
	v9 =	vmul.f32 v9, v4;
	v6 =	vmul.f32 v6, v5  }
0x513: {  	v38 =	vor.u32 $0xD, v1;
	v8 =	vcvt.f32.hf16 v8;
	v7 =	vcvt.f32.hf16 v7  }
0x514: {  	v39 =	vor.u32 $0x7, v2;
	v9 =	vcvt.f32.hf16 v9;
	v6 =	vcvt.f32.hf16 v6  }
0x515: {  	v7 =	vpack.c.b32.b16 v8, v7  }
0x516: {  	v6 =	vpack.c.b32.b16 v9, v6  }
0x517: {  	[tilespmem:v37+s25+$0x0] =	vst.idx.msk $0xffff, v7  }
0x518: {  	[tilespmem:v38+s25+$0x0] =	vst.idx.msk $0xffff, v6  }
0x519: {  	v6 =	vld.idx.msk [tilespmem:v39+s24+$0x0], $0xffff;
	_ =	sdelay $0x4  }
0x51a: {  	v6 =	vxor.u32 $0x80808080, v6  }
0x51b: {  	v7 =	vand.u32 $0xFF, v6;
	v8 =	vshll.u32 v6, $0x8  }
0x51c: {  	v40 =	vshrl.u32 v6, $0x10;
	v6 =	vshrl.u32 v6, $0x8;
	v8 =	vand.u32 $0xFF0000, v8  }
0x51d: {  	v9 =	vand.u32 $0xFF, v40;
	v6 =	vand.u32 $0xFF0000, v6;
	v7 =	vor.u32 v7, v8  }
0x51e: {  	v6 =	vor.u32 v6, v9;
	v8 =	vunpack.c.u.s16.s32 v7;
	v7 =	vunpack.c.l.s16.s32 v7  }
0x51f: {  	v9 =	vunpack.c.u.s16.s32 v6;
	v6 =	vunpack.c.l.s16.s32 v6  }
0x520: {  	v7 =	vcvt.s32.f32 v7;
	v8 =	vcvt.s32.f32 v8  }
0x521: {  	v6 =	vcvt.s32.f32 v6;
	v9 =	vcvt.s32.f32 v9  }
0x522: {  	v8 =	vadd.f32 $-1.280000000e+02, v8;
	v7 =	vadd.f32 $-1.280000000e+02, v7  }
0x523: {  	v9 =	vadd.f32 $-1.280000000e+02, v9;
	v6 =	vadd.f32 $-1.280000000e+02, v6  }
0x524: {  	v8 =	vmul.f32 v8, v4;
	v7 =	vmul.f32 v7, v5  }
0x525: {  	v41 =	vor.u32 $0xE, v1;
	v4 =	vmul.f32 v9, v4;
	v5 =	vmul.f32 v6, v5  }
0x526: {  	v6 =	vor.u32 $0xF, v1;
	v8 =	vcvt.f32.hf16 v8;
	v7 =	vcvt.f32.hf16 v7  }
0x527: {  	v42 =	vor.u32 $0x8, v2;
	v4 =	vcvt.f32.hf16 v4;
	v5 =	vcvt.f32.hf16 v5  }
0x528: {  	v7 =	vpack.c.b32.b16 v8, v7  }
0x529: {  	v4 =	vpack.c.b32.b16 v4, v5  }
0x52a: {  	[tilespmem:v41+s25+$0x0] =	vst.idx.msk $0xffff, v7  }
0x52b: {  	[tilespmem:v6+s25+$0x0] =	vst.idx.msk $0xffff, v4  }
0x52c: {  	v4 =	vld.idx.msk [tilespmem:v42+s24+$0x0], $0xffff;
	_ =	sdelay $0x4  }
0x52d: {  	v4 =	vxor.u32 $0x80808080, v4  }
0x52e: {  	v5 =	vshrl.u32 v3, $0x10;
	v6 =	vand.u32 $0xFF, v4;
	v7 =	vshll.u32 v4, $0x8  }
0x52f: {  	v8 =	vshrl.u32 v4, $0x10;
	v4 =	vshrl.u32 v4, $0x8;
	v7 =	vand.u32 $0xFF0000, v7  }
0x530: {  	v8 =	vand.u32 $0xFF, v8;
	v4 =	vand.u32 $0xFF0000, v4;
	v6 =	vor.u32 v6, v7  }
0x531: {  	v4 =	vor.u32 v4, v8;
	v7 =	vunpack.c.u.s16.s32 v6;
	v6 =	vunpack.c.l.s16.s32 v6  }
0x532: {  	v3 =	vand.u32 $0xFFFF0000, v3;
	v8 =	vunpack.c.u.s16.s32 v4;
	v4 =	vunpack.c.l.s16.s32 v4  }
0x533: {  	v5 =	vor.u32 v3, v5;
	v6 =	vcvt.s32.f32 v6;
	v7 =	vcvt.s32.f32 v7  }
0x534: {  	v3 =	vunpack.c.l.hf16.f32 v5;
	v43 =	vcvt.s32.f32 v4;
	v8 =	vcvt.s32.f32 v8  }
0x535: {  	v4 =	vunpack.c.u.hf16.f32 v5;
	v5 =	vadd.f32 $-1.280000000e+02, v7;
	v6 =	vadd.f32 $-1.280000000e+02, v6  }
0x536: {  	v7 =	vadd.f32 $-1.280000000e+02, v8;
	v8 =	vadd.f32 $-1.280000000e+02, v43  }
0x537: {  	v5 =	vmul.f32 v4, v5;
	v6 =	vmul.f32 v3, v6  }
0x538: {  	v44 =	vor.u32 $0x10, v1;
	v7 =	vmul.f32 v7, v4;
	v8 =	vmul.f32 v8, v3  }
0x539: {  	v45 =	vor.u32 $0x11, v1;
	v5 =	vcvt.f32.hf16 v5;
	v6 =	vcvt.f32.hf16 v6  }
0x53a: {  	v46 =	vor.u32 $0x9, v2;
	v7 =	vcvt.f32.hf16 v7;
	v8 =	vcvt.f32.hf16 v8  }
0x53b: {  	v5 =	vpack.c.b32.b16 v5, v6  }
0x53c: {  	v6 =	vpack.c.b32.b16 v7, v8  }
0x53d: {  	[tilespmem:v44+s25+$0x0] =	vst.idx.msk $0xffff, v5  }
0x53e: {  	[tilespmem:v45+s25+$0x0] =	vst.idx.msk $0xffff, v6  }
0x53f: {  	v5 =	vld.idx.msk [tilespmem:v46+s24+$0x0], $0xffff;
	_ =	sdelay $0x4  }
0x540: {  	v5 =	vxor.u32 $0x80808080, v5  }
0x541: {  	v6 =	vand.u32 $0xFF, v5;
	v7 =	vshll.u32 v5, $0x8  }
0x542: {  	v8 =	vshrl.u32 v5, $0x10;
	v5 =	vshrl.u32 v5, $0x8;
	v7 =	vand.u32 $0xFF0000, v7  }
0x543: {  	v8 =	vand.u32 $0xFF, v8;
	v5 =	vand.u32 $0xFF0000, v5;
	v6 =	vor.u32 v6, v7  }
0x544: {  	v5 =	vor.u32 v5, v8;
	v7 =	vunpack.c.u.s16.s32 v6;
	v6 =	vunpack.c.l.s16.s32 v6  }
0x545: {  	v8 =	vunpack.c.u.s16.s32 v5;
	v5 =	vunpack.c.l.s16.s32 v5  }
0x546: {  	v6 =	vcvt.s32.f32 v6;
	v7 =	vcvt.s32.f32 v7  }
0x547: {  	v5 =	vcvt.s32.f32 v5;
	v8 =	vcvt.s32.f32 v8  }
0x548: {  	v7 =	vadd.f32 $-1.280000000e+02, v7;
	v6 =	vadd.f32 $-1.280000000e+02, v6  }
0x549: {  	v8 =	vadd.f32 $-1.280000000e+02, v8;
	v5 =	vadd.f32 $-1.280000000e+02, v5  }
0x54a: {  	v7 =	vmul.f32 v7, v4;
	v6 =	vmul.f32 v6, v3  }
0x54b: {  	v47 =	vor.u32 $0x12, v1;
	v8 =	vmul.f32 v8, v4;
	v5 =	vmul.f32 v5, v3  }
0x54c: {  	v48 =	vor.u32 $0x13, v1;
	v7 =	vcvt.f32.hf16 v7;
	v6 =	vcvt.f32.hf16 v6  }
0x54d: {  	v49 =	vor.u32 $0xA, v2;
	v8 =	vcvt.f32.hf16 v8;
	v5 =	vcvt.f32.hf16 v5  }
0x54e: {  	v6 =	vpack.c.b32.b16 v7, v6  }
0x54f: {  	v5 =	vpack.c.b32.b16 v8, v5  }
0x550: {  	[tilespmem:v47+s25+$0x0] =	vst.idx.msk $0xffff, v6  }
0x551: {  	[tilespmem:v48+s25+$0x0] =	vst.idx.msk $0xffff, v5  }
0x552: {  	v5 =	vld.idx.msk [tilespmem:v49+s24+$0x0], $0xffff;
	_ =	sdelay $0x4  }
0x553: {  	v5 =	vxor.u32 $0x80808080, v5  }
0x554: {  	v6 =	vand.u32 $0xFF, v5;
	v7 =	vshll.u32 v5, $0x8  }
0x555: {  	v8 =	vshrl.u32 v5, $0x10;
	v5 =	vshrl.u32 v5, $0x8;
	v7 =	vand.u32 $0xFF0000, v7  }
0x556: {  	v8 =	vand.u32 $0xFF, v8;
	v5 =	vand.u32 $0xFF0000, v5;
	v6 =	vor.u32 v6, v7  }
0x557: {  	v5 =	vor.u32 v5, v8;
	v7 =	vunpack.c.u.s16.s32 v6;
	v6 =	vunpack.c.l.s16.s32 v6  }
0x558: {  	v8 =	vunpack.c.u.s16.s32 v5;
	v5 =	vunpack.c.l.s16.s32 v5  }
0x559: {  	v6 =	vcvt.s32.f32 v6;
	v7 =	vcvt.s32.f32 v7  }
0x55a: {  	v5 =	vcvt.s32.f32 v5;
	v8 =	vcvt.s32.f32 v8  }
0x55b: {  	v7 =	vadd.f32 $-1.280000000e+02, v7;
	v6 =	vadd.f32 $-1.280000000e+02, v6  }
0x55c: {  	v8 =	vadd.f32 $-1.280000000e+02, v8;
	v5 =	vadd.f32 $-1.280000000e+02, v5  }
0x55d: {  	v7 =	vmul.f32 v7, v4;
	v6 =	vmul.f32 v6, v3  }
0x55e: {  	v50 =	vor.u32 $0x14, v1;
	v8 =	vmul.f32 v8, v4;
	v5 =	vmul.f32 v5, v3  }
0x55f: {  	v51 =	vor.u32 $0x15, v1;
	v7 =	vcvt.f32.hf16 v7;
	v6 =	vcvt.f32.hf16 v6  }
0x560: {  	v52 =	vor.u32 $0xB, v2;
	v8 =	vcvt.f32.hf16 v8;
	v5 =	vcvt.f32.hf16 v5  }
0x561: {  	v6 =	vpack.c.b32.b16 v7, v6  }
0x562: {  	v5 =	vpack.c.b32.b16 v8, v5  }
0x563: {  	[tilespmem:v50+s25+$0x0] =	vst.idx.msk $0xffff, v6  }
0x564: {  	[tilespmem:v51+s25+$0x0] =	vst.idx.msk $0xffff, v5  }
0x565: {  	v5 =	vld.idx.msk [tilespmem:v52+s24+$0x0], $0xffff;
	_ =	sdelay $0x4  }
0x566: {  	v5 =	vxor.u32 $0x80808080, v5  }
0x567: {  	v6 =	vand.u32 $0xFF, v5;
	v7 =	vshll.u32 v5, $0x8  }
0x568: {  	v8 =	vshrl.u32 v5, $0x10;
	v5 =	vshrl.u32 v5, $0x8;
	v7 =	vand.u32 $0xFF0000, v7  }
0x569: {  	v8 =	vand.u32 $0xFF, v8;
	v5 =	vand.u32 $0xFF0000, v5;
	v6 =	vor.u32 v6, v7  }
0x56a: {  	v5 =	vor.u32 v5, v8;
	v7 =	vunpack.c.u.s16.s32 v6;
	v6 =	vunpack.c.l.s16.s32 v6  }
0x56b: {  	v8 =	vunpack.c.u.s16.s32 v5;
	v5 =	vunpack.c.l.s16.s32 v5  }
0x56c: {  	v6 =	vcvt.s32.f32 v6;
	v7 =	vcvt.s32.f32 v7  }
0x56d: {  	v5 =	vcvt.s32.f32 v5;
	v8 =	vcvt.s32.f32 v8  }
0x56e: {  	v7 =	vadd.f32 $-1.280000000e+02, v7;
	v6 =	vadd.f32 $-1.280000000e+02, v6  }
0x56f: {  	v8 =	vadd.f32 $-1.280000000e+02, v8;
	v5 =	vadd.f32 $-1.280000000e+02, v5  }
0x570: {  	v7 =	vmul.f32 v7, v4;
	v6 =	vmul.f32 v6, v3  }
0x571: {  	v53 =	vor.u32 $0x16, v1;
	v8 =	vmul.f32 v8, v4;
	v5 =	vmul.f32 v5, v3  }
0x572: {  	v54 =	vor.u32 $0x17, v1;
	v7 =	vcvt.f32.hf16 v7;
	v6 =	vcvt.f32.hf16 v6  }
0x573: {  	v55 =	vor.u32 $0xC, v2;
	v8 =	vcvt.f32.hf16 v8;
	v5 =	vcvt.f32.hf16 v5  }
0x574: {  	v6 =	vpack.c.b32.b16 v7, v6  }
0x575: {  	v5 =	vpack.c.b32.b16 v8, v5  }
0x576: {  	[tilespmem:v53+s25+$0x0] =	vst.idx.msk $0xffff, v6  }
0x577: {  	[tilespmem:v54+s25+$0x0] =	vst.idx.msk $0xffff, v5  }
0x578: {  	v5 =	vld.idx.msk [tilespmem:v55+s24+$0x0], $0xffff;
	_ =	sdelay $0x4  }
0x579: {  	v5 =	vxor.u32 $0x80808080, v5  }
0x57a: {  	v6 =	vand.u32 $0xFF, v5;
	v7 =	vshll.u32 v5, $0x8  }
0x57b: {  	v8 =	vshrl.u32 v5, $0x10;
	v5 =	vshrl.u32 v5, $0x8;
	v7 =	vand.u32 $0xFF0000, v7  }
0x57c: {  	v8 =	vand.u32 $0xFF, v8;
	v5 =	vand.u32 $0xFF0000, v5;
	v6 =	vor.u32 v6, v7  }
0x57d: {  	v5 =	vor.u32 v5, v8;
	v7 =	vunpack.c.u.s16.s32 v6;
	v6 =	vunpack.c.l.s16.s32 v6  }
0x57e: {  	v8 =	vunpack.c.u.s16.s32 v5;
	v5 =	vunpack.c.l.s16.s32 v5  }
0x57f: {  	v6 =	vcvt.s32.f32 v6;
	v7 =	vcvt.s32.f32 v7  }
0x580: {  	v5 =	vcvt.s32.f32 v5;
	v8 =	vcvt.s32.f32 v8  }
0x581: {  	v7 =	vadd.f32 $-1.280000000e+02, v7;
	v6 =	vadd.f32 $-1.280000000e+02, v6  }
0x582: {  	v8 =	vadd.f32 $-1.280000000e+02, v8;
	v5 =	vadd.f32 $-1.280000000e+02, v5  }
0x583: {  	v7 =	vmul.f32 v7, v4;
	v6 =	vmul.f32 v6, v3  }
0x584: {  	v56 =	vor.u32 $0x18, v1;
	v8 =	vmul.f32 v8, v4;
	v5 =	vmul.f32 v5, v3  }
0x585: {  	v57 =	vor.u32 $0x19, v1;
	v7 =	vcvt.f32.hf16 v7;
	v6 =	vcvt.f32.hf16 v6  }
0x586: {  	v58 =	vor.u32 $0xD, v2;
	v8 =	vcvt.f32.hf16 v8;
	v5 =	vcvt.f32.hf16 v5  }
0x587: {  	v6 =	vpack.c.b32.b16 v7, v6  }
0x588: {  	v5 =	vpack.c.b32.b16 v8, v5  }
0x589: {  	[tilespmem:v56+s25+$0x0] =	vst.idx.msk $0xffff, v6  }
0x58a: {  	[tilespmem:v57+s25+$0x0] =	vst.idx.msk $0xffff, v5  }
0x58b: {  	v5 =	vld.idx.msk [tilespmem:v58+s24+$0x0], $0xffff;
	_ =	sdelay $0x4  }
0x58c: {  	v5 =	vxor.u32 $0x80808080, v5  }
0x58d: {  	v6 =	vand.u32 $0xFF, v5;
	v7 =	vshll.u32 v5, $0x8  }
0x58e: {  	v8 =	vshrl.u32 v5, $0x10;
	v5 =	vshrl.u32 v5, $0x8;
	v7 =	vand.u32 $0xFF0000, v7  }
0x58f: {  	v8 =	vand.u32 $0xFF, v8;
	v5 =	vand.u32 $0xFF0000, v5;
	v6 =	vor.u32 v6, v7  }
0x590: {  	v5 =	vor.u32 v5, v8;
	v7 =	vunpack.c.u.s16.s32 v6;
	v6 =	vunpack.c.l.s16.s32 v6  }
0x591: {  	v8 =	vunpack.c.u.s16.s32 v5;
	v5 =	vunpack.c.l.s16.s32 v5  }
0x592: {  	v6 =	vcvt.s32.f32 v6;
	v7 =	vcvt.s32.f32 v7  }
0x593: {  	v5 =	vcvt.s32.f32 v5;
	v8 =	vcvt.s32.f32 v8  }
0x594: {  	v7 =	vadd.f32 $-1.280000000e+02, v7;
	v6 =	vadd.f32 $-1.280000000e+02, v6  }
0x595: {  	v8 =	vadd.f32 $-1.280000000e+02, v8;
	v5 =	vadd.f32 $-1.280000000e+02, v5  }
0x596: {  	v7 =	vmul.f32 v7, v4;
	v6 =	vmul.f32 v6, v3  }
0x597: {  	v59 =	vor.u32 $0x1A, v1;
	v8 =	vmul.f32 v8, v4;
	v5 =	vmul.f32 v5, v3  }
0x598: {  	v60 =	vor.u32 $0x1B, v1;
	v7 =	vcvt.f32.hf16 v7;
	v6 =	vcvt.f32.hf16 v6  }
0x599: {  	v61 =	vor.u32 $0xE, v2;
	v8 =	vcvt.f32.hf16 v8;
	v5 =	vcvt.f32.hf16 v5  }
0x59a: {  	v6 =	vpack.c.b32.b16 v7, v6  }
0x59b: {  	v5 =	vpack.c.b32.b16 v8, v5  }
0x59c: {  	[tilespmem:v59+s25+$0x0] =	vst.idx.msk $0xffff, v6  }
0x59d: {  	[tilespmem:v60+s25+$0x0] =	vst.idx.msk $0xffff, v5  }
0x59e: {  	v5 =	vld.idx.msk [tilespmem:v61+s24+$0x0], $0xffff;
	_ =	sdelay $0x4  }
0x59f: {  	v5 =	vxor.u32 $0x80808080, v5  }
0x5a0: {  	v6 =	vand.u32 $0xFF, v5;
	v7 =	vshll.u32 v5, $0x8  }
0x5a1: {  	v8 =	vshrl.u32 v5, $0x10;
	v5 =	vshrl.u32 v5, $0x8;
	v7 =	vand.u32 $0xFF0000, v7  }
0x5a2: {  	v8 =	vand.u32 $0xFF, v8;
	v5 =	vand.u32 $0xFF0000, v5;
	v6 =	vor.u32 v6, v7  }
0x5a3: {  	v5 =	vor.u32 v5, v8;
	v7 =	vunpack.c.u.s16.s32 v6;
	v6 =	vunpack.c.l.s16.s32 v6  }
0x5a4: {  	v8 =	vunpack.c.u.s16.s32 v5;
	v5 =	vunpack.c.l.s16.s32 v5  }
0x5a5: {  	v6 =	vcvt.s32.f32 v6;
	v7 =	vcvt.s32.f32 v7  }
0x5a6: {  	v5 =	vcvt.s32.f32 v5;
	v8 =	vcvt.s32.f32 v8  }
0x5a7: {  	v7 =	vadd.f32 $-1.280000000e+02, v7;
	v6 =	vadd.f32 $-1.280000000e+02, v6  }
0x5a8: {  	v8 =	vadd.f32 $-1.280000000e+02, v8;
	v5 =	vadd.f32 $-1.280000000e+02, v5  }
0x5a9: {  	v7 =	vmul.f32 v7, v4;
	v6 =	vmul.f32 v6, v3  }
0x5aa: {  	v62 =	vor.u32 $0x1C, v1;
	v8 =	vmul.f32 v8, v4;
	v5 =	vmul.f32 v5, v3  }
0x5ab: {  	v63 =	vor.u32 $0x1D, v1;
	v7 =	vcvt.f32.hf16 v7;
	v6 =	vcvt.f32.hf16 v6  }
0x5ac: {  	v2 =	vor.u32 $0xF, v2;
	v8 =	vcvt.f32.hf16 v8;
	v5 =	vcvt.f32.hf16 v5  }
0x5ad: {  	v6 =	vpack.c.b32.b16 v7, v6  }
0x5ae: {  	v5 =	vpack.c.b32.b16 v8, v5  }
0x5af: {  	[tilespmem:v62+s25+$0x0] =	vst.idx.msk $0xffff, v6  }
0x5b0: {  	[tilespmem:v63+s25+$0x0] =	vst.idx.msk $0xffff, v5  }
0x5b1: {  	v2 =	vld.idx.msk [tilespmem:v2+s24+$0x0], $0xffff;
	_ =	sdelay $0x4  }
0x5b2: {  	v2 =	vxor.u32 $0x80808080, v2  }
0x5b3: {  	v5 =	vand.u32 $0xFF, v2;
	v6 =	vshll.u32 v2, $0x8  }
0x5b4: {  	v7 =	vshrl.u32 v2, $0x10;
	v2 =	vshrl.u32 v2, $0x8;
	v6 =	vand.u32 $0xFF0000, v6  }
0x5b5: {  	v7 =	vand.u32 $0xFF, v7;
	v2 =	vand.u32 $0xFF0000, v2;
	v5 =	vor.u32 v5, v6  }
0x5b6: {  	v2 =	vor.u32 v2, v7;
	v6 =	vunpack.c.u.s16.s32 v5;
	v5 =	vunpack.c.l.s16.s32 v5  }
0x5b7: {  	v7 =	vunpack.c.u.s16.s32 v2;
	v2 =	vunpack.c.l.s16.s32 v2  }
0x5b8: {  	v5 =	vcvt.s32.f32 v5;
	v6 =	vcvt.s32.f32 v6  }
0x5b9: {  	v2 =	vcvt.s32.f32 v2;
	v7 =	vcvt.s32.f32 v7  }
0x5ba: {  	v6 =	vadd.f32 $-1.280000000e+02, v6;
	v5 =	vadd.f32 $-1.280000000e+02, v5  }
0x5bb: {  	v7 =	vadd.f32 $-1.280000000e+02, v7;
	v2 =	vadd.f32 $-1.280000000e+02, v2  }
0x5bc: {  	v6 =	vmul.f32 v6, v4;
	v5 =	vmul.f32 v5, v3  }
0x5bd: {  	v4 =	vmul.f32 v7, v4;
	v2 =	vmul.f32 v2, v3;
	v3 =	vor.u32 $0x1F, v1  }
0x5be: {  	s17 =	simm.s32 $0x10;
	v6 =	vcvt.f32.hf16 v6;
	v7 =	vcvt.f32.hf16 v5;
	v5 =	vor.u32 $0x1E, v1  }
0x5bf: {  	v4 =	vcvt.f32.hf16 v4;
	v8 =	vcvt.f32.hf16 v2;
	v2 =	vor.u32 s17, v0  }
0x5c0: {  	v1 =	vshll.u32 v2, $0x4  }
0x5c1: {  	s17 =	simm.s32 $0x20;
	v6 =	vpack.c.b32.b16 v6, v7;
	v4 =	vpack.c.b32.b16 v4, v8  }
.LBB2_8:
0x5c2: {  	p0 =	sne.s32 s17, $0x3F0  }
0x5c3: {  	[tilespmem:v5+s25+$0x0] =	vst.idx.msk $0xffff, v6;
	s15 =	sadd.s32 $0x10, s15;
	s20 =	smov.u32 s17;
	s17 =	sadd.s32 $0x10, s17  }
0x5c4: {  	[tilespmem:v3+s25+$0x0] =	vst.idx.msk $0xffff, v4  }
0x5c5: {  	v3 =	vld.idx.msk [tilespmem:v1+s24+$0x0], $0xffff;
	_ =	sdelay $0x5  }
0x5c6: {  	v3 =	vxor.u32 $0x80808080, v3  }
0x5c7: {  	v4 =	vshll.u32 v3, $0x8;
	v5 =	vshrl.u32 v3, $0x10;
	v7 =	vshrl.u32 v3, $0x8;
	v6 =	vld [tilespmem:s15+$0x0]  }
0x5c8: {  	v3 =	vand.u32 $0xFF, v3;
	v4 =	vand.u32 $0xFF0000, v4;
	v5 =	vand.u32 $0xFF, v5  }
0x5c9: {  	v3 =	vor.u32 v3, v4;
	v4 =	vand.u32 $0xFF0000, v7  }
0x5ca: {  	v4 =	vor.u32 v4, v5;
	v5 =	vunpack.c.u.s16.s32 v3;
	v3 =	vunpack.c.l.s16.s32 v3  }
0x5cb: {  	v7 =	vunpack.c.u.s16.s32 v4;
	v4 =	vunpack.c.l.s16.s32 v4  }
0x5cc: {  	v3 =	vcvt.s32.f32 v3;
	v5 =	vcvt.s32.f32 v5;
	v8 =	vand.u32 $0xFFFF, v6  }
0x5cd: {  	v9 =	vshll.u32 v6, $0x10;
	v10 =	vcvt.s32.f32 v4;
	v7 =	vcvt.s32.f32 v7  }
0x5ce: {  	v8 =	vor.u32 v9, v8;
	v9 =	vadd.f32 $-1.280000000e+02, v5;
	v3 =	vadd.f32 $-1.280000000e+02, v3  }
0x5cf: {  	v4 =	vunpack.c.u.hf16.f32 v8;
	v5 =	vunpack.c.l.hf16.f32 v8;
	v7 =	vadd.f32 $-1.280000000e+02, v7  }
0x5d0: {  	v8 =	vshrl.u32 v6, $0x10;
	v6 =	vand.u32 $0xFFFF0000, v6;
	v10 =	vadd.f32 $-1.280000000e+02, v10  }
0x5d1: {  	v2 =	vshll.u32 v2, $0x5;
	v9 =	vmul.f32 v4, v9;
	v3 =	vmul.f32 v5, v3  }
0x5d2: {  	v11 =	vor.u32 $0x1, v2;
	v7 =	vmul.f32 v7, v4;
	v10 =	vmul.f32 v10, v5  }
0x5d3: {  	v13 =	vor.u32 $0x1, v1;
	v9 =	vcvt.f32.hf16 v9;
	v12 =	vcvt.f32.hf16 v3  }
0x5d4: {  	v3 =	vor.u32 v6, v8;
	v6 =	vcvt.f32.hf16 v7;
	v7 =	vcvt.f32.hf16 v10  }
0x5d5: {  	v8 =	vpack.c.b32.b16 v9, v12  }
0x5d6: {  	v6 =	vpack.c.b32.b16 v6, v7  }
0x5d7: {  	[tilespmem:v2+s25+$0x0] =	vst.idx.msk $0xffff, v8  }
0x5d8: {  	[tilespmem:v11+s25+$0x0] =	vst.idx.msk $0xffff, v6  }
0x5d9: {  	v6 =	vld.idx.msk [tilespmem:v13+s24+$0x0], $0xffff;
	_ =	sdelay $0x5  }
0x5da: {  	v6 =	vxor.u32 $0x80808080, v6  }
0x5db: {  	v7 =	vand.u32 $0xFF, v6;
	v8 =	vshll.u32 v6, $0x8;
	v9 =	vshrl.u32 v6, $0x10  }
0x5dc: {  	v6 =	vshrl.u32 v6, $0x8;
	v8 =	vand.u32 $0xFF0000, v8;
	v9 =	vand.u32 $0xFF, v9  }
0x5dd: {  	v6 =	vand.u32 $0xFF0000, v6;
	v7 =	vor.u32 v7, v8  }
0x5de: {  	v6 =	vor.u32 v6, v9;
	v8 =	vunpack.c.u.s16.s32 v7;
	v7 =	vunpack.c.l.s16.s32 v7  }
0x5df: {  	v9 =	vunpack.c.u.s16.s32 v6;
	v6 =	vunpack.c.l.s16.s32 v6  }
0x5e0: {  	v7 =	vcvt.s32.f32 v7;
	v8 =	vcvt.s32.f32 v8  }
0x5e1: {  	v6 =	vcvt.s32.f32 v6;
	v9 =	vcvt.s32.f32 v9  }
0x5e2: {  	v8 =	vadd.f32 $-1.280000000e+02, v8;
	v7 =	vadd.f32 $-1.280000000e+02, v7  }
0x5e3: {  	v9 =	vadd.f32 $-1.280000000e+02, v9;
	v6 =	vadd.f32 $-1.280000000e+02, v6  }
0x5e4: {  	v10 =	vor.u32 $0x2, v2;
	v8 =	vmul.f32 v8, v4;
	v7 =	vmul.f32 v7, v5  }
0x5e5: {  	v11 =	vor.u32 $0x3, v2;
	v9 =	vmul.f32 v9, v4;
	v6 =	vmul.f32 v6, v5  }
0x5e6: {  	v12 =	vor.u32 $0x2, v1;
	v8 =	vcvt.f32.hf16 v8;
	v7 =	vcvt.f32.hf16 v7  }
0x5e7: {  	v9 =	vcvt.f32.hf16 v9;
	v6 =	vcvt.f32.hf16 v6  }
0x5e8: {  	v7 =	vpack.c.b32.b16 v8, v7  }
0x5e9: {  	v6 =	vpack.c.b32.b16 v9, v6  }
0x5ea: {  	[tilespmem:v10+s25+$0x0] =	vst.idx.msk $0xffff, v7  }
0x5eb: {  	[tilespmem:v11+s25+$0x0] =	vst.idx.msk $0xffff, v6  }
0x5ec: {  	v6 =	vld.idx.msk [tilespmem:v12+s24+$0x0], $0xffff;
	_ =	sdelay $0x5  }
0x5ed: {  	v6 =	vxor.u32 $0x80808080, v6  }
0x5ee: {  	v7 =	vand.u32 $0xFF, v6;
	v8 =	vshll.u32 v6, $0x8;
	v9 =	vshrl.u32 v6, $0x10  }
0x5ef: {  	v6 =	vshrl.u32 v6, $0x8;
	v8 =	vand.u32 $0xFF0000, v8;
	v9 =	vand.u32 $0xFF, v9  }
0x5f0: {  	v6 =	vand.u32 $0xFF0000, v6;
	v7 =	vor.u32 v7, v8  }
0x5f1: {  	v6 =	vor.u32 v6, v9;
	v8 =	vunpack.c.u.s16.s32 v7;
	v7 =	vunpack.c.l.s16.s32 v7  }
0x5f2: {  	v9 =	vunpack.c.u.s16.s32 v6;
	v6 =	vunpack.c.l.s16.s32 v6  }
0x5f3: {  	v7 =	vcvt.s32.f32 v7;
	v8 =	vcvt.s32.f32 v8  }
0x5f4: {  	v6 =	vcvt.s32.f32 v6;
	v9 =	vcvt.s32.f32 v9  }
0x5f5: {  	v8 =	vadd.f32 $-1.280000000e+02, v8;
	v7 =	vadd.f32 $-1.280000000e+02, v7  }
0x5f6: {  	v9 =	vadd.f32 $-1.280000000e+02, v9;
	v6 =	vadd.f32 $-1.280000000e+02, v6  }
0x5f7: {  	v10 =	vor.u32 $0x4, v2;
	v8 =	vmul.f32 v8, v4;
	v7 =	vmul.f32 v7, v5  }
0x5f8: {  	v11 =	vor.u32 $0x5, v2;
	v9 =	vmul.f32 v9, v4;
	v6 =	vmul.f32 v6, v5  }
0x5f9: {  	v12 =	vor.u32 $0x3, v1;
	v8 =	vcvt.f32.hf16 v8;
	v7 =	vcvt.f32.hf16 v7  }
0x5fa: {  	v9 =	vcvt.f32.hf16 v9;
	v6 =	vcvt.f32.hf16 v6  }
0x5fb: {  	v7 =	vpack.c.b32.b16 v8, v7  }
0x5fc: {  	v6 =	vpack.c.b32.b16 v9, v6  }
0x5fd: {  	[tilespmem:v10+s25+$0x0] =	vst.idx.msk $0xffff, v7  }
0x5fe: {  	[tilespmem:v11+s25+$0x0] =	vst.idx.msk $0xffff, v6  }
0x5ff: {  	v6 =	vld.idx.msk [tilespmem:v12+s24+$0x0], $0xffff;
	_ =	sdelay $0x5  }
0x600: {  	v6 =	vxor.u32 $0x80808080, v6  }
0x601: {  	v7 =	vand.u32 $0xFF, v6;
	v8 =	vshll.u32 v6, $0x8;
	v9 =	vshrl.u32 v6, $0x10  }
0x602: {  	v6 =	vshrl.u32 v6, $0x8;
	v8 =	vand.u32 $0xFF0000, v8;
	v9 =	vand.u32 $0xFF, v9  }
0x603: {  	v6 =	vand.u32 $0xFF0000, v6;
	v7 =	vor.u32 v7, v8  }
0x604: {  	v6 =	vor.u32 v6, v9;
	v8 =	vunpack.c.u.s16.s32 v7;
	v7 =	vunpack.c.l.s16.s32 v7  }
0x605: {  	v9 =	vunpack.c.u.s16.s32 v6;
	v6 =	vunpack.c.l.s16.s32 v6  }
0x606: {  	v7 =	vcvt.s32.f32 v7;
	v8 =	vcvt.s32.f32 v8  }
0x607: {  	v6 =	vcvt.s32.f32 v6;
	v9 =	vcvt.s32.f32 v9  }
0x608: {  	v8 =	vadd.f32 $-1.280000000e+02, v8;
	v7 =	vadd.f32 $-1.280000000e+02, v7  }
0x609: {  	v9 =	vadd.f32 $-1.280000000e+02, v9;
	v6 =	vadd.f32 $-1.280000000e+02, v6  }
0x60a: {  	v10 =	vor.u32 $0x6, v2;
	v8 =	vmul.f32 v8, v4;
	v7 =	vmul.f32 v7, v5  }
0x60b: {  	v11 =	vor.u32 $0x7, v2;
	v9 =	vmul.f32 v9, v4;
	v6 =	vmul.f32 v6, v5  }
0x60c: {  	v12 =	vor.u32 $0x4, v1;
	v8 =	vcvt.f32.hf16 v8;
	v7 =	vcvt.f32.hf16 v7  }
0x60d: {  	v9 =	vcvt.f32.hf16 v9;
	v6 =	vcvt.f32.hf16 v6  }
0x60e: {  	v7 =	vpack.c.b32.b16 v8, v7  }
0x60f: {  	v6 =	vpack.c.b32.b16 v9, v6  }
0x610: {  	[tilespmem:v10+s25+$0x0] =	vst.idx.msk $0xffff, v7  }
0x611: {  	[tilespmem:v11+s25+$0x0] =	vst.idx.msk $0xffff, v6  }
0x612: {  	v6 =	vld.idx.msk [tilespmem:v12+s24+$0x0], $0xffff;
	_ =	sdelay $0x5  }
0x613: {  	v6 =	vxor.u32 $0x80808080, v6  }
0x614: {  	v7 =	vand.u32 $0xFF, v6;
	v8 =	vshll.u32 v6, $0x8;
	v9 =	vshrl.u32 v6, $0x10  }
0x615: {  	v6 =	vshrl.u32 v6, $0x8;
	v8 =	vand.u32 $0xFF0000, v8;
	v9 =	vand.u32 $0xFF, v9  }
0x616: {  	v6 =	vand.u32 $0xFF0000, v6;
	v7 =	vor.u32 v7, v8  }
0x617: {  	v6 =	vor.u32 v6, v9;
	v8 =	vunpack.c.u.s16.s32 v7;
	v7 =	vunpack.c.l.s16.s32 v7  }
0x618: {  	v9 =	vunpack.c.u.s16.s32 v6;
	v6 =	vunpack.c.l.s16.s32 v6  }
0x619: {  	v7 =	vcvt.s32.f32 v7;
	v8 =	vcvt.s32.f32 v8  }
0x61a: {  	v6 =	vcvt.s32.f32 v6;
	v9 =	vcvt.s32.f32 v9  }
0x61b: {  	v8 =	vadd.f32 $-1.280000000e+02, v8;
	v7 =	vadd.f32 $-1.280000000e+02, v7  }
0x61c: {  	v9 =	vadd.f32 $-1.280000000e+02, v9;
	v6 =	vadd.f32 $-1.280000000e+02, v6  }
0x61d: {  	v10 =	vor.u32 $0x8, v2;
	v8 =	vmul.f32 v8, v4;
	v7 =	vmul.f32 v7, v5  }
0x61e: {  	v11 =	vor.u32 $0x9, v2;
	v9 =	vmul.f32 v9, v4;
	v6 =	vmul.f32 v6, v5  }
0x61f: {  	v12 =	vor.u32 $0x5, v1;
	v8 =	vcvt.f32.hf16 v8;
	v7 =	vcvt.f32.hf16 v7  }
0x620: {  	v9 =	vcvt.f32.hf16 v9;
	v6 =	vcvt.f32.hf16 v6  }
0x621: {  	v7 =	vpack.c.b32.b16 v8, v7  }
0x622: {  	v6 =	vpack.c.b32.b16 v9, v6  }
0x623: {  	[tilespmem:v10+s25+$0x0] =	vst.idx.msk $0xffff, v7  }
0x624: {  	[tilespmem:v11+s25+$0x0] =	vst.idx.msk $0xffff, v6  }
0x625: {  	v6 =	vld.idx.msk [tilespmem:v12+s24+$0x0], $0xffff;
	_ =	sdelay $0x5  }
0x626: {  	v6 =	vxor.u32 $0x80808080, v6  }
0x627: {  	v7 =	vand.u32 $0xFF, v6;
	v8 =	vshll.u32 v6, $0x8;
	v9 =	vshrl.u32 v6, $0x10  }
0x628: {  	v6 =	vshrl.u32 v6, $0x8;
	v8 =	vand.u32 $0xFF0000, v8;
	v9 =	vand.u32 $0xFF, v9  }
0x629: {  	v6 =	vand.u32 $0xFF0000, v6;
	v7 =	vor.u32 v7, v8  }
0x62a: {  	v6 =	vor.u32 v6, v9;
	v8 =	vunpack.c.u.s16.s32 v7;
	v7 =	vunpack.c.l.s16.s32 v7  }
0x62b: {  	v9 =	vunpack.c.u.s16.s32 v6;
	v6 =	vunpack.c.l.s16.s32 v6  }
0x62c: {  	v7 =	vcvt.s32.f32 v7;
	v8 =	vcvt.s32.f32 v8  }
0x62d: {  	v6 =	vcvt.s32.f32 v6;
	v9 =	vcvt.s32.f32 v9  }
0x62e: {  	v8 =	vadd.f32 $-1.280000000e+02, v8;
	v7 =	vadd.f32 $-1.280000000e+02, v7  }
0x62f: {  	v9 =	vadd.f32 $-1.280000000e+02, v9;
	v6 =	vadd.f32 $-1.280000000e+02, v6  }
0x630: {  	v10 =	vor.u32 $0xA, v2;
	v8 =	vmul.f32 v8, v4;
	v7 =	vmul.f32 v7, v5  }
0x631: {  	v11 =	vor.u32 $0xB, v2;
	v9 =	vmul.f32 v9, v4;
	v6 =	vmul.f32 v6, v5  }
0x632: {  	v12 =	vor.u32 $0x6, v1;
	v8 =	vcvt.f32.hf16 v8;
	v7 =	vcvt.f32.hf16 v7  }
0x633: {  	v9 =	vcvt.f32.hf16 v9;
	v6 =	vcvt.f32.hf16 v6  }
0x634: {  	v7 =	vpack.c.b32.b16 v8, v7  }
0x635: {  	v6 =	vpack.c.b32.b16 v9, v6  }
0x636: {  	[tilespmem:v10+s25+$0x0] =	vst.idx.msk $0xffff, v7  }
0x637: {  	[tilespmem:v11+s25+$0x0] =	vst.idx.msk $0xffff, v6  }
0x638: {  	v6 =	vld.idx.msk [tilespmem:v12+s24+$0x0], $0xffff;
	_ =	sdelay $0x5  }
0x639: {  	v6 =	vxor.u32 $0x80808080, v6  }
0x63a: {  	v7 =	vand.u32 $0xFF, v6;
	v8 =	vshll.u32 v6, $0x8;
	v9 =	vshrl.u32 v6, $0x10  }
0x63b: {  	v6 =	vshrl.u32 v6, $0x8;
	v8 =	vand.u32 $0xFF0000, v8;
	v9 =	vand.u32 $0xFF, v9  }
0x63c: {  	v6 =	vand.u32 $0xFF0000, v6;
	v7 =	vor.u32 v7, v8  }
0x63d: {  	v6 =	vor.u32 v6, v9;
	v8 =	vunpack.c.u.s16.s32 v7;
	v7 =	vunpack.c.l.s16.s32 v7  }
0x63e: {  	v9 =	vunpack.c.u.s16.s32 v6;
	v6 =	vunpack.c.l.s16.s32 v6  }
0x63f: {  	v7 =	vcvt.s32.f32 v7;
	v8 =	vcvt.s32.f32 v8  }
0x640: {  	v6 =	vcvt.s32.f32 v6;
	v9 =	vcvt.s32.f32 v9  }
0x641: {  	v8 =	vadd.f32 $-1.280000000e+02, v8;
	v7 =	vadd.f32 $-1.280000000e+02, v7  }
0x642: {  	v9 =	vadd.f32 $-1.280000000e+02, v9;
	v6 =	vadd.f32 $-1.280000000e+02, v6  }
0x643: {  	v10 =	vor.u32 $0xC, v2;
	v8 =	vmul.f32 v8, v4;
	v7 =	vmul.f32 v7, v5  }
0x644: {  	v11 =	vor.u32 $0xD, v2;
	v9 =	vmul.f32 v9, v4;
	v6 =	vmul.f32 v6, v5  }
0x645: {  	v12 =	vor.u32 $0x7, v1;
	v8 =	vcvt.f32.hf16 v8;
	v7 =	vcvt.f32.hf16 v7  }
0x646: {  	v9 =	vcvt.f32.hf16 v9;
	v6 =	vcvt.f32.hf16 v6  }
0x647: {  	v7 =	vpack.c.b32.b16 v8, v7  }
0x648: {  	v6 =	vpack.c.b32.b16 v9, v6  }
0x649: {  	[tilespmem:v10+s25+$0x0] =	vst.idx.msk $0xffff, v7  }
0x64a: {  	[tilespmem:v11+s25+$0x0] =	vst.idx.msk $0xffff, v6  }
0x64b: {  	v6 =	vld.idx.msk [tilespmem:v12+s24+$0x0], $0xffff;
	_ =	sdelay $0x5  }
0x64c: {  	v6 =	vxor.u32 $0x80808080, v6  }
0x64d: {  	v7 =	vand.u32 $0xFF, v6;
	v8 =	vshll.u32 v6, $0x8;
	v9 =	vshrl.u32 v6, $0x10  }
0x64e: {  	v6 =	vshrl.u32 v6, $0x8;
	v8 =	vand.u32 $0xFF0000, v8;
	v9 =	vand.u32 $0xFF, v9  }
0x64f: {  	v6 =	vand.u32 $0xFF0000, v6;
	v7 =	vor.u32 v7, v8  }
0x650: {  	v6 =	vor.u32 v6, v9;
	v8 =	vunpack.c.u.s16.s32 v7;
	v7 =	vunpack.c.l.s16.s32 v7  }
0x651: {  	v9 =	vunpack.c.u.s16.s32 v6;
	v6 =	vunpack.c.l.s16.s32 v6  }
0x652: {  	v7 =	vcvt.s32.f32 v7;
	v8 =	vcvt.s32.f32 v8  }
0x653: {  	v6 =	vcvt.s32.f32 v6;
	v9 =	vcvt.s32.f32 v9  }
0x654: {  	v8 =	vadd.f32 $-1.280000000e+02, v8;
	v7 =	vadd.f32 $-1.280000000e+02, v7  }
0x655: {  	v9 =	vadd.f32 $-1.280000000e+02, v9;
	v6 =	vadd.f32 $-1.280000000e+02, v6  }
0x656: {  	v10 =	vor.u32 $0xE, v2;
	v8 =	vmul.f32 v8, v4;
	v7 =	vmul.f32 v7, v5  }
0x657: {  	v4 =	vmul.f32 v9, v4;
	v5 =	vmul.f32 v6, v5;
	v6 =	vor.u32 $0xF, v2  }
0x658: {  	v9 =	vor.u32 $0x8, v1;
	v8 =	vcvt.f32.hf16 v8;
	v7 =	vcvt.f32.hf16 v7  }
0x659: {  	v4 =	vcvt.f32.hf16 v4;
	v5 =	vcvt.f32.hf16 v5  }
0x65a: {  	v7 =	vpack.c.b32.b16 v8, v7  }
0x65b: {  	v4 =	vpack.c.b32.b16 v4, v5  }
0x65c: {  	[tilespmem:v10+s25+$0x0] =	vst.idx.msk $0xffff, v7  }
0x65d: {  	[tilespmem:v6+s25+$0x0] =	vst.idx.msk $0xffff, v4  }
0x65e: {  	v4 =	vld.idx.msk [tilespmem:v9+s24+$0x0], $0xffff;
	_ =	sdelay $0x5  }
0x65f: {  	v4 =	vxor.u32 $0x80808080, v4  }
0x660: {  	v5 =	vand.u32 $0xFF, v4;
	v6 =	vshll.u32 v4, $0x8;
	v7 =	vshrl.u32 v4, $0x10  }
0x661: {  	v4 =	vshrl.u32 v4, $0x8;
	v6 =	vand.u32 $0xFF0000, v6;
	v7 =	vand.u32 $0xFF, v7  }
0x662: {  	v4 =	vand.u32 $0xFF0000, v4;
	v5 =	vor.u32 v5, v6  }
0x663: {  	v4 =	vor.u32 v4, v7;
	v6 =	vunpack.c.u.s16.s32 v5;
	v5 =	vunpack.c.l.s16.s32 v5  }
0x664: {  	v7 =	vunpack.c.u.s16.s32 v4;
	v8 =	vunpack.c.l.s16.s32 v4  }
0x665: {  	v4 =	vunpack.c.l.hf16.f32 v3;
	v5 =	vcvt.s32.f32 v5;
	v6 =	vcvt.s32.f32 v6  }
0x666: {  	v3 =	vunpack.c.u.hf16.f32 v3;
	v8 =	vcvt.s32.f32 v8;
	v7 =	vcvt.s32.f32 v7  }
0x667: {  	v6 =	vadd.f32 $-1.280000000e+02, v6;
	v5 =	vadd.f32 $-1.280000000e+02, v5  }
0x668: {  	v7 =	vadd.f32 $-1.280000000e+02, v7;
	v8 =	vadd.f32 $-1.280000000e+02, v8  }
0x669: {  	v9 =	vor.u32 $0x10, v2;
	v6 =	vmul.f32 v3, v6;
	v5 =	vmul.f32 v4, v5  }
0x66a: {  	v10 =	vor.u32 $0x11, v2;
	v7 =	vmul.f32 v7, v3;
	v8 =	vmul.f32 v8, v4  }
0x66b: {  	v11 =	vor.u32 $0x9, v1;
	v6 =	vcvt.f32.hf16 v6;
	v5 =	vcvt.f32.hf16 v5  }
0x66c: {  	v7 =	vcvt.f32.hf16 v7;
	v8 =	vcvt.f32.hf16 v8  }
0x66d: {  	v5 =	vpack.c.b32.b16 v6, v5  }
0x66e: {  	v6 =	vpack.c.b32.b16 v7, v8  }
0x66f: {  	[tilespmem:v9+s25+$0x0] =	vst.idx.msk $0xffff, v5  }
0x670: {  	[tilespmem:v10+s25+$0x0] =	vst.idx.msk $0xffff, v6  }
0x671: {  	v5 =	vld.idx.msk [tilespmem:v11+s24+$0x0], $0xffff;
	_ =	sdelay $0x5  }
0x672: {  	v5 =	vxor.u32 $0x80808080, v5  }
0x673: {  	v6 =	vand.u32 $0xFF, v5;
	v7 =	vshll.u32 v5, $0x8;
	v8 =	vshrl.u32 v5, $0x10  }
0x674: {  	v5 =	vshrl.u32 v5, $0x8;
	v7 =	vand.u32 $0xFF0000, v7;
	v8 =	vand.u32 $0xFF, v8  }
0x675: {  	v5 =	vand.u32 $0xFF0000, v5;
	v6 =	vor.u32 v6, v7  }
0x676: {  	v5 =	vor.u32 v5, v8;
	v7 =	vunpack.c.u.s16.s32 v6;
	v6 =	vunpack.c.l.s16.s32 v6  }
0x677: {  	v8 =	vunpack.c.u.s16.s32 v5;
	v5 =	vunpack.c.l.s16.s32 v5  }
0x678: {  	v6 =	vcvt.s32.f32 v6;
	v7 =	vcvt.s32.f32 v7  }
0x679: {  	v5 =	vcvt.s32.f32 v5;
	v8 =	vcvt.s32.f32 v8  }
0x67a: {  	v7 =	vadd.f32 $-1.280000000e+02, v7;
	v6 =	vadd.f32 $-1.280000000e+02, v6  }
0x67b: {  	v8 =	vadd.f32 $-1.280000000e+02, v8;
	v5 =	vadd.f32 $-1.280000000e+02, v5  }
0x67c: {  	v9 =	vor.u32 $0x12, v2;
	v7 =	vmul.f32 v7, v3;
	v6 =	vmul.f32 v6, v4  }
0x67d: {  	v10 =	vor.u32 $0x13, v2;
	v8 =	vmul.f32 v8, v3;
	v5 =	vmul.f32 v5, v4  }
0x67e: {  	v11 =	vor.u32 $0xA, v1;
	v7 =	vcvt.f32.hf16 v7;
	v6 =	vcvt.f32.hf16 v6  }
0x67f: {  	v8 =	vcvt.f32.hf16 v8;
	v5 =	vcvt.f32.hf16 v5  }
0x680: {  	v6 =	vpack.c.b32.b16 v7, v6  }
0x681: {  	v5 =	vpack.c.b32.b16 v8, v5  }
0x682: {  	[tilespmem:v9+s25+$0x0] =	vst.idx.msk $0xffff, v6  }
0x683: {  	[tilespmem:v10+s25+$0x0] =	vst.idx.msk $0xffff, v5  }
0x684: {  	v5 =	vld.idx.msk [tilespmem:v11+s24+$0x0], $0xffff;
	_ =	sdelay $0x5  }
0x685: {  	v5 =	vxor.u32 $0x80808080, v5  }
0x686: {  	v6 =	vand.u32 $0xFF, v5;
	v7 =	vshll.u32 v5, $0x8;
	v8 =	vshrl.u32 v5, $0x10  }
0x687: {  	v5 =	vshrl.u32 v5, $0x8;
	v7 =	vand.u32 $0xFF0000, v7;
	v8 =	vand.u32 $0xFF, v8  }
0x688: {  	v5 =	vand.u32 $0xFF0000, v5;
	v6 =	vor.u32 v6, v7  }
0x689: {  	v5 =	vor.u32 v5, v8;
	v7 =	vunpack.c.u.s16.s32 v6;
	v6 =	vunpack.c.l.s16.s32 v6  }
0x68a: {  	v8 =	vunpack.c.u.s16.s32 v5;
	v5 =	vunpack.c.l.s16.s32 v5  }
0x68b: {  	v6 =	vcvt.s32.f32 v6;
	v7 =	vcvt.s32.f32 v7  }
0x68c: {  	v5 =	vcvt.s32.f32 v5;
	v8 =	vcvt.s32.f32 v8  }
0x68d: {  	v7 =	vadd.f32 $-1.280000000e+02, v7;
	v6 =	vadd.f32 $-1.280000000e+02, v6  }
0x68e: {  	v8 =	vadd.f32 $-1.280000000e+02, v8;
	v5 =	vadd.f32 $-1.280000000e+02, v5  }
0x68f: {  	v9 =	vor.u32 $0x14, v2;
	v7 =	vmul.f32 v7, v3;
	v6 =	vmul.f32 v6, v4  }
0x690: {  	v10 =	vor.u32 $0x15, v2;
	v8 =	vmul.f32 v8, v3;
	v5 =	vmul.f32 v5, v4  }
0x691: {  	v11 =	vor.u32 $0xB, v1;
	v7 =	vcvt.f32.hf16 v7;
	v6 =	vcvt.f32.hf16 v6  }
0x692: {  	v8 =	vcvt.f32.hf16 v8;
	v5 =	vcvt.f32.hf16 v5  }
0x693: {  	v6 =	vpack.c.b32.b16 v7, v6  }
0x694: {  	v5 =	vpack.c.b32.b16 v8, v5  }
0x695: {  	[tilespmem:v9+s25+$0x0] =	vst.idx.msk $0xffff, v6  }
0x696: {  	[tilespmem:v10+s25+$0x0] =	vst.idx.msk $0xffff, v5  }
0x697: {  	v5 =	vld.idx.msk [tilespmem:v11+s24+$0x0], $0xffff;
	_ =	sdelay $0x5  }
0x698: {  	v5 =	vxor.u32 $0x80808080, v5  }
0x699: {  	v6 =	vand.u32 $0xFF, v5;
	v7 =	vshll.u32 v5, $0x8;
	v8 =	vshrl.u32 v5, $0x10  }
0x69a: {  	v5 =	vshrl.u32 v5, $0x8;
	v7 =	vand.u32 $0xFF0000, v7;
	v8 =	vand.u32 $0xFF, v8  }
0x69b: {  	v5 =	vand.u32 $0xFF0000, v5;
	v6 =	vor.u32 v6, v7  }
0x69c: {  	v5 =	vor.u32 v5, v8;
	v7 =	vunpack.c.u.s16.s32 v6;
	v6 =	vunpack.c.l.s16.s32 v6  }
0x69d: {  	v8 =	vunpack.c.u.s16.s32 v5;
	v5 =	vunpack.c.l.s16.s32 v5  }
0x69e: {  	v6 =	vcvt.s32.f32 v6;
	v7 =	vcvt.s32.f32 v7  }
0x69f: {  	v5 =	vcvt.s32.f32 v5;
	v8 =	vcvt.s32.f32 v8  }
0x6a0: {  	v7 =	vadd.f32 $-1.280000000e+02, v7;
	v6 =	vadd.f32 $-1.280000000e+02, v6  }
0x6a1: {  	v8 =	vadd.f32 $-1.280000000e+02, v8;
	v5 =	vadd.f32 $-1.280000000e+02, v5  }
0x6a2: {  	v9 =	vor.u32 $0x16, v2;
	v7 =	vmul.f32 v7, v3;
	v6 =	vmul.f32 v6, v4  }
0x6a3: {  	v10 =	vor.u32 $0x17, v2;
	v8 =	vmul.f32 v8, v3;
	v5 =	vmul.f32 v5, v4  }
0x6a4: {  	v11 =	vor.u32 $0xC, v1;
	v7 =	vcvt.f32.hf16 v7;
	v6 =	vcvt.f32.hf16 v6  }
0x6a5: {  	v8 =	vcvt.f32.hf16 v8;
	v5 =	vcvt.f32.hf16 v5  }
0x6a6: {  	v6 =	vpack.c.b32.b16 v7, v6  }
0x6a7: {  	v5 =	vpack.c.b32.b16 v8, v5  }
0x6a8: {  	[tilespmem:v9+s25+$0x0] =	vst.idx.msk $0xffff, v6  }
0x6a9: {  	[tilespmem:v10+s25+$0x0] =	vst.idx.msk $0xffff, v5  }
0x6aa: {  	v5 =	vld.idx.msk [tilespmem:v11+s24+$0x0], $0xffff;
	_ =	sdelay $0x5  }
0x6ab: {  	v5 =	vxor.u32 $0x80808080, v5  }
0x6ac: {  	v6 =	vand.u32 $0xFF, v5;
	v7 =	vshll.u32 v5, $0x8;
	v8 =	vshrl.u32 v5, $0x10  }
0x6ad: {  	v5 =	vshrl.u32 v5, $0x8;
	v7 =	vand.u32 $0xFF0000, v7;
	v8 =	vand.u32 $0xFF, v8  }
0x6ae: {  	v5 =	vand.u32 $0xFF0000, v5;
	v6 =	vor.u32 v6, v7  }
0x6af: {  	v5 =	vor.u32 v5, v8;
	v7 =	vunpack.c.u.s16.s32 v6;
	v6 =	vunpack.c.l.s16.s32 v6  }
0x6b0: {  	v8 =	vunpack.c.u.s16.s32 v5;
	v5 =	vunpack.c.l.s16.s32 v5  }
0x6b1: {  	v6 =	vcvt.s32.f32 v6;
	v7 =	vcvt.s32.f32 v7  }
0x6b2: {  	v5 =	vcvt.s32.f32 v5;
	v8 =	vcvt.s32.f32 v8  }
0x6b3: {  	v7 =	vadd.f32 $-1.280000000e+02, v7;
	v6 =	vadd.f32 $-1.280000000e+02, v6  }
0x6b4: {  	v8 =	vadd.f32 $-1.280000000e+02, v8;
	v5 =	vadd.f32 $-1.280000000e+02, v5  }
0x6b5: {  	v9 =	vor.u32 $0x18, v2;
	v7 =	vmul.f32 v7, v3;
	v6 =	vmul.f32 v6, v4  }
0x6b6: {  	v10 =	vor.u32 $0x19, v2;
	v8 =	vmul.f32 v8, v3;
	v5 =	vmul.f32 v5, v4  }
0x6b7: {  	v11 =	vor.u32 $0xD, v1;
	v7 =	vcvt.f32.hf16 v7;
	v6 =	vcvt.f32.hf16 v6  }
0x6b8: {  	v8 =	vcvt.f32.hf16 v8;
	v5 =	vcvt.f32.hf16 v5  }
0x6b9: {  	v6 =	vpack.c.b32.b16 v7, v6  }
0x6ba: {  	v5 =	vpack.c.b32.b16 v8, v5  }
0x6bb: {  	[tilespmem:v9+s25+$0x0] =	vst.idx.msk $0xffff, v6  }
0x6bc: {  	[tilespmem:v10+s25+$0x0] =	vst.idx.msk $0xffff, v5  }
0x6bd: {  	v5 =	vld.idx.msk [tilespmem:v11+s24+$0x0], $0xffff;
	_ =	sdelay $0x5  }
0x6be: {  	v5 =	vxor.u32 $0x80808080, v5  }
0x6bf: {  	v6 =	vand.u32 $0xFF, v5;
	v7 =	vshll.u32 v5, $0x8;
	v8 =	vshrl.u32 v5, $0x10  }
0x6c0: {  	v5 =	vshrl.u32 v5, $0x8;
	v7 =	vand.u32 $0xFF0000, v7;
	v8 =	vand.u32 $0xFF, v8  }
0x6c1: {  	v5 =	vand.u32 $0xFF0000, v5;
	v6 =	vor.u32 v6, v7  }
0x6c2: {  	v5 =	vor.u32 v5, v8;
	v7 =	vunpack.c.u.s16.s32 v6;
	v6 =	vunpack.c.l.s16.s32 v6  }
0x6c3: {  	v8 =	vunpack.c.u.s16.s32 v5;
	v5 =	vunpack.c.l.s16.s32 v5  }
0x6c4: {  	v6 =	vcvt.s32.f32 v6;
	v7 =	vcvt.s32.f32 v7  }
0x6c5: {  	v5 =	vcvt.s32.f32 v5;
	v8 =	vcvt.s32.f32 v8  }
0x6c6: {  	v7 =	vadd.f32 $-1.280000000e+02, v7;
	v6 =	vadd.f32 $-1.280000000e+02, v6  }
0x6c7: {  	v8 =	vadd.f32 $-1.280000000e+02, v8;
	v5 =	vadd.f32 $-1.280000000e+02, v5  }
0x6c8: {  	v9 =	vor.u32 $0x1A, v2;
	v7 =	vmul.f32 v7, v3;
	v6 =	vmul.f32 v6, v4  }
0x6c9: {  	v10 =	vor.u32 $0x1B, v2;
	v8 =	vmul.f32 v8, v3;
	v5 =	vmul.f32 v5, v4  }
0x6ca: {  	v11 =	vor.u32 $0xE, v1;
	v7 =	vcvt.f32.hf16 v7;
	v6 =	vcvt.f32.hf16 v6  }
0x6cb: {  	v8 =	vcvt.f32.hf16 v8;
	v5 =	vcvt.f32.hf16 v5  }
0x6cc: {  	v6 =	vpack.c.b32.b16 v7, v6  }
0x6cd: {  	v5 =	vpack.c.b32.b16 v8, v5  }
0x6ce: {  	[tilespmem:v9+s25+$0x0] =	vst.idx.msk $0xffff, v6  }
0x6cf: {  	[tilespmem:v10+s25+$0x0] =	vst.idx.msk $0xffff, v5  }
0x6d0: {  	v5 =	vld.idx.msk [tilespmem:v11+s24+$0x0], $0xffff;
	_ =	sdelay $0x5  }
0x6d1: {  	v5 =	vxor.u32 $0x80808080, v5  }
0x6d2: {  	v6 =	vand.u32 $0xFF, v5;
	v7 =	vshll.u32 v5, $0x8;
	v8 =	vshrl.u32 v5, $0x10  }
0x6d3: {  	v5 =	vshrl.u32 v5, $0x8;
	v7 =	vand.u32 $0xFF0000, v7;
	v8 =	vand.u32 $0xFF, v8  }
0x6d4: {  	v5 =	vand.u32 $0xFF0000, v5;
	v6 =	vor.u32 v6, v7  }
0x6d5: {  	v5 =	vor.u32 v5, v8;
	v7 =	vunpack.c.u.s16.s32 v6;
	v6 =	vunpack.c.l.s16.s32 v6  }
0x6d6: {  	v8 =	vunpack.c.u.s16.s32 v5;
	v5 =	vunpack.c.l.s16.s32 v5  }
0x6d7: {  	v6 =	vcvt.s32.f32 v6;
	v7 =	vcvt.s32.f32 v7  }
0x6d8: {  	v5 =	vcvt.s32.f32 v5;
	v8 =	vcvt.s32.f32 v8  }
0x6d9: {  	v7 =	vadd.f32 $-1.280000000e+02, v7;
	v6 =	vadd.f32 $-1.280000000e+02, v6  }
0x6da: {  	v8 =	vadd.f32 $-1.280000000e+02, v8;
	v5 =	vadd.f32 $-1.280000000e+02, v5  }
0x6db: {  	v9 =	vor.u32 $0x1C, v2;
	v7 =	vmul.f32 v7, v3;
	v6 =	vmul.f32 v6, v4  }
0x6dc: {  	v10 =	vor.u32 $0x1D, v2;
	v8 =	vmul.f32 v8, v3;
	v5 =	vmul.f32 v5, v4  }
0x6dd: {  	v1 =	vor.u32 $0xF, v1;
	v7 =	vcvt.f32.hf16 v7;
	v6 =	vcvt.f32.hf16 v6  }
0x6de: {  	v8 =	vcvt.f32.hf16 v8;
	v5 =	vcvt.f32.hf16 v5  }
0x6df: {  	v6 =	vpack.c.b32.b16 v7, v6  }
0x6e0: {  	v5 =	vpack.c.b32.b16 v8, v5  }
0x6e1: {  	[tilespmem:v9+s25+$0x0] =	vst.idx.msk $0xffff, v6  }
0x6e2: {  	[tilespmem:v10+s25+$0x0] =	vst.idx.msk $0xffff, v5  }
0x6e3: {  	v1 =	vld.idx.msk [tilespmem:v1+s24+$0x0], $0xffff;
	_ =	sdelay $0x5  }
0x6e4: {  	v1 =	vxor.u32 $0x80808080, v1  }
0x6e5: {  	v5 =	vand.u32 $0xFF, v1;
	v6 =	vshll.u32 v1, $0x8;
	v7 =	vshrl.u32 v1, $0x10  }
0x6e6: {  	v1 =	vshrl.u32 v1, $0x8;
	v6 =	vand.u32 $0xFF0000, v6;
	v7 =	vand.u32 $0xFF, v7  }
0x6e7: {  	v1 =	vand.u32 $0xFF0000, v1;
	v5 =	vor.u32 v5, v6  }
0x6e8: {  	v1 =	vor.u32 v1, v7;
	v6 =	vunpack.c.u.s16.s32 v5;
	v5 =	vunpack.c.l.s16.s32 v5  }
0x6e9: {  	v7 =	vunpack.c.u.s16.s32 v1;
	v1 =	vunpack.c.l.s16.s32 v1  }
0x6ea: {  	v5 =	vcvt.s32.f32 v5;
	v6 =	vcvt.s32.f32 v6  }
0x6eb: {  	v1 =	vcvt.s32.f32 v1;
	v7 =	vcvt.s32.f32 v7  }
0x6ec: {  	v6 =	vadd.f32 $-1.280000000e+02, v6;
	v5 =	vadd.f32 $-1.280000000e+02, v5  }
0x6ed: {  	v7 =	vadd.f32 $-1.280000000e+02, v7;
	v1 =	vadd.f32 $-1.280000000e+02, v1  }
0x6ee: {  	v6 =	vmul.f32 v6, v3;
	v8 =	vmul.f32 v5, v4;
	v5 =	vor.u32 $0x1E, v2  }
.Ltmp7:
0x6ef: {  	v7 =	vmul.f32 v7, v3;
	v4 =	vmul.f32 v1, v4;
	v3 =	vor.u32 $0x1F, v2;
	(pc) =	sbr.rel @p0 .LBB2_8-.Ltmp7, $4  }
0x6f0: {  	v2 =	vor.u32 s20, v0;
	v6 =	vcvt.f32.hf16 v6;
	v8 =	vcvt.f32.hf16 v8  }
0x6f1: {  	v1 =	vshll.u32 v2, $0x4;
	v7 =	vcvt.f32.hf16 v7;
	v4 =	vcvt.f32.hf16 v4  }
0x6f2: {  	v6 =	vpack.c.b32.b16 v6, v8  }
0x6f3: {  	v4 =	vpack.c.b32.b16 v7, v4  }
0x6f4: {  	_ =	sdelay $0x3  }
0x6f5: {  	[tilespmem:v5+s25+$0x0] =	vst.idx.msk $0xffff, v6  }
0x6f6: {  	[tilespmem:v3+s25+$0x0] =	vst.idx.msk $0xffff, v4  }
0x6f7: {  	v3 =	vld.idx.msk [tilespmem:v1+s24+$0x0], $0xffff;
	_ =	sdelay $0x4  }
0x6f8: {  	s15 =	sadd.s32 $0x10, s15;
	v12 =	vxor.u32 $0x80808080, v3  }
0x6f9: {  	v3 =	vld [tilespmem:s15+$0x0];
	v13 =	vshll.u32 v12, $0x8  }
0x6fa: {  	v14 =	vshrl.u32 v12, $0x10;
	v7 =	vshrl.u32 v12, $0x8;
	v4 =	vand.u32 $0xFF, v12  }
0x6fb: {  	v5 =	vand.u32 $0xFF0000, v13;
	v6 =	vand.u32 $0xFF, v14;
	v15 =	vand.u32 $0xFF0000, v7  }
0x6fc: {  	v4 =	vor.u32 v4, v5;
	v5 =	vor.u32 v15, v6  }
0x6fd: {  	v16 =	vunpack.c.u.s16.s32 v4;
	v4 =	vunpack.c.l.s16.s32 v4;
	v17 =	vunpack.c.l.s16.s32 v5  }
0x6fe: {  	v5 =	vunpack.c.u.s16.s32 v5;
	v8 =	vand.u32 $0xFFFF, v3;
	v9 =	vshll.u32 v3, $0x10  }
0x6ff: {  	v6 =	vcvt.s32.f32 v16;
	v4 =	vcvt.s32.f32 v4;
	v18 =	vor.u32 v9, v8  }
0x700: {  	v7 =	vcvt.s32.f32 v17;
	v10 =	vcvt.s32.f32 v5;
	v20 =	vunpack.c.u.hf16.f32 v18  }
0x701: {  	v5 =	vunpack.c.l.hf16.f32 v18;
	v6 =	vadd.f32 $-1.280000000e+02, v6;
	v19 =	vadd.f32 $-1.280000000e+02, v4  }
0x702: {  	v21 =	vadd.f32 $-1.280000000e+02, v10;
	v7 =	vadd.f32 $-1.280000000e+02, v7  }
0x703: {  	v6 =	vmul.f32 v20, v6;
	v8 =	vmul.f32 v5, v19  }
0x704: {  	v2 =	vshll.u32 v2, $0x5;
	v9 =	vmul.f32 v21, v20;
	v7 =	vmul.f32 v7, v5  }
0x705: {  	v22 =	vor.u32 $0x1, v2;
	v6 =	vcvt.f32.hf16 v6;
	v8 =	vcvt.f32.hf16 v8  }
0x706: {  	v11 =	vor.u32 $0x1, v1;
	v9 =	vcvt.f32.hf16 v9;
	v7 =	vcvt.f32.hf16 v7  }
0x707: {  	v6 =	vpack.c.b32.b16 v6, v8  }
0x708: {  	v7 =	vpack.c.b32.b16 v9, v7  }
0x709: {  	[tilespmem:v2+s25+$0x0] =	vst.idx.msk $0xffff, v6  }
0x70a: {  	[tilespmem:v22+s25+$0x0] =	vst.idx.msk $0xffff, v7  }
0x70b: {  	v6 =	vld.idx.msk [tilespmem:v11+s24+$0x0], $0xffff;
	_ =	sdelay $0x4  }
0x70c: {  	v6 =	vxor.u32 $0x80808080, v6  }
0x70d: {  	v23 =	vand.u32 $0xFF, v6;
	v24 =	vshll.u32 v6, $0x8  }
0x70e: {  	v25 =	vshrl.u32 v6, $0x10;
	v6 =	vshrl.u32 v6, $0x8;
	v8 =	vand.u32 $0xFF0000, v24  }
0x70f: {  	v9 =	vand.u32 $0xFF, v25;
	v6 =	vand.u32 $0xFF0000, v6;
	v7 =	vor.u32 v23, v8  }
0x710: {  	v6 =	vor.u32 v6, v9;
	v8 =	vunpack.c.u.s16.s32 v7;
	v7 =	vunpack.c.l.s16.s32 v7  }
0x711: {  	v9 =	vunpack.c.u.s16.s32 v6;
	v6 =	vunpack.c.l.s16.s32 v6  }
0x712: {  	v7 =	vcvt.s32.f32 v7;
	v8 =	vcvt.s32.f32 v8  }
0x713: {  	v6 =	vcvt.s32.f32 v6;
	v9 =	vcvt.s32.f32 v9  }
0x714: {  	v8 =	vadd.f32 $-1.280000000e+02, v8;
	v7 =	vadd.f32 $-1.280000000e+02, v7  }
0x715: {  	v9 =	vadd.f32 $-1.280000000e+02, v9;
	v6 =	vadd.f32 $-1.280000000e+02, v6  }
0x716: {  	v8 =	vmul.f32 v8, v20;
	v7 =	vmul.f32 v7, v5  }
0x717: {  	v26 =	vor.u32 $0x2, v2;
	v9 =	vmul.f32 v9, v20;
	v6 =	vmul.f32 v6, v5  }
0x718: {  	v27 =	vor.u32 $0x3, v2;
	v8 =	vcvt.f32.hf16 v8;
	v7 =	vcvt.f32.hf16 v7  }
0x719: {  	v12 =	vor.u32 $0x2, v1;
	v9 =	vcvt.f32.hf16 v9;
	v6 =	vcvt.f32.hf16 v6  }
0x71a: {  	v7 =	vpack.c.b32.b16 v8, v7  }
0x71b: {  	v6 =	vpack.c.b32.b16 v9, v6  }
0x71c: {  	[tilespmem:v26+s25+$0x0] =	vst.idx.msk $0xffff, v7  }
0x71d: {  	[tilespmem:v27+s25+$0x0] =	vst.idx.msk $0xffff, v6  }
0x71e: {  	v6 =	vld.idx.msk [tilespmem:v12+s24+$0x0], $0xffff;
	_ =	sdelay $0x4  }
0x71f: {  	v6 =	vxor.u32 $0x80808080, v6  }
0x720: {  	v28 =	vand.u32 $0xFF, v6;
	v29 =	vshll.u32 v6, $0x8  }
0x721: {  	v30 =	vshrl.u32 v6, $0x10;
	v6 =	vshrl.u32 v6, $0x8;
	v8 =	vand.u32 $0xFF0000, v29  }
0x722: {  	v9 =	vand.u32 $0xFF, v30;
	v6 =	vand.u32 $0xFF0000, v6;
	v7 =	vor.u32 v28, v8  }
0x723: {  	v6 =	vor.u32 v6, v9;
	v8 =	vunpack.c.u.s16.s32 v7;
	v7 =	vunpack.c.l.s16.s32 v7  }
0x724: {  	v9 =	vunpack.c.u.s16.s32 v6;
	v6 =	vunpack.c.l.s16.s32 v6  }
0x725: {  	v7 =	vcvt.s32.f32 v7;
	v8 =	vcvt.s32.f32 v8  }
0x726: {  	v6 =	vcvt.s32.f32 v6;
	v9 =	vcvt.s32.f32 v9  }
0x727: {  	v8 =	vadd.f32 $-1.280000000e+02, v8;
	v7 =	vadd.f32 $-1.280000000e+02, v7  }
0x728: {  	v9 =	vadd.f32 $-1.280000000e+02, v9;
	v6 =	vadd.f32 $-1.280000000e+02, v6  }
0x729: {  	v8 =	vmul.f32 v8, v20;
	v7 =	vmul.f32 v7, v5  }
0x72a: {  	v31 =	vor.u32 $0x4, v2;
	v9 =	vmul.f32 v9, v20;
	v6 =	vmul.f32 v6, v5  }
0x72b: {  	v32 =	vor.u32 $0x5, v2;
	v8 =	vcvt.f32.hf16 v8;
	v7 =	vcvt.f32.hf16 v7  }
0x72c: {  	v33 =	vor.u32 $0x3, v1;
	v9 =	vcvt.f32.hf16 v9;
	v6 =	vcvt.f32.hf16 v6  }
0x72d: {  	v7 =	vpack.c.b32.b16 v8, v7  }
0x72e: {  	v6 =	vpack.c.b32.b16 v9, v6  }
0x72f: {  	[tilespmem:v31+s25+$0x0] =	vst.idx.msk $0xffff, v7  }
0x730: {  	[tilespmem:v32+s25+$0x0] =	vst.idx.msk $0xffff, v6  }
0x731: {  	v6 =	vld.idx.msk [tilespmem:v33+s24+$0x0], $0xffff;
	_ =	sdelay $0x4  }
0x732: {  	v6 =	vxor.u32 $0x80808080, v6  }
0x733: {  	v34 =	vand.u32 $0xFF, v6;
	v35 =	vshll.u32 v6, $0x8  }
0x734: {  	v36 =	vshrl.u32 v6, $0x10;
	v6 =	vshrl.u32 v6, $0x8;
	v8 =	vand.u32 $0xFF0000, v35  }
0x735: {  	v9 =	vand.u32 $0xFF, v36;
	v6 =	vand.u32 $0xFF0000, v6;
	v7 =	vor.u32 v34, v8  }
0x736: {  	v6 =	vor.u32 v6, v9;
	v8 =	vunpack.c.u.s16.s32 v7;
	v7 =	vunpack.c.l.s16.s32 v7  }
0x737: {  	v9 =	vunpack.c.u.s16.s32 v6;
	v6 =	vunpack.c.l.s16.s32 v6  }
0x738: {  	v7 =	vcvt.s32.f32 v7;
	v8 =	vcvt.s32.f32 v8  }
0x739: {  	v6 =	vcvt.s32.f32 v6;
	v9 =	vcvt.s32.f32 v9  }
0x73a: {  	v8 =	vadd.f32 $-1.280000000e+02, v8;
	v7 =	vadd.f32 $-1.280000000e+02, v7  }
0x73b: {  	v9 =	vadd.f32 $-1.280000000e+02, v9;
	v6 =	vadd.f32 $-1.280000000e+02, v6  }
0x73c: {  	v8 =	vmul.f32 v8, v20;
	v7 =	vmul.f32 v7, v5  }
0x73d: {  	v37 =	vor.u32 $0x6, v2;
	v9 =	vmul.f32 v9, v20;
	v6 =	vmul.f32 v6, v5  }
0x73e: {  	v38 =	vor.u32 $0x7, v2;
	v8 =	vcvt.f32.hf16 v8;
	v7 =	vcvt.f32.hf16 v7  }
0x73f: {  	v39 =	vor.u32 $0x4, v1;
	v9 =	vcvt.f32.hf16 v9;
	v6 =	vcvt.f32.hf16 v6  }
0x740: {  	v7 =	vpack.c.b32.b16 v8, v7  }
0x741: {  	v6 =	vpack.c.b32.b16 v9, v6  }
0x742: {  	[tilespmem:v37+s25+$0x0] =	vst.idx.msk $0xffff, v7  }
0x743: {  	[tilespmem:v38+s25+$0x0] =	vst.idx.msk $0xffff, v6  }
0x744: {  	v6 =	vld.idx.msk [tilespmem:v39+s24+$0x0], $0xffff;
	_ =	sdelay $0x4  }
0x745: {  	v6 =	vxor.u32 $0x80808080, v6  }
0x746: {  	v40 =	vand.u32 $0xFF, v6;
	v41 =	vshll.u32 v6, $0x8  }
0x747: {  	v42 =	vshrl.u32 v6, $0x10;
	v6 =	vshrl.u32 v6, $0x8;
	v8 =	vand.u32 $0xFF0000, v41  }
0x748: {  	v9 =	vand.u32 $0xFF, v42;
	v6 =	vand.u32 $0xFF0000, v6;
	v7 =	vor.u32 v40, v8  }
0x749: {  	v6 =	vor.u32 v6, v9;
	v8 =	vunpack.c.u.s16.s32 v7;
	v7 =	vunpack.c.l.s16.s32 v7  }
0x74a: {  	v9 =	vunpack.c.u.s16.s32 v6;
	v6 =	vunpack.c.l.s16.s32 v6  }
0x74b: {  	v7 =	vcvt.s32.f32 v7;
	v8 =	vcvt.s32.f32 v8  }
0x74c: {  	v6 =	vcvt.s32.f32 v6;
	v9 =	vcvt.s32.f32 v9  }
0x74d: {  	v8 =	vadd.f32 $-1.280000000e+02, v8;
	v7 =	vadd.f32 $-1.280000000e+02, v7  }
0x74e: {  	v9 =	vadd.f32 $-1.280000000e+02, v9;
	v6 =	vadd.f32 $-1.280000000e+02, v6  }
0x74f: {  	v8 =	vmul.f32 v8, v20;
	v7 =	vmul.f32 v7, v5  }
0x750: {  	v43 =	vor.u32 $0x8, v2;
	v9 =	vmul.f32 v9, v20;
	v6 =	vmul.f32 v6, v5  }
0x751: {  	v44 =	vor.u32 $0x9, v2;
	v8 =	vcvt.f32.hf16 v8;
	v7 =	vcvt.f32.hf16 v7  }
0x752: {  	v45 =	vor.u32 $0x5, v1;
	v9 =	vcvt.f32.hf16 v9;
	v6 =	vcvt.f32.hf16 v6  }
0x753: {  	v7 =	vpack.c.b32.b16 v8, v7  }
0x754: {  	v6 =	vpack.c.b32.b16 v9, v6  }
0x755: {  	[tilespmem:v43+s25+$0x0] =	vst.idx.msk $0xffff, v7  }
0x756: {  	[tilespmem:v44+s25+$0x0] =	vst.idx.msk $0xffff, v6  }
0x757: {  	v6 =	vld.idx.msk [tilespmem:v45+s24+$0x0], $0xffff;
	_ =	sdelay $0x4  }
0x758: {  	v6 =	vxor.u32 $0x80808080, v6  }
0x759: {  	v46 =	vand.u32 $0xFF, v6;
	v47 =	vshll.u32 v6, $0x8  }
0x75a: {  	v48 =	vshrl.u32 v6, $0x10;
	v6 =	vshrl.u32 v6, $0x8;
	v8 =	vand.u32 $0xFF0000, v47  }
0x75b: {  	v9 =	vand.u32 $0xFF, v48;
	v6 =	vand.u32 $0xFF0000, v6;
	v7 =	vor.u32 v46, v8  }
0x75c: {  	v6 =	vor.u32 v6, v9;
	v8 =	vunpack.c.u.s16.s32 v7;
	v7 =	vunpack.c.l.s16.s32 v7  }
0x75d: {  	v9 =	vunpack.c.u.s16.s32 v6;
	v6 =	vunpack.c.l.s16.s32 v6  }
0x75e: {  	v7 =	vcvt.s32.f32 v7;
	v8 =	vcvt.s32.f32 v8  }
0x75f: {  	v6 =	vcvt.s32.f32 v6;
	v9 =	vcvt.s32.f32 v9  }
0x760: {  	v8 =	vadd.f32 $-1.280000000e+02, v8;
	v7 =	vadd.f32 $-1.280000000e+02, v7  }
0x761: {  	v9 =	vadd.f32 $-1.280000000e+02, v9;
	v6 =	vadd.f32 $-1.280000000e+02, v6  }
0x762: {  	v8 =	vmul.f32 v8, v20;
	v7 =	vmul.f32 v7, v5  }
0x763: {  	v49 =	vor.u32 $0xA, v2;
	v9 =	vmul.f32 v9, v20;
	v6 =	vmul.f32 v6, v5  }
0x764: {  	v50 =	vor.u32 $0xB, v2;
	v8 =	vcvt.f32.hf16 v8;
	v7 =	vcvt.f32.hf16 v7  }
0x765: {  	v51 =	vor.u32 $0x6, v1;
	v9 =	vcvt.f32.hf16 v9;
	v6 =	vcvt.f32.hf16 v6  }
0x766: {  	v7 =	vpack.c.b32.b16 v8, v7  }
0x767: {  	v6 =	vpack.c.b32.b16 v9, v6  }
0x768: {  	[tilespmem:v49+s25+$0x0] =	vst.idx.msk $0xffff, v7  }
0x769: {  	[tilespmem:v50+s25+$0x0] =	vst.idx.msk $0xffff, v6  }
0x76a: {  	v6 =	vld.idx.msk [tilespmem:v51+s24+$0x0], $0xffff;
	_ =	sdelay $0x4  }
0x76b: {  	v6 =	vxor.u32 $0x80808080, v6  }
0x76c: {  	v52 =	vand.u32 $0xFF, v6;
	v53 =	vshll.u32 v6, $0x8  }
0x76d: {  	v54 =	vshrl.u32 v6, $0x10;
	v6 =	vshrl.u32 v6, $0x8;
	v8 =	vand.u32 $0xFF0000, v53  }
0x76e: {  	v9 =	vand.u32 $0xFF, v54;
	v6 =	vand.u32 $0xFF0000, v6;
	v7 =	vor.u32 v52, v8  }
0x76f: {  	v6 =	vor.u32 v6, v9;
	v8 =	vunpack.c.u.s16.s32 v7;
	v7 =	vunpack.c.l.s16.s32 v7  }
0x770: {  	v9 =	vunpack.c.u.s16.s32 v6;
	v6 =	vunpack.c.l.s16.s32 v6  }
0x771: {  	v7 =	vcvt.s32.f32 v7;
	v8 =	vcvt.s32.f32 v8  }
0x772: {  	v6 =	vcvt.s32.f32 v6;
	v9 =	vcvt.s32.f32 v9  }
0x773: {  	v8 =	vadd.f32 $-1.280000000e+02, v8;
	v7 =	vadd.f32 $-1.280000000e+02, v7  }
0x774: {  	v9 =	vadd.f32 $-1.280000000e+02, v9;
	v6 =	vadd.f32 $-1.280000000e+02, v6  }
0x775: {  	v8 =	vmul.f32 v8, v20;
	v7 =	vmul.f32 v7, v5  }
0x776: {  	v55 =	vor.u32 $0xC, v2;
	v9 =	vmul.f32 v9, v20;
	v6 =	vmul.f32 v6, v5  }
0x777: {  	v56 =	vor.u32 $0xD, v2;
	v8 =	vcvt.f32.hf16 v8;
	v7 =	vcvt.f32.hf16 v7  }
0x778: {  	v57 =	vor.u32 $0x7, v1;
	v9 =	vcvt.f32.hf16 v9;
	v6 =	vcvt.f32.hf16 v6  }
0x779: {  	v7 =	vpack.c.b32.b16 v8, v7  }
0x77a: {  	v6 =	vpack.c.b32.b16 v9, v6  }
0x77b: {  	[tilespmem:v55+s25+$0x0] =	vst.idx.msk $0xffff, v7  }
0x77c: {  	[tilespmem:v56+s25+$0x0] =	vst.idx.msk $0xffff, v6  }
0x77d: {  	v6 =	vld.idx.msk [tilespmem:v57+s24+$0x0], $0xffff;
	_ =	sdelay $0x4  }
0x77e: {  	v6 =	vxor.u32 $0x80808080, v6  }
0x77f: {  	v58 =	vand.u32 $0xFF, v6;
	v59 =	vshll.u32 v6, $0x8  }
0x780: {  	v60 =	vshrl.u32 v6, $0x10;
	v6 =	vshrl.u32 v6, $0x8;
	v8 =	vand.u32 $0xFF0000, v59  }
0x781: {  	v9 =	vand.u32 $0xFF, v60;
	v6 =	vand.u32 $0xFF0000, v6;
	v7 =	vor.u32 v58, v8  }
0x782: {  	v6 =	vor.u32 v6, v9;
	v8 =	vunpack.c.u.s16.s32 v7;
	v7 =	vunpack.c.l.s16.s32 v7  }
0x783: {  	v9 =	vunpack.c.u.s16.s32 v6;
	v6 =	vunpack.c.l.s16.s32 v6  }
0x784: {  	v7 =	vcvt.s32.f32 v7;
	v8 =	vcvt.s32.f32 v8  }
0x785: {  	v6 =	vcvt.s32.f32 v6;
	v9 =	vcvt.s32.f32 v9  }
0x786: {  	v8 =	vadd.f32 $-1.280000000e+02, v8;
	v7 =	vadd.f32 $-1.280000000e+02, v7  }
0x787: {  	v9 =	vadd.f32 $-1.280000000e+02, v9;
	v6 =	vadd.f32 $-1.280000000e+02, v6  }
0x788: {  	v8 =	vmul.f32 v8, v20;
	v7 =	vmul.f32 v7, v5  }
0x789: {  	v61 =	vor.u32 $0xE, v2;
	v4 =	vmul.f32 v9, v20;
	v5 =	vmul.f32 v6, v5  }
0x78a: {  	v62 =	vor.u32 $0xF, v2;
	v8 =	vcvt.f32.hf16 v8;
	v7 =	vcvt.f32.hf16 v7  }
0x78b: {  	v63 =	vor.u32 $0x8, v1;
	v4 =	vcvt.f32.hf16 v4;
	v5 =	vcvt.f32.hf16 v5  }
0x78c: {  	v7 =	vpack.c.b32.b16 v8, v7  }
0x78d: {  	v4 =	vpack.c.b32.b16 v4, v5  }
0x78e: {  	[tilespmem:v61+s25+$0x0] =	vst.idx.msk $0xffff, v7  }
0x78f: {  	[tilespmem:v62+s25+$0x0] =	vst.idx.msk $0xffff, v4  }
0x790: {  	v4 =	vld.idx.msk [tilespmem:v63+s24+$0x0], $0xffff;
	_ =	sdelay $0x4  }
0x791: {  	v4 =	vxor.u32 $0x80808080, v4  }
0x792: {  	v12 =	vshrl.u32 v3, $0x10;
	v13 =	vand.u32 $0xFF, v4;
	v14 =	vshll.u32 v4, $0x8  }
0x793: {  	v15 =	vshrl.u32 v4, $0x10;
	v4 =	vshrl.u32 v4, $0x8;
	v7 =	vand.u32 $0xFF0000, v14  }
0x794: {  	v8 =	vand.u32 $0xFF, v15;
	v4 =	vand.u32 $0xFF0000, v4;
	v6 =	vor.u32 v13, v7  }
0x795: {  	v4 =	vor.u32 v4, v8;
	v7 =	vunpack.c.u.s16.s32 v6;
	v6 =	vunpack.c.l.s16.s32 v6  }
0x796: {  	v3 =	vand.u32 $0xFFFF0000, v3;
	v8 =	vunpack.c.u.s16.s32 v4;
	v4 =	vunpack.c.l.s16.s32 v4  }
0x797: {  	v5 =	vor.u32 v3, v12;
	v6 =	vcvt.s32.f32 v6;
	v7 =	vcvt.s32.f32 v7  }
0x798: {  	v3 =	vunpack.c.l.hf16.f32 v5;
	v16 =	vcvt.s32.f32 v4;
	v8 =	vcvt.s32.f32 v8  }
0x799: {  	v17 =	vunpack.c.u.hf16.f32 v5;
	v18 =	vadd.f32 $-1.280000000e+02, v7;
	v6 =	vadd.f32 $-1.280000000e+02, v6  }
0x79a: {  	v19 =	vadd.f32 $-1.280000000e+02, v8;
	v20 =	vadd.f32 $-1.280000000e+02, v16  }
0x79b: {  	v5 =	vmul.f32 v17, v18;
	v6 =	vmul.f32 v3, v6  }
0x79c: {  	v21 =	vor.u32 $0x10, v2;
	v7 =	vmul.f32 v19, v17;
	v8 =	vmul.f32 v20, v3  }
0x79d: {  	v22 =	vor.u32 $0x11, v2;
	v5 =	vcvt.f32.hf16 v5;
	v6 =	vcvt.f32.hf16 v6  }
0x79e: {  	v23 =	vor.u32 $0x9, v1;
	v7 =	vcvt.f32.hf16 v7;
	v8 =	vcvt.f32.hf16 v8  }
0x79f: {  	v5 =	vpack.c.b32.b16 v5, v6  }
0x7a0: {  	v24 =	vpack.c.b32.b16 v7, v8  }
0x7a1: {  	[tilespmem:v21+s25+$0x0] =	vst.idx.msk $0xffff, v5  }
0x7a2: {  	[tilespmem:v22+s25+$0x0] =	vst.idx.msk $0xffff, v24  }
0x7a3: {  	v5 =	vld.idx.msk [tilespmem:v23+s24+$0x0], $0xffff;
	_ =	sdelay $0x4  }
0x7a4: {  	v5 =	vxor.u32 $0x80808080, v5  }
0x7a5: {  	v25 =	vand.u32 $0xFF, v5;
	v26 =	vshll.u32 v5, $0x8  }
0x7a6: {  	v27 =	vshrl.u32 v5, $0x10;
	v5 =	vshrl.u32 v5, $0x8;
	v7 =	vand.u32 $0xFF0000, v26  }
0x7a7: {  	v8 =	vand.u32 $0xFF, v27;
	v5 =	vand.u32 $0xFF0000, v5;
	v6 =	vor.u32 v25, v7  }
0x7a8: {  	v5 =	vor.u32 v5, v8;
	v7 =	vunpack.c.u.s16.s32 v6;
	v6 =	vunpack.c.l.s16.s32 v6  }
0x7a9: {  	v8 =	vunpack.c.u.s16.s32 v5;
	v5 =	vunpack.c.l.s16.s32 v5  }
0x7aa: {  	v6 =	vcvt.s32.f32 v6;
	v7 =	vcvt.s32.f32 v7  }
0x7ab: {  	v5 =	vcvt.s32.f32 v5;
	v8 =	vcvt.s32.f32 v8  }
0x7ac: {  	v7 =	vadd.f32 $-1.280000000e+02, v7;
	v6 =	vadd.f32 $-1.280000000e+02, v6  }
0x7ad: {  	v8 =	vadd.f32 $-1.280000000e+02, v8;
	v5 =	vadd.f32 $-1.280000000e+02, v5  }
0x7ae: {  	v7 =	vmul.f32 v7, v17;
	v6 =	vmul.f32 v6, v3  }
0x7af: {  	v28 =	vor.u32 $0x12, v2;
	v8 =	vmul.f32 v8, v17;
	v5 =	vmul.f32 v5, v3  }
0x7b0: {  	v29 =	vor.u32 $0x13, v2;
	v7 =	vcvt.f32.hf16 v7;
	v6 =	vcvt.f32.hf16 v6  }
0x7b1: {  	v30 =	vor.u32 $0xA, v1;
	v8 =	vcvt.f32.hf16 v8;
	v5 =	vcvt.f32.hf16 v5  }
0x7b2: {  	v6 =	vpack.c.b32.b16 v7, v6  }
0x7b3: {  	v5 =	vpack.c.b32.b16 v8, v5  }
0x7b4: {  	[tilespmem:v28+s25+$0x0] =	vst.idx.msk $0xffff, v6  }
0x7b5: {  	[tilespmem:v29+s25+$0x0] =	vst.idx.msk $0xffff, v5  }
0x7b6: {  	v5 =	vld.idx.msk [tilespmem:v30+s24+$0x0], $0xffff;
	_ =	sdelay $0x4  }
0x7b7: {  	v5 =	vxor.u32 $0x80808080, v5  }
0x7b8: {  	v31 =	vand.u32 $0xFF, v5;
	v32 =	vshll.u32 v5, $0x8  }
0x7b9: {  	v33 =	vshrl.u32 v5, $0x10;
	v5 =	vshrl.u32 v5, $0x8;
	v7 =	vand.u32 $0xFF0000, v32  }
0x7ba: {  	v8 =	vand.u32 $0xFF, v33;
	v5 =	vand.u32 $0xFF0000, v5;
	v6 =	vor.u32 v31, v7  }
0x7bb: {  	v5 =	vor.u32 v5, v8;
	v7 =	vunpack.c.u.s16.s32 v6;
	v6 =	vunpack.c.l.s16.s32 v6  }
0x7bc: {  	v8 =	vunpack.c.u.s16.s32 v5;
	v5 =	vunpack.c.l.s16.s32 v5  }
0x7bd: {  	v6 =	vcvt.s32.f32 v6;
	v7 =	vcvt.s32.f32 v7  }
0x7be: {  	v5 =	vcvt.s32.f32 v5;
	v8 =	vcvt.s32.f32 v8  }
0x7bf: {  	v7 =	vadd.f32 $-1.280000000e+02, v7;
	v6 =	vadd.f32 $-1.280000000e+02, v6  }
0x7c0: {  	v8 =	vadd.f32 $-1.280000000e+02, v8;
	v5 =	vadd.f32 $-1.280000000e+02, v5  }
0x7c1: {  	v7 =	vmul.f32 v7, v17;
	v6 =	vmul.f32 v6, v3  }
0x7c2: {  	v34 =	vor.u32 $0x14, v2;
	v8 =	vmul.f32 v8, v17;
	v5 =	vmul.f32 v5, v3  }
0x7c3: {  	v35 =	vor.u32 $0x15, v2;
	v7 =	vcvt.f32.hf16 v7;
	v6 =	vcvt.f32.hf16 v6  }
0x7c4: {  	v36 =	vor.u32 $0xB, v1;
	v8 =	vcvt.f32.hf16 v8;
	v5 =	vcvt.f32.hf16 v5  }
0x7c5: {  	v6 =	vpack.c.b32.b16 v7, v6  }
0x7c6: {  	v5 =	vpack.c.b32.b16 v8, v5  }
0x7c7: {  	[tilespmem:v34+s25+$0x0] =	vst.idx.msk $0xffff, v6  }
0x7c8: {  	[tilespmem:v35+s25+$0x0] =	vst.idx.msk $0xffff, v5  }
0x7c9: {  	v5 =	vld.idx.msk [tilespmem:v36+s24+$0x0], $0xffff;
	_ =	sdelay $0x4  }
0x7ca: {  	v5 =	vxor.u32 $0x80808080, v5  }
0x7cb: {  	v37 =	vand.u32 $0xFF, v5;
	v38 =	vshll.u32 v5, $0x8  }
0x7cc: {  	v39 =	vshrl.u32 v5, $0x10;
	v5 =	vshrl.u32 v5, $0x8;
	v7 =	vand.u32 $0xFF0000, v38  }
0x7cd: {  	v8 =	vand.u32 $0xFF, v39;
	v5 =	vand.u32 $0xFF0000, v5;
	v6 =	vor.u32 v37, v7  }
0x7ce: {  	v5 =	vor.u32 v5, v8;
	v7 =	vunpack.c.u.s16.s32 v6;
	v6 =	vunpack.c.l.s16.s32 v6  }
0x7cf: {  	v8 =	vunpack.c.u.s16.s32 v5;
	v5 =	vunpack.c.l.s16.s32 v5  }
0x7d0: {  	v6 =	vcvt.s32.f32 v6;
	v7 =	vcvt.s32.f32 v7  }
0x7d1: {  	v5 =	vcvt.s32.f32 v5;
	v8 =	vcvt.s32.f32 v8  }
0x7d2: {  	v7 =	vadd.f32 $-1.280000000e+02, v7;
	v6 =	vadd.f32 $-1.280000000e+02, v6  }
0x7d3: {  	v8 =	vadd.f32 $-1.280000000e+02, v8;
	v5 =	vadd.f32 $-1.280000000e+02, v5  }
0x7d4: {  	v7 =	vmul.f32 v7, v17;
	v6 =	vmul.f32 v6, v3  }
0x7d5: {  	v40 =	vor.u32 $0x16, v2;
	v8 =	vmul.f32 v8, v17;
	v5 =	vmul.f32 v5, v3  }
0x7d6: {  	v41 =	vor.u32 $0x17, v2;
	v7 =	vcvt.f32.hf16 v7;
	v6 =	vcvt.f32.hf16 v6  }
0x7d7: {  	v42 =	vor.u32 $0xC, v1;
	v8 =	vcvt.f32.hf16 v8;
	v5 =	vcvt.f32.hf16 v5  }
0x7d8: {  	v6 =	vpack.c.b32.b16 v7, v6  }
0x7d9: {  	v5 =	vpack.c.b32.b16 v8, v5  }
0x7da: {  	[tilespmem:v40+s25+$0x0] =	vst.idx.msk $0xffff, v6  }
0x7db: {  	[tilespmem:v41+s25+$0x0] =	vst.idx.msk $0xffff, v5  }
0x7dc: {  	v5 =	vld.idx.msk [tilespmem:v42+s24+$0x0], $0xffff;
	_ =	sdelay $0x4  }
0x7dd: {  	v5 =	vxor.u32 $0x80808080, v5  }
0x7de: {  	v43 =	vand.u32 $0xFF, v5;
	v44 =	vshll.u32 v5, $0x8  }
0x7df: {  	v45 =	vshrl.u32 v5, $0x10;
	v5 =	vshrl.u32 v5, $0x8;
	v7 =	vand.u32 $0xFF0000, v44  }
0x7e0: {  	v8 =	vand.u32 $0xFF, v45;
	v5 =	vand.u32 $0xFF0000, v5;
	v6 =	vor.u32 v43, v7  }
0x7e1: {  	v5 =	vor.u32 v5, v8;
	v7 =	vunpack.c.u.s16.s32 v6;
	v6 =	vunpack.c.l.s16.s32 v6  }
0x7e2: {  	v8 =	vunpack.c.u.s16.s32 v5;
	v5 =	vunpack.c.l.s16.s32 v5  }
0x7e3: {  	v6 =	vcvt.s32.f32 v6;
	v7 =	vcvt.s32.f32 v7  }
0x7e4: {  	v5 =	vcvt.s32.f32 v5;
	v8 =	vcvt.s32.f32 v8  }
0x7e5: {  	v7 =	vadd.f32 $-1.280000000e+02, v7;
	v6 =	vadd.f32 $-1.280000000e+02, v6  }
0x7e6: {  	v8 =	vadd.f32 $-1.280000000e+02, v8;
	v5 =	vadd.f32 $-1.280000000e+02, v5  }
0x7e7: {  	v7 =	vmul.f32 v7, v17;
	v6 =	vmul.f32 v6, v3  }
0x7e8: {  	v46 =	vor.u32 $0x18, v2;
	v8 =	vmul.f32 v8, v17;
	v5 =	vmul.f32 v5, v3  }
0x7e9: {  	v47 =	vor.u32 $0x19, v2;
	v7 =	vcvt.f32.hf16 v7;
	v6 =	vcvt.f32.hf16 v6  }
0x7ea: {  	v48 =	vor.u32 $0xD, v1;
	v8 =	vcvt.f32.hf16 v8;
	v5 =	vcvt.f32.hf16 v5  }
0x7eb: {  	v6 =	vpack.c.b32.b16 v7, v6  }
0x7ec: {  	v5 =	vpack.c.b32.b16 v8, v5  }
0x7ed: {  	[tilespmem:v46+s25+$0x0] =	vst.idx.msk $0xffff, v6  }
0x7ee: {  	[tilespmem:v47+s25+$0x0] =	vst.idx.msk $0xffff, v5  }
0x7ef: {  	v5 =	vld.idx.msk [tilespmem:v48+s24+$0x0], $0xffff;
	_ =	sdelay $0x4  }
0x7f0: {  	v5 =	vxor.u32 $0x80808080, v5  }
0x7f1: {  	v49 =	vand.u32 $0xFF, v5;
	v50 =	vshll.u32 v5, $0x8  }
0x7f2: {  	v51 =	vshrl.u32 v5, $0x10;
	v5 =	vshrl.u32 v5, $0x8;
	v7 =	vand.u32 $0xFF0000, v50  }
0x7f3: {  	v8 =	vand.u32 $0xFF, v51;
	v5 =	vand.u32 $0xFF0000, v5;
	v6 =	vor.u32 v49, v7  }
0x7f4: {  	v5 =	vor.u32 v5, v8;
	v7 =	vunpack.c.u.s16.s32 v6;
	v6 =	vunpack.c.l.s16.s32 v6  }
0x7f5: {  	v8 =	vunpack.c.u.s16.s32 v5;
	v5 =	vunpack.c.l.s16.s32 v5  }
0x7f6: {  	v6 =	vcvt.s32.f32 v6;
	v7 =	vcvt.s32.f32 v7  }
0x7f7: {  	v5 =	vcvt.s32.f32 v5;
	v8 =	vcvt.s32.f32 v8  }
0x7f8: {  	v7 =	vadd.f32 $-1.280000000e+02, v7;
	v6 =	vadd.f32 $-1.280000000e+02, v6  }
0x7f9: {  	v8 =	vadd.f32 $-1.280000000e+02, v8;
	v5 =	vadd.f32 $-1.280000000e+02, v5  }
0x7fa: {  	v7 =	vmul.f32 v7, v17;
	v6 =	vmul.f32 v6, v3  }
0x7fb: {  	v52 =	vor.u32 $0x1A, v2;
	v8 =	vmul.f32 v8, v17;
	v5 =	vmul.f32 v5, v3  }
0x7fc: {  	v53 =	vor.u32 $0x1B, v2;
	v7 =	vcvt.f32.hf16 v7;
	v6 =	vcvt.f32.hf16 v6  }
0x7fd: {  	v54 =	vor.u32 $0xE, v1;
	v8 =	vcvt.f32.hf16 v8;
	v5 =	vcvt.f32.hf16 v5  }
0x7fe: {  	v6 =	vpack.c.b32.b16 v7, v6  }
0x7ff: {  	v5 =	vpack.c.b32.b16 v8, v5  }
0x800: {  	[tilespmem:v52+s25+$0x0] =	vst.idx.msk $0xffff, v6  }
0x801: {  	[tilespmem:v53+s25+$0x0] =	vst.idx.msk $0xffff, v5  }
0x802: {  	v5 =	vld.idx.msk [tilespmem:v54+s24+$0x0], $0xffff;
	_ =	sdelay $0x4  }
0x803: {  	v5 =	vxor.u32 $0x80808080, v5  }
0x804: {  	v55 =	vand.u32 $0xFF, v5;
	v56 =	vshll.u32 v5, $0x8  }
0x805: {  	v57 =	vshrl.u32 v5, $0x10;
	v5 =	vshrl.u32 v5, $0x8;
	v7 =	vand.u32 $0xFF0000, v56  }
0x806: {  	v8 =	vand.u32 $0xFF, v57;
	v5 =	vand.u32 $0xFF0000, v5;
	v6 =	vor.u32 v55, v7  }
0x807: {  	v5 =	vor.u32 v5, v8;
	v7 =	vunpack.c.u.s16.s32 v6;
	v6 =	vunpack.c.l.s16.s32 v6  }
0x808: {  	v8 =	vunpack.c.u.s16.s32 v5;
	v5 =	vunpack.c.l.s16.s32 v5  }
0x809: {  	v6 =	vcvt.s32.f32 v6;
	v7 =	vcvt.s32.f32 v7  }
0x80a: {  	v5 =	vcvt.s32.f32 v5;
	v8 =	vcvt.s32.f32 v8  }
0x80b: {  	v7 =	vadd.f32 $-1.280000000e+02, v7;
	v6 =	vadd.f32 $-1.280000000e+02, v6  }
0x80c: {  	v8 =	vadd.f32 $-1.280000000e+02, v8;
	v5 =	vadd.f32 $-1.280000000e+02, v5  }
0x80d: {  	v7 =	vmul.f32 v7, v17;
	v6 =	vmul.f32 v6, v3  }
0x80e: {  	v58 =	vor.u32 $0x1C, v2;
	v8 =	vmul.f32 v8, v17;
	v5 =	vmul.f32 v5, v3  }
0x80f: {  	v59 =	vor.u32 $0x1D, v2;
	v7 =	vcvt.f32.hf16 v7;
	v6 =	vcvt.f32.hf16 v6  }
0x810: {  	v1 =	vor.u32 $0xF, v1;
	v8 =	vcvt.f32.hf16 v8;
	v5 =	vcvt.f32.hf16 v5  }
0x811: {  	v6 =	vpack.c.b32.b16 v7, v6  }
0x812: {  	v5 =	vpack.c.b32.b16 v8, v5  }
0x813: {  	[tilespmem:v58+s25+$0x0] =	vst.idx.msk $0xffff, v6  }
0x814: {  	[tilespmem:v59+s25+$0x0] =	vst.idx.msk $0xffff, v5  }
0x815: {  	v1 =	vld.idx.msk [tilespmem:v1+s24+$0x0], $0xffff;
	_ =	sdelay $0x4  }
0x816: {  	v1 =	vxor.u32 $0x80808080, v1  }
0x817: {  	v60 =	vand.u32 $0xFF, v1;
	v61 =	vshll.u32 v1, $0x8  }
0x818: {  	v62 =	vshrl.u32 v1, $0x10;
	v1 =	vshrl.u32 v1, $0x8;
	v6 =	vand.u32 $0xFF0000, v61  }
0x819: {  	v7 =	vand.u32 $0xFF, v62;
	v1 =	vand.u32 $0xFF0000, v1;
	v5 =	vor.u32 v60, v6  }
0x81a: {  	v1 =	vor.u32 v1, v7;
	v6 =	vunpack.c.u.s16.s32 v5;
	v5 =	vunpack.c.l.s16.s32 v5  }
0x81b: {  	v7 =	vunpack.c.u.s16.s32 v1;
	v1 =	vunpack.c.l.s16.s32 v1  }
0x81c: {  	v5 =	vcvt.s32.f32 v5;
	v6 =	vcvt.s32.f32 v6  }
0x81d: {  	v1 =	vcvt.s32.f32 v1;
	v7 =	vcvt.s32.f32 v7  }
0x81e: {  	v6 =	vadd.f32 $-1.280000000e+02, v6;
	v5 =	vadd.f32 $-1.280000000e+02, v5  }
0x81f: {  	v7 =	vadd.f32 $-1.280000000e+02, v7;
	v1 =	vadd.f32 $-1.280000000e+02, v1  }
0x820: {  	v6 =	vmul.f32 v6, v17;
	v5 =	vmul.f32 v5, v3  }
0x821: {  	v63 =	vor.u32 $0x1E, v2;
	v4 =	vmul.f32 v7, v17;
	v1 =	vmul.f32 v1, v3  }
0x822: {  	v2 =	vor.u32 $0x1F, v2;
	v3 =	vcvt.f32.hf16 v6;
	v5 =	vcvt.f32.hf16 v5  }
0x823: {  	v4 =	vcvt.f32.hf16 v4;
	v1 =	vcvt.f32.hf16 v1  }
.Ltmp8:
0x824: {  	s1 =	sshll.u32 s1, $0xF;
	v3 =	vpack.c.b32.b16 v3, v5;
	(pc) =	sbr.rel .LBB2_10-.Ltmp8, $4  }
0x825: {  	s1 =	sadd.s32 s9, s1;
	v1 =	vpack.c.b32.b16 v4, v1  }
0x826: {  	s1 =	sshrl.u32 s1, $0x3;
	[tilespmem:v63+s25+$0x0] =	vst.idx.msk $0xffff, v3  }
0x827: {  	s1 =	sadd.s32 s2, s1;
	[tilespmem:v2+s25+$0x0] =	vst.idx.msk $0xffff, v1  }
0x828: {  	[hbm4b:s1+s3] =	stream.linear.scatter [tilespmem:s25], [sflag:$0x6], $0x8000, $0x38;
	[tilespmem:$0x19000] =	vst v63  }
.LBB2_12:
0x829: {  	_ =	sfence.sel $0x180000  }
0x82a: {  	[bflag:$0x0] =	sbarrier.arrive $0xFFFF  }
0x82b: {  	_ =	strace $0x9000004A  }
0x82c: {  	s0 =	stileid.u32;
	[bflag:$0x2] =	sbarrier.arrive $0xFFFF  }
0x82d: {  	p0 =	sne.s32 s0, $0x0;
	s0 =	rddreg [dreg:$0x2]  }
0x82e: {  	s0 =	sadd.s32 @!p0 $0x100000, s0  }
0x82f: {  	[sflag:s0] =	ssyncadd.tile.s32 @!p0 $0x1;
	_ =	shalt  }
.Lfunc_end2:
_tile_overlayer_lowered:
.L_overlay_start_2:
0x830: {  	(tag) =	ssettag $0x2  }
0x831: {  	s0 =	rddreg [dreg:$0x0];
	s2 =	stileid.u32  }
0x832: {  	s1 =	rddreg [dreg:$0x1];
	p0 =	sne.s32 s2, $0x0  }
0x833: {  	s3 =	rddreg [dreg:$0x2];
	[bflag:$0x3] =	sbarrier.arrive $0xFFFF;
	s2 =	simm.s32 @!p0 $0x1C07  }
0x834: {  	[timem:s3], [sflag:s2] =	dma.local @!p0 [hbm:s0], s1  }
0x835: {  	s0 =	simm.s32 @!p0 $0x7  }
0x836: {  	_ =	swait.ge @!p0 [sflag:s0], s1  }
0x837: {  	s1 =	ssub.s32 @!p0 $0x0, s1;
	[sflag:s0] =	ssyncset.done @!p0 $0x0  }
0x838: {  	[sflag:s0] =	ssyncadd.s32 @!p0 s1  }
0x839: {  	[bflag:$0x3] =	sbarrier.arrive $0xFFFF  }
0x83a: {  	_ =	shalt  }

// kernel: sparse-core-data-format-call.1.cloned.1.call-start
scs
called_computation.1_lowered:
.L_overlay_start_0:
0x0: {  	s2 =	sld [smem:$0x3FD9]  }
0x1: {  	s3 =	sld [smem:$0x3FFE];
	_ =	sdelay $0x1  }
0x2: {  	s1 =	srdreg.scid  }
0x3: {  	s0 =	sand.u32 $0x1, s1  }
0x4: {  	s18 =	sshll.u32 s0, $0xA;
	s2 =	sadd.s32 s3, s2  }
0x5: {  	s2 =	sadd.s32 s2, s18  }
0x6: {  	[smem:$0x3FC5] =	sst s2  }
0x7: {  	_ = 	snop  }
0x8: {  	s2 =	sld [smem:$0x3FD0];
	(tm) =	ssettm $0x1  }
0x9: {  	s19 =	sld [smem:$0x3FFB];
	_ =	sdelay $0x3  }
0xa: {  	_ =	strace s19  }
0xb: {  	s3 =	sld [smem:$0x3FFC];
	_ =	sdelay $0x3  }
0xc: {  	_ =	strace s3  }
0xd: {  	s3 =	sld [smem:$0x3FFD];
	_ =	sdelay $0x3  }
0xe: {  	_ =	strace s3  }
0xf: {  	_ =	strace $0x8FFFFFFF  }
0x10: {  	s20 =	sld [smem:$0x3FDB];
	_ =	sdelay $0x1  }
0x11: {  	s4 =	simm.s32 $_scs_section_size  }
0x12: {  	s5 =	simm.s32 $_size__tile_overlayer_lowered;
	s6 =	simm.s32 $_tile_overlayer_lowered  }
0x13: {  	s23 =	simm.s32 $0x1BFF;
	s22 =	sshll.u32 s6, $0x1;
	s3 =	sadd.s32 s4, s20  }
0x14: {  	s7 =	simm.s32 $0x0;
	s21 =	sshll.u32 s5, $0x1;
	s5 =	sadd.s32 s22, s3  }
0x15: {  	[timem:s7], [sflag:s23] =	dma.local [hbm:s5], s21  }
0x16: {  	_ =	swait.ge [sflag:s23], s21  }
0x17: {  	s4 =	ssub.s32 $0x0, s21;
	[sflag:s23] =	ssyncset.done $0x0  }
0x18: {  	[sflag:s23] =	ssyncadd.s32 s4;
	_ =	sdelay $0x1  }
0x19: {  	s24 =	simm.s32 $0x1B8B  }
0x1a: {  	_ =	swait.ge [sflag:s24], $0x1  }
0x1b: {  	[sflag:s24] =	ssyncset.done $0x0  }
0x1c: {  	s26 =	simm.s32 $0x1B8E;
	s25 =	sld [smem:$0x3FFE];
	[sflag:s24] =	ssyncadd.s32 $0xFFFFFFFF  }
0x1d: {  	s27 =	simm.s32 $execute0_lowered;
	[smem:$0x3FD2] =	sst s26  }
0x1e: {  	s5 =	sshll.u32 s27, $0x1;
	_ =	strace $0x8000004C;
	[dreg:$0x1] =	wrdreg $0xFFFFFFFF  }
0x1f: {  	s28 =	simm.s32 $_size_execute0_lowered;
	s3 =	sadd.s32 s3, s5;
	[dreg:$0x0] =	wrdreg $0x0  }
0x20: {  	s5 =	sshll.u32 s28, $0x1;
	[dreg:$0x2] =	wrdreg s3  }
0x21: {  	[dreg:$0x3] =	wrdreg s5  }
0x22: {  	[dreg:$0x4] =	wrdreg $0xC0  }
0x23: {  	_ =	task [dreg:s7], $0x5FFFF  }
0x24: {  	[dreg:$0x1] =	wrdreg $0xFFFFFFFF  }
0x25: {  	[dreg:$0x0] =	wrdreg $0x60  }
0x26: {  	[dreg:$0x2] =	wrdreg s25  }
0x27: {  	[dreg:$0x3] =	wrdreg s2  }
0x28: {  	[dreg:$0x4] =	wrdreg $0x9  }
0x29: {  	_ =	task.clear_ibuf [dreg:s7], $0x5FFFF;
	_ =	strace $0x9000004C  }
0x2a: {  	s29 =	simm.s32 $0x9;
	_ =	strace $0x8000004E  }
0x2b: {  	_ =	swait.ge [sflag:s29], $0x1  }
0x2c: {  	[sflag:s29] =	ssyncadd.s32 $0xFFFFFFFF  }
0x2d: {  	_ =	strace $0x9000004E  }
0x2e: {  	_ =	sfence  }
0x2f: {  	s30 =	sld [smem:$0x0];
	_ =	sdelay $0x2  }
0x30: {  	s31 =	sshll.u32 s1, $0xD;
	s1 =	sshrl.u32 s1, $0x2  }
0x31: {  	s3 =	sand.u32 $0x4000, s31;
	s1 =	sadd.s32 s1, s30  }
0x32: {  	s0 =	sor.u32 s3, s0;
	s1 =	sshll.u32 s1, $0x11  }
0x33: {  	s0 =	sor.u32 s1, s0  }
0x34: {  	s0 =	sadd.s32 $0x8F2B, s0  }
0x35: {  	[sflag:s0] =	ssyncadd.remote.s32 $0x1  }
0x36: {  	_ =	sfence.sel $0xFFFF  }
0x37: {  	[dreg:$0x0] =	wrdreg $0xFFFFFFFF;
	(pc) =	sbr.abs _section_cstart, $3  }
0x38: {  	[dreg:$0x1] =	wrdreg $0xFFFFFFFF  }
0x39: {  	_ =	task.clear_ibuf [dreg:s7], $0x2FFFF;
	_ =	strace $0x9FFFFFFF  }
0x3a: {  	(tm) =	ssettm $0x7FFFFFFF  }
0x3b: {  	_ =	shalt  }
tec
execute0_lowered:
.L_overlay_start_1:
0x0: {  	(tag) =	ssettag $0x1  }
0x1: {  	s0 =	srdreg.scid  }
0x2: {  	s1 =	sshll.u32 s0, $0x4  }
0x3: {  	s4 =	rddreg [dreg:$0x0];
	s0 =	stileid.u32;
	s1 =	sand.u32 $0x10, s1  }
0x4: {  	s2 =	rddreg [dreg:$0x1];
	s7 =	simm.s32 $0x1;
	s1 =	sor.u32 s0, s1  }
0x5: {  	s8 =	simm.s32 $0x2;
	s11 =	simm.s32 $0x0;
	s3 =	sshll.u32 s1, $0x7  }
0x6: {  	s10 =	simm.s32 $0x0;
	s4 =	sadd.s32 $0xC80A00, s4;
	s6 =	ssub.s32 $0xC8000, s3  }
.Ltmp0:
0x7: {  	s1 =	rddreg [dreg:$0x2];
	s5 =	sand.u32 $0xF80, s6;
	(pc) =	sbr.rel .LBB1_1-.Ltmp0, $4  }
0x8: {  	_ =	strace $0x8000004D;
	s9 =	smov.u32 s3;
	p0 =	sne.s32 s5, $0x0  }
0x9: {  	s6 =	sshrl.u32 s6, $0xC;
	s5 =	simm.s32 $0x1;
	s7 =	simm.s32 @!p0 $0x0  }
0xa: {  	[sflag:s5] =	ssyncpa.u1 $0x0;
	p0 =	por $0x0, $0x0;
	s6 =	sadd.s32 s7, s6  }
0xb: {  	[sflag:s8] =	ssyncpa.u1 $0x0;
	s8 =	simm.s32 $0x640000;
	s7 =	sadd.s32 $0x1, s6  }
.LBB1_4:
0xc: {  	s14 =	sshll.u32 s11, $0x3  }
0xd: {  	s30 =	sand.u32 $0x7F, s11;
	s15 =	sand.u32 $0xFFFFFC00, s14  }
0xe: {  	s11 =	sor.u32 s30, s15  }
0xf: {  	s15 =	smulhi.u32 $0x51EB851F, s11  }
0x10: {  	s14 =	smulhi.u32 $0x51EB851F, s14  }
0x11: {  	s15 =	sshrl.u32 s15, $0x12  }
0x12: {  	s14 =	sshrl.u32 s14, $0x12;
	s15 =	smul.u32 $0xC8000, s15  }
0x13: {  	s14 =	sand.u32 $0x1F, s14  }
0x14: {  	s14 =	smul.u32 $0x19000, s14;
	s11 =	ssub.s32 s11, s15  }
0x15: {  	s15 =	sand.u32 $0x7, s11  }
0x16: {  	s14 =	sadd.s32 s2, s14;
	s11 =	sshrl.u32 s11, $0x3;
	s15 =	sshll.u32 s15, $0x12  }
0x17: {  	[tilespmem:s13+$0x0 ss:$0x81] =	vst.msk $0xffff, v0;
	s11 =	sadd.s32 s11, s14;
	s31 =	sor.u32 $0x400, s15  }
0x18: {  	[hbm4b:s11+s31] =	stream.strided.scatter [tilespmem:s12], [sflag:$0x2], $0x1000, s8, s31, $0x20;
	[tilespmem:$0x4040] =	vst v63  }
.LBB1_5:
0x19: {  	s13 =	sadd.s32 $0x1000, s9  }
0x1a: {  	p2 =	sgt.s32 s13, $0xC7FFF  }
0x1b: {  	s13 =	smov.u32 @p2 s3;
	p2 =	sne.s32 s10, s7  }
.Ltmp1:
0x1c: {  	p1 =	slt.u32 s10, $0x2;
	(pc) =	sbr.rel @!p2 .LBB1_6-.Ltmp1, $4  }
0x1d: {  	s12 =	simm.s32 @!p1 $0x2  }
0x1e: {  	s14 =	sadd.s32 $0x1, s10;
	_ =	swait.ge @!p1 [sflag:s12], $0x1000  }
0x1f: {  	s11 =	smov.u32 s9;
	p0 =	por !p0, !p0;
	[sflag:s12] =	ssyncset.done @!p1 $0x0  }
0x20: {  	s10 =	smov.u32 s14;
	s9 =	smov.u32 s13;
	[sflag:s12] =	ssyncadd.s32 @!p1 $0xFFFFF000  }
.LBB1_1:
0x21: {  	p1 =	sge.u32 s10, s6  }
0x22: {  	s12 =	sand.u32 @!p1 $0x1FFFFFF, s9  }
0x23: {  	s13 =	smulhi.u32 @!p1 $0x147AE15, s12;
	_ =	sdelay $0x1  }
0x24: {  	s13 =	sshrl.u32 @!p1 s13, $0xC  }
0x25: {  	s13 =	smul.u32 @!p1 $0xC8000, s13;
	_ =	sdelay $0x1  }
0x26: {  	s31 =	sadd.s32 $0xFFFFFFFF, s10;
	s14 =	sxor.u32 @!p1 $0xFFFFFFFF, s10;
	s12 =	ssub.s32 @!p1 s12, s13  }
0x27: {  	s15 =	simm.s32 @!p1 $0x80;
	s14 =	sshll.u32 @!p1 s14, $0xC;
	s12 =	sshll.u32 @!p1 s12, $0x4  }
0x28: {  	s13 =	sand.u32 @!p1 $0x1000, s14;
	s14 =	simm.s32 @!p1 $0x20;
	s12 =	sadd.s32 @!p1 s4, s12  }
0x29: {  	[tilespmem:s13], [sflag:$0x1] =	stream.strided.gather @!p1 [hbm4b:s12+s14], $0x1000, s15, s14, $0x38;
	[tilespmem:$0x4040] =	vst v63  }
0x2a: {  	p1 =	sge.u32 s31, s6  }
.Ltmp2:
0x2b: {  	_ = 	snop;
	(pc) =	sbr.rel @p1 .LBB1_5-.Ltmp2, $1  }
0x2c: {  	_ =	sdelay $0x3  }
0x2d: {  	s12 =	simm.s32 $0x1  }
0x2e: {  	_ =	swait.ge [sflag:s5], $0x1000;
	s12 =	simm.s32 @!p0 $0x0  }
0x2f: {  	[sflag:s5] =	ssyncset.done $0x0;
	s13 =	sshll.u32 s12, $0xC  }
0x30: {  	[sflag:s5] =	ssyncadd.s32 $0xFFFFF000;
	s16 =	sor.u32 $0x10, s13  }
0x31: {  	s12 =	smul.u32 $0x4080, s12;
	v1 =	vld [tilespmem:s16+$0x0]  }
0x32: {  	s30 =	sand.u32 $0x1, s10;
	v0 =	vld [tilespmem:s16+$0xFFFFFFF0]  }
0x33: {  	s13 =	smul.u32 $0x4080, s30;
	s12 =	sshrl.u32 s12, $0x2  }
0x34: {  	s14 =	sor.u32 $0x2000, s12  }
0x35: {  	s31 =	sshrl.u32 s13, $0x2;
	s13 =	sadd.s32 $0x0, s14  }
0x36: {  	s15 =	simm.s32 $0x4;
	s16 =	sadd.s32 $0x20, s16;
	s12 =	sor.u32 $0x2000, s31;
	[tilespmem:s13+$0x810 ss:$0x81] =	vst.msk $0xffff, v1  }
.LBB1_3:
0x37: {  	v1 =	vld [tilespmem:s16+$0x0];
	p1 =	sne.s32 s15, $0x1FC;
	[tilespmem:s13+$0x0 ss:$0x81] =	vst.msk $0xffff, v0;
	s13 =	smov.u32 s15;
	s15 =	sadd.s32 $0x4, s15  }
.Ltmp3:
0x38: {  	v0 =	vld [tilespmem:s16+$0xFFFFFFF0];
	(pc) =	sbr.rel @p1 .LBB1_3-.Ltmp3, $4  }
0x39: {  	_ = 	snop  }
0x3a: {  	s13 =	sshra.s32 s13, $0x2  }
0x3b: {  	s13 =	sadd.s32 s13, s14  }
0x3c: {  	s16 =	sadd.s32 $0x20, s16;
	[tilespmem:s13+$0x810 ss:$0x81] =	vst.msk $0xffff, v1  }
.Ltmp4:
0x3d: {  	_ = 	snop;
	(pc) =	sbr.rel .LBB1_4-.Ltmp4, $1  }
0x3e: {  	_ =	sdelay $0x3  }
.LBB1_6:
0x3f: {  	_ =	sfence.sel $0x180000  }
0x40: {  	s2 =	simm.s32 $0x1;
	[bflag:$0x0] =	sbarrier.arrive $0xFFFF  }
0x41: {  	s31 =	simm.s32 $0x2;
	[sflag:s2] =	ssyncpa.u1 $0x1  }
0x42: {  	[sflag:s31] =	ssyncpa.u1 $0x1  }
0x43: {  	p0 =	sne.s32 s0, $0x0;
	_ =	strace $0x9000004D  }
0x44: {  	s0 =	sadd.s32 @!p0 $0x100000, s1;
	[bflag:$0x2] =	sbarrier.arrive $0xFFFF  }
0x45: {  	[sflag:s0] =	ssyncadd.tile.s32 @!p0 $0x1;
	_ =	shalt  }
.Lfunc_end1:
_tile_overlayer_lowered:
.L_overlay_start_2:
0x46: {  	(tag) =	ssettag $0x2  }
0x47: {  	s0 =	rddreg [dreg:$0x0];
	s2 =	stileid.u32  }
0x48: {  	s1 =	rddreg [dreg:$0x1];
	p0 =	sne.s32 s2, $0x0  }
0x49: {  	s3 =	rddreg [dreg:$0x2];
	[bflag:$0x3] =	sbarrier.arrive $0xFFFF;
	s2 =	simm.s32 @!p0 $0x1C01  }
0x4a: {  	[timem:s3], [sflag:s2] =	dma.local @!p0 [hbm:s0], s1  }
0x4b: {  	s0 =	simm.s32 @!p0 $0x1  }
0x4c: {  	_ =	swait.ge @!p0 [sflag:s0], s1  }
0x4d: {  	s1 =	ssub.s32 @!p0 $0x0, s1;
	[sflag:s0] =	ssyncset.done @!p0 $0x0  }
0x4e: {  	[sflag:s0] =	ssyncadd.s32 @!p0 s1  }
0x4f: {  	[bflag:$0x3] =	sbarrier.arrive $0xFFFF  }
0x50: {  	_ =	shalt  }

// kernel: sparse-core-data-format-call.2.cloned.1.call-start
scs
called_computation.2_lowered:
.L_overlay_start_0:
0x0: {  	s1 =	sld [smem:$0x3FD9]  }
0x1: {  	s2 =	sld [smem:$0x3FFE];
	_ =	sdelay $0x1  }
0x2: {  	s3 =	srdreg.scid  }
0x3: {  	s0 =	sand.u32 $0x1, s3  }
0x4: {  	s17 =	sshll.u32 s0, $0xA;
	s1 =	sadd.s32 s2, s1  }
0x5: {  	s1 =	sadd.s32 s1, s17  }
0x6: {  	[smem:$0x3FC5] =	sst s1  }
0x7: {  	_ = 	snop  }
0x8: {  	(tm) =	ssettm $0x1  }
0x9: {  	s18 =	sld [smem:$0x3FFB];
	_ =	sdelay $0x3  }
0xa: {  	_ =	strace s18  }
0xb: {  	s1 =	sld [smem:$0x3FFC];
	_ =	sdelay $0x3  }
0xc: {  	_ =	strace s1  }
0xd: {  	s1 =	sld [smem:$0x3FFD];
	_ =	sdelay $0x3  }
0xe: {  	_ =	strace s1  }
0xf: {  	_ =	strace $0x8FFFFFFF  }
0x10: {  	s19 =	sld [smem:$0x3FDB];
	_ =	sdelay $0x1  }
0x11: {  	s20 =	simm.s32 $_scs_section_size  }
0x12: {  	s4 =	simm.s32 $_size__tile_overlayer_lowered;
	s5 =	simm.s32 $_tile_overlayer_lowered  }
0x13: {  	s23 =	simm.s32 $0x1BFF;
	s22 =	sshll.u32 s5, $0x1;
	s1 =	sadd.s32 s20, s19  }
0x14: {  	s6 =	simm.s32 $0x0;
	s21 =	sshll.u32 s4, $0x1;
	s4 =	sadd.s32 s22, s1  }
0x15: {  	[timem:s6], [sflag:s23] =	dma.local [hbm:s4], s21  }
0x16: {  	_ =	swait.ge [sflag:s23], s21  }
0x17: {  	s2 =	ssub.s32 $0x0, s21;
	[sflag:s23] =	ssyncset.done $0x0  }
0x18: {  	[sflag:s23] =	ssyncadd.s32 s2;
	_ =	sdelay $0x1  }
0x19: {  	s24 =	simm.s32 $0x1B8B  }
0x1a: {  	_ =	swait.ge [sflag:s24], $0x1  }
0x1b: {  	[sflag:s24] =	ssyncset.done $0x0  }
0x1c: {  	s26 =	simm.s32 $0x1B8E;
	s25 =	sld [smem:$0x3FFE];
	[sflag:s24] =	ssyncadd.s32 $0xFFFFFFFF  }
0x1d: {  	s27 =	simm.s32 $execute0_lowered;
	[smem:$0x3FD2] =	sst s26  }
0x1e: {  	s4 =	sshll.u32 s27, $0x1;
	_ =	strace $0x80000046;
	[dreg:$0x1] =	wrdreg $0xFFFFFFFF  }
0x1f: {  	s28 =	simm.s32 $_size_execute0_lowered;
	s1 =	sadd.s32 s1, s4;
	[dreg:$0x0] =	wrdreg $0x0  }
0x20: {  	s4 =	sshll.u32 s28, $0x1;
	[dreg:$0x2] =	wrdreg s1  }
0x21: {  	[dreg:$0x3] =	wrdreg s4  }
0x22: {  	[dreg:$0x4] =	wrdreg $0xC0  }
0x23: {  	_ =	task [dreg:s6], $0x5FFFF  }
0x24: {  	[dreg:$0x1] =	wrdreg $0xFFFFFFFF  }
0x25: {  	[dreg:$0x0] =	wrdreg $0x60  }
0x26: {  	[dreg:$0x2] =	wrdreg s25  }
0x27: {  	[dreg:$0x3] =	wrdreg $0x9  }
0x28: {  	_ =	task.clear_ibuf [dreg:s6], $0x4FFFF;
	_ =	strace $0x90000046  }
0x29: {  	s29 =	simm.s32 $0x9;
	_ =	strace $0x80000048  }
0x2a: {  	_ =	swait.ge [sflag:s29], $0x1  }
0x2b: {  	[sflag:s29] =	ssyncadd.s32 $0xFFFFFFFF  }
0x2c: {  	_ =	strace $0x90000048  }
0x2d: {  	_ =	sfence  }
0x2e: {  	s30 =	sld [smem:$0x0];
	_ =	sdelay $0x2  }
0x2f: {  	s31 =	sshll.u32 s3, $0xD;
	s3 =	sshrl.u32 s3, $0x2  }
0x30: {  	s2 =	sand.u32 $0x4000, s31;
	s1 =	sadd.s32 s3, s30  }
0x31: {  	s0 =	sor.u32 s2, s0;
	s1 =	sshll.u32 s1, $0x11  }
0x32: {  	s0 =	sor.u32 s1, s0  }
0x33: {  	s0 =	sadd.s32 $0x8F2B, s0  }
0x34: {  	[sflag:s0] =	ssyncadd.remote.s32 $0x1  }
0x35: {  	_ =	sfence.sel $0xFFFF  }
0x36: {  	[dreg:$0x0] =	wrdreg $0xFFFFFFFF;
	(pc) =	sbr.abs _section_cstart, $3  }
0x37: {  	[dreg:$0x1] =	wrdreg $0xFFFFFFFF  }
0x38: {  	_ =	task.clear_ibuf [dreg:s6], $0x2FFFF;
	_ =	strace $0x9FFFFFFF  }
0x39: {  	(tm) =	ssettm $0x7FFFFFFF  }
tec
execute0_lowered:
.L_overlay_start_1:
0x0: {  	(tag) =	ssettag $0x1  }
0x1: {  	s0 =	srdreg.scid  }
0x2: {  	s5 =	rddreg [dreg:$0x0];
	s1 =	stileid.u32;
	s4 =	simm.s32 $0x1  }
0x3: {  	s6 =	simm.s32 $0x2;
	s15 =	simm.s32 $0x0;
	p0 =	por $0x0, $0x0  }
0x4: {  	s8 =	simm.s32 $0x80;
	s14 =	simm.s32 $0x0;
	s2 =	sshll.u32 s0, $0x4  }
0x5: {  	s9 =	simm.s32 $0x0;
	s10 =	simm.s32 $0x0;
	s2 =	sand.u32 $0x10, s2  }
.Ltmp0:
0x6: {  	s12 =	simm.s32 $0x0;
	s3 =	sor.u32 s1, s2;
	(pc) =	sbr.rel .LBB1_1-.Ltmp0, $4  }
0x7: {  	s0 =	rddreg [dreg:$0x1];
	_ =	strace $0x80000047;
	s3 =	sshll.u32 s3, $0x7  }
0x8: {  	s13 =	simm.s32 $0x0;
	[sflag:s4] =	ssyncpa.u1 $0x0;
	s7 =	ssub.s32 $0xF4200, s3  }
0x9: {  	s2 =	sadd.s32 $0xA00, s5;
	[sflag:s6] =	ssyncpa.u1 $0x0;
	s6 =	sshrl.u32 s7, $0xC  }
0xa: {  	s5 =	sadd.s32 $0x1E9000, s5;
	s11 =	smov.u32 s3;
	s7 =	sadd.s32 $0x2, s6  }
.LBB1_5:
0xb: {  	p1 =	slt.u32 s13, $0x2  }
0xc: {  	s17 =	smov.u32 s15;
	p2 =	sgt.s32 @!p1 s15, $0xF41C0;
	s16 =	sshra.s32 @!p1 s15, $0x1F  }
0xd: {  	p3 =	sgt.s32 @!p1 s14, $0x70;
	s18 =	sshra.s32 @!p1 s14, $0x1F;
	p2 =	por !p2, p1  }
0xe: {  	s15 =	sand.u32 @!p1 s16, s15;
	p3 =	por !p3, p1;
	s16 =	smov.u32 s14  }
0xf: {  	s14 =	sand.u32 @!p1 s18, s14;
	s17 =	simm.s32 @p2 $0xF41C0;
	s16 =	simm.s32 @p3 $0x70  }
0x10: {  	s15 =	ssub.s32 @!p1 s17, s15;
	s14 =	ssub.s32 @!p1 s16, s14  }
0x11: {  	s18 =	smov.u32 s12;
	s16 =	sadd.s32 @!p1 $0xFFF0BE40, s15;
	s17 =	sadd.s32 @!p1 $0xFFFFFF90, s14  }
0x12: {  	s15 =	ssub.s32 @!p1 $0xF4240, s15;
	p2 =	sgt.s32 @!p1 s16, $0x7F;
	p3 =	sgt.s32 @!p1 s17, $0xF  }
0x13: {  	s14 =	ssub.s32 @!p1 $0x80, s14;
	p2 =	por !p2, p1;
	p3 =	por !p3, p1  }
0x14: {  	s16 =	sadd.s32 $0x1000, s11;
	s15 =	simm.s32 @!p2 $0x0;
	s14 =	simm.s32 @!p3 $0x0  }
0x15: {  	p2 =	sgt.s32 s16, $0xF423F;
	s14 =	smul.u32 @!p1 s14, s15;
	s15 =	sadd.s32 $0x10, s12  }
0x16: {  	s18 =	smov.u32 @p2 s15  }
0x17: {  	s16 =	smov.u32 @p2 s3;
	p2 =	sgt.s32 s18, $0xF  }
0x18: {  	s18 =	simm.s32 @p2 $0x0;
	p2 =	sne.s32 s13, s7  }
.Ltmp1:
0x19: {  	p0 =	por !p0, !p0;
	s17 =	simm.s32 @!p1 $0x2;
	(pc) =	sbr.rel @!p2 .LBB1_6-.Ltmp1, $4  }
0x1a: {  	s15 =	smov.u32 s9;
	s9 =	smov.u32 s11;
	s14 =	sand.u32 @!p1 $0x3FFFFFFF, s14  }
0x1b: {  	s11 =	smov.u32 s16;
	_ =	swait.ge @!p1 [sflag:s17], s14;
	s19 =	ssub.s32 @!p1 $0x0, s14  }
0x1c: {  	s14 =	smov.u32 s10;
	s13 =	sadd.s32 $0x1, s13;
	[sflag:s17] =	ssyncset.done @!p1 $0x0  }
0x1d: {  	s10 =	smov.u32 s12;
	s12 =	smov.u32 s18;
	[sflag:s17] =	ssyncadd.s32 @!p1 s19  }
.LBB1_1:
0x1e: {  	p1 =	sgt.u32 s13, s6  }
0x1f: {  	s16 =	sshrl.u32 @!p1 s12, $0x3  }
0x20: {  	s17 =	sshll.u32 @!p1 s11, $0x3;
	s16 =	smul.u32 @!p1 $0x7A1400, s16  }
0x21: {  	s18 =	sshll.u32 @!p1 s12, $0x7;
	s17 =	sand.u32 @!p1 $0xFFFFFC00, s17  }
0x22: {  	s16 =	sadd.s32 @!p1 s16, s17;
	s17 =	sand.u32 @!p1 $0x380, s18  }
0x23: {  	s18 =	sand.u32 @!p1 $0x7F, s11;
	s16 =	sor.u32 @!p1 s17, s16  }
0x24: {  	s17 =	sor.u32 @!p1 s18, s16  }
0x25: {  	s18 =	smulhi.u32 @!p1 $0x218D6287, s17;
	_ =	sdelay $0x1  }
0x26: {  	s16 =	smulhi.u32 @!p1 $0x218D6287, s16;
	s18 =	sshrl.u32 @!p1 s18, $0x11  }
0x27: {  	s18 =	smul.u32 @!p1 $0xF4280, s18  }
0x28: {  	s19 =	sxor.u32 @!p1 $0xFFFFFFFF, s13;
	s16 =	sshrl.u32 @!p1 s16, $0x11  }
0x29: {  	s19 =	sshll.u32 @!p1 s19, $0xB;
	s16 =	sand.u32 @!p1 $0xF, s16;
	s17 =	ssub.s32 @!p1 s17, s18  }
0x2a: {  	s16 =	smul.u32 @!p1 $0x1E850, s16;
	s18 =	sshrl.u32 @!p1 s17, $0x3;
	s17 =	sand.u32 @!p1 $0x7, s17  }
0x2b: {  	s19 =	sand.u32 @!p1 $0x800, s19;
	s18 =	sadd.s32 @!p1 s2, s18;
	s17 =	sshll.u32 @!p1 s17, $0x12  }
0x2c: {  	s16 =	sadd.s32 @!p1 s16, s18;
	s17 =	sor.u32 @!p1 $0x400, s17;
	s18 =	simm.s32 @!p1 $0x7A1400  }
0x2d: {  	[tilespmem:s19], [sflag:$0x1] =	stream.strided.gather @!p1 [hbm4b:s16+s17], $0x800, s18, s17, $0x38;
	[tilespmem:$0x2100] =	vst v63  }
0x2e: {  	p1 =	seq.s32 s13, $0x0  }
0x2f: {  	p2 =	sge.u32 @!p1 s13, s7  }
0x30: {  	p1 =	por p1, p2  }
.Ltmp2:
0x31: {  	_ = 	snop;
	(pc) =	sbr.rel @p1 .LBB1_5-.Ltmp2, $1  }
0x32: {  	_ =	sdelay $0x3  }
0x33: {  	s16 =	simm.s32 $0x1  }
0x34: {  	_ =	swait.ge [sflag:s4], $0x800;
	s16 =	simm.s32 @!p0 $0x0  }
0x35: {  	[sflag:s4] =	ssyncset.done $0x0;
	s17 =	sshll.u32 s16, $0xB  }
0x36: {  	[sflag:s4] =	ssyncadd.s32 $0xFFFFF800;
	s17 =	sor.u32 $0x40, s17  }
0x37: {  	s16 =	smul.u32 $0x2200, s16;
	v0 =	vld [tilespmem:s17+$0x30]  }
0x38: {  	v1 =	vld [tilespmem:s17+$0xFFFFFFD0]  }
0x39: {  	s16 =	sshrl.u32 s16, $0x2;
	v5 =	vld [tilespmem:s17+$0xFFFFFFE0]  }
0x3a: {  	v6 =	vld [tilespmem:s17+$0xFFFFFFF0];
	s19 =	sor.u32 $0x1000, s16  }
0x3b: {  	s31 =	sand.u32 $0x1, s13;
	v4 =	vld [tilespmem:s17+$0x0];
	s18 =	sadd.s32 $0x0, s19  }
0x3c: {  	v3 =	vld [tilespmem:s17+$0x10];
	s16 =	smul.u32 $0x2200, s31;
	[tilespmem:s18+$0x770 ss:$0x11] =	vst.msk $0xffff, v0  }
0x3d: {  	v2 =	vld [tilespmem:s17+$0x20];
	[tilespmem:s18+$0x110 ss:$0x11] =	vst.msk $0xffff, v1  }
0x3e: {  	s16 =	sshrl.u32 s16, $0x2;
	v1 =	vld [tilespmem:s17+$0xFFFFFFC0];
	[tilespmem:s18+$0x220 ss:$0x11] =	vst.msk $0xffff, v5;
	s17 =	sadd.s32 $0x80, s17  }
0x3f: {  	s20 =	simm.s32 $0x4;
	s21 =	simm.s32 $0x8;
	s16 =	sor.u32 $0x1000, s16;
	[tilespmem:s18+$0x330 ss:$0x11] =	vst.msk $0xffff, v6;
	v0 =	vld [tilespmem:s17+$0x30]  }
.LBB1_3:
0x40: {  	p1 =	sne.s32 s21, $0x3C;
	v5 =	vld [tilespmem:s17+$0xFFFFFFD0];
	[tilespmem:s18+$0x440 ss:$0x11] =	vst.msk $0xffff, v4  }
0x41: {  	v6 =	vld [tilespmem:s17+$0xFFFFFFE0];
	[tilespmem:s18+$0x550 ss:$0x11] =	vst.msk $0xffff, v3  }
0x42: {  	s22 =	sshra.s32 s20, $0x2;
	s20 =	smov.u32 s21;
	v7 =	vld [tilespmem:s17+$0xFFFFFFF0];
	[tilespmem:s18+$0x660 ss:$0x11] =	vst.msk $0xffff, v2  }
.Ltmp3:
0x43: {  	v4 =	vld [tilespmem:s17+$0x0];
	[tilespmem:s18+$0x0 ss:$0x11] =	vst.msk $0xffff, v1;
	s18 =	sadd.s32 s22, s19;
	(pc) =	sbr.rel @p1 .LBB1_3-.Ltmp3, $4  }
0x44: {  	v3 =	vld [tilespmem:s17+$0x10];
	[tilespmem:s18+$0x770 ss:$0x11] =	vst.msk $0xffff, v0  }
0x45: {  	[tilespmem:s18+$0x110 ss:$0x11] =	vst.msk $0xffff, v5;
	v2 =	vld [tilespmem:s17+$0x20]  }
0x46: {  	v1 =	vld [tilespmem:s17+$0xFFFFFFC0];
	[tilespmem:s18+$0x220 ss:$0x11] =	vst.msk $0xffff, v6;
	s17 =	sadd.s32 $0x80, s17  }
0x47: {  	s21 =	sadd.s32 $0x4, s21;
	v0 =	vld [tilespmem:s17+$0x30];
	[tilespmem:s18+$0x330 ss:$0x11] =	vst.msk $0xffff, v7  }
0x48: {  	s21 =	sshll.u32 s9, $0x7;
	s22 =	sshll.u32 s10, $0x3;
	s20 =	sshra.s32 s20, $0x2  }
0x49: {  	p1 =	sgt.s32 s9, $0xF41C0;
	s30 =	sshra.s32 s9, $0x1F;
	s25 =	sshra.s32 s10, $0x1F  }
0x4a: {  	v5 =	vld [tilespmem:s17+$0xFFFFFFD0];
	s28 =	sshrl.u32 s10, $0x3;
	s23 =	sand.u32 $0xFFFFFC00, s21;
	s22 =	sand.u32 $0xFFFFFC00, s22  }
0x4b: {  	[tilespmem:s18+$0x440 ss:$0x11] =	vst.msk $0xffff, v4;
	v58 =	vld [tilespmem:s17+$0xFFFFFFE0];
	s21 =	sand.u32 $0x380, s21;
	s19 =	sadd.s32 s20, s19;
	s22 =	sadd.s32 s22, s23  }
0x4c: {  	v59 =	vld [tilespmem:s17+$0xFFFFFFF0];
	[tilespmem:s18+$0x550 ss:$0x11] =	vst.msk $0xffff, v3;
	s29 =	sor.u32 s21, s22;
	s21 =	smov.u32 s9;
	s22 =	sand.u32 s30, s9  }
0x4d: {  	v60 =	vld [tilespmem:s17+$0x0];
	[tilespmem:s18+$0x660 ss:$0x11] =	vst.msk $0xffff, v2;
	s30 =	sand.u32 $0x7, s10;
	s20 =	sshrl.u32 s29, $0x7;
	s21 =	simm.s32 @!p1 $0xF41C0  }
0x4e: {  	v61 =	vld [tilespmem:s17+$0x10];
	[tilespmem:s18+$0x0 ss:$0x11] =	vst.msk $0xffff, v1;
	p1 =	sgt.s32 s10, $0x70;
	s24 =	ssub.s32 s21, s22;
	s21 =	smov.u32 s10  }
0x4f: {  	v62 =	vld [tilespmem:s17+$0x20];
	[tilespmem:s19+$0x770 ss:$0x11] =	vst.msk $0xffff, v0;
	s31 =	smulhi.u32 $0x218DEF5, s20;
	s22 =	sand.u32 s25, s10;
	s21 =	simm.s32 @!p1 $0x70  }
0x50: {  	v63 =	vld [tilespmem:s17+$0xFFFFFFC0];
	[tilespmem:s19+$0x110 ss:$0x11] =	vst.msk $0xffff, v5;
	s26 =	sadd.s32 $0xFFF0BE40, s24;
	s17 =	ssub.s32 $0xF4240, s24;
	s21 =	ssub.s32 s21, s22  }
0x51: {  	[tilespmem:s19+$0x220 ss:$0x11] =	vst.msk $0xffff, v58;
	s23 =	sshrl.u32 s31, $0xD;
	p1 =	sgt.s32 s26, $0x7F;
	s27 =	sadd.s32 $0xFFFFFF90, s21  }
0x52: {  	[tilespmem:s19+$0x330 ss:$0x11] =	vst.msk $0xffff, v59;
	s23 =	smul.u32 $0xF4240, s23;
	s18 =	ssub.s32 $0x80, s21;
	p2 =	sgt.s32 s27, $0xF  }
.Ltmp4:
0x53: {  	[tilespmem:s19+$0x440 ss:$0x11] =	vst.msk $0xffff, v60;
	s17 =	simm.s32 @p1 $0x0;
	s18 =	simm.s32 @p2 $0x0;
	(pc) =	sbr.rel .LBB1_5-.Ltmp4, $4  }
0x54: {  	s29 =	sand.u32 $0xF, s28;
	[tilespmem:s19+$0x550 ss:$0x11] =	vst.msk $0xffff, v61;
	s20 =	ssub.s32 s20, s23;
	s17 =	smul.u32 s18, s17  }
0x55: {  	[tilespmem:s19+$0x660 ss:$0x11] =	vst.msk $0xffff, v62;
	s21 =	sshll.u32 s30, $0x12;
	s20 =	sshll.u32 s20, $0x4;
	s18 =	sadd.s32 s5, s29  }
0x56: {  	[tilespmem:s19+$0x0 ss:$0x11] =	vst.msk $0xffff, v63;
	s31 =	sor.u32 $0x10, s21;
	s18 =	sadd.s32 s20, s18;
	s17 =	sand.u32 $0x3FFFFFFF, s17  }
0x57: {  	[hbm4b:s18+s31] =	stream.strided.scatter [tilespmem:s16], [sflag:$0x2], s17, s8, s31, $0x8;
	[tilespmem:$0x2100] =	vst v63  }
.LBB1_6:
0x58: {  	_ =	sfence.sel $0x180000  }
0x59: {  	s2 =	simm.s32 $0x1;
	[bflag:$0x0] =	sbarrier.arrive $0xFFFF  }
0x5a: {  	s31 =	simm.s32 $0x2;
	[sflag:s2] =	ssyncpa.u1 $0x1  }
0x5b: {  	[sflag:s31] =	ssyncpa.u1 $0x1  }
0x5c: {  	p0 =	sne.s32 s1, $0x0;
	_ =	strace $0x90000047  }
0x5d: {  	s0 =	sadd.s32 @!p0 $0x100000, s0;
	[bflag:$0x2] =	sbarrier.arrive $0xFFFF  }
0x5e: {  	[sflag:s0] =	ssyncadd.tile.s32 @!p0 $0x1;
	_ =	shalt  }
.Lfunc_end1:
_tile_overlayer_lowered:
.L_overlay_start_2:
0x5f: {  	(tag) =	ssettag $0x2  }
0x60: {  	s0 =	rddreg [dreg:$0x0];
	s2 =	stileid.u32  }
0x61: {  	s1 =	rddreg [dreg:$0x1];
	p0 =	sne.s32 s2, $0x0  }
0x62: {  	s3 =	rddreg [dreg:$0x2];
	[bflag:$0x3] =	sbarrier.arrive $0xFFFF;
	s2 =	simm.s32 @!p0 $0x1C01  }
0x63: {  	[timem:s3], [sflag:s2] =	dma.local @!p0 [hbm:s0], s1  }
0x64: {  	s0 =	simm.s32 @!p0 $0x1  }
0x65: {  	_ =	swait.ge @!p0 [sflag:s0], s1  }
0x66: {  	s1 =	ssub.s32 @!p0 $0x0, s1;
	[sflag:s0] =	ssyncset.done @!p0 $0x0  }
0x67: {  	[sflag:s0] =	ssyncadd.s32 @!p0 s1  }
0x68: {  	[bflag:$0x3] =	sbarrier.arrive $0xFFFF  }
0x69: {  	_ =	shalt  }

// kernel: sparse-core-data-format-call.cloned.1.call-start
scs
called_computation_lowered:
.L_overlay_start_0:
0x0: {  	s1 =	sld [smem:$0x3FD9]  }
0x1: {  	s2 =	sld [smem:$0x3FFE];
	_ =	sdelay $0x1  }
0x2: {  	s3 =	srdreg.scid  }
0x3: {  	s0 =	sand.u32 $0x1, s3  }
0x4: {  	s17 =	sshll.u32 s0, $0xA;
	s1 =	sadd.s32 s2, s1  }
0x5: {  	s1 =	sadd.s32 s1, s17  }
0x6: {  	[smem:$0x3FC5] =	sst s1  }
0x7: {  	_ = 	snop  }
0x8: {  	(tm) =	ssettm $0x1  }
0x9: {  	s18 =	sld [smem:$0x3FFB];
	_ =	sdelay $0x3  }
0xa: {  	_ =	strace s18  }
0xb: {  	s1 =	sld [smem:$0x3FFC];
	_ =	sdelay $0x3  }
0xc: {  	_ =	strace s1  }
0xd: {  	s1 =	sld [smem:$0x3FFD];
	_ =	sdelay $0x3  }
0xe: {  	_ =	strace s1  }
0xf: {  	_ =	strace $0x8FFFFFFF  }
0x10: {  	s19 =	sld [smem:$0x3FDB];
	_ =	sdelay $0x1  }
0x11: {  	s20 =	simm.s32 $_scs_section_size  }
0x12: {  	s4 =	simm.s32 $_size__tile_overlayer_lowered;
	s5 =	simm.s32 $_tile_overlayer_lowered  }
0x13: {  	s23 =	simm.s32 $0x1BFF;
	s22 =	sshll.u32 s5, $0x1;
	s1 =	sadd.s32 s20, s19  }
0x14: {  	s6 =	simm.s32 $0x0;
	s21 =	sshll.u32 s4, $0x1;
	s4 =	sadd.s32 s22, s1  }
0x15: {  	[timem:s6], [sflag:s23] =	dma.local [hbm:s4], s21  }
0x16: {  	_ =	swait.ge [sflag:s23], s21  }
0x17: {  	s2 =	ssub.s32 $0x0, s21;
	[sflag:s23] =	ssyncset.done $0x0  }
0x18: {  	[sflag:s23] =	ssyncadd.s32 s2;
	_ =	sdelay $0x1  }
0x19: {  	s24 =	simm.s32 $0x1B8B  }
0x1a: {  	_ =	swait.ge [sflag:s24], $0x1  }
0x1b: {  	[sflag:s24] =	ssyncset.done $0x0  }
0x1c: {  	s26 =	simm.s32 $0x1B8E;
	s25 =	sld [smem:$0x3FFE];
	[sflag:s24] =	ssyncadd.s32 $0xFFFFFFFF  }
0x1d: {  	s27 =	simm.s32 $execute0_lowered;
	[smem:$0x3FD2] =	sst s26  }
0x1e: {  	s4 =	sshll.u32 s27, $0x1;
	_ =	strace $0x8000004F;
	[dreg:$0x1] =	wrdreg $0xFFFFFFFF  }
0x1f: {  	s28 =	simm.s32 $_size_execute0_lowered;
	s1 =	sadd.s32 s1, s4;
	[dreg:$0x0] =	wrdreg $0x0  }
0x20: {  	s4 =	sshll.u32 s28, $0x1;
	[dreg:$0x2] =	wrdreg s1  }
0x21: {  	[dreg:$0x3] =	wrdreg s4  }
0x22: {  	[dreg:$0x4] =	wrdreg $0xC0  }
0x23: {  	_ =	task [dreg:s6], $0x5FFFF  }
0x24: {  	[dreg:$0x1] =	wrdreg $0xFFFFFFFF  }
0x25: {  	[dreg:$0x0] =	wrdreg $0x60  }
0x26: {  	[dreg:$0x2] =	wrdreg s25  }
0x27: {  	[dreg:$0x3] =	wrdreg $0x9  }
0x28: {  	_ =	task.clear_ibuf [dreg:s6], $0x4FFFF;
	_ =	strace $0x9000004F  }
0x29: {  	s29 =	simm.s32 $0x9;
	_ =	strace $0x80000051  }
0x2a: {  	_ =	swait.ge [sflag:s29], $0x1  }
0x2b: {  	[sflag:s29] =	ssyncadd.s32 $0xFFFFFFFF  }
0x2c: {  	_ =	strace $0x90000051  }
0x2d: {  	_ =	sfence  }
0x2e: {  	s30 =	sld [smem:$0x0];
	_ =	sdelay $0x2  }
0x2f: {  	s31 =	sshll.u32 s3, $0xD;
	s3 =	sshrl.u32 s3, $0x2  }
0x30: {  	s2 =	sand.u32 $0x4000, s31;
	s1 =	sadd.s32 s3, s30  }
0x31: {  	s0 =	sor.u32 s2, s0;
	s1 =	sshll.u32 s1, $0x11  }
0x32: {  	s0 =	sor.u32 s1, s0  }
0x33: {  	s0 =	sadd.s32 $0x8F2B, s0  }
0x34: {  	[sflag:s0] =	ssyncadd.remote.s32 $0x1  }
0x35: {  	_ =	sfence.sel $0xFFFF  }
0x36: {  	[dreg:$0x0] =	wrdreg $0xFFFFFFFF;
	(pc) =	sbr.abs _section_cstart, $3  }
0x37: {  	[dreg:$0x1] =	wrdreg $0xFFFFFFFF  }
0x38: {  	_ =	task.clear_ibuf [dreg:s6], $0x2FFFF;
	_ =	strace $0x9FFFFFFF  }
0x39: {  	(tm) =	ssettm $0x7FFFFFFF  }
tec
execute0_lowered:
.L_overlay_start_1:
0x0: {  	(tag) =	ssettag $0x1  }
0x1: {  	s0 =	srdreg.scid;
	s7 =	rddreg [dreg:$0x0]  }
0x2: {  	s8 =	simm.s32 $0x1;
	s9 =	simm.s32 $0x2;
	s1 =	sshll.u32 s0, $0x4  }
0x3: {  	s15 =	simm.s32 $0x0;
	s0 =	stileid.u32;
	s1 =	sand.u32 $0x10, s1  }
0x4: {  	s16 =	simm.s32 $0x0;
	s10 =	simm.s32 $0x0;
	s2 =	sor.u32 s0, s1  }
0x5: {  	s11 =	simm.s32 $0x0;
	s12 =	simm.s32 $0x0;
	s2 =	sshll.u32 s2, $0x1  }
0x6: {  	s14 =	simm.s32 $0x0;
	s3 =	sadd.s32 $0x640A00, s7;
	s6 =	ssub.s32 $0x40, s2  }
0x7: {  	s4 =	sadd.s32 $0xA00, s7;
	s7 =	sadd.s32 $0x680A00, s7;
	s5 =	sand.u32 $0x3E, s6  }
.Ltmp0:
0x8: {  	s1 =	rddreg [dreg:$0x1];
	p0 =	sne.s32 s5, $0x0;
	(pc) =	sbr.rel .LBB1_1-.Ltmp0, $4  }
0x9: {  	_ =	strace $0x80000050;
	s6 =	sshrl.u32 s6, $0x6;
	s8 =	simm.s32 @!p0 $0x0  }
0xa: {  	s13 =	smov.u32 s2;
	s5 =	simm.s32 $0x1;
	s6 =	sadd.s32 s8, s6  }
0xb: {  	[sflag:s5] =	ssyncpa.u1 $0x0;
	p0 =	por $0x0, $0x0;
	s6 =	sshll.u32 s6, $0x7  }
0xc: {  	[sflag:s9] =	ssyncpa.u1 $0x0;
	s9 =	simm.s32 $0x100000;
	s8 =	sor.u32 $0x1, s6  }
.LBB1_7:
0xd: {  	p1 =	slt.u32 s14, $0x2  }
0xe: {  	s18 =	smov.u32 s16;
	p2 =	sgt.s32 @!p1 s16, $0x3E;
	s17 =	sshra.s32 @!p1 s16, $0x1F  }
0xf: {  	p3 =	sgt.s32 @!p1 s15, $0x3F80;
	s19 =	sshra.s32 @!p1 s15, $0x1F;
	p2 =	por !p2, p1  }
0x10: {  	s16 =	sand.u32 @!p1 s17, s16;
	p3 =	por !p3, p1;
	s17 =	smov.u32 s15  }
0x11: {  	s15 =	sand.u32 @!p1 s19, s15;
	s18 =	simm.s32 @p2 $0x3E;
	s17 =	simm.s32 @p3 $0x3F80  }
0x12: {  	s19 =	smov.u32 s13;
	s16 =	ssub.s32 @!p1 s18, s16;
	s15 =	ssub.s32 @!p1 s17, s15  }
0x13: {  	s17 =	sadd.s32 @!p1 $0xFFFFFFC2, s16;
	s16 =	ssub.s32 @!p1 $0x40, s16;
	s18 =	sadd.s32 @!p1 $0xFFFFC080, s15  }
0x14: {  	p2 =	sgt.s32 @!p1 s17, $0x1;
	s16 =	smul.u32 @!p1 $0x32, s16;
	p3 =	sgt.s32 @!p1 s18, $0x7F  }
0x15: {  	s15 =	ssub.s32 @!p1 $0x4000, s15;
	p2 =	por !p2, p1;
	p3 =	por !p3, p1  }
0x16: {  	s17 =	sadd.s32 $0x80, s12;
	s16 =	simm.s32 @!p2 $0x0;
	s15 =	simm.s32 @!p3 $0x0  }
0x17: {  	p2 =	sgt.s32 s17, $0x3FFF;
	s15 =	smul.u32 @!p1 s15, s16;
	s16 =	sadd.s32 $0x40, s13  }
0x18: {  	s19 =	smov.u32 @p2 s16  }
0x19: {  	s17 =	simm.s32 @p2 $0x0;
	p2 =	sgt.s32 s19, $0x3F  }
0x1a: {  	s19 =	smov.u32 @p2 s2;
	p2 =	sne.s32 s14, s8  }
.Ltmp1:
0x1b: {  	p0 =	por !p0, !p0;
	s18 =	simm.s32 @!p1 $0x2;
	(pc) =	sbr.rel @!p2 .LBB1_8-.Ltmp1, $4  }
0x1c: {  	s16 =	smov.u32 s11;
	s11 =	smov.u32 s13;
	s15 =	sand.u32 @!p1 $0x3FFFFFFE, s15  }
0x1d: {  	_ =	swait.ge @!p1 [sflag:s18], s15;
	s20 =	ssub.s32 @!p1 $0x0, s15;
	s15 =	smov.u32 s10  }
0x1e: {  	s14 =	sadd.s32 $0x1, s14;
	s10 =	smov.u32 s12;
	[sflag:s18] =	ssyncset.done @!p1 $0x0  }
0x1f: {  	s12 =	smov.u32 s17;
	s13 =	smov.u32 s19;
	[sflag:s18] =	ssyncadd.s32 @!p1 s20  }
.LBB1_1:
0x20: {  	p1 =	sge.u32 s14, s6  }
0x21: {  	s17 =	sxor.u32 @!p1 $0xFFFFFFFF, s14;
	s18 =	sshll.u32 @!p1 s13, $0x12  }
0x22: {  	s19 =	sshll.u32 @!p1 s12, $0x4;
	s21 =	simm.s32 @!p1 $0x40;
	s22 =	simm.s32 @!p1 $0x80  }
0x23: {  	s17 =	sshll.u32 @!p1 s17, $0xE;
	s19 =	sand.u32 @!p1 $0x3FFF0, s19;
	s20 =	sadd.s32 @!p1 s3, s18  }
0x24: {  	s18 =	sadd.s32 @!p1 s18, s7;
	s17 =	sand.u32 @!p1 $0x4000, s17;
	s20 =	sadd.s32 @!p1 s19, s20  }
0x25: {  	[tilespmem:s17], [sflag:$0x1] =	stream.strided.gather @!p1 [hbm4b:s20+s21], $0x2000, s22, s21, $0x38;
	[tilespmem:$0x10100] =	vst v63  }
0x26: {  	s31 =	sadd.s32 $0xFFFFFFFF, s14;
	s18 =	sadd.s32 @!p1 s19, s18;
	s17 =	sor.u32 @!p1 $0x2000, s17  }
0x27: {  	[tilespmem:s17], [sflag:$0x1] =	stream.strided.gather @!p1 [hbm4b:s18+s21], $0x2000, s22, s21, $0x38;
	[tilespmem:$0x10100] =	vst v63  }
0x28: {  	p1 =	sge.u32 s31, s6  }
.Ltmp2:
0x29: {  	_ = 	snop;
	(pc) =	sbr.rel @p1 .LBB1_7-.Ltmp2, $1  }
0x2a: {  	_ =	sdelay $0x3  }
0x2b: {  	s17 =	simm.s32 $0x1;
	s19 =	sand.u32 $0x1, s14  }
0x2c: {  	_ =	swait.ge [sflag:s5], $0x4000;
	s17 =	simm.s32 @!p0 $0x0;
	s19 =	smul.u32 $0x10200, s19  }
0x2d: {  	p2 =	por $0x1, $0x1;
	[sflag:s5] =	ssyncset.done $0x0;
	s18 =	smul.u32 $0x10200, s17  }
0x2e: {  	s20 =	sshll.u32 s17, $0x10;
	[sflag:s5] =	ssyncadd.s32 $0xFFFFC000;
	s30 =	sshrl.u32 s19, $0x2  }
0x2f: {  	s31 =	sshrl.u32 s20, $0x2;
	s20 =	simm.s32 $0x0;
	s18 =	sshrl.u32 s18, $0x2  }
0x30: {  	s17 =	sor.u32 $0x8000, s30;
	s19 =	sadd.s32 $0x20, s31;
	s18 =	sor.u32 $0x8000, s18  }
.LBB1_3:
0x31: {  	s21 =	sshll.u32 s20, $0xD  }
0x32: {  	s21 =	sand.u32 $0x3FFFE000, s21  }
0x33: {  	s23 =	sadd.s32 s21, s19  }
0x34: {  	s31 =	smul.u32 $0x204, s20;
	v3 =	vld [tilespmem:s23+$0x10]  }
0x35: {  	v1 =	vld [tilespmem:s23+$0xFFFFFFF0]  }
0x36: {  	s20 =	sshra.s32 s31, $0x2;
	v0 =	vld [tilespmem:s23+$0x0]  }
0x37: {  	s20 =	sadd.s32 s20, s18;
	v2 =	vld [tilespmem:s23+$0xFFFFFFE0]  }
0x38: {  	s21 =	sadd.s32 $0x0, s20  }
0x39: {  	p1 =	por p2, p2;
	s22 =	simm.s32 $0x4;
	s23 =	sadd.s32 $0x40, s23;
	[tilespmem:s21+$0x3060 ss:$0x102] =	vst.msk $0xffff, v3  }
.LBB1_4:
0x3a: {  	v3 =	vld [tilespmem:s23+$0x10];
	p2 =	sne.s32 s22, $0x1FC;
	[tilespmem:s21+$0x1020 ss:$0x102] =	vst.msk $0xffff, v1;
	s24 =	smov.u32 s22;
	s22 =	sadd.s32 $0x4, s22  }
.Ltmp3:
0x3b: {  	v1 =	vld [tilespmem:s23+$0xFFFFFFF0];
	[tilespmem:s21+$0x2040 ss:$0x102] =	vst.msk $0xffff, v0;
	(pc) =	sbr.rel @p2 .LBB1_4-.Ltmp3, $4  }
0x3c: {  	v0 =	vld [tilespmem:s23+$0x0];
	[tilespmem:s21+$0x0 ss:$0x102] =	vst.msk $0xffff, v2  }
0x3d: {  	s21 =	sshra.s32 s24, $0x2;
	v2 =	vld [tilespmem:s23+$0xFFFFFFE0]  }
0x3e: {  	s21 =	sadd.s32 s21, s20  }
0x3f: {  	s23 =	sadd.s32 $0x40, s23;
	[tilespmem:s21+$0x3060 ss:$0x102] =	vst.msk $0xffff, v3  }
.Ltmp4:
0x40: {  	(pc) =	sbr.rel @p1 .LBB1_3-.Ltmp4, $4  }
0x41: {  	_ = 	snop  }
0x42: {  	[tilespmem:s21+$0x1020 ss:$0x102] =	vst.msk $0xffff, v1  }
0x43: {  	[tilespmem:s21+$0x2040 ss:$0x102] =	vst.msk $0xffff, v0  }
0x44: {  	s20 =	simm.s32 $0x1;
	p2 =	por $0x0, $0x0;
	[tilespmem:s21+$0x0 ss:$0x102] =	vst.msk $0xffff, v2  }
0x45: {  	s18 =	sand.u32 $0x78, s10;
	p1 =	sgt.s32 s11, $0x3E;
	s19 =	smov.u32 s11  }
0x46: {  	s20 =	sshra.s32 s11, $0x1F;
	s21 =	sshll.u32 s11, $0xE;
	s22 =	sshll.u32 s10, $0x3  }
0x47: {  	s30 =	sshra.s32 s10, $0x1F;
	s24 =	sshll.u32 s11, $0x7;
	s19 =	simm.s32 @!p1 $0x3E  }
0x48: {  	s20 =	sand.u32 s20, s11;
	s21 =	sand.u32 $0xE0000, s21;
	p1 =	sgt.s32 s10, $0x3F80  }
0x49: {  	s24 =	sand.u32 $0x380, s24;
	s19 =	ssub.s32 s19, s20;
	s20 =	smov.u32 s10  }
0x4a: {  	s21 =	sadd.s32 s21, s22;
	s23 =	sadd.s32 $0xFFFFFFC2, s19;
	s20 =	simm.s32 @!p1 $0x3F80  }
0x4b: {  	s19 =	ssub.s32 $0x40, s19;
	p1 =	sgt.s32 s23, $0x1;
	s23 =	sand.u32 s30, s10  }
0x4c: {  	s22 =	sand.u32 $0x3C00, s22;
	s19 =	smul.u32 $0x32, s19;
	s20 =	ssub.s32 s20, s23  }
0x4d: {  	s18 =	sor.u32 s24, s18;
	s21 =	sand.u32 $0xFC000, s21;
	s23 =	sadd.s32 $0xFFFFC080, s20  }
0x4e: {  	s19 =	simm.s32 @p1 $0x0;
	s20 =	ssub.s32 $0x4000, s20;
	p1 =	sgt.s32 s23, $0x7F  }
.Ltmp5:
0x4f: {  	s18 =	sor.u32 s22, s18;
	s20 =	simm.s32 @p1 $0x0;
	(pc) =	sbr.rel .LBB1_7-.Ltmp5, $4  }
0x50: {  	s31 =	sand.u32 $0x7, s10;
	s18 =	sor.u32 s21, s18;
	s19 =	smul.u32 s20, s19  }
0x51: {  	s18 =	sshrl.u32 s18, $0x3;
	s20 =	sshll.u32 s31, $0x12  }
0x52: {  	s18 =	sadd.s32 s4, s18;
	s20 =	sor.u32 $0x100, s20;
	s19 =	sand.u32 $0x3FFFFFFE, s19  }
0x53: {  	[hbm4b:s18+s20] =	stream.strided.scatter [tilespmem:s17], [sflag:$0x2], s19, s9, s20, $0x20;
	[tilespmem:$0x10100] =	vst v63  }
.LBB1_8:
0x54: {  	_ =	sfence.sel $0x180000  }
0x55: {  	s2 =	simm.s32 $0x1;
	[bflag:$0x0] =	sbarrier.arrive $0xFFFF  }
0x56: {  	s31 =	simm.s32 $0x2;
	[sflag:s2] =	ssyncpa.u1 $0x1  }
0x57: {  	[sflag:s31] =	ssyncpa.u1 $0x1  }
0x58: {  	p0 =	sne.s32 s0, $0x0;
	_ =	strace $0x90000050  }
0x59: {  	s0 =	sadd.s32 @!p0 $0x100000, s1;
	[bflag:$0x2] =	sbarrier.arrive $0xFFFF  }
0x5a: {  	[sflag:s0] =	ssyncadd.tile.s32 @!p0 $0x1;
	_ =	shalt  }
.Lfunc_end1:
_tile_overlayer_lowered:
.L_overlay_start_2:
0x5b: {  	(tag) =	ssettag $0x2  }
0x5c: {  	s0 =	rddreg [dreg:$0x0];
	s2 =	stileid.u32  }
0x5d: {  	s1 =	rddreg [dreg:$0x1];
	p0 =	sne.s32 s2, $0x0  }
0x5e: {  	s3 =	rddreg [dreg:$0x2];
	[bflag:$0x3] =	sbarrier.arrive $0xFFFF;
	s2 =	simm.s32 @!p0 $0x1C01  }
0x5f: {  	[timem:s3], [sflag:s2] =	dma.local @!p0 [hbm:s0], s1  }
0x60: {  	s0 =	simm.s32 @!p0 $0x1  }
0x61: {  	_ =	swait.ge @!p0 [sflag:s0], s1  }
0x62: {  	s1 =	ssub.s32 @!p0 $0x0, s1;
	[sflag:s0] =	ssyncset.done @!p0 $0x0  }
0x63: {  	[sflag:s0] =	ssyncadd.s32 @!p0 s1  }
0x64: {  	[bflag:$0x3] =	sbarrier.arrive $0xFFFF  }
0x65: {  	_ =	shalt  }

</sc_bundles>
